<compile_context>
chip_gen: v7x
topology: tpu7x:2x2x1
jax: 0.10.2.dev20260603
libtpu: 0.0.44.dev20260713+nightly
codegen_flags: <defaults>
</compile_context>

<pallas_src>
import functools

import jax
import jax.numpy as jnp
from jax import lax
from jax.experimental import pallas as pl
from jax.experimental.pallas import tpu as pltpu
from jax.experimental.pallas import tpu_sc as plsc

N = 10000
E = 320000
D = 128

NC = 2
NS = 16
NW = NC * NS

CHUNK = 80
CPT = 125
EPT = CPT * CHUNK
STRIPE = 624
NBUF = 3

_mesh = plsc.VectorSubcoreMesh(core_axis_name="c", subcore_axis_name="s")


@functools.partial(
    pl.kernel,
    out_type=jax.ShapeDtypeStruct((NC, N, D), jnp.float32),
    mesh=_mesh,
    scratch_types=[
        pltpu.VMEM((EPT,), jnp.int32),
        pltpu.VMEM((EPT,), jnp.int32),
        pltpu.VMEM((NBUF, CHUNK, D), jnp.float32),
        pltpu.VMEM_SHARED((N, D), jnp.float32),
        pltpu.SemaphoreType.DMA((NBUF,)),
        pltpu.SemaphoreType.DMA((NBUF,)),
    ],
)
def _sc_segment_sum(x_hbm, src_hbm, dst_hbm, out_hbm,
                    src_v, dst_v, rows_v, acc_s, gsem, ssem):
    cid = lax.axis_index("c")
    sid = lax.axis_index("s")
    wid = cid * NS + sid

    pltpu.sync_copy(src_hbm.at[wid], src_v)
    pltpu.sync_copy(dst_hbm.at[wid], dst_v)

    def _gather_start(j, b):
        pltpu.async_copy(x_hbm.at[src_v.at[pl.ds(j * CHUNK, CHUNK)]],
                         rows_v.at[b], gsem.at[b])

    def _gather_wait(j, b):
        pltpu.make_async_copy(x_hbm.at[src_v.at[pl.ds(j * CHUNK, CHUNK)]],
                              rows_v.at[b], gsem.at[b]).wait()

    def _scatter_start(j, b):
        pltpu.async_copy(rows_v.at[b],
                         acc_s.at[dst_v.at[pl.ds(j * CHUNK, CHUNK)]],
                         ssem.at[b], add=True)

    def _scatter_wait(b):
        pltpu.make_async_copy(rows_v.at[b], acc_s.at[pl.ds(0, CHUNK)],
                              ssem.at[b]).wait()

    def _body(j, b, first=False, last=False):
        br = (b + 2) % NBUF

        _gather_wait(j, b)

        if not first:
            _scatter_wait(br)

        if not last:
            _gather_start(j + 2, br)

        _scatter_start(j, b)

    _gather_start(0, 0)
    _gather_start(1, 1)

    zv = jnp.zeros((16,), jnp.float32)

    @pl.loop(0, CHUNK)
    def _zero_fill(i):
        for k in range(D // 16):
            rows_v[2, i, pl.ds(k * 16, 16)] = zv

    for t in range(STRIPE // CHUNK):
        pltpu.sync_copy(rows_v.at[2],
                        acc_s.at[pl.ds(sid * STRIPE + t * CHUNK, CHUNK)])

    @pl.when(sid == NS - 1)
    def _():
        pltpu.sync_copy(rows_v.at[2], acc_s.at[pl.ds(N - CHUNK, CHUNK)])

    @pl.when(sid != NS - 1)
    def _():
        pltpu.sync_copy(
            rows_v.at[2, pl.ds(0, STRIPE - (STRIPE // CHUNK) * CHUNK)],
            acc_s.at[pl.ds(sid * STRIPE + (STRIPE // CHUNK) * CHUNK,
                           STRIPE - (STRIPE // CHUNK) * CHUNK)])

    plsc.subcore_barrier()

    _body(0, 0, first=True)

    @pl.loop(1, 121, step=NBUF)
    def _edges(jv):
        for u in range(NBUF):
            _body(jv + u, (1 + u) % NBUF)

    for j in range(121, CPT):
        _body(j, j % NBUF, last=(j + 2 >= CPT))
    _scatter_wait((CPT - 1) % NBUF)

    plsc.subcore_barrier()

    pltpu.sync_copy(acc_s.at[pl.ds(sid * STRIPE, STRIPE)],
                    out_hbm.at[cid, pl.ds(sid * STRIPE, STRIPE)])

    @pl.when(sid == NS - 1)
    def _():
        pltpu.sync_copy(acc_s.at[pl.ds(NS * STRIPE, N - NS * STRIPE)],
                        out_hbm.at[cid, pl.ds(NS * STRIPE, N - NS * STRIPE)])


_TC_BLOCK = 2000


def _mlp_body(eps_ref, x_ref, s_ref, w1_ref, b1_ref, w2_ref, b2_ref, o_ref):
    z = (1.0 + eps_ref[0]) * x_ref[...] + s_ref[0] + s_ref[1]
    h = jnp.maximum(
        jnp.dot(z, w1_ref[...], preferred_element_type=jnp.float32) + b1_ref[...],
        0.0)
    o_ref[...] = (
        jnp.dot(h, w2_ref[...], preferred_element_type=jnp.float32) + b2_ref[...])


def _tc_mlp(x, s, eps, w1, b1, w2, b2):
    return pl.pallas_call(
        _mlp_body,
        grid=(N // _TC_BLOCK,),
        in_specs=[
            pl.BlockSpec(memory_space=pltpu.SMEM),
            pl.BlockSpec((_TC_BLOCK, D), lambda i: (i, 0)),
            pl.BlockSpec((NC, _TC_BLOCK, D), lambda i: (0, i, 0)),
            pl.BlockSpec((D, D), lambda i: (0, 0)),
            pl.BlockSpec((1, D), lambda i: (0, 0)),
            pl.BlockSpec((D, D), lambda i: (0, 0)),
            pl.BlockSpec((1, D), lambda i: (0, 0)),
        ],
        out_specs=pl.BlockSpec((_TC_BLOCK, D), lambda i: (i, 0)),
        out_shape=jax.ShapeDtypeStruct((N, D), jnp.float32),
    )(eps, x, s, w1, b1, w2, b2)


def kernel(X, edge_index, eps_0, W1_0, b1_0, W2_0, b2_0,
           eps_1, W1_1, b1_1, W2_1, b2_1,
           eps_2, W1_2, b1_2, W2_2, b2_2):
    src = edge_index[0].reshape(NW, EPT)
    dst = edge_index[1].reshape(NW, EPT)
    params = [
        (eps_0, W1_0, b1_0, W2_0, b2_0),
        (eps_1, W1_1, b1_1, W2_1, b2_1),
        (eps_2, W1_2, b1_2, W2_2, b2_2),
    ]
    x = X
    for (eps, w1, b1, w2, b2) in params:
        s = _sc_segment_sum(x, src, dst)
        x = _tc_mlp(x, s, eps, w1, b1.reshape(1, D), w2, b2.reshape(1, D))
    return x

# --- scband reference (transcript-rebuilt; emitter-appended) ---
"""Pipeline reference for scband-gin-81570018885850 (READ-ONLY COPY).

The authoritative reference and input builder live on the scoring server;
editing this copy changes nothing except your own understanding.
"""

import jax, jax.numpy as jnp
import numpy as np

N = 10000
E = 320000
D = 128
L = 3


def _mlp(Z, W1, b1, W2, b2):
    H = jnp.maximum(jnp.dot(Z, W1) + b1, 0.0)
    return jnp.dot(H, W2) + b2


def setup_inputs(seed: int = 0) -> dict:
    key = jax.random.key(seed)
    ks = jax.random.split(key, 2 + 5 * L)
    inp = {}
    inp["X"] = jax.random.normal(ks[0], (N, D), dtype=jnp.float32)
    inp["edge_index"] = jax.random.randint(ks[1], (2, E), 0, N, dtype=jnp.int32)
    scale = 1.0 / np.sqrt(D)
    for l in range(L):
        base = 2 + 5 * l
        inp[f"eps_{l}"] = jax.random.normal(ks[base], (1,), dtype=jnp.float32)
        inp[f"W1_{l}"] = jax.random.normal(ks[base + 1], (D, D), dtype=jnp.float32) * scale
        inp[f"b1_{l}"] = jnp.zeros((D,), dtype=jnp.float32)
        inp[f"W2_{l}"] = jax.random.normal(ks[base + 2], (D, D), dtype=jnp.float32) * scale
        inp[f"b2_{l}"] = jnp.zeros((D,), dtype=jnp.float32)
    return inp


def _gin_forward(X, edge_index, params):
    src = edge_index[0]
    dst = edge_index[1]
    for (eps, W1, b1, W2, b2) in params:
        # message: X_j gathered from edge sources; aggregate: scatter-add to dst
        S = jax.ops.segment_sum(X[src], dst, num_segments=N)
        Z = (1.0 + eps) * X + S
        X = _mlp(Z, W1, b1, W2, b2)
    return X


def reference(X, edge_index, eps_0, W1_0, b1_0, W2_0, b2_0, eps_1, W1_1, b1_1, W2_1, b2_1, eps_2, W1_2, b1_2, W2_2, b2_2):
    params = [
        (eps_0, W1_0, b1_0, W2_0, b2_0),
        (eps_1, W1_1, b1_1, W2_1, b2_1),
        (eps_2, W1_2, b1_2, W2_2, b2_2),
    ]
    return _gin_forward(X, edge_index, params)

if __name__ == "__main__":
    import jax
    _d = setup_inputs()
    print(jax.jit(kernel)(*tuple(_d.values())))

</pallas_src>

<mosaic_0001>
#map = affine_map<(d0, d1) -> (0, 0)>
#map1 = affine_map<(d0, d1) -> (0, 0, 0)>
module attributes {stable_mosaic.version = 14 : i64} {
  func.func @_sc_segment_sum(%arg0: i32, %arg1: i32, %arg2: memref<10000x128xf32, #tpu.memory_space<hbm>>, %arg3: memref<32x10000xi32, #tpu.memory_space<hbm>>, %arg4: memref<32x10000xi32, #tpu.memory_space<hbm>>, %arg5: memref<2x10000x128xf32, #tpu.memory_space<hbm>>, %arg6: memref<10000xi32, #tpu.memory_space<vmem>>, %arg7: memref<10000xi32, #tpu.memory_space<vmem>>, %arg8: memref<3x80x128xf32, #tpu.memory_space<vmem>>, %arg9: memref<10000x128xf32, #tpu.memory_space<vmem_shared>>, %arg10: memref<3x!tpu.dma_semaphore, #tpu.memory_space<semaphore_mem>>, %arg11: memref<3x!tpu.dma_semaphore, #tpu.memory_space<semaphore_mem>>) attributes {dimension_semantics = [#tpu.dimension_semantics<core_parallel>, #tpu.dimension_semantics<subcore_parallel>], iteration_bounds = array<i64: 2, 16>, scalar_prefetch = 0 : i64, scratch_operands = 6 : i64, tpu.core_type = #tpu.core_type<sc_vector_subcore>, window_params = [{transform_indices = #map}, {transform_indices = #map}, {transform_indices = #map}, {transform_indices = #map1}]} {
    %mul3A = arith.constant 16 : i32
    %mul3A_0 = arith.muli %arg0, %mul3A : i32
    %add3A = arith.addi %mul3A_0, %arg1 : i32
    "tpu.region"() ({
      %run_scoped3A_344 = tpu.sem_alloc : memref<!tpu.dma_semaphore, #tpu.memory_space<semaphore_mem>>
      %dma_start3A_345 = arith.constant 0 : i32
      %dma_start3A_346 = tpu.memref_slice %arg3[%add3A, %dma_start3A_345] : memref<32x10000xi32, #tpu.memory_space<hbm>> -> memref<1x10000xi32, #tpu.memory_space<hbm>>
      %dma_start3A_347 = tpu.memref_squeeze %dma_start3A_346 : memref<1x10000xi32, #tpu.memory_space<hbm>> -> memref<10000xi32, #tpu.memory_space<hbm>>
      %dma_start3A_348 = arith.constant 0 : i32
      %dma_start3A_349 = tpu.memref_slice %arg3[%add3A, %dma_start3A_348] : memref<32x10000xi32, #tpu.memory_space<hbm>> -> memref<1x10000xi32, #tpu.memory_space<hbm>>
      %dma_start3A_350 = tpu.memref_squeeze %dma_start3A_349 : memref<1x10000xi32, #tpu.memory_space<hbm>> -> memref<10000xi32, #tpu.memory_space<hbm>>
      tpu.enqueue_dma source(%dma_start3A_350 : memref<10000xi32, #tpu.memory_space<hbm>>) target(%arg6 : memref<10000xi32, #tpu.memory_space<vmem>>) target_semaphore(%run_scoped3A_344 : memref<!tpu.dma_semaphore, #tpu.memory_space<semaphore_mem>>)
      %dma_wait3A_351 = arith.constant 0 : i32
      %dma_wait3A_352 = tpu.memref_slice %arg3[%add3A, %dma_wait3A_351] : memref<32x10000xi32, #tpu.memory_space<hbm>> -> memref<1x10000xi32, #tpu.memory_space<hbm>>
      %dma_wait3A_353 = tpu.memref_squeeze %dma_wait3A_352 : memref<1x10000xi32, #tpu.memory_space<hbm>> -> memref<10000xi32, #tpu.memory_space<hbm>>
      %dma_wait3A_354 = arith.constant 0 : i32
      %dma_wait3A_355 = tpu.memref_slice %arg3[%add3A, %dma_wait3A_354] : memref<32x10000xi32, #tpu.memory_space<hbm>> -> memref<1x10000xi32, #tpu.memory_space<hbm>>
      %dma_wait3A_356 = tpu.memref_squeeze %dma_wait3A_355 : memref<1x10000xi32, #tpu.memory_space<hbm>> -> memref<10000xi32, #tpu.memory_space<hbm>>
      tpu.wait_dma2 semaphore(%run_scoped3A_344 : memref<!tpu.dma_semaphore, #tpu.memory_space<semaphore_mem>>) src(%dma_wait3A_356 : memref<10000xi32, #tpu.memory_space<hbm>>) dst(%arg6 : memref<10000xi32, #tpu.memory_space<vmem>>)
      tpu.yield
    }) : () -> ()
    "tpu.region"() ({
      %run_scoped3A_344 = tpu.sem_alloc : memref<!tpu.dma_semaphore, #tpu.memory_space<semaphore_mem>>
      %dma_start3A_345 = arith.constant 0 : i32
      %dma_start3A_346 = tpu.memref_slice %arg4[%add3A, %dma_start3A_345] : memref<32x10000xi32, #tpu.memory_space<hbm>> -> memref<1x10000xi32, #tpu.memory_space<hbm>>
      %dma_start3A_347 = tpu.memref_squeeze %dma_start3A_346 : memref<1x10000xi32, #tpu.memory_space<hbm>> -> memref<10000xi32, #tpu.memory_space<hbm>>
      %dma_start3A_348 = arith.constant 0 : i32
      %dma_start3A_349 = tpu.memref_slice %arg4[%add3A, %dma_start3A_348] : memref<32x10000xi32, #tpu.memory_space<hbm>> -> memref<1x10000xi32, #tpu.memory_space<hbm>>
      %dma_start3A_350 = tpu.memref_squeeze %dma_start3A_349 : memref<1x10000xi32, #tpu.memory_space<hbm>> -> memref<10000xi32, #tpu.memory_space<hbm>>
      tpu.enqueue_dma source(%dma_start3A_350 : memref<10000xi32, #tpu.memory_space<hbm>>) target(%arg7 : memref<10000xi32, #tpu.memory_space<vmem>>) target_semaphore(%run_scoped3A_344 : memref<!tpu.dma_semaphore, #tpu.memory_space<semaphore_mem>>)
      %dma_wait3A_351 = arith.constant 0 : i32
      %dma_wait3A_352 = tpu.memref_slice %arg4[%add3A, %dma_wait3A_351] : memref<32x10000xi32, #tpu.memory_space<hbm>> -> memref<1x10000xi32, #tpu.memory_space<hbm>>
      %dma_wait3A_353 = tpu.memref_squeeze %dma_wait3A_352 : memref<1x10000xi32, #tpu.memory_space<hbm>> -> memref<10000xi32, #tpu.memory_space<hbm>>
      %dma_wait3A_354 = arith.constant 0 : i32
      %dma_wait3A_355 = tpu.memref_slice %arg4[%add3A, %dma_wait3A_354] : memref<32x10000xi32, #tpu.memory_space<hbm>> -> memref<1x10000xi32, #tpu.memory_space<hbm>>
      %dma_wait3A_356 = tpu.memref_squeeze %dma_wait3A_355 : memref<1x10000xi32, #tpu.memory_space<hbm>> -> memref<10000xi32, #tpu.memory_space<hbm>>
      tpu.wait_dma2 semaphore(%run_scoped3A_344 : memref<!tpu.dma_semaphore, #tpu.memory_space<semaphore_mem>>) src(%dma_wait3A_356 : memref<10000xi32, #tpu.memory_space<hbm>>) dst(%arg7 : memref<10000xi32, #tpu.memory_space<vmem>>)
      tpu.yield
    }) : () -> ()
    %dma_start3A = arith.constant 0 : i32
    %dma_start3A_1 = arith.constant 0 : i32
    %dma_start3A_2 = arith.constant 0 : i32
    %dma_start3A_3 = arith.constant 0 : i32
    %dma_start3A_4 = tpu.memref_slice %arg8[%dma_start3A, %dma_start3A_2, %dma_start3A_3] : memref<3x80x128xf32, #tpu.memory_space<vmem>> -> memref<1x80x128xf32, #tpu.memory_space<vmem>>
    %dma_start3A_5 = tpu.memref_squeeze %dma_start3A_4 : memref<1x80x128xf32, #tpu.memory_space<vmem>> -> memref<80x128xf32, #tpu.memory_space<vmem>>
    %dma_start3A_6 = arith.constant 0 : i32
    %dma_start3A_7 = tpu.memref_slice %arg6[%dma_start3A_6] : memref<10000xi32, #tpu.memory_space<vmem>> -> memref<80xi32, #tpu.memory_space<vmem>>
    %dma_start3A_8 = arith.constant 0 : i32
    %dma_start3A_9 = arith.constant 0 : i32
    %dma_start3A_10 = tpu.memref_slice %arg2[%dma_start3A_8, %dma_start3A_9] : memref<10000x128xf32, #tpu.memory_space<hbm>> -> memref<10000x128xf32, #tpu.memory_space<hbm>>
    %dma_start3A_11 = tpu.memref_slice %arg10[%dma_start3A_1] : memref<3x!tpu.dma_semaphore, #tpu.memory_space<semaphore_mem>> -> memref<1x!tpu.dma_semaphore, #tpu.memory_space<semaphore_mem>>
    %dma_start3A_12 = tpu.memref_squeeze %dma_start3A_11 : memref<1x!tpu.dma_semaphore, #tpu.memory_space<semaphore_mem>> -> memref<!tpu.dma_semaphore, #tpu.memory_space<semaphore_mem>>
    tpu.enqueue_indirect_dma source(%dma_start3A_10 : memref<10000x128xf32, #tpu.memory_space<hbm>>) target(%dma_start3A_5 : memref<80x128xf32, #tpu.memory_space<vmem>>) offsets(%dma_start3A_7 : memref<80xi32, #tpu.memory_space<vmem>>) semaphore(%dma_start3A_12 : memref<!tpu.dma_semaphore, #tpu.memory_space<semaphore_mem>>)
    %dma_start3A_13 = arith.constant 1 : i32
    %dma_start3A_14 = arith.constant 1 : i32
    %dma_start3A_15 = arith.constant 0 : i32
    %dma_start3A_16 = arith.constant 0 : i32
    %dma_start3A_17 = tpu.memref_slice %arg8[%dma_start3A_13, %dma_start3A_15, %dma_start3A_16] : memref<3x80x128xf32, #tpu.memory_space<vmem>> -> memref<1x80x128xf32, #tpu.memory_space<vmem>>
    %dma_start3A_18 = tpu.memref_squeeze %dma_start3A_17 : memref<1x80x128xf32, #tpu.memory_space<vmem>> -> memref<80x128xf32, #tpu.memory_space<vmem>>
    %dma_start3A_19 = arith.constant 80 : i32
    %dma_start3A_20 = tpu.memref_slice %arg6[%dma_start3A_19] : memref<10000xi32, #tpu.memory_space<vmem>> -> memref<80xi32, #tpu.memory_space<vmem>>
    %dma_start3A_21 = arith.constant 0 : i32
    %dma_start3A_22 = arith.constant 0 : i32
    %dma_start3A_23 = tpu.memref_slice %arg2[%dma_start3A_21, %dma_start3A_22] : memref<10000x128xf32, #tpu.memory_space<hbm>> -> memref<10000x128xf32, #tpu.memory_space<hbm>>
    %dma_start3A_24 = tpu.memref_slice %arg10[%dma_start3A_14] : memref<3x!tpu.dma_semaphore, #tpu.memory_space<semaphore_mem>> -> memref<1x!tpu.dma_semaphore, #tpu.memory_space<semaphore_mem>>
    %dma_start3A_25 = tpu.memref_squeeze %dma_start3A_24 : memref<1x!tpu.dma_semaphore, #tpu.memory_space<semaphore_mem>> -> memref<!tpu.dma_semaphore, #tpu.memory_space<semaphore_mem>>
    tpu.enqueue_indirect_dma source(%dma_start3A_23 : memref<10000x128xf32, #tpu.memory_space<hbm>>) target(%dma_start3A_18 : memref<80x128xf32, #tpu.memory_space<vmem>>) offsets(%dma_start3A_20 : memref<80xi32, #tpu.memory_space<vmem>>) semaphore(%dma_start3A_25 : memref<!tpu.dma_semaphore, #tpu.memory_space<semaphore_mem>>)
    %broadcast_in_dim3A = arith.constant 0.000000e+00 : f32
    %broadcast_in_dim3A_26 = vector.broadcast %broadcast_in_dim3A : f32 to vector<16xf32>
    %scan3A = arith.constant 0 : i32
    %scan3A_27 = arith.constant 80 : i32
    %scan3A_28 = arith.addi %scan3A, %scan3A_27 : i32
    %scan3A_29 = arith.constant 1 : i32
    scf.for %scan3A_344 = %scan3A to %scan3A_28 step %scan3A_29  : i32 {
      %mul3A_345 = arith.constant 1 : i32
      %mul3A_346 = arith.muli %scan3A_344, %mul3A_345 : i32
      %add3A_347 = arith.constant 0 : i32
      %add3A_348 = arith.addi %add3A_347, %mul3A_346 : i32
      %swap3A = arith.constant 2 : i32
      %swap3A_349 = arith.index_cast %swap3A : i32 to index
      %swap3A_350 = arith.index_cast %add3A_348 : i32 to index
      %swap3A_351 = arith.constant 0 : index
      %swap3A_352 = tpu.vector_load %arg8[%swap3A_349, %swap3A_350, %swap3A_351] {strides = array<i32>} : memref<3x80x128xf32, #tpu.memory_space<vmem>>, vector<1x1x16xf32>,
      %swap3A_353 = vector.shape_cast %swap3A_352 : vector<1x1x16xf32> to vector<16xf32>
      %swap3A_354 = vector.shape_cast %broadcast_in_dim3A_26 : vector<16xf32> to vector<1x1x16xf32>
      tpu.vector_store %arg8[%swap3A_349, %swap3A_350, %swap3A_351], %swap3A_354 {strides = array<i32>} : memref<3x80x128xf32, #tpu.memory_space<vmem>>, vector<1x1x16xf32>,
      %swap3A_355 = arith.constant 2 : i32
      %swap3A_356 = arith.index_cast %swap3A_355 : i32 to index
      %swap3A_357 = arith.index_cast %add3A_348 : i32 to index
      %swap3A_358 = arith.constant 16 : index
      %swap3A_359 = tpu.vector_load %arg8[%swap3A_356, %swap3A_357, %swap3A_358] {strides = array<i32>} : memref<3x80x128xf32, #tpu.memory_space<vmem>>, vector<1x1x16xf32>,
      %swap3A_360 = vector.shape_cast %swap3A_359 : vector<1x1x16xf32> to vector<16xf32>
      %swap3A_361 = vector.shape_cast %broadcast_in_dim3A_26 : vector<16xf32> to vector<1x1x16xf32>
      tpu.vector_store %arg8[%swap3A_356, %swap3A_357, %swap3A_358], %swap3A_361 {strides = array<i32>} : memref<3x80x128xf32, #tpu.memory_space<vmem>>, vector<1x1x16xf32>,
      %swap3A_362 = arith.constant 2 : i32
      %swap3A_363 = arith.index_cast %swap3A_362 : i32 to index
      %swap3A_364 = arith.index_cast %add3A_348 : i32 to index
      %swap3A_365 = arith.constant 32 : index
      %swap3A_366 = tpu.vector_load %arg8[%swap3A_363, %swap3A_364, %swap3A_365] {strides = array<i32>} : memref<3x80x128xf32, #tpu.memory_space<vmem>>, vector<1x1x16xf32>,
      %swap3A_367 = vector.shape_cast %swap3A_366 : vector<1x1x16xf32> to vector<16xf32>
      %swap3A_368 = vector.shape_cast %broadcast_in_dim3A_26 : vector<16xf32> to vector<1x1x16xf32>
      tpu.vector_store %arg8[%swap3A_363, %swap3A_364, %swap3A_365], %swap3A_368 {strides = array<i32>} : memref<3x80x128xf32, #tpu.memory_space<vmem>>, vector<1x1x16xf32>,
      %swap3A_369 = arith.constant 2 : i32
      %swap3A_370 = arith.index_cast %swap3A_369 : i32 to index
      %swap3A_371 = arith.index_cast %add3A_348 : i32 to index
      %swap3A_372 = arith.constant 48 : index
      %swap3A_373 = tpu.vector_load %arg8[%swap3A_370, %swap3A_371, %swap3A_372] {strides = array<i32>} : memref<3x80x128xf32, #tpu.memory_space<vmem>>, vector<1x1x16xf32>,
      %swap3A_374 = vector.shape_cast %swap3A_373 : vector<1x1x16xf32> to vector<16xf32>
      %swap3A_375 = vector.shape_cast %broadcast_in_dim3A_26 : vector<16xf32> to vector<1x1x16xf32>
      tpu.vector_store %arg8[%swap3A_370, %swap3A_371, %swap3A_372], %swap3A_375 {strides = array<i32>} : memref<3x80x128xf32, #tpu.memory_space<vmem>>, vector<1x1x16xf32>,
      %swap3A_376 = arith.constant 2 : i32
      %swap3A_377 = arith.index_cast %swap3A_376 : i32 to index
      %swap3A_378 = arith.index_cast %add3A_348 : i32 to index
      %swap3A_379 = arith.constant 64 : index
      %swap3A_380 = tpu.vector_load %arg8[%swap3A_377, %swap3A_378, %swap3A_379] {strides = array<i32>} : memref<3x80x128xf32, #tpu.memory_space<vmem>>, vector<1x1x16xf32>,
      %swap3A_381 = vector.shape_cast %swap3A_380 : vector<1x1x16xf32> to vector<16xf32>
      %swap3A_382 = vector.shape_cast %broadcast_in_dim3A_26 : vector<16xf32> to vector<1x1x16xf32>
      tpu.vector_store %arg8[%swap3A_377, %swap3A_378, %swap3A_379], %swap3A_382 {strides = array<i32>} : memref<3x80x128xf32, #tpu.memory_space<vmem>>, vector<1x1x16xf32>,
      %swap3A_383 = arith.constant 2 : i32
      %swap3A_384 = arith.index_cast %swap3A_383 : i32 to index
      %swap3A_385 = arith.index_cast %add3A_348 : i32 to index
      %swap3A_386 = arith.constant 80 : index
      %swap3A_387 = tpu.vector_load %arg8[%swap3A_384, %swap3A_385, %swap3A_386] {strides = array<i32>} : memref<3x80x128xf32, #tpu.memory_space<vmem>>, vector<1x1x16xf32>,
      %swap3A_388 = vector.shape_cast %swap3A_387 : vector<1x1x16xf32> to vector<16xf32>
      %swap3A_389 = vector.shape_cast %broadcast_in_dim3A_26 : vector<16xf32> to vector<1x1x16xf32>
      tpu.vector_store %arg8[%swap3A_384, %swap3A_385, %swap3A_386], %swap3A_389 {strides = array<i32>} : memref<3x80x128xf32, #tpu.memory_space<vmem>>, vector<1x1x16xf32>,
      %swap3A_390 = arith.constant 2 : i32
      %swap3A_391 = arith.index_cast %swap3A_390 : i32 to index
      %swap3A_392 = arith.index_cast %add3A_348 : i32 to index
      %swap3A_393 = arith.constant 96 : index
      %swap3A_394 = tpu.vector_load %arg8[%swap3A_391, %swap3A_392, %swap3A_393] {strides = array<i32>} : memref<3x80x128xf32, #tpu.memory_space<vmem>>, vector<1x1x16xf32>,
      %swap3A_395 = vector.shape_cast %swap3A_394 : vector<1x1x16xf32> to vector<16xf32>
      %swap3A_396 = vector.shape_cast %broadcast_in_dim3A_26 : vector<16xf32> to vector<1x1x16xf32>
      tpu.vector_store %arg8[%swap3A_391, %swap3A_392, %swap3A_393], %swap3A_396 {strides = array<i32>} : memref<3x80x128xf32, #tpu.memory_space<vmem>>, vector<1x1x16xf32>,
      %swap3A_397 = arith.constant 2 : i32
      %swap3A_398 = arith.index_cast %swap3A_397 : i32 to index
      %swap3A_399 = arith.index_cast %add3A_348 : i32 to index
      %swap3A_400 = arith.constant 112 : index
      %swap3A_401 = tpu.vector_load %arg8[%swap3A_398, %swap3A_399, %swap3A_400] {strides = array<i32>} : memref<3x80x128xf32, #tpu.memory_space<vmem>>, vector<1x1x16xf32>,
      %swap3A_402 = vector.shape_cast %swap3A_401 : vector<1x1x16xf32> to vector<16xf32>
      %swap3A_403 = vector.shape_cast %broadcast_in_dim3A_26 : vector<16xf32> to vector<1x1x16xf32>
      tpu.vector_store %arg8[%swap3A_398, %swap3A_399, %swap3A_400], %swap3A_403 {strides = array<i32>} : memref<3x80x128xf32, #tpu.memory_space<vmem>>, vector<1x1x16xf32>,
    }
    %scan3A_30 = arith.constant 80 : i32
    %mul3A_31 = arith.constant 624 : i32
    %mul3A_32 = arith.muli %arg1, %mul3A_31 : i32
    %add3A_33 = arith.constant 0 : i32
    %add3A_34 = arith.addi %mul3A_32, %add3A_33 : i32
    %run_scoped3A = arith.constant 2 : i32
    "tpu.region"() ({
      %run_scoped3A_344 = tpu.sem_alloc : memref<!tpu.dma_semaphore, #tpu.memory_space<semaphore_mem>>
      %dma_start3A_345 = arith.constant 0 : i32
      %dma_start3A_346 = arith.constant 0 : i32
      %dma_start3A_347 = tpu.memref_slice %arg8[%run_scoped3A, %dma_start3A_345, %dma_start3A_346] : memref<3x80x128xf32, #tpu.memory_space<vmem>> -> memref<1x80x128xf32, #tpu.memory_space<vmem>>
      %dma_start3A_348 = tpu.memref_squeeze %dma_start3A_347 : memref<1x80x128xf32, #tpu.memory_space<vmem>> -> memref<80x128xf32, #tpu.memory_space<vmem>>
      %dma_start3A_349 = arith.constant 0 : i32
      %dma_start3A_350 = tpu.memref_slice %arg9[%add3A_34, %dma_start3A_349] : memref<10000x128xf32, #tpu.memory_space<vmem_shared>> -> memref<80x128xf32, #tpu.memory_space<vmem_shared>>
      %dma_start3A_351 = arith.constant 0 : i32
      %dma_start3A_352 = tpu.memref_slice %arg9[%add3A_34, %dma_start3A_351] : memref<10000x128xf32, #tpu.memory_space<vmem_shared>> -> memref<80x128xf32, #tpu.memory_space<vmem_shared>>
      %dma_start3A_353 = arith.constant 0 : i32
      %dma_start3A_354 = arith.constant 0 : i32
      %dma_start3A_355 = tpu.memref_slice %arg8[%run_scoped3A, %dma_start3A_353, %dma_start3A_354] : memref<3x80x128xf32, #tpu.memory_space<vmem>> -> memref<1x80x128xf32, #tpu.memory_space<vmem>>
      %dma_start3A_356 = tpu.memref_squeeze %dma_start3A_355 : memref<1x80x128xf32, #tpu.memory_space<vmem>> -> memref<80x128xf32, #tpu.memory_space<vmem>>
      tpu.enqueue_dma source(%dma_start3A_356 : memref<80x128xf32, #tpu.memory_space<vmem>>) target(%dma_start3A_352 : memref<80x128xf32, #tpu.memory_space<vmem_shared>>) target_semaphore(%run_scoped3A_344 : memref<!tpu.dma_semaphore, #tpu.memory_space<semaphore_mem>>)
      %dma_wait3A_357 = arith.constant 0 : i32
      %dma_wait3A_358 = arith.constant 0 : i32
      %dma_wait3A_359 = tpu.memref_slice %arg8[%run_scoped3A, %dma_wait3A_357, %dma_wait3A_358] : memref<3x80x128xf32, #tpu.memory_space<vmem>> -> memref<1x80x128xf32, #tpu.memory_space<vmem>>
      %dma_wait3A_360 = tpu.memref_squeeze %dma_wait3A_359 : memref<1x80x128xf32, #tpu.memory_space<vmem>> -> memref<80x128xf32, #tpu.memory_space<vmem>>
      %dma_wait3A_361 = arith.constant 0 : i32
      %dma_wait3A_362 = tpu.memref_slice %arg9[%add3A_34, %dma_wait3A_361] : memref<10000x128xf32, #tpu.memory_space<vmem_shared>> -> memref<80x128xf32, #tpu.memory_space<vmem_shared>>
      %dma_wait3A_363 = arith.constant 0 : i32
      %dma_wait3A_364 = tpu.memref_slice %arg9[%add3A_34, %dma_wait3A_363] : memref<10000x128xf32, #tpu.memory_space<vmem_shared>> -> memref<80x128xf32, #tpu.memory_space<vmem_shared>>
      %dma_wait3A_365 = arith.constant 0 : i32
      %dma_wait3A_366 = arith.constant 0 : i32
      %dma_wait3A_367 = tpu.memref_slice %arg8[%run_scoped3A, %dma_wait3A_365, %dma_wait3A_366] : memref<3x80x128xf32, #tpu.memory_space<vmem>> -> memref<1x80x128xf32, #tpu.memory_space<vmem>>
      %dma_wait3A_368 = tpu.memref_squeeze %dma_wait3A_367 : memref<1x80x128xf32, #tpu.memory_space<vmem>> -> memref<80x128xf32, #tpu.memory_space<vmem>>
      tpu.wait_dma2 semaphore(%run_scoped3A_344 : memref<!tpu.dma_semaphore, #tpu.memory_space<semaphore_mem>>) src(%dma_wait3A_368 : memref<80x128xf32, #tpu.memory_space<vmem>>) dst(%dma_wait3A_364 : memref<80x128xf32, #tpu.memory_space<vmem_shared>>)
      tpu.yield
    }) : () -> ()
    %mul3A_35 = arith.constant 624 : i32
    %mul3A_36 = arith.muli %arg1, %mul3A_35 : i32
    %add3A_37 = arith.constant 80 : i32
    %add3A_38 = arith.addi %mul3A_36, %add3A_37 : i32
    %run_scoped3A_39 = arith.constant 2 : i32
    "tpu.region"() ({
      %run_scoped3A_344 = tpu.sem_alloc : memref<!tpu.dma_semaphore, #tpu.memory_space<semaphore_mem>>
      %dma_start3A_345 = arith.constant 0 : i32
      %dma_start3A_346 = arith.constant 0 : i32
      %dma_start3A_347 = tpu.memref_slice %arg8[%run_scoped3A_39, %dma_start3A_345, %dma_start3A_346] : memref<3x80x128xf32, #tpu.memory_space<vmem>> -> memref<1x80x128xf32, #tpu.memory_space<vmem>>
      %dma_start3A_348 = tpu.memref_squeeze %dma_start3A_347 : memref<1x80x128xf32, #tpu.memory_space<vmem>> -> memref<80x128xf32, #tpu.memory_space<vmem>>
      %dma_start3A_349 = arith.constant 0 : i32
      %dma_start3A_350 = tpu.memref_slice %arg9[%add3A_38, %dma_start3A_349] : memref<10000x128xf32, #tpu.memory_space<vmem_shared>> -> memref<80x128xf32, #tpu.memory_space<vmem_shared>>
      %dma_start3A_351 = arith.constant 0 : i32
      %dma_start3A_352 = tpu.memref_slice %arg9[%add3A_38, %dma_start3A_351] : memref<10000x128xf32, #tpu.memory_space<vmem_shared>> -> memref<80x128xf32, #tpu.memory_space<vmem_shared>>
      %dma_start3A_353 = arith.constant 0 : i32
      %dma_start3A_354 = arith.constant 0 : i32
      %dma_start3A_355 = tpu.memref_slice %arg8[%run_scoped3A_39, %dma_start3A_353, %dma_start3A_354] : memref<3x80x128xf32, #tpu.memory_space<vmem>> -> memref<1x80x128xf32, #tpu.memory_space<vmem>>
      %dma_start3A_356 = tpu.memref_squeeze %dma_start3A_355 : memref<1x80x128xf32, #tpu.memory_space<vmem>> -> memref<80x128xf32, #tpu.memory_space<vmem>>
      tpu.enqueue_dma source(%dma_start3A_356 : memref<80x128xf32, #tpu.memory_space<vmem>>) target(%dma_start3A_352 : memref<80x128xf32, #tpu.memory_space<vmem_shared>>) target_semaphore(%run_scoped3A_344 : memref<!tpu.dma_semaphore, #tpu.memory_space<semaphore_mem>>)
      %dma_wait3A_357 = arith.constant 0 : i32
      %dma_wait3A_358 = arith.constant 0 : i32
      %dma_wait3A_359 = tpu.memref_slice %arg8[%run_scoped3A_39, %dma_wait3A_357, %dma_wait3A_358] : memref<3x80x128xf32, #tpu.memory_space<vmem>> -> memref<1x80x128xf32, #tpu.memory_space<vmem>>
      %dma_wait3A_360 = tpu.memref_squeeze %dma_wait3A_359 : memref<1x80x128xf32, #tpu.memory_space<vmem>> -> memref<80x128xf32, #tpu.memory_space<vmem>>
      %dma_wait3A_361 = arith.constant 0 : i32
      %dma_wait3A_362 = tpu.memref_slice %arg9[%add3A_38, %dma_wait3A_361] : memref<10000x128xf32, #tpu.memory_space<vmem_shared>> -> memref<80x128xf32, #tpu.memory_space<vmem_shared>>
      %dma_wait3A_363 = arith.constant 0 : i32
      %dma_wait3A_364 = tpu.memref_slice %arg9[%add3A_38, %dma_wait3A_363] : memref<10000x128xf32, #tpu.memory_space<vmem_shared>> -> memref<80x128xf32, #tpu.memory_space<vmem_shared>>
      %dma_wait3A_365 = arith.constant 0 : i32
      %dma_wait3A_366 = arith.constant 0 : i32
      %dma_wait3A_367 = tpu.memref_slice %arg8[%run_scoped3A_39, %dma_wait3A_365, %dma_wait3A_366] : memref<3x80x128xf32, #tpu.memory_space<vmem>> -> memref<1x80x128xf32, #tpu.memory_space<vmem>>
      %dma_wait3A_368 = tpu.memref_squeeze %dma_wait3A_367 : memref<1x80x128xf32, #tpu.memory_space<vmem>> -> memref<80x128xf32, #tpu.memory_space<vmem>>
      tpu.wait_dma2 semaphore(%run_scoped3A_344 : memref<!tpu.dma_semaphore, #tpu.memory_space<semaphore_mem>>) src(%dma_wait3A_368 : memref<80x128xf32, #tpu.memory_space<vmem>>) dst(%dma_wait3A_364 : memref<80x128xf32, #tpu.memory_space<vmem_shared>>)
      tpu.yield
    }) : () -> ()
    %mul3A_40 = arith.constant 624 : i32
    %mul3A_41 = arith.muli %arg1, %mul3A_40 : i32
    %add3A_42 = arith.constant 160 : i32
    %add3A_43 = arith.addi %mul3A_41, %add3A_42 : i32
    %run_scoped3A_44 = arith.constant 2 : i32
    "tpu.region"() ({
      %run_scoped3A_344 = tpu.sem_alloc : memref<!tpu.dma_semaphore, #tpu.memory_space<semaphore_mem>>
      %dma_start3A_345 = arith.constant 0 : i32
      %dma_start3A_346 = arith.constant 0 : i32
      %dma_start3A_347 = tpu.memref_slice %arg8[%run_scoped3A_44, %dma_start3A_345, %dma_start3A_346] : memref<3x80x128xf32, #tpu.memory_space<vmem>> -> memref<1x80x128xf32, #tpu.memory_space<vmem>>
      %dma_start3A_348 = tpu.memref_squeeze %dma_start3A_347 : memref<1x80x128xf32, #tpu.memory_space<vmem>> -> memref<80x128xf32, #tpu.memory_space<vmem>>
      %dma_start3A_349 = arith.constant 0 : i32
      %dma_start3A_350 = tpu.memref_slice %arg9[%add3A_43, %dma_start3A_349] : memref<10000x128xf32, #tpu.memory_space<vmem_shared>> -> memref<80x128xf32, #tpu.memory_space<vmem_shared>>
      %dma_start3A_351 = arith.constant 0 : i32
      %dma_start3A_352 = tpu.memref_slice %arg9[%add3A_43, %dma_start3A_351] : memref<10000x128xf32, #tpu.memory_space<vmem_shared>> -> memref<80x128xf32, #tpu.memory_space<vmem_shared>>
      %dma_start3A_353 = arith.constant 0 : i32
      %dma_start3A_354 = arith.constant 0 : i32
      %dma_start3A_355 = tpu.memref_slice %arg8[%run_scoped3A_44, %dma_start3A_353, %dma_start3A_354] : memref<3x80x128xf32, #tpu.memory_space<vmem>> -> memref<1x80x128xf32, #tpu.memory_space<vmem>>
      %dma_start3A_356 = tpu.memref_squeeze %dma_start3A_355 : memref<1x80x128xf32, #tpu.memory_space<vmem>> -> memref<80x128xf32, #tpu.memory_space<vmem>>
      tpu.enqueue_dma source(%dma_start3A_356 : memref<80x128xf32, #tpu.memory_space<vmem>>) target(%dma_start3A_352 : memref<80x128xf32, #tpu.memory_space<vmem_shared>>) target_semaphore(%run_scoped3A_344 : memref<!tpu.dma_semaphore, #tpu.memory_space<semaphore_mem>>)
      %dma_wait3A_357 = arith.constant 0 : i32
      %dma_wait3A_358 = arith.constant 0 : i32
      %dma_wait3A_359 = tpu.memref_slice %arg8[%run_scoped3A_44, %dma_wait3A_357, %dma_wait3A_358] : memref<3x80x128xf32, #tpu.memory_space<vmem>> -> memref<1x80x128xf32, #tpu.memory_space<vmem>>
      %dma_wait3A_360 = tpu.memref_squeeze %dma_wait3A_359 : memref<1x80x128xf32, #tpu.memory_space<vmem>> -> memref<80x128xf32, #tpu.memory_space<vmem>>
      %dma_wait3A_361 = arith.constant 0 : i32
      %dma_wait3A_362 = tpu.memref_slice %arg9[%add3A_43, %dma_wait3A_361] : memref<10000x128xf32, #tpu.memory_space<vmem_shared>> -> memref<80x128xf32, #tpu.memory_space<vmem_shared>>
      %dma_wait3A_363 = arith.constant 0 : i32
      %dma_wait3A_364 = tpu.memref_slice %arg9[%add3A_43, %dma_wait3A_363] : memref<10000x128xf32, #tpu.memory_space<vmem_shared>> -> memref<80x128xf32, #tpu.memory_space<vmem_shared>>
      %dma_wait3A_365 = arith.constant 0 : i32
      %dma_wait3A_366 = arith.constant 0 : i32
      %dma_wait3A_367 = tpu.memref_slice %arg8[%run_scoped3A_44, %dma_wait3A_365, %dma_wait3A_366] : memref<3x80x128xf32, #tpu.memory_space<vmem>> -> memref<1x80x128xf32, #tpu.memory_space<vmem>>
      %dma_wait3A_368 = tpu.memref_squeeze %dma_wait3A_367 : memref<1x80x128xf32, #tpu.memory_space<vmem>> -> memref<80x128xf32, #tpu.memory_space<vmem>>
      tpu.wait_dma2 semaphore(%run_scoped3A_344 : memref<!tpu.dma_semaphore, #tpu.memory_space<semaphore_mem>>) src(%dma_wait3A_368 : memref<80x128xf32, #tpu.memory_space<vmem>>) dst(%dma_wait3A_364 : memref<80x128xf32, #tpu.memory_space<vmem_shared>>)
      tpu.yield
    }) : () -> ()
    %mul3A_45 = arith.constant 624 : i32
    %mul3A_46 = arith.muli %arg1, %mul3A_45 : i32
    %add3A_47 = arith.constant 240 : i32
    %add3A_48 = arith.addi %mul3A_46, %add3A_47 : i32
    %run_scoped3A_49 = arith.constant 2 : i32
    "tpu.region"() ({
      %run_scoped3A_344 = tpu.sem_alloc : memref<!tpu.dma_semaphore, #tpu.memory_space<semaphore_mem>>
      %dma_start3A_345 = arith.constant 0 : i32
      %dma_start3A_346 = arith.constant 0 : i32
      %dma_start3A_347 = tpu.memref_slice %arg8[%run_scoped3A_49, %dma_start3A_345, %dma_start3A_346] : memref<3x80x128xf32, #tpu.memory_space<vmem>> -> memref<1x80x128xf32, #tpu.memory_space<vmem>>
      %dma_start3A_348 = tpu.memref_squeeze %dma_start3A_347 : memref<1x80x128xf32, #tpu.memory_space<vmem>> -> memref<80x128xf32, #tpu.memory_space<vmem>>
      %dma_start3A_349 = arith.constant 0 : i32
      %dma_start3A_350 = tpu.memref_slice %arg9[%add3A_48, %dma_start3A_349] : memref<10000x128xf32, #tpu.memory_space<vmem_shared>> -> memref<80x128xf32, #tpu.memory_space<vmem_shared>>
      %dma_start3A_351 = arith.constant 0 : i32
      %dma_start3A_352 = tpu.memref_slice %arg9[%add3A_48, %dma_start3A_351] : memref<10000x128xf32, #tpu.memory_space<vmem_shared>> -> memref<80x128xf32, #tpu.memory_space<vmem_shared>>
      %dma_start3A_353 = arith.constant 0 : i32
      %dma_start3A_354 = arith.constant 0 : i32
      %dma_start3A_355 = tpu.memref_slice %arg8[%run_scoped3A_49, %dma_start3A_353, %dma_start3A_354] : memref<3x80x128xf32, #tpu.memory_space<vmem>> -> memref<1x80x128xf32, #tpu.memory_space<vmem>>
      %dma_start3A_356 = tpu.memref_squeeze %dma_start3A_355 : memref<1x80x128xf32, #tpu.memory_space<vmem>> -> memref<80x128xf32, #tpu.memory_space<vmem>>
      tpu.enqueue_dma source(%dma_start3A_356 : memref<80x128xf32, #tpu.memory_space<vmem>>) target(%dma_start3A_352 : memref<80x128xf32, #tpu.memory_space<vmem_shared>>) target_semaphore(%run_scoped3A_344 : memref<!tpu.dma_semaphore, #tpu.memory_space<semaphore_mem>>)
      %dma_wait3A_357 = arith.constant 0 : i32
      %dma_wait3A_358 = arith.constant 0 : i32
      %dma_wait3A_359 = tpu.memref_slice %arg8[%run_scoped3A_49, %dma_wait3A_357, %dma_wait3A_358] : memref<3x80x128xf32, #tpu.memory_space<vmem>> -> memref<1x80x128xf32, #tpu.memory_space<vmem>>
      %dma_wait3A_360 = tpu.memref_squeeze %dma_wait3A_359 : memref<1x80x128xf32, #tpu.memory_space<vmem>> -> memref<80x128xf32, #tpu.memory_space<vmem>>
      %dma_wait3A_361 = arith.constant 0 : i32
      %dma_wait3A_362 = tpu.memref_slice %arg9[%add3A_48, %dma_wait3A_361] : memref<10000x128xf32, #tpu.memory_space<vmem_shared>> -> memref<80x128xf32, #tpu.memory_space<vmem_shared>>
      %dma_wait3A_363 = arith.constant 0 : i32
      %dma_wait3A_364 = tpu.memref_slice %arg9[%add3A_48, %dma_wait3A_363] : memref<10000x128xf32, #tpu.memory_space<vmem_shared>> -> memref<80x128xf32, #tpu.memory_space<vmem_shared>>
      %dma_wait3A_365 = arith.constant 0 : i32
      %dma_wait3A_366 = arith.constant 0 : i32
      %dma_wait3A_367 = tpu.memref_slice %arg8[%run_scoped3A_49, %dma_wait3A_365, %dma_wait3A_366] : memref<3x80x128xf32, #tpu.memory_space<vmem>> -> memref<1x80x128xf32, #tpu.memory_space<vmem>>
      %dma_wait3A_368 = tpu.memref_squeeze %dma_wait3A_367 : memref<1x80x128xf32, #tpu.memory_space<vmem>> -> memref<80x128xf32, #tpu.memory_space<vmem>>
      tpu.wait_dma2 semaphore(%run_scoped3A_344 : memref<!tpu.dma_semaphore, #tpu.memory_space<semaphore_mem>>) src(%dma_wait3A_368 : memref<80x128xf32, #tpu.memory_space<vmem>>) dst(%dma_wait3A_364 : memref<80x128xf32, #tpu.memory_space<vmem_shared>>)
      tpu.yield
    }) : () -> ()
    %mul3A_50 = arith.constant 624 : i32
    %mul3A_51 = arith.muli %arg1, %mul3A_50 : i32
    %add3A_52 = arith.constant 320 : i32
    %add3A_53 = arith.addi %mul3A_51, %add3A_52 : i32
    %run_scoped3A_54 = arith.constant 2 : i32
    "tpu.region"() ({
      %run_scoped3A_344 = tpu.sem_alloc : memref<!tpu.dma_semaphore, #tpu.memory_space<semaphore_mem>>
      %dma_start3A_345 = arith.constant 0 : i32
      %dma_start3A_346 = arith.constant 0 : i32
      %dma_start3A_347 = tpu.memref_slice %arg8[%run_scoped3A_54, %dma_start3A_345, %dma_start3A_346] : memref<3x80x128xf32, #tpu.memory_space<vmem>> -> memref<1x80x128xf32, #tpu.memory_space<vmem>>
      %dma_start3A_348 = tpu.memref_squeeze %dma_start3A_347 : memref<1x80x128xf32, #tpu.memory_space<vmem>> -> memref<80x128xf32, #tpu.memory_space<vmem>>
      %dma_start3A_349 = arith.constant 0 : i32
      %dma_start3A_350 = tpu.memref_slice %arg9[%add3A_53, %dma_start3A_349] : memref<10000x128xf32, #tpu.memory_space<vmem_shared>> -> memref<80x128xf32, #tpu.memory_space<vmem_shared>>
      %dma_start3A_351 = arith.constant 0 : i32
      %dma_start3A_352 = tpu.memref_slice %arg9[%add3A_53, %dma_start3A_351] : memref<10000x128xf32, #tpu.memory_space<vmem_shared>> -> memref<80x128xf32, #tpu.memory_space<vmem_shared>>
      %dma_start3A_353 = arith.constant 0 : i32
      %dma_start3A_354 = arith.constant 0 : i32
      %dma_start3A_355 = tpu.memref_slice %arg8[%run_scoped3A_54, %dma_start3A_353, %dma_start3A_354] : memref<3x80x128xf32, #tpu.memory_space<vmem>> -> memref<1x80x128xf32, #tpu.memory_space<vmem>>
      %dma_start3A_356 = tpu.memref_squeeze %dma_start3A_355 : memref<1x80x128xf32, #tpu.memory_space<vmem>> -> memref<80x128xf32, #tpu.memory_space<vmem>>
      tpu.enqueue_dma source(%dma_start3A_356 : memref<80x128xf32, #tpu.memory_space<vmem>>) target(%dma_start3A_352 : memref<80x128xf32, #tpu.memory_space<vmem_shared>>) target_semaphore(%run_scoped3A_344 : memref<!tpu.dma_semaphore, #tpu.memory_space<semaphore_mem>>)
      %dma_wait3A_357 = arith.constant 0 : i32
      %dma_wait3A_358 = arith.constant 0 : i32
      %dma_wait3A_359 = tpu.memref_slice %arg8[%run_scoped3A_54, %dma_wait3A_357, %dma_wait3A_358] : memref<3x80x128xf32, #tpu.memory_space<vmem>> -> memref<1x80x128xf32, #tpu.memory_space<vmem>>
      %dma_wait3A_360 = tpu.memref_squeeze %dma_wait3A_359 : memref<1x80x128xf32, #tpu.memory_space<vmem>> -> memref<80x128xf32, #tpu.memory_space<vmem>>
      %dma_wait3A_361 = arith.constant 0 : i32
      %dma_wait3A_362 = tpu.memref_slice %arg9[%add3A_53, %dma_wait3A_361] : memref<10000x128xf32, #tpu.memory_space<vmem_shared>> -> memref<80x128xf32, #tpu.memory_space<vmem_shared>>
      %dma_wait3A_363 = arith.constant 0 : i32
      %dma_wait3A_364 = tpu.memref_slice %arg9[%add3A_53, %dma_wait3A_363] : memref<10000x128xf32, #tpu.memory_space<vmem_shared>> -> memref<80x128xf32, #tpu.memory_space<vmem_shared>>
      %dma_wait3A_365 = arith.constant 0 : i32
      %dma_wait3A_366 = arith.constant 0 : i32
      %dma_wait3A_367 = tpu.memref_slice %arg8[%run_scoped3A_54, %dma_wait3A_365, %dma_wait3A_366] : memref<3x80x128xf32, #tpu.memory_space<vmem>> -> memref<1x80x128xf32, #tpu.memory_space<vmem>>
      %dma_wait3A_368 = tpu.memref_squeeze %dma_wait3A_367 : memref<1x80x128xf32, #tpu.memory_space<vmem>> -> memref<80x128xf32, #tpu.memory_space<vmem>>
      tpu.wait_dma2 semaphore(%run_scoped3A_344 : memref<!tpu.dma_semaphore, #tpu.memory_space<semaphore_mem>>) src(%dma_wait3A_368 : memref<80x128xf32, #tpu.memory_space<vmem>>) dst(%dma_wait3A_364 : memref<80x128xf32, #tpu.memory_space<vmem_shared>>)
      tpu.yield
    }) : () -> ()
    %mul3A_55 = arith.constant 624 : i32
    %mul3A_56 = arith.muli %arg1, %mul3A_55 : i32
    %add3A_57 = arith.constant 400 : i32
    %add3A_58 = arith.addi %mul3A_56, %add3A_57 : i32
    %run_scoped3A_59 = arith.constant 2 : i32
    "tpu.region"() ({
      %run_scoped3A_344 = tpu.sem_alloc : memref<!tpu.dma_semaphore, #tpu.memory_space<semaphore_mem>>
      %dma_start3A_345 = arith.constant 0 : i32
      %dma_start3A_346 = arith.constant 0 : i32
      %dma_start3A_347 = tpu.memref_slice %arg8[%run_scoped3A_59, %dma_start3A_345, %dma_start3A_346] : memref<3x80x128xf32, #tpu.memory_space<vmem>> -> memref<1x80x128xf32, #tpu.memory_space<vmem>>
      %dma_start3A_348 = tpu.memref_squeeze %dma_start3A_347 : memref<1x80x128xf32, #tpu.memory_space<vmem>> -> memref<80x128xf32, #tpu.memory_space<vmem>>
      %dma_start3A_349 = arith.constant 0 : i32
      %dma_start3A_350 = tpu.memref_slice %arg9[%add3A_58, %dma_start3A_349] : memref<10000x128xf32, #tpu.memory_space<vmem_shared>> -> memref<80x128xf32, #tpu.memory_space<vmem_shared>>
      %dma_start3A_351 = arith.constant 0 : i32
      %dma_start3A_352 = tpu.memref_slice %arg9[%add3A_58, %dma_start3A_351] : memref<10000x128xf32, #tpu.memory_space<vmem_shared>> -> memref<80x128xf32, #tpu.memory_space<vmem_shared>>
      %dma_start3A_353 = arith.constant 0 : i32
      %dma_start3A_354 = arith.constant 0 : i32
      %dma_start3A_355 = tpu.memref_slice %arg8[%run_scoped3A_59, %dma_start3A_353, %dma_start3A_354] : memref<3x80x128xf32, #tpu.memory_space<vmem>> -> memref<1x80x128xf32, #tpu.memory_space<vmem>>
      %dma_start3A_356 = tpu.memref_squeeze %dma_start3A_355 : memref<1x80x128xf32, #tpu.memory_space<vmem>> -> memref<80x128xf32, #tpu.memory_space<vmem>>
      tpu.enqueue_dma source(%dma_start3A_356 : memref<80x128xf32, #tpu.memory_space<vmem>>) target(%dma_start3A_352 : memref<80x128xf32, #tpu.memory_space<vmem_shared>>) target_semaphore(%run_scoped3A_344 : memref<!tpu.dma_semaphore, #tpu.memory_space<semaphore_mem>>)
      %dma_wait3A_357 = arith.constant 0 : i32
      %dma_wait3A_358 = arith.constant 0 : i32
      %dma_wait3A_359 = tpu.memref_slice %arg8[%run_scoped3A_59, %dma_wait3A_357, %dma_wait3A_358] : memref<3x80x128xf32, #tpu.memory_space<vmem>> -> memref<1x80x128xf32, #tpu.memory_space<vmem>>
      %dma_wait3A_360 = tpu.memref_squeeze %dma_wait3A_359 : memref<1x80x128xf32, #tpu.memory_space<vmem>> -> memref<80x128xf32, #tpu.memory_space<vmem>>
      %dma_wait3A_361 = arith.constant 0 : i32
      %dma_wait3A_362 = tpu.memref_slice %arg9[%add3A_58, %dma_wait3A_361] : memref<10000x128xf32, #tpu.memory_space<vmem_shared>> -> memref<80x128xf32, #tpu.memory_space<vmem_shared>>
      %dma_wait3A_363 = arith.constant 0 : i32
      %dma_wait3A_364 = tpu.memref_slice %arg9[%add3A_58, %dma_wait3A_363] : memref<10000x128xf32, #tpu.memory_space<vmem_shared>> -> memref<80x128xf32, #tpu.memory_space<vmem_shared>>
      %dma_wait3A_365 = arith.constant 0 : i32
      %dma_wait3A_366 = arith.constant 0 : i32
      %dma_wait3A_367 = tpu.memref_slice %arg8[%run_scoped3A_59, %dma_wait3A_365, %dma_wait3A_366] : memref<3x80x128xf32, #tpu.memory_space<vmem>> -> memref<1x80x128xf32, #tpu.memory_space<vmem>>
      %dma_wait3A_368 = tpu.memref_squeeze %dma_wait3A_367 : memref<1x80x128xf32, #tpu.memory_space<vmem>> -> memref<80x128xf32, #tpu.memory_space<vmem>>
      tpu.wait_dma2 semaphore(%run_scoped3A_344 : memref<!tpu.dma_semaphore, #tpu.memory_space<semaphore_mem>>) src(%dma_wait3A_368 : memref<80x128xf32, #tpu.memory_space<vmem>>) dst(%dma_wait3A_364 : memref<80x128xf32, #tpu.memory_space<vmem_shared>>)
      tpu.yield
    }) : () -> ()
    %mul3A_60 = arith.constant 624 : i32
    %mul3A_61 = arith.muli %arg1, %mul3A_60 : i32
    %add3A_62 = arith.constant 480 : i32
    %add3A_63 = arith.addi %mul3A_61, %add3A_62 : i32
    %run_scoped3A_64 = arith.constant 2 : i32
    "tpu.region"() ({
      %run_scoped3A_344 = tpu.sem_alloc : memref<!tpu.dma_semaphore, #tpu.memory_space<semaphore_mem>>
      %dma_start3A_345 = arith.constant 0 : i32
      %dma_start3A_346 = arith.constant 0 : i32
      %dma_start3A_347 = tpu.memref_slice %arg8[%run_scoped3A_64, %dma_start3A_345, %dma_start3A_346] : memref<3x80x128xf32, #tpu.memory_space<vmem>> -> memref<1x80x128xf32, #tpu.memory_space<vmem>>
      %dma_start3A_348 = tpu.memref_squeeze %dma_start3A_347 : memref<1x80x128xf32, #tpu.memory_space<vmem>> -> memref<80x128xf32, #tpu.memory_space<vmem>>
      %dma_start3A_349 = arith.constant 0 : i32
      %dma_start3A_350 = tpu.memref_slice %arg9[%add3A_63, %dma_start3A_349] : memref<10000x128xf32, #tpu.memory_space<vmem_shared>> -> memref<80x128xf32, #tpu.memory_space<vmem_shared>>
      %dma_start3A_351 = arith.constant 0 : i32
      %dma_start3A_352 = tpu.memref_slice %arg9[%add3A_63, %dma_start3A_351] : memref<10000x128xf32, #tpu.memory_space<vmem_shared>> -> memref<80x128xf32, #tpu.memory_space<vmem_shared>>
      %dma_start3A_353 = arith.constant 0 : i32
      %dma_start3A_354 = arith.constant 0 : i32
      %dma_start3A_355 = tpu.memref_slice %arg8[%run_scoped3A_64, %dma_start3A_353, %dma_start3A_354] : memref<3x80x128xf32, #tpu.memory_space<vmem>> -> memref<1x80x128xf32, #tpu.memory_space<vmem>>
      %dma_start3A_356 = tpu.memref_squeeze %dma_start3A_355 : memref<1x80x128xf32, #tpu.memory_space<vmem>> -> memref<80x128xf32, #tpu.memory_space<vmem>>
      tpu.enqueue_dma source(%dma_start3A_356 : memref<80x128xf32, #tpu.memory_space<vmem>>) target(%dma_start3A_352 : memref<80x128xf32, #tpu.memory_space<vmem_shared>>) target_semaphore(%run_scoped3A_344 : memref<!tpu.dma_semaphore, #tpu.memory_space<semaphore_mem>>)
      %dma_wait3A_357 = arith.constant 0 : i32
      %dma_wait3A_358 = arith.constant 0 : i32
      %dma_wait3A_359 = tpu.memref_slice %arg8[%run_scoped3A_64, %dma_wait3A_357, %dma_wait3A_358] : memref<3x80x128xf32, #tpu.memory_space<vmem>> -> memref<1x80x128xf32, #tpu.memory_space<vmem>>
      %dma_wait3A_360 = tpu.memref_squeeze %dma_wait3A_359 : memref<1x80x128xf32, #tpu.memory_space<vmem>> -> memref<80x128xf32, #tpu.memory_space<vmem>>
      %dma_wait3A_361 = arith.constant 0 : i32
      %dma_wait3A_362 = tpu.memref_slice %arg9[%add3A_63, %dma_wait3A_361] : memref<10000x128xf32, #tpu.memory_space<vmem_shared>> -> memref<80x128xf32, #tpu.memory_space<vmem_shared>>
      %dma_wait3A_363 = arith.constant 0 : i32
      %dma_wait3A_364 = tpu.memref_slice %arg9[%add3A_63, %dma_wait3A_363] : memref<10000x128xf32, #tpu.memory_space<vmem_shared>> -> memref<80x128xf32, #tpu.memory_space<vmem_shared>>
      %dma_wait3A_365 = arith.constant 0 : i32
      %dma_wait3A_366 = arith.constant 0 : i32
      %dma_wait3A_367 = tpu.memref_slice %arg8[%run_scoped3A_64, %dma_wait3A_365, %dma_wait3A_366] : memref<3x80x128xf32, #tpu.memory_space<vmem>> -> memref<1x80x128xf32, #tpu.memory_space<vmem>>
      %dma_wait3A_368 = tpu.memref_squeeze %dma_wait3A_367 : memref<1x80x128xf32, #tpu.memory_space<vmem>> -> memref<80x128xf32, #tpu.memory_space<vmem>>
      tpu.wait_dma2 semaphore(%run_scoped3A_344 : memref<!tpu.dma_semaphore, #tpu.memory_space<semaphore_mem>>) src(%dma_wait3A_368 : memref<80x128xf32, #tpu.memory_space<vmem>>) dst(%dma_wait3A_364 : memref<80x128xf32, #tpu.memory_space<vmem_shared>>)
      tpu.yield
    }) : () -> ()
    %eq3A = arith.constant 15 : i32
    %eq3A_65 = arith.cmpi eq, %arg1, %eq3A : i32
    %convert_element_type3A = arith.extui %eq3A_65 : i1 to i32
    %cond3A = arith.constant 0 : i32
    %cond3A_66 = arith.cmpi ne, %convert_element_type3A, %cond3A : i32
    scf.if %cond3A_66 {
      %run_scoped3A_344 = arith.constant 2 : i32
      "tpu.region"() ({
        %run_scoped3A_345 = tpu.sem_alloc : memref<!tpu.dma_semaphore, #tpu.memory_space<semaphore_mem>>
        %dma_start3A_346 = arith.constant 0 : i32
        %dma_start3A_347 = arith.constant 0 : i32
        %dma_start3A_348 = tpu.memref_slice %arg8[%run_scoped3A_344, %dma_start3A_346, %dma_start3A_347] : memref<3x80x128xf32, #tpu.memory_space<vmem>> -> memref<1x80x128xf32, #tpu.memory_space<vmem>>
        %dma_start3A_349 = tpu.memref_squeeze %dma_start3A_348 : memref<1x80x128xf32, #tpu.memory_space<vmem>> -> memref<80x128xf32, #tpu.memory_space<vmem>>
        %dma_start3A_350 = arith.constant 9920 : i32
        %dma_start3A_351 = arith.constant 0 : i32
        %dma_start3A_352 = tpu.memref_slice %arg9[%dma_start3A_350, %dma_start3A_351] : memref<10000x128xf32, #tpu.memory_space<vmem_shared>> -> memref<80x128xf32, #tpu.memory_space<vmem_shared>>
        %dma_start3A_353 = arith.constant 9920 : i32
        %dma_start3A_354 = arith.constant 0 : i32
        %dma_start3A_355 = tpu.memref_slice %arg9[%dma_start3A_353, %dma_start3A_354] : memref<10000x128xf32, #tpu.memory_space<vmem_shared>> -> memref<80x128xf32, #tpu.memory_space<vmem_shared>>
        %dma_start3A_356 = arith.constant 0 : i32
        %dma_start3A_357 = arith.constant 0 : i32
        %dma_start3A_358 = tpu.memref_slice %arg8[%run_scoped3A_344, %dma_start3A_356, %dma_start3A_357] : memref<3x80x128xf32, #tpu.memory_space<vmem>> -> memref<1x80x128xf32, #tpu.memory_space<vmem>>
        %dma_start3A_359 = tpu.memref_squeeze %dma_start3A_358 : memref<1x80x128xf32, #tpu.memory_space<vmem>> -> memref<80x128xf32, #tpu.memory_space<vmem>>
        tpu.enqueue_dma source(%dma_start3A_359 : memref<80x128xf32, #tpu.memory_space<vmem>>) target(%dma_start3A_355 : memref<80x128xf32, #tpu.memory_space<vmem_shared>>) target_semaphore(%run_scoped3A_345 : memref<!tpu.dma_semaphore, #tpu.memory_space<semaphore_mem>>)
        %dma_wait3A_360 = arith.constant 0 : i32
        %dma_wait3A_361 = arith.constant 0 : i32
        %dma_wait3A_362 = tpu.memref_slice %arg8[%run_scoped3A_344, %dma_wait3A_360, %dma_wait3A_361] : memref<3x80x128xf32, #tpu.memory_space<vmem>> -> memref<1x80x128xf32, #tpu.memory_space<vmem>>
        %dma_wait3A_363 = tpu.memref_squeeze %dma_wait3A_362 : memref<1x80x128xf32, #tpu.memory_space<vmem>> -> memref<80x128xf32, #tpu.memory_space<vmem>>
        %dma_wait3A_364 = arith.constant 9920 : i32
        %dma_wait3A_365 = arith.constant 0 : i32
        %dma_wait3A_366 = tpu.memref_slice %arg9[%dma_wait3A_364, %dma_wait3A_365] : memref<10000x128xf32, #tpu.memory_space<vmem_shared>> -> memref<80x128xf32, #tpu.memory_space<vmem_shared>>
        %dma_wait3A_367 = arith.constant 9920 : i32
        %dma_wait3A_368 = arith.constant 0 : i32
        %dma_wait3A_369 = tpu.memref_slice %arg9[%dma_wait3A_367, %dma_wait3A_368] : memref<10000x128xf32, #tpu.memory_space<vmem_shared>> -> memref<80x128xf32, #tpu.memory_space<vmem_shared>>
        %dma_wait3A_370 = arith.constant 0 : i32
        %dma_wait3A_371 = arith.constant 0 : i32
        %dma_wait3A_372 = tpu.memref_slice %arg8[%run_scoped3A_344, %dma_wait3A_370, %dma_wait3A_371] : memref<3x80x128xf32, #tpu.memory_space<vmem>> -> memref<1x80x128xf32, #tpu.memory_space<vmem>>
        %dma_wait3A_373 = tpu.memref_squeeze %dma_wait3A_372 : memref<1x80x128xf32, #tpu.memory_space<vmem>> -> memref<80x128xf32, #tpu.memory_space<vmem>>
        tpu.wait_dma2 semaphore(%run_scoped3A_345 : memref<!tpu.dma_semaphore, #tpu.memory_space<semaphore_mem>>) src(%dma_wait3A_373 : memref<80x128xf32, #tpu.memory_space<vmem>>) dst(%dma_wait3A_369 : memref<80x128xf32, #tpu.memory_space<vmem_shared>>)
        tpu.yield
      }) : () -> ()
    } else {
    }
    %ne3A = arith.constant 15 : i32
    %ne3A_67 = arith.cmpi ne, %arg1, %ne3A : i32
    %convert_element_type3A_68 = arith.extui %ne3A_67 : i1 to i32
    %cond3A_69 = arith.constant 0 : i32
    %cond3A_70 = arith.cmpi ne, %convert_element_type3A_68, %cond3A_69 : i32
    scf.if %cond3A_70 {
      %mul3A_344 = arith.constant 624 : i32
      %mul3A_345 = arith.muli %arg1, %mul3A_344 : i32
      %add3A_346 = arith.constant 560 : i32
      %add3A_347 = arith.addi %mul3A_345, %add3A_346 : i32
      %run_scoped3A_348 = arith.constant 2 : i32
      "tpu.region"() ({
        %run_scoped3A_349 = tpu.sem_alloc : memref<!tpu.dma_semaphore, #tpu.memory_space<semaphore_mem>>
        %dma_start3A_350 = arith.constant 0 : i32
        %dma_start3A_351 = arith.constant 0 : i32
        %dma_start3A_352 = tpu.memref_slice %arg8[%run_scoped3A_348, %dma_start3A_350, %dma_start3A_351] : memref<3x80x128xf32, #tpu.memory_space<vmem>> -> memref<1x64x128xf32, #tpu.memory_space<vmem>>
        %dma_start3A_353 = tpu.memref_squeeze %dma_start3A_352 : memref<1x64x128xf32, #tpu.memory_space<vmem>> -> memref<64x128xf32, #tpu.memory_space<vmem>>
        %dma_start3A_354 = arith.constant 0 : i32
        %dma_start3A_355 = tpu.memref_slice %arg9[%add3A_347, %dma_start3A_354] : memref<10000x128xf32, #tpu.memory_space<vmem_shared>> -> memref<64x128xf32, #tpu.memory_space<vmem_shared>>
        %dma_start3A_356 = arith.constant 0 : i32
        %dma_start3A_357 = tpu.memref_slice %arg9[%add3A_347, %dma_start3A_356] : memref<10000x128xf32, #tpu.memory_space<vmem_shared>> -> memref<64x128xf32, #tpu.memory_space<vmem_shared>>
        %dma_start3A_358 = arith.constant 0 : i32
        %dma_start3A_359 = arith.constant 0 : i32
        %dma_start3A_360 = tpu.memref_slice %arg8[%run_scoped3A_348, %dma_start3A_358, %dma_start3A_359] : memref<3x80x128xf32, #tpu.memory_space<vmem>> -> memref<1x64x128xf32, #tpu.memory_space<vmem>>
        %dma_start3A_361 = tpu.memref_squeeze %dma_start3A_360 : memref<1x64x128xf32, #tpu.memory_space<vmem>> -> memref<64x128xf32, #tpu.memory_space<vmem>>
        tpu.enqueue_dma source(%dma_start3A_361 : memref<64x128xf32, #tpu.memory_space<vmem>>) target(%dma_start3A_357 : memref<64x128xf32, #tpu.memory_space<vmem_shared>>) target_semaphore(%run_scoped3A_349 : memref<!tpu.dma_semaphore, #tpu.memory_space<semaphore_mem>>)
        %dma_wait3A_362 = arith.constant 0 : i32
        %dma_wait3A_363 = arith.constant 0 : i32
        %dma_wait3A_364 = tpu.memref_slice %arg8[%run_scoped3A_348, %dma_wait3A_362, %dma_wait3A_363] : memref<3x80x128xf32, #tpu.memory_space<vmem>> -> memref<1x64x128xf32, #tpu.memory_space<vmem>>
        %dma_wait3A_365 = tpu.memref_squeeze %dma_wait3A_364 : memref<1x64x128xf32, #tpu.memory_space<vmem>> -> memref<64x128xf32, #tpu.memory_space<vmem>>
        %dma_wait3A_366 = arith.constant 0 : i32
        %dma_wait3A_367 = tpu.memref_slice %arg9[%add3A_347, %dma_wait3A_366] : memref<10000x128xf32, #tpu.memory_space<vmem_shared>> -> memref<64x128xf32, #tpu.memory_space<vmem_shared>>
        %dma_wait3A_368 = arith.constant 0 : i32
        %dma_wait3A_369 = tpu.memref_slice %arg9[%add3A_347, %dma_wait3A_368] : memref<10000x128xf32, #tpu.memory_space<vmem_shared>> -> memref<64x128xf32, #tpu.memory_space<vmem_shared>>
        %dma_wait3A_370 = arith.constant 0 : i32
        %dma_wait3A_371 = arith.constant 0 : i32
        %dma_wait3A_372 = tpu.memref_slice %arg8[%run_scoped3A_348, %dma_wait3A_370, %dma_wait3A_371] : memref<3x80x128xf32, #tpu.memory_space<vmem>> -> memref<1x64x128xf32, #tpu.memory_space<vmem>>
        %dma_wait3A_373 = tpu.memref_squeeze %dma_wait3A_372 : memref<1x64x128xf32, #tpu.memory_space<vmem>> -> memref<64x128xf32, #tpu.memory_space<vmem>>
        tpu.wait_dma2 semaphore(%run_scoped3A_349 : memref<!tpu.dma_semaphore, #tpu.memory_space<semaphore_mem>>) src(%dma_wait3A_373 : memref<64x128xf32, #tpu.memory_space<vmem>>) dst(%dma_wait3A_369 : memref<64x128xf32, #tpu.memory_space<vmem_shared>>)
        tpu.yield
      }) : () -> ()
    } else {
    }
    %barrier3A = arith.constant 0 : index
    tpu.barrier barrier_id(%barrier3A)
    %dma_wait3A = arith.constant 0 : i32
    %dma_wait3A_71 = arith.constant 0 : i32
    %dma_wait3A_72 = arith.constant 0 : i32
    %dma_wait3A_73 = arith.constant 0 : i32
    %dma_wait3A_74 = tpu.memref_slice %arg8[%dma_wait3A, %dma_wait3A_72, %dma_wait3A_73] : memref<3x80x128xf32, #tpu.memory_space<vmem>> -> memref<1x80x128xf32, #tpu.memory_space<vmem>>
    %dma_wait3A_75 = tpu.memref_squeeze %dma_wait3A_74 : memref<1x80x128xf32, #tpu.memory_space<vmem>> -> memref<80x128xf32, #tpu.memory_space<vmem>>
    %dma_wait3A_76 = arith.constant 0 : i32
    %dma_wait3A_77 = tpu.memref_slice %arg6[%dma_wait3A_76] : memref<10000xi32, #tpu.memory_space<vmem>> -> memref<80xi32, #tpu.memory_space<vmem>>
    %dma_wait3A_78 = arith.constant 0 : i32
    %dma_wait3A_79 = arith.constant 0 : i32
    %dma_wait3A_80 = tpu.memref_slice %arg2[%dma_wait3A_78, %dma_wait3A_79] : memref<10000x128xf32, #tpu.memory_space<hbm>> -> memref<10000x128xf32, #tpu.memory_space<hbm>>
    %dma_wait3A_81 = tpu.memref_slice %arg10[%dma_wait3A_71] : memref<3x!tpu.dma_semaphore, #tpu.memory_space<semaphore_mem>> -> memref<1x!tpu.dma_semaphore, #tpu.memory_space<semaphore_mem>>
    %dma_wait3A_82 = tpu.memref_squeeze %dma_wait3A_81 : memref<1x!tpu.dma_semaphore, #tpu.memory_space<semaphore_mem>> -> memref<!tpu.dma_semaphore, #tpu.memory_space<semaphore_mem>>
    tpu.wait_indirect_dma semaphore(%dma_wait3A_82 : memref<!tpu.dma_semaphore, #tpu.memory_space<semaphore_mem>>) src(%dma_wait3A_80 : memref<10000x128xf32, #tpu.memory_space<hbm>>) dst(%dma_wait3A_75 : memref<80x128xf32, #tpu.memory_space<vmem>>)
    %dma_start3A_83 = arith.constant 2 : i32
    %dma_start3A_84 = arith.constant 2 : i32
    %dma_start3A_85 = arith.constant 0 : i32
    %dma_start3A_86 = arith.constant 0 : i32
    %dma_start3A_87 = tpu.memref_slice %arg8[%dma_start3A_83, %dma_start3A_85, %dma_start3A_86] : memref<3x80x128xf32, #tpu.memory_space<vmem>> -> memref<1x80x128xf32, #tpu.memory_space<vmem>>
    %dma_start3A_88 = tpu.memref_squeeze %dma_start3A_87 : memref<1x80x128xf32, #tpu.memory_space<vmem>> -> memref<80x128xf32, #tpu.memory_space<vmem>>
    %dma_start3A_89 = arith.constant 160 : i32
    %dma_start3A_90 = tpu.memref_slice %arg6[%dma_start3A_89] : memref<10000xi32, #tpu.memory_space<vmem>> -> memref<80xi32, #tpu.memory_space<vmem>>
    %dma_start3A_91 = arith.constant 0 : i32
    %dma_start3A_92 = arith.constant 0 : i32
    %dma_start3A_93 = tpu.memref_slice %arg2[%dma_start3A_91, %dma_start3A_92] : memref<10000x128xf32, #tpu.memory_space<hbm>> -> memref<10000x128xf32, #tpu.memory_space<hbm>>
    %dma_start3A_94 = tpu.memref_slice %arg10[%dma_start3A_84] : memref<3x!tpu.dma_semaphore, #tpu.memory_space<semaphore_mem>> -> memref<1x!tpu.dma_semaphore, #tpu.memory_space<semaphore_mem>>
    %dma_start3A_95 = tpu.memref_squeeze %dma_start3A_94 : memref<1x!tpu.dma_semaphore, #tpu.memory_space<semaphore_mem>> -> memref<!tpu.dma_semaphore, #tpu.memory_space<semaphore_mem>>
    tpu.enqueue_indirect_dma source(%dma_start3A_93 : memref<10000x128xf32, #tpu.memory_space<hbm>>) target(%dma_start3A_88 : memref<80x128xf32, #tpu.memory_space<vmem>>) offsets(%dma_start3A_90 : memref<80xi32, #tpu.memory_space<vmem>>) semaphore(%dma_start3A_95 : memref<!tpu.dma_semaphore, #tpu.memory_space<semaphore_mem>>)
    %dma_start3A_96 = arith.constant 0 : i32
    %dma_start3A_97 = arith.constant 0 : i32
    %dma_start3A_98 = arith.constant 0 : i32
    %dma_start3A_99 = arith.constant 0 : i32
    %dma_start3A_100 = tpu.memref_slice %arg8[%dma_start3A_96, %dma_start3A_98, %dma_start3A_99] : memref<3x80x128xf32, #tpu.memory_space<vmem>> -> memref<1x80x128xf32, #tpu.memory_space<vmem>>
    %dma_start3A_101 = tpu.memref_squeeze %dma_start3A_100 : memref<1x80x128xf32, #tpu.memory_space<vmem>> -> memref<80x128xf32, #tpu.memory_space<vmem>>
    %dma_start3A_102 = arith.constant 0 : i32
    %dma_start3A_103 = tpu.memref_slice %arg7[%dma_start3A_102] : memref<10000xi32, #tpu.memory_space<vmem>> -> memref<80xi32, #tpu.memory_space<vmem>>
    %dma_start3A_104 = arith.constant 0 : i32
    %dma_start3A_105 = arith.constant 0 : i32
    %dma_start3A_106 = tpu.memref_slice %arg9[%dma_start3A_104, %dma_start3A_105] : memref<10000x128xf32, #tpu.memory_space<vmem_shared>> -> memref<10000x128xf32, #tpu.memory_space<vmem_shared>>
    %dma_start3A_107 = tpu.memref_slice %arg11[%dma_start3A_97] : memref<3x!tpu.dma_semaphore, #tpu.memory_space<semaphore_mem>> -> memref<1x!tpu.dma_semaphore, #tpu.memory_space<semaphore_mem>>
    %dma_start3A_108 = tpu.memref_squeeze %dma_start3A_107 : memref<1x!tpu.dma_semaphore, #tpu.memory_space<semaphore_mem>> -> memref<!tpu.dma_semaphore, #tpu.memory_space<semaphore_mem>>
    tpu.enqueue_indirect_dma source(%dma_start3A_101 : memref<80x128xf32, #tpu.memory_space<vmem>>) target(%dma_start3A_106 : memref<10000x128xf32, #tpu.memory_space<vmem_shared>>) offsets(%dma_start3A_103 : memref<80xi32, #tpu.memory_space<vmem>>) semaphore(%dma_start3A_108 : memref<!tpu.dma_semaphore, #tpu.memory_space<semaphore_mem>>) {add = true}
    %scan3A_109 = arith.constant 0 : i32
    %scan3A_110 = arith.constant 40 : i32
    %scan3A_111 = arith.addi %scan3A_109, %scan3A_110 : i32
    %scan3A_112 = arith.constant 1 : i32
    scf.for %scan3A_344 = %scan3A_109 to %scan3A_111 step %scan3A_112  : i32 {
      %mul3A_345 = arith.constant 3 : i32
      %mul3A_346 = arith.muli %scan3A_344, %mul3A_345 : i32
      %add3A_347 = arith.constant 1 : i32
      %add3A_348 = arith.addi %add3A_347, %mul3A_346 : i32
      %add3A_349 = arith.constant 0 : i32
      %add3A_350 = arith.addi %add3A_348, %add3A_349 : i32
      %mul3A_351 = arith.constant 80 : i32
      %mul3A_352 = arith.muli %add3A_350, %mul3A_351 : i32
      %dma_wait3A_353 = arith.constant 1 : i32
      %dma_wait3A_354 = arith.constant 1 : i32
      %dma_wait3A_355 = arith.constant 0 : i32
      %dma_wait3A_356 = arith.constant 0 : i32
      %dma_wait3A_357 = tpu.memref_slice %arg8[%dma_wait3A_353, %dma_wait3A_355, %dma_wait3A_356] : memref<3x80x128xf32, #tpu.memory_space<vmem>> -> memref<1x80x128xf32, #tpu.memory_space<vmem>>
      %dma_wait3A_358 = tpu.memref_squeeze %dma_wait3A_357 : memref<1x80x128xf32, #tpu.memory_space<vmem>> -> memref<80x128xf32, #tpu.memory_space<vmem>>
      %dma_wait3A_359 = tpu.memref_slice %arg6[%mul3A_352] : memref<10000xi32, #tpu.memory_space<vmem>> -> memref<80xi32, #tpu.memory_space<vmem>>
      %dma_wait3A_360 = arith.constant 0 : i32
      %dma_wait3A_361 = arith.constant 0 : i32
      %dma_wait3A_362 = tpu.memref_slice %arg2[%dma_wait3A_360, %dma_wait3A_361] : memref<10000x128xf32, #tpu.memory_space<hbm>> -> memref<10000x128xf32, #tpu.memory_space<hbm>>
      %dma_wait3A_363 = tpu.memref_slice %arg10[%dma_wait3A_354] : memref<3x!tpu.dma_semaphore, #tpu.memory_space<semaphore_mem>> -> memref<1x!tpu.dma_semaphore, #tpu.memory_space<semaphore_mem>>
      %dma_wait3A_364 = tpu.memref_squeeze %dma_wait3A_363 : memref<1x!tpu.dma_semaphore, #tpu.memory_space<semaphore_mem>> -> memref<!tpu.dma_semaphore, #tpu.memory_space<semaphore_mem>>
      tpu.wait_indirect_dma semaphore(%dma_wait3A_364 : memref<!tpu.dma_semaphore, #tpu.memory_space<semaphore_mem>>) src(%dma_wait3A_362 : memref<10000x128xf32, #tpu.memory_space<hbm>>) dst(%dma_wait3A_358 : memref<80x128xf32, #tpu.memory_space<vmem>>)
      %dma_wait3A_365 = arith.constant 0 : i32
      %dma_wait3A_366 = arith.constant 0 : i32
      %dma_wait3A_367 = arith.constant 0 : i32
      %dma_wait3A_368 = arith.constant 0 : i32
      %dma_wait3A_369 = tpu.memref_slice %arg8[%dma_wait3A_365, %dma_wait3A_367, %dma_wait3A_368] : memref<3x80x128xf32, #tpu.memory_space<vmem>> -> memref<1x80x128xf32, #tpu.memory_space<vmem>>
      %dma_wait3A_370 = tpu.memref_squeeze %dma_wait3A_369 : memref<1x80x128xf32, #tpu.memory_space<vmem>> -> memref<80x128xf32, #tpu.memory_space<vmem>>
      %dma_wait3A_371 = arith.constant 0 : i32
      %dma_wait3A_372 = arith.constant 0 : i32
      %dma_wait3A_373 = tpu.memref_slice %arg9[%dma_wait3A_371, %dma_wait3A_372] : memref<10000x128xf32, #tpu.memory_space<vmem_shared>> -> memref<80x128xf32, #tpu.memory_space<vmem_shared>>
      %dma_wait3A_374 = tpu.memref_slice %arg11[%dma_wait3A_366] : memref<3x!tpu.dma_semaphore, #tpu.memory_space<semaphore_mem>> -> memref<1x!tpu.dma_semaphore, #tpu.memory_space<semaphore_mem>>
      %dma_wait3A_375 = tpu.memref_squeeze %dma_wait3A_374 : memref<1x!tpu.dma_semaphore, #tpu.memory_space<semaphore_mem>> -> memref<!tpu.dma_semaphore, #tpu.memory_space<semaphore_mem>>
      %dma_wait3A_376 = arith.constant 0 : i32
      %dma_wait3A_377 = arith.constant 0 : i32
      %dma_wait3A_378 = tpu.memref_slice %arg9[%dma_wait3A_376, %dma_wait3A_377] : memref<10000x128xf32, #tpu.memory_space<vmem_shared>> -> memref<80x128xf32, #tpu.memory_space<vmem_shared>>
      %dma_wait3A_379 = arith.constant 0 : i32
      %dma_wait3A_380 = arith.constant 0 : i32
      %dma_wait3A_381 = tpu.memref_slice %arg8[%dma_wait3A_365, %dma_wait3A_379, %dma_wait3A_380] : memref<3x80x128xf32, #tpu.memory_space<vmem>> -> memref<1x80x128xf32, #tpu.memory_space<vmem>>
      %dma_wait3A_382 = tpu.memref_squeeze %dma_wait3A_381 : memref<1x80x128xf32, #tpu.memory_space<vmem>> -> memref<80x128xf32, #tpu.memory_space<vmem>>
      tpu.wait_dma2 semaphore(%dma_wait3A_375 : memref<!tpu.dma_semaphore, #tpu.memory_space<semaphore_mem>>) src(%dma_wait3A_382 : memref<80x128xf32, #tpu.memory_space<vmem>>) dst(%dma_wait3A_378 : memref<80x128xf32, #tpu.memory_space<vmem_shared>>)
      %add3A_383 = arith.constant 2 : i32
      %add3A_384 = arith.addi %add3A_350, %add3A_383 : i32
      %mul3A_385 = arith.constant 80 : i32
      %mul3A_386 = arith.muli %add3A_384, %mul3A_385 : i32
      %dma_start3A_387 = arith.constant 0 : i32
      %dma_start3A_388 = arith.constant 0 : i32
      %dma_start3A_389 = arith.constant 0 : i32
      %dma_start3A_390 = arith.constant 0 : i32
      %dma_start3A_391 = tpu.memref_slice %arg8[%dma_start3A_387, %dma_start3A_389, %dma_start3A_390] : memref<3x80x128xf32, #tpu.memory_space<vmem>> -> memref<1x80x128xf32, #tpu.memory_space<vmem>>
      %dma_start3A_392 = tpu.memref_squeeze %dma_start3A_391 : memref<1x80x128xf32, #tpu.memory_space<vmem>> -> memref<80x128xf32, #tpu.memory_space<vmem>>
      %dma_start3A_393 = tpu.memref_slice %arg6[%mul3A_386] : memref<10000xi32, #tpu.memory_space<vmem>> -> memref<80xi32, #tpu.memory_space<vmem>>
      %dma_start3A_394 = arith.constant 0 : i32
      %dma_start3A_395 = arith.constant 0 : i32
      %dma_start3A_396 = tpu.memref_slice %arg2[%dma_start3A_394, %dma_start3A_395] : memref<10000x128xf32, #tpu.memory_space<hbm>> -> memref<10000x128xf32, #tpu.memory_space<hbm>>
      %dma_start3A_397 = tpu.memref_slice %arg10[%dma_start3A_388] : memref<3x!tpu.dma_semaphore, #tpu.memory_space<semaphore_mem>> -> memref<1x!tpu.dma_semaphore, #tpu.memory_space<semaphore_mem>>
      %dma_start3A_398 = tpu.memref_squeeze %dma_start3A_397 : memref<1x!tpu.dma_semaphore, #tpu.memory_space<semaphore_mem>> -> memref<!tpu.dma_semaphore, #tpu.memory_space<semaphore_mem>>
      tpu.enqueue_indirect_dma source(%dma_start3A_396 : memref<10000x128xf32, #tpu.memory_space<hbm>>) target(%dma_start3A_392 : memref<80x128xf32, #tpu.memory_space<vmem>>) offsets(%dma_start3A_393 : memref<80xi32, #tpu.memory_space<vmem>>) semaphore(%dma_start3A_398 : memref<!tpu.dma_semaphore, #tpu.memory_space<semaphore_mem>>)
      %mul3A_399 = arith.constant 80 : i32
      %mul3A_400 = arith.muli %add3A_350, %mul3A_399 : i32
      %dma_start3A_401 = arith.constant 1 : i32
      %dma_start3A_402 = arith.constant 1 : i32
      %dma_start3A_403 = arith.constant 0 : i32
      %dma_start3A_404 = arith.constant 0 : i32
      %dma_start3A_405 = tpu.memref_slice %arg8[%dma_start3A_401, %dma_start3A_403, %dma_start3A_404] : memref<3x80x128xf32, #tpu.memory_space<vmem>> -> memref<1x80x128xf32, #tpu.memory_space<vmem>>
      %dma_start3A_406 = tpu.memref_squeeze %dma_start3A_405 : memref<1x80x128xf32, #tpu.memory_space<vmem>> -> memref<80x128xf32, #tpu.memory_space<vmem>>
      %dma_start3A_407 = tpu.memref_slice %arg7[%mul3A_400] : memref<10000xi32, #tpu.memory_space<vmem>> -> memref<80xi32, #tpu.memory_space<vmem>>
      %dma_start3A_408 = arith.constant 0 : i32
      %dma_start3A_409 = arith.constant 0 : i32
      %dma_start3A_410 = tpu.memref_slice %arg9[%dma_start3A_408, %dma_start3A_409] : memref<10000x128xf32, #tpu.memory_space<vmem_shared>> -> memref<10000x128xf32, #tpu.memory_space<vmem_shared>>
      %dma_start3A_411 = tpu.memref_slice %arg11[%dma_start3A_402] : memref<3x!tpu.dma_semaphore, #tpu.memory_space<semaphore_mem>> -> memref<1x!tpu.dma_semaphore, #tpu.memory_space<semaphore_mem>>
      %dma_start3A_412 = tpu.memref_squeeze %dma_start3A_411 : memref<1x!tpu.dma_semaphore, #tpu.memory_space<semaphore_mem>> -> memref<!tpu.dma_semaphore, #tpu.memory_space<semaphore_mem>>
      tpu.enqueue_indirect_dma source(%dma_start3A_406 : memref<80x128xf32, #tpu.memory_space<vmem>>) target(%dma_start3A_410 : memref<10000x128xf32, #tpu.memory_space<vmem_shared>>) offsets(%dma_start3A_407 : memref<80xi32, #tpu.memory_space<vmem>>) semaphore(%dma_start3A_412 : memref<!tpu.dma_semaphore, #tpu.memory_space<semaphore_mem>>) {add = true}
      %add3A_413 = arith.constant 1 : i32
      %add3A_414 = arith.addi %add3A_348, %add3A_413 : i32
      %mul3A_415 = arith.constant 80 : i32
      %mul3A_416 = arith.muli %add3A_414, %mul3A_415 : i32
      %dma_wait3A_417 = arith.constant 2 : i32
      %dma_wait3A_418 = arith.constant 2 : i32
      %dma_wait3A_419 = arith.constant 0 : i32
      %dma_wait3A_420 = arith.constant 0 : i32
      %dma_wait3A_421 = tpu.memref_slice %arg8[%dma_wait3A_417, %dma_wait3A_419, %dma_wait3A_420] : memref<3x80x128xf32, #tpu.memory_space<vmem>> -> memref<1x80x128xf32, #tpu.memory_space<vmem>>
      %dma_wait3A_422 = tpu.memref_squeeze %dma_wait3A_421 : memref<1x80x128xf32, #tpu.memory_space<vmem>> -> memref<80x128xf32, #tpu.memory_space<vmem>>
      %dma_wait3A_423 = tpu.memref_slice %arg6[%mul3A_416] : memref<10000xi32, #tpu.memory_space<vmem>> -> memref<80xi32, #tpu.memory_space<vmem>>
      %dma_wait3A_424 = arith.constant 0 : i32
      %dma_wait3A_425 = arith.constant 0 : i32
      %dma_wait3A_426 = tpu.memref_slice %arg2[%dma_wait3A_424, %dma_wait3A_425] : memref<10000x128xf32, #tpu.memory_space<hbm>> -> memref<10000x128xf32, #tpu.memory_space<hbm>>
      %dma_wait3A_427 = tpu.memref_slice %arg10[%dma_wait3A_418] : memref<3x!tpu.dma_semaphore, #tpu.memory_space<semaphore_mem>> -> memref<1x!tpu.dma_semaphore, #tpu.memory_space<semaphore_mem>>
      %dma_wait3A_428 = tpu.memref_squeeze %dma_wait3A_427 : memref<1x!tpu.dma_semaphore, #tpu.memory_space<semaphore_mem>> -> memref<!tpu.dma_semaphore, #tpu.memory_space<semaphore_mem>>
      tpu.wait_indirect_dma semaphore(%dma_wait3A_428 : memref<!tpu.dma_semaphore, #tpu.memory_space<semaphore_mem>>) src(%dma_wait3A_426 : memref<10000x128xf32, #tpu.memory_space<hbm>>) dst(%dma_wait3A_422 : memref<80x128xf32, #tpu.memory_space<vmem>>)
      %dma_wait3A_429 = arith.constant 1 : i32
      %dma_wait3A_430 = arith.constant 1 : i32
      %dma_wait3A_431 = arith.constant 0 : i32
      %dma_wait3A_432 = arith.constant 0 : i32
      %dma_wait3A_433 = tpu.memref_slice %arg8[%dma_wait3A_429, %dma_wait3A_431, %dma_wait3A_432] : memref<3x80x128xf32, #tpu.memory_space<vmem>> -> memref<1x80x128xf32, #tpu.memory_space<vmem>>
      %dma_wait3A_434 = tpu.memref_squeeze %dma_wait3A_433 : memref<1x80x128xf32, #tpu.memory_space<vmem>> -> memref<80x128xf32, #tpu.memory_space<vmem>>
      %dma_wait3A_435 = arith.constant 0 : i32
      %dma_wait3A_436 = arith.constant 0 : i32
      %dma_wait3A_437 = tpu.memref_slice %arg9[%dma_wait3A_435, %dma_wait3A_436] : memref<10000x128xf32, #tpu.memory_space<vmem_shared>> -> memref<80x128xf32, #tpu.memory_space<vmem_shared>>
      %dma_wait3A_438 = tpu.memref_slice %arg11[%dma_wait3A_430] : memref<3x!tpu.dma_semaphore, #tpu.memory_space<semaphore_mem>> -> memref<1x!tpu.dma_semaphore, #tpu.memory_space<semaphore_mem>>
      %dma_wait3A_439 = tpu.memref_squeeze %dma_wait3A_438 : memref<1x!tpu.dma_semaphore, #tpu.memory_space<semaphore_mem>> -> memref<!tpu.dma_semaphore, #tpu.memory_space<semaphore_mem>>
      %dma_wait3A_440 = arith.constant 0 : i32
      %dma_wait3A_441 = arith.constant 0 : i32
      %dma_wait3A_442 = tpu.memref_slice %arg9[%dma_wait3A_440, %dma_wait3A_441] : memref<10000x128xf32, #tpu.memory_space<vmem_shared>> -> memref<80x128xf32, #tpu.memory_space<vmem_shared>>
      %dma_wait3A_443 = arith.constant 0 : i32
      %dma_wait3A_444 = arith.constant 0 : i32
      %dma_wait3A_445 = tpu.memref_slice %arg8[%dma_wait3A_429, %dma_wait3A_443, %dma_wait3A_444] : memref<3x80x128xf32, #tpu.memory_space<vmem>> -> memref<1x80x128xf32, #tpu.memory_space<vmem>>
      %dma_wait3A_446 = tpu.memref_squeeze %dma_wait3A_445 : memref<1x80x128xf32, #tpu.memory_space<vmem>> -> memref<80x128xf32, #tpu.memory_space<vmem>>
      tpu.wait_dma2 semaphore(%dma_wait3A_439 : memref<!tpu.dma_semaphore, #tpu.memory_space<semaphore_mem>>) src(%dma_wait3A_446 : memref<80x128xf32, #tpu.memory_space<vmem>>) dst(%dma_wait3A_442 : memref<80x128xf32, #tpu.memory_space<vmem_shared>>)
      %add3A_447 = arith.constant 2 : i32
      %add3A_448 = arith.addi %add3A_414, %add3A_447 : i32
      %mul3A_449 = arith.constant 80 : i32
      %mul3A_450 = arith.muli %add3A_448, %mul3A_449 : i32
      %dma_start3A_451 = arith.constant 1 : i32
      %dma_start3A_452 = arith.constant 1 : i32
      %dma_start3A_453 = arith.constant 0 : i32
      %dma_start3A_454 = arith.constant 0 : i32
      %dma_start3A_455 = tpu.memref_slice %arg8[%dma_start3A_451, %dma_start3A_453, %dma_start3A_454] : memref<3x80x128xf32, #tpu.memory_space<vmem>> -> memref<1x80x128xf32, #tpu.memory_space<vmem>>
      %dma_start3A_456 = tpu.memref_squeeze %dma_start3A_455 : memref<1x80x128xf32, #tpu.memory_space<vmem>> -> memref<80x128xf32, #tpu.memory_space<vmem>>
      %dma_start3A_457 = tpu.memref_slice %arg6[%mul3A_450] : memref<10000xi32, #tpu.memory_space<vmem>> -> memref<80xi32, #tpu.memory_space<vmem>>
      %dma_start3A_458 = arith.constant 0 : i32
      %dma_start3A_459 = arith.constant 0 : i32
      %dma_start3A_460 = tpu.memref_slice %arg2[%dma_start3A_458, %dma_start3A_459] : memref<10000x128xf32, #tpu.memory_space<hbm>> -> memref<10000x128xf32, #tpu.memory_space<hbm>>
      %dma_start3A_461 = tpu.memref_slice %arg10[%dma_start3A_452] : memref<3x!tpu.dma_semaphore, #tpu.memory_space<semaphore_mem>> -> memref<1x!tpu.dma_semaphore, #tpu.memory_space<semaphore_mem>>
      %dma_start3A_462 = tpu.memref_squeeze %dma_start3A_461 : memref<1x!tpu.dma_semaphore, #tpu.memory_space<semaphore_mem>> -> memref<!tpu.dma_semaphore, #tpu.memory_space<semaphore_mem>>
      tpu.enqueue_indirect_dma source(%dma_start3A_460 : memref<10000x128xf32, #tpu.memory_space<hbm>>) target(%dma_start3A_456 : memref<80x128xf32, #tpu.memory_space<vmem>>) offsets(%dma_start3A_457 : memref<80xi32, #tpu.memory_space<vmem>>) semaphore(%dma_start3A_462 : memref<!tpu.dma_semaphore, #tpu.memory_space<semaphore_mem>>)
      %mul3A_463 = arith.constant 80 : i32
      %mul3A_464 = arith.muli %add3A_414, %mul3A_463 : i32
      %dma_start3A_465 = arith.constant 2 : i32
      %dma_start3A_466 = arith.constant 2 : i32
      %dma_start3A_467 = arith.constant 0 : i32
      %dma_start3A_468 = arith.constant 0 : i32
      %dma_start3A_469 = tpu.memref_slice %arg8[%dma_start3A_465, %dma_start3A_467, %dma_start3A_468] : memref<3x80x128xf32, #tpu.memory_space<vmem>> -> memref<1x80x128xf32, #tpu.memory_space<vmem>>
      %dma_start3A_470 = tpu.memref_squeeze %dma_start3A_469 : memref<1x80x128xf32, #tpu.memory_space<vmem>> -> memref<80x128xf32, #tpu.memory_space<vmem>>
      %dma_start3A_471 = tpu.memref_slice %arg7[%mul3A_464] : memref<10000xi32, #tpu.memory_space<vmem>> -> memref<80xi32, #tpu.memory_space<vmem>>
      %dma_start3A_472 = arith.constant 0 : i32
      %dma_start3A_473 = arith.constant 0 : i32
      %dma_start3A_474 = tpu.memref_slice %arg9[%dma_start3A_472, %dma_start3A_473] : memref<10000x128xf32, #tpu.memory_space<vmem_shared>> -> memref<10000x128xf32, #tpu.memory_space<vmem_shared>>
      %dma_start3A_475 = tpu.memref_slice %arg11[%dma_start3A_466] : memref<3x!tpu.dma_semaphore, #tpu.memory_space<semaphore_mem>> -> memref<1x!tpu.dma_semaphore, #tpu.memory_space<semaphore_mem>>
      %dma_start3A_476 = tpu.memref_squeeze %dma_start3A_475 : memref<1x!tpu.dma_semaphore, #tpu.memory_space<semaphore_mem>> -> memref<!tpu.dma_semaphore, #tpu.memory_space<semaphore_mem>>
      tpu.enqueue_indirect_dma source(%dma_start3A_470 : memref<80x128xf32, #tpu.memory_space<vmem>>) target(%dma_start3A_474 : memref<10000x128xf32, #tpu.memory_space<vmem_shared>>) offsets(%dma_start3A_471 : memref<80xi32, #tpu.memory_space<vmem>>) semaphore(%dma_start3A_476 : memref<!tpu.dma_semaphore, #tpu.memory_space<semaphore_mem>>) {add = true}
      %add3A_477 = arith.constant 2 : i32
      %add3A_478 = arith.addi %add3A_348, %add3A_477 : i32
      %mul3A_479 = arith.constant 80 : i32
      %mul3A_480 = arith.muli %add3A_478, %mul3A_479 : i32
      %dma_wait3A_481 = arith.constant 0 : i32
      %dma_wait3A_482 = arith.constant 0 : i32
      %dma_wait3A_483 = arith.constant 0 : i32
      %dma_wait3A_484 = arith.constant 0 : i32
      %dma_wait3A_485 = tpu.memref_slice %arg8[%dma_wait3A_481, %dma_wait3A_483, %dma_wait3A_484] : memref<3x80x128xf32, #tpu.memory_space<vmem>> -> memref<1x80x128xf32, #tpu.memory_space<vmem>>
      %dma_wait3A_486 = tpu.memref_squeeze %dma_wait3A_485 : memref<1x80x128xf32, #tpu.memory_space<vmem>> -> memref<80x128xf32, #tpu.memory_space<vmem>>
      %dma_wait3A_487 = tpu.memref_slice %arg6[%mul3A_480] : memref<10000xi32, #tpu.memory_space<vmem>> -> memref<80xi32, #tpu.memory_space<vmem>>
      %dma_wait3A_488 = arith.constant 0 : i32
      %dma_wait3A_489 = arith.constant 0 : i32
      %dma_wait3A_490 = tpu.memref_slice %arg2[%dma_wait3A_488, %dma_wait3A_489] : memref<10000x128xf32, #tpu.memory_space<hbm>> -> memref<10000x128xf32, #tpu.memory_space<hbm>>
      %dma_wait3A_491 = tpu.memref_slice %arg10[%dma_wait3A_482] : memref<3x!tpu.dma_semaphore, #tpu.memory_space<semaphore_mem>> -> memref<1x!tpu.dma_semaphore, #tpu.memory_space<semaphore_mem>>
      %dma_wait3A_492 = tpu.memref_squeeze %dma_wait3A_491 : memref<1x!tpu.dma_semaphore, #tpu.memory_space<semaphore_mem>> -> memref<!tpu.dma_semaphore, #tpu.memory_space<semaphore_mem>>
      tpu.wait_indirect_dma semaphore(%dma_wait3A_492 : memref<!tpu.dma_semaphore, #tpu.memory_space<semaphore_mem>>) src(%dma_wait3A_490 : memref<10000x128xf32, #tpu.memory_space<hbm>>) dst(%dma_wait3A_486 : memref<80x128xf32, #tpu.memory_space<vmem>>)
      %dma_wait3A_493 = arith.constant 2 : i32
      %dma_wait3A_494 = arith.constant 2 : i32
      %dma_wait3A_495 = arith.constant 0 : i32
      %dma_wait3A_496 = arith.constant 0 : i32
      %dma_wait3A_497 = tpu.memref_slice %arg8[%dma_wait3A_493, %dma_wait3A_495, %dma_wait3A_496] : memref<3x80x128xf32, #tpu.memory_space<vmem>> -> memref<1x80x128xf32, #tpu.memory_space<vmem>>
      %dma_wait3A_498 = tpu.memref_squeeze %dma_wait3A_497 : memref<1x80x128xf32, #tpu.memory_space<vmem>> -> memref<80x128xf32, #tpu.memory_space<vmem>>
      %dma_wait3A_499 = arith.constant 0 : i32
      %dma_wait3A_500 = arith.constant 0 : i32
      %dma_wait3A_501 = tpu.memref_slice %arg9[%dma_wait3A_499, %dma_wait3A_500] : memref<10000x128xf32, #tpu.memory_space<vmem_shared>> -> memref<80x128xf32, #tpu.memory_space<vmem_shared>>
      %dma_wait3A_502 = tpu.memref_slice %arg11[%dma_wait3A_494] : memref<3x!tpu.dma_semaphore, #tpu.memory_space<semaphore_mem>> -> memref<1x!tpu.dma_semaphore, #tpu.memory_space<semaphore_mem>>
      %dma_wait3A_503 = tpu.memref_squeeze %dma_wait3A_502 : memref<1x!tpu.dma_semaphore, #tpu.memory_space<semaphore_mem>> -> memref<!tpu.dma_semaphore, #tpu.memory_space<semaphore_mem>>
      %dma_wait3A_504 = arith.constant 0 : i32
      %dma_wait3A_505 = arith.constant 0 : i32
      %dma_wait3A_506 = tpu.memref_slice %arg9[%dma_wait3A_504, %dma_wait3A_505] : memref<10000x128xf32, #tpu.memory_space<vmem_shared>> -> memref<80x128xf32, #tpu.memory_space<vmem_shared>>
      %dma_wait3A_507 = arith.constant 0 : i32
      %dma_wait3A_508 = arith.constant 0 : i32
      %dma_wait3A_509 = tpu.memref_slice %arg8[%dma_wait3A_493, %dma_wait3A_507, %dma_wait3A_508] : memref<3x80x128xf32, #tpu.memory_space<vmem>> -> memref<1x80x128xf32, #tpu.memory_space<vmem>>
      %dma_wait3A_510 = tpu.memref_squeeze %dma_wait3A_509 : memref<1x80x128xf32, #tpu.memory_space<vmem>> -> memref<80x128xf32, #tpu.memory_space<vmem>>
      tpu.wait_dma2 semaphore(%dma_wait3A_503 : memref<!tpu.dma_semaphore, #tpu.memory_space<semaphore_mem>>) src(%dma_wait3A_510 : memref<80x128xf32, #tpu.memory_space<vmem>>) dst(%dma_wait3A_506 : memref<80x128xf32, #tpu.memory_space<vmem_shared>>)
      %add3A_511 = arith.constant 2 : i32
      %add3A_512 = arith.addi %add3A_478, %add3A_511 : i32
      %mul3A_513 = arith.constant 80 : i32
      %mul3A_514 = arith.muli %add3A_512, %mul3A_513 : i32
      %dma_start3A_515 = arith.constant 2 : i32
      %dma_start3A_516 = arith.constant 2 : i32
      %dma_start3A_517 = arith.constant 0 : i32
      %dma_start3A_518 = arith.constant 0 : i32
      %dma_start3A_519 = tpu.memref_slice %arg8[%dma_start3A_515, %dma_start3A_517, %dma_start3A_518] : memref<3x80x128xf32, #tpu.memory_space<vmem>> -> memref<1x80x128xf32, #tpu.memory_space<vmem>>
      %dma_start3A_520 = tpu.memref_squeeze %dma_start3A_519 : memref<1x80x128xf32, #tpu.memory_space<vmem>> -> memref<80x128xf32, #tpu.memory_space<vmem>>
      %dma_start3A_521 = tpu.memref_slice %arg6[%mul3A_514] : memref<10000xi32, #tpu.memory_space<vmem>> -> memref<80xi32, #tpu.memory_space<vmem>>
      %dma_start3A_522 = arith.constant 0 : i32
      %dma_start3A_523 = arith.constant 0 : i32
      %dma_start3A_524 = tpu.memref_slice %arg2[%dma_start3A_522, %dma_start3A_523] : memref<10000x128xf32, #tpu.memory_space<hbm>> -> memref<10000x128xf32, #tpu.memory_space<hbm>>
      %dma_start3A_525 = tpu.memref_slice %arg10[%dma_start3A_516] : memref<3x!tpu.dma_semaphore, #tpu.memory_space<semaphore_mem>> -> memref<1x!tpu.dma_semaphore, #tpu.memory_space<semaphore_mem>>
      %dma_start3A_526 = tpu.memref_squeeze %dma_start3A_525 : memref<1x!tpu.dma_semaphore, #tpu.memory_space<semaphore_mem>> -> memref<!tpu.dma_semaphore, #tpu.memory_space<semaphore_mem>>
      tpu.enqueue_indirect_dma source(%dma_start3A_524 : memref<10000x128xf32, #tpu.memory_space<hbm>>) target(%dma_start3A_520 : memref<80x128xf32, #tpu.memory_space<vmem>>) offsets(%dma_start3A_521 : memref<80xi32, #tpu.memory_space<vmem>>) semaphore(%dma_start3A_526 : memref<!tpu.dma_semaphore, #tpu.memory_space<semaphore_mem>>)
      %mul3A_527 = arith.constant 80 : i32
      %mul3A_528 = arith.muli %add3A_478, %mul3A_527 : i32
      %dma_start3A_529 = arith.constant 0 : i32
      %dma_start3A_530 = arith.constant 0 : i32
      %dma_start3A_531 = arith.constant 0 : i32
      %dma_start3A_532 = arith.constant 0 : i32
      %dma_start3A_533 = tpu.memref_slice %arg8[%dma_start3A_529, %dma_start3A_531, %dma_start3A_532] : memref<3x80x128xf32, #tpu.memory_space<vmem>> -> memref<1x80x128xf32, #tpu.memory_space<vmem>>
      %dma_start3A_534 = tpu.memref_squeeze %dma_start3A_533 : memref<1x80x128xf32, #tpu.memory_space<vmem>> -> memref<80x128xf32, #tpu.memory_space<vmem>>
      %dma_start3A_535 = tpu.memref_slice %arg7[%mul3A_528] : memref<10000xi32, #tpu.memory_space<vmem>> -> memref<80xi32, #tpu.memory_space<vmem>>
      %dma_start3A_536 = arith.constant 0 : i32
      %dma_start3A_537 = arith.constant 0 : i32
      %dma_start3A_538 = tpu.memref_slice %arg9[%dma_start3A_536, %dma_start3A_537] : memref<10000x128xf32, #tpu.memory_space<vmem_shared>> -> memref<10000x128xf32, #tpu.memory_space<vmem_shared>>
      %dma_start3A_539 = tpu.memref_slice %arg11[%dma_start3A_530] : memref<3x!tpu.dma_semaphore, #tpu.memory_space<semaphore_mem>> -> memref<1x!tpu.dma_semaphore, #tpu.memory_space<semaphore_mem>>
      %dma_start3A_540 = tpu.memref_squeeze %dma_start3A_539 : memref<1x!tpu.dma_semaphore, #tpu.memory_space<semaphore_mem>> -> memref<!tpu.dma_semaphore, #tpu.memory_space<semaphore_mem>>
      tpu.enqueue_indirect_dma source(%dma_start3A_534 : memref<80x128xf32, #tpu.memory_space<vmem>>) target(%dma_start3A_538 : memref<10000x128xf32, #tpu.memory_space<vmem_shared>>) offsets(%dma_start3A_535 : memref<80xi32, #tpu.memory_space<vmem>>) semaphore(%dma_start3A_540 : memref<!tpu.dma_semaphore, #tpu.memory_space<semaphore_mem>>) {add = true}
    }
    %scan3A_113 = arith.constant 40 : i32
    %dma_wait3A_114 = arith.constant 1 : i32
    %dma_wait3A_115 = arith.constant 1 : i32
    %dma_wait3A_116 = arith.constant 0 : i32
    %dma_wait3A_117 = arith.constant 0 : i32
    %dma_wait3A_118 = tpu.memref_slice %arg8[%dma_wait3A_114, %dma_wait3A_116, %dma_wait3A_117] : memref<3x80x128xf32, #tpu.memory_space<vmem>> -> memref<1x80x128xf32, #tpu.memory_space<vmem>>
    %dma_wait3A_119 = tpu.memref_squeeze %dma_wait3A_118 : memref<1x80x128xf32, #tpu.memory_space<vmem>> -> memref<80x128xf32, #tpu.memory_space<vmem>>
    %dma_wait3A_120 = arith.constant 9680 : i32
    %dma_wait3A_121 = tpu.memref_slice %arg6[%dma_wait3A_120] : memref<10000xi32, #tpu.memory_space<vmem>> -> memref<80xi32, #tpu.memory_space<vmem>>
    %dma_wait3A_122 = arith.constant 0 : i32
    %dma_wait3A_123 = arith.constant 0 : i32
    %dma_wait3A_124 = tpu.memref_slice %arg2[%dma_wait3A_122, %dma_wait3A_123] : memref<10000x128xf32, #tpu.memory_space<hbm>> -> memref<10000x128xf32, #tpu.memory_space<hbm>>
    %dma_wait3A_125 = tpu.memref_slice %arg10[%dma_wait3A_115] : memref<3x!tpu.dma_semaphore, #tpu.memory_space<semaphore_mem>> -> memref<1x!tpu.dma_semaphore, #tpu.memory_space<semaphore_mem>>
    %dma_wait3A_126 = tpu.memref_squeeze %dma_wait3A_125 : memref<1x!tpu.dma_semaphore, #tpu.memory_space<semaphore_mem>> -> memref<!tpu.dma_semaphore, #tpu.memory_space<semaphore_mem>>
    tpu.wait_indirect_dma semaphore(%dma_wait3A_126 : memref<!tpu.dma_semaphore, #tpu.memory_space<semaphore_mem>>) src(%dma_wait3A_124 : memref<10000x128xf32, #tpu.memory_space<hbm>>) dst(%dma_wait3A_119 : memref<80x128xf32, #tpu.memory_space<vmem>>)
    %dma_wait3A_127 = arith.constant 0 : i32
    %dma_wait3A_128 = arith.constant 0 : i32
    %dma_wait3A_129 = arith.constant 0 : i32
    %dma_wait3A_130 = arith.constant 0 : i32
    %dma_wait3A_131 = tpu.memref_slice %arg8[%dma_wait3A_127, %dma_wait3A_129, %dma_wait3A_130] : memref<3x80x128xf32, #tpu.memory_space<vmem>> -> memref<1x80x128xf32, #tpu.memory_space<vmem>>
    %dma_wait3A_132 = tpu.memref_squeeze %dma_wait3A_131 : memref<1x80x128xf32, #tpu.memory_space<vmem>> -> memref<80x128xf32, #tpu.memory_space<vmem>>
    %dma_wait3A_133 = arith.constant 0 : i32
    %dma_wait3A_134 = arith.constant 0 : i32
    %dma_wait3A_135 = tpu.memref_slice %arg9[%dma_wait3A_133, %dma_wait3A_134] : memref<10000x128xf32, #tpu.memory_space<vmem_shared>> -> memref<80x128xf32, #tpu.memory_space<vmem_shared>>
    %dma_wait3A_136 = tpu.memref_slice %arg11[%dma_wait3A_128] : memref<3x!tpu.dma_semaphore, #tpu.memory_space<semaphore_mem>> -> memref<1x!tpu.dma_semaphore, #tpu.memory_space<semaphore_mem>>
    %dma_wait3A_137 = tpu.memref_squeeze %dma_wait3A_136 : memref<1x!tpu.dma_semaphore, #tpu.memory_space<semaphore_mem>> -> memref<!tpu.dma_semaphore, #tpu.memory_space<semaphore_mem>>
    %dma_wait3A_138 = arith.constant 0 : i32
    %dma_wait3A_139 = arith.constant 0 : i32
    %dma_wait3A_140 = tpu.memref_slice %arg9[%dma_wait3A_138, %dma_wait3A_139] : memref<10000x128xf32, #tpu.memory_space<vmem_shared>> -> memref<80x128xf32, #tpu.memory_space<vmem_shared>>
    %dma_wait3A_141 = arith.constant 0 : i32
    %dma_wait3A_142 = arith.constant 0 : i32
    %dma_wait3A_143 = tpu.memref_slice %arg8[%dma_wait3A_127, %dma_wait3A_141, %dma_wait3A_142] : memref<3x80x128xf32, #tpu.memory_space<vmem>> -> memref<1x80x128xf32, #tpu.memory_space<vmem>>
    %dma_wait3A_144 = tpu.memref_squeeze %dma_wait3A_143 : memref<1x80x128xf32, #tpu.memory_space<vmem>> -> memref<80x128xf32, #tpu.memory_space<vmem>>
    tpu.wait_dma2 semaphore(%dma_wait3A_137 : memref<!tpu.dma_semaphore, #tpu.memory_space<semaphore_mem>>) src(%dma_wait3A_144 : memref<80x128xf32, #tpu.memory_space<vmem>>) dst(%dma_wait3A_140 : memref<80x128xf32, #tpu.memory_space<vmem_shared>>)
    %dma_start3A_145 = arith.constant 0 : i32
    %dma_start3A_146 = arith.constant 0 : i32
    %dma_start3A_147 = arith.constant 0 : i32
    %dma_start3A_148 = arith.constant 0 : i32
    %dma_start3A_149 = tpu.memref_slice %arg8[%dma_start3A_145, %dma_start3A_147, %dma_start3A_148] : memref<3x80x128xf32, #tpu.memory_space<vmem>> -> memref<1x80x128xf32, #tpu.memory_space<vmem>>
    %dma_start3A_150 = tpu.memref_squeeze %dma_start3A_149 : memref<1x80x128xf32, #tpu.memory_space<vmem>> -> memref<80x128xf32, #tpu.memory_space<vmem>>
    %dma_start3A_151 = arith.constant 9840 : i32
    %dma_start3A_152 = tpu.memref_slice %arg6[%dma_start3A_151] : memref<10000xi32, #tpu.memory_space<vmem>> -> memref<80xi32, #tpu.memory_space<vmem>>
    %dma_start3A_153 = arith.constant 0 : i32
    %dma_start3A_154 = arith.constant 0 : i32
    %dma_start3A_155 = tpu.memref_slice %arg2[%dma_start3A_153, %dma_start3A_154] : memref<10000x128xf32, #tpu.memory_space<hbm>> -> memref<10000x128xf32, #tpu.memory_space<hbm>>
    %dma_start3A_156 = tpu.memref_slice %arg10[%dma_start3A_146] : memref<3x!tpu.dma_semaphore, #tpu.memory_space<semaphore_mem>> -> memref<1x!tpu.dma_semaphore, #tpu.memory_space<semaphore_mem>>
    %dma_start3A_157 = tpu.memref_squeeze %dma_start3A_156 : memref<1x!tpu.dma_semaphore, #tpu.memory_space<semaphore_mem>> -> memref<!tpu.dma_semaphore, #tpu.memory_space<semaphore_mem>>
    tpu.enqueue_indirect_dma source(%dma_start3A_155 : memref<10000x128xf32, #tpu.memory_space<hbm>>) target(%dma_start3A_150 : memref<80x128xf32, #tpu.memory_space<vmem>>) offsets(%dma_start3A_152 : memref<80xi32, #tpu.memory_space<vmem>>) semaphore(%dma_start3A_157 : memref<!tpu.dma_semaphore, #tpu.memory_space<semaphore_mem>>)
    %dma_start3A_158 = arith.constant 1 : i32
    %dma_start3A_159 = arith.constant 1 : i32
    %dma_start3A_160 = arith.constant 0 : i32
    %dma_start3A_161 = arith.constant 0 : i32
    %dma_start3A_162 = tpu.memref_slice %arg8[%dma_start3A_158, %dma_start3A_160, %dma_start3A_161] : memref<3x80x128xf32, #tpu.memory_space<vmem>> -> memref<1x80x128xf32, #tpu.memory_space<vmem>>
    %dma_start3A_163 = tpu.memref_squeeze %dma_start3A_162 : memref<1x80x128xf32, #tpu.memory_space<vmem>> -> memref<80x128xf32, #tpu.memory_space<vmem>>
    %dma_start3A_164 = arith.constant 9680 : i32
    %dma_start3A_165 = tpu.memref_slice %arg7[%dma_start3A_164] : memref<10000xi32, #tpu.memory_space<vmem>> -> memref<80xi32, #tpu.memory_space<vmem>>
    %dma_start3A_166 = arith.constant 0 : i32
    %dma_start3A_167 = arith.constant 0 : i32
    %dma_start3A_168 = tpu.memref_slice %arg9[%dma_start3A_166, %dma_start3A_167] : memref<10000x128xf32, #tpu.memory_space<vmem_shared>> -> memref<10000x128xf32, #tpu.memory_space<vmem_shared>>
    %dma_start3A_169 = tpu.memref_slice %arg11[%dma_start3A_159] : memref<3x!tpu.dma_semaphore, #tpu.memory_space<semaphore_mem>> -> memref<1x!tpu.dma_semaphore, #tpu.memory_space<semaphore_mem>>
    %dma_start3A_170 = tpu.memref_squeeze %dma_start3A_169 : memref<1x!tpu.dma_semaphore, #tpu.memory_space<semaphore_mem>> -> memref<!tpu.dma_semaphore, #tpu.memory_space<semaphore_mem>>
    tpu.enqueue_indirect_dma source(%dma_start3A_163 : memref<80x128xf32, #tpu.memory_space<vmem>>) target(%dma_start3A_168 : memref<10000x128xf32, #tpu.memory_space<vmem_shared>>) offsets(%dma_start3A_165 : memref<80xi32, #tpu.memory_space<vmem>>) semaphore(%dma_start3A_170 : memref<!tpu.dma_semaphore, #tpu.memory_space<semaphore_mem>>) {add = true}
    %dma_wait3A_171 = arith.constant 2 : i32
    %dma_wait3A_172 = arith.constant 2 : i32
    %dma_wait3A_173 = arith.constant 0 : i32
    %dma_wait3A_174 = arith.constant 0 : i32
    %dma_wait3A_175 = tpu.memref_slice %arg8[%dma_wait3A_171, %dma_wait3A_173, %dma_wait3A_174] : memref<3x80x128xf32, #tpu.memory_space<vmem>> -> memref<1x80x128xf32, #tpu.memory_space<vmem>>
    %dma_wait3A_176 = tpu.memref_squeeze %dma_wait3A_175 : memref<1x80x128xf32, #tpu.memory_space<vmem>> -> memref<80x128xf32, #tpu.memory_space<vmem>>
    %dma_wait3A_177 = arith.constant 9760 : i32
    %dma_wait3A_178 = tpu.memref_slice %arg6[%dma_wait3A_177] : memref<10000xi32, #tpu.memory_space<vmem>> -> memref<80xi32, #tpu.memory_space<vmem>>
    %dma_wait3A_179 = arith.constant 0 : i32
    %dma_wait3A_180 = arith.constant 0 : i32
    %dma_wait3A_181 = tpu.memref_slice %arg2[%dma_wait3A_179, %dma_wait3A_180] : memref<10000x128xf32, #tpu.memory_space<hbm>> -> memref<10000x128xf32, #tpu.memory_space<hbm>>
    %dma_wait3A_182 = tpu.memref_slice %arg10[%dma_wait3A_172] : memref<3x!tpu.dma_semaphore, #tpu.memory_space<semaphore_mem>> -> memref<1x!tpu.dma_semaphore, #tpu.memory_space<semaphore_mem>>
    %dma_wait3A_183 = tpu.memref_squeeze %dma_wait3A_182 : memref<1x!tpu.dma_semaphore, #tpu.memory_space<semaphore_mem>> -> memref<!tpu.dma_semaphore, #tpu.memory_space<semaphore_mem>>
    tpu.wait_indirect_dma semaphore(%dma_wait3A_183 : memref<!tpu.dma_semaphore, #tpu.memory_space<semaphore_mem>>) src(%dma_wait3A_181 : memref<10000x128xf32, #tpu.memory_space<hbm>>) dst(%dma_wait3A_176 : memref<80x128xf32, #tpu.memory_space<vmem>>)
    %dma_wait3A_184 = arith.constant 1 : i32
    %dma_wait3A_185 = arith.constant 1 : i32
    %dma_wait3A_186 = arith.constant 0 : i32
    %dma_wait3A_187 = arith.constant 0 : i32
    %dma_wait3A_188 = tpu.memref_slice %arg8[%dma_wait3A_184, %dma_wait3A_186, %dma_wait3A_187] : memref<3x80x128xf32, #tpu.memory_space<vmem>> -> memref<1x80x128xf32, #tpu.memory_space<vmem>>
    %dma_wait3A_189 = tpu.memref_squeeze %dma_wait3A_188 : memref<1x80x128xf32, #tpu.memory_space<vmem>> -> memref<80x128xf32, #tpu.memory_space<vmem>>
    %dma_wait3A_190 = arith.constant 0 : i32
    %dma_wait3A_191 = arith.constant 0 : i32
    %dma_wait3A_192 = tpu.memref_slice %arg9[%dma_wait3A_190, %dma_wait3A_191] : memref<10000x128xf32, #tpu.memory_space<vmem_shared>> -> memref<80x128xf32, #tpu.memory_space<vmem_shared>>
    %dma_wait3A_193 = tpu.memref_slice %arg11[%dma_wait3A_185] : memref<3x!tpu.dma_semaphore, #tpu.memory_space<semaphore_mem>> -> memref<1x!tpu.dma_semaphore, #tpu.memory_space<semaphore_mem>>
    %dma_wait3A_194 = tpu.memref_squeeze %dma_wait3A_193 : memref<1x!tpu.dma_semaphore, #tpu.memory_space<semaphore_mem>> -> memref<!tpu.dma_semaphore, #tpu.memory_space<semaphore_mem>>
    %dma_wait3A_195 = arith.constant 0 : i32
    %dma_wait3A_196 = arith.constant 0 : i32
    %dma_wait3A_197 = tpu.memref_slice %arg9[%dma_wait3A_195, %dma_wait3A_196] : memref<10000x128xf32, #tpu.memory_space<vmem_shared>> -> memref<80x128xf32, #tpu.memory_space<vmem_shared>>
    %dma_wait3A_198 = arith.constant 0 : i32
    %dma_wait3A_199 = arith.constant 0 : i32
    %dma_wait3A_200 = tpu.memref_slice %arg8[%dma_wait3A_184, %dma_wait3A_198, %dma_wait3A_199] : memref<3x80x128xf32, #tpu.memory_space<vmem>> -> memref<1x80x128xf32, #tpu.memory_space<vmem>>
    %dma_wait3A_201 = tpu.memref_squeeze %dma_wait3A_200 : memref<1x80x128xf32, #tpu.memory_space<vmem>> -> memref<80x128xf32, #tpu.memory_space<vmem>>
    tpu.wait_dma2 semaphore(%dma_wait3A_194 : memref<!tpu.dma_semaphore, #tpu.memory_space<semaphore_mem>>) src(%dma_wait3A_201 : memref<80x128xf32, #tpu.memory_space<vmem>>) dst(%dma_wait3A_197 : memref<80x128xf32, #tpu.memory_space<vmem_shared>>)
    %dma_start3A_202 = arith.constant 1 : i32
    %dma_start3A_203 = arith.constant 1 : i32
    %dma_start3A_204 = arith.constant 0 : i32
    %dma_start3A_205 = arith.constant 0 : i32
    %dma_start3A_206 = tpu.memref_slice %arg8[%dma_start3A_202, %dma_start3A_204, %dma_start3A_205] : memref<3x80x128xf32, #tpu.memory_space<vmem>> -> memref<1x80x128xf32, #tpu.memory_space<vmem>>
    %dma_start3A_207 = tpu.memref_squeeze %dma_start3A_206 : memref<1x80x128xf32, #tpu.memory_space<vmem>> -> memref<80x128xf32, #tpu.memory_space<vmem>>
    %dma_start3A_208 = arith.constant 9920 : i32
    %dma_start3A_209 = tpu.memref_slice %arg6[%dma_start3A_208] : memref<10000xi32, #tpu.memory_space<vmem>> -> memref<80xi32, #tpu.memory_space<vmem>>
    %dma_start3A_210 = arith.constant 0 : i32
    %dma_start3A_211 = arith.constant 0 : i32
    %dma_start3A_212 = tpu.memref_slice %arg2[%dma_start3A_210, %dma_start3A_211] : memref<10000x128xf32, #tpu.memory_space<hbm>> -> memref<10000x128xf32, #tpu.memory_space<hbm>>
    %dma_start3A_213 = tpu.memref_slice %arg10[%dma_start3A_203] : memref<3x!tpu.dma_semaphore, #tpu.memory_space<semaphore_mem>> -> memref<1x!tpu.dma_semaphore, #tpu.memory_space<semaphore_mem>>
    %dma_start3A_214 = tpu.memref_squeeze %dma_start3A_213 : memref<1x!tpu.dma_semaphore, #tpu.memory_space<semaphore_mem>> -> memref<!tpu.dma_semaphore, #tpu.memory_space<semaphore_mem>>
    tpu.enqueue_indirect_dma source(%dma_start3A_212 : memref<10000x128xf32, #tpu.memory_space<hbm>>) target(%dma_start3A_207 : memref<80x128xf32, #tpu.memory_space<vmem>>) offsets(%dma_start3A_209 : memref<80xi32, #tpu.memory_space<vmem>>) semaphore(%dma_start3A_214 : memref<!tpu.dma_semaphore, #tpu.memory_space<semaphore_mem>>)
    %dma_start3A_215 = arith.constant 2 : i32
    %dma_start3A_216 = arith.constant 2 : i32
    %dma_start3A_217 = arith.constant 0 : i32
    %dma_start3A_218 = arith.constant 0 : i32
    %dma_start3A_219 = tpu.memref_slice %arg8[%dma_start3A_215, %dma_start3A_217, %dma_start3A_218] : memref<3x80x128xf32, #tpu.memory_space<vmem>> -> memref<1x80x128xf32, #tpu.memory_space<vmem>>
    %dma_start3A_220 = tpu.memref_squeeze %dma_start3A_219 : memref<1x80x128xf32, #tpu.memory_space<vmem>> -> memref<80x128xf32, #tpu.memory_space<vmem>>
    %dma_start3A_221 = arith.constant 9760 : i32
    %dma_start3A_222 = tpu.memref_slice %arg7[%dma_start3A_221] : memref<10000xi32, #tpu.memory_space<vmem>> -> memref<80xi32, #tpu.memory_space<vmem>>
    %dma_start3A_223 = arith.constant 0 : i32
    %dma_start3A_224 = arith.constant 0 : i32
    %dma_start3A_225 = tpu.memref_slice %arg9[%dma_start3A_223, %dma_start3A_224] : memref<10000x128xf32, #tpu.memory_space<vmem_shared>> -> memref<10000x128xf32, #tpu.memory_space<vmem_shared>>
    %dma_start3A_226 = tpu.memref_slice %arg11[%dma_start3A_216] : memref<3x!tpu.dma_semaphore, #tpu.memory_space<semaphore_mem>> -> memref<1x!tpu.dma_semaphore, #tpu.memory_space<semaphore_mem>>
    %dma_start3A_227 = tpu.memref_squeeze %dma_start3A_226 : memref<1x!tpu.dma_semaphore, #tpu.memory_space<semaphore_mem>> -> memref<!tpu.dma_semaphore, #tpu.memory_space<semaphore_mem>>
    tpu.enqueue_indirect_dma source(%dma_start3A_220 : memref<80x128xf32, #tpu.memory_space<vmem>>) target(%dma_start3A_225 : memref<10000x128xf32, #tpu.memory_space<vmem_shared>>) offsets(%dma_start3A_222 : memref<80xi32, #tpu.memory_space<vmem>>) semaphore(%dma_start3A_227 : memref<!tpu.dma_semaphore, #tpu.memory_space<semaphore_mem>>) {add = true}
    %dma_wait3A_228 = arith.constant 0 : i32
    %dma_wait3A_229 = arith.constant 0 : i32
    %dma_wait3A_230 = arith.constant 0 : i32
    %dma_wait3A_231 = arith.constant 0 : i32
    %dma_wait3A_232 = tpu.memref_slice %arg8[%dma_wait3A_228, %dma_wait3A_230, %dma_wait3A_231] : memref<3x80x128xf32, #tpu.memory_space<vmem>> -> memref<1x80x128xf32, #tpu.memory_space<vmem>>
    %dma_wait3A_233 = tpu.memref_squeeze %dma_wait3A_232 : memref<1x80x128xf32, #tpu.memory_space<vmem>> -> memref<80x128xf32, #tpu.memory_space<vmem>>
    %dma_wait3A_234 = arith.constant 9840 : i32
    %dma_wait3A_235 = tpu.memref_slice %arg6[%dma_wait3A_234] : memref<10000xi32, #tpu.memory_space<vmem>> -> memref<80xi32, #tpu.memory_space<vmem>>
    %dma_wait3A_236 = arith.constant 0 : i32
    %dma_wait3A_237 = arith.constant 0 : i32
    %dma_wait3A_238 = tpu.memref_slice %arg2[%dma_wait3A_236, %dma_wait3A_237] : memref<10000x128xf32, #tpu.memory_space<hbm>> -> memref<10000x128xf32, #tpu.memory_space<hbm>>
    %dma_wait3A_239 = tpu.memref_slice %arg10[%dma_wait3A_229] : memref<3x!tpu.dma_semaphore, #tpu.memory_space<semaphore_mem>> -> memref<1x!tpu.dma_semaphore, #tpu.memory_space<semaphore_mem>>
    %dma_wait3A_240 = tpu.memref_squeeze %dma_wait3A_239 : memref<1x!tpu.dma_semaphore, #tpu.memory_space<semaphore_mem>> -> memref<!tpu.dma_semaphore, #tpu.memory_space<semaphore_mem>>
    tpu.wait_indirect_dma semaphore(%dma_wait3A_240 : memref<!tpu.dma_semaphore, #tpu.memory_space<semaphore_mem>>) src(%dma_wait3A_238 : memref<10000x128xf32, #tpu.memory_space<hbm>>) dst(%dma_wait3A_233 : memref<80x128xf32, #tpu.memory_space<vmem>>)
    %dma_wait3A_241 = arith.constant 2 : i32
    %dma_wait3A_242 = arith.constant 2 : i32
    %dma_wait3A_243 = arith.constant 0 : i32
    %dma_wait3A_244 = arith.constant 0 : i32
    %dma_wait3A_245 = tpu.memref_slice %arg8[%dma_wait3A_241, %dma_wait3A_243, %dma_wait3A_244] : memref<3x80x128xf32, #tpu.memory_space<vmem>> -> memref<1x80x128xf32, #tpu.memory_space<vmem>>
    %dma_wait3A_246 = tpu.memref_squeeze %dma_wait3A_245 : memref<1x80x128xf32, #tpu.memory_space<vmem>> -> memref<80x128xf32, #tpu.memory_space<vmem>>
    %dma_wait3A_247 = arith.constant 0 : i32
    %dma_wait3A_248 = arith.constant 0 : i32
    %dma_wait3A_249 = tpu.memref_slice %arg9[%dma_wait3A_247, %dma_wait3A_248] : memref<10000x128xf32, #tpu.memory_space<vmem_shared>> -> memref<80x128xf32, #tpu.memory_space<vmem_shared>>
    %dma_wait3A_250 = tpu.memref_slice %arg11[%dma_wait3A_242] : memref<3x!tpu.dma_semaphore, #tpu.memory_space<semaphore_mem>> -> memref<1x!tpu.dma_semaphore, #tpu.memory_space<semaphore_mem>>
    %dma_wait3A_251 = tpu.memref_squeeze %dma_wait3A_250 : memref<1x!tpu.dma_semaphore, #tpu.memory_space<semaphore_mem>> -> memref<!tpu.dma_semaphore, #tpu.memory_space<semaphore_mem>>
    %dma_wait3A_252 = arith.constant 0 : i32
    %dma_wait3A_253 = arith.constant 0 : i32
    %dma_wait3A_254 = tpu.memref_slice %arg9[%dma_wait3A_252, %dma_wait3A_253] : memref<10000x128xf32, #tpu.memory_space<vmem_shared>> -> memref<80x128xf32, #tpu.memory_space<vmem_shared>>
    %dma_wait3A_255 = arith.constant 0 : i32
    %dma_wait3A_256 = arith.constant 0 : i32
    %dma_wait3A_257 = tpu.memref_slice %arg8[%dma_wait3A_241, %dma_wait3A_255, %dma_wait3A_256] : memref<3x80x128xf32, #tpu.memory_space<vmem>> -> memref<1x80x128xf32, #tpu.memory_space<vmem>>
    %dma_wait3A_258 = tpu.memref_squeeze %dma_wait3A_257 : memref<1x80x128xf32, #tpu.memory_space<vmem>> -> memref<80x128xf32, #tpu.memory_space<vmem>>
    tpu.wait_dma2 semaphore(%dma_wait3A_251 : memref<!tpu.dma_semaphore, #tpu.memory_space<semaphore_mem>>) src(%dma_wait3A_258 : memref<80x128xf32, #tpu.memory_space<vmem>>) dst(%dma_wait3A_254 : memref<80x128xf32, #tpu.memory_space<vmem_shared>>)
    %dma_start3A_259 = arith.constant 0 : i32
    %dma_start3A_260 = arith.constant 0 : i32
    %dma_start3A_261 = arith.constant 0 : i32
    %dma_start3A_262 = arith.constant 0 : i32
    %dma_start3A_263 = tpu.memref_slice %arg8[%dma_start3A_259, %dma_start3A_261, %dma_start3A_262] : memref<3x80x128xf32, #tpu.memory_space<vmem>> -> memref<1x80x128xf32, #tpu.memory_space<vmem>>
    %dma_start3A_264 = tpu.memref_squeeze %dma_start3A_263 : memref<1x80x128xf32, #tpu.memory_space<vmem>> -> memref<80x128xf32, #tpu.memory_space<vmem>>
    %dma_start3A_265 = arith.constant 9840 : i32
    %dma_start3A_266 = tpu.memref_slice %arg7[%dma_start3A_265] : memref<10000xi32, #tpu.memory_space<vmem>> -> memref<80xi32, #tpu.memory_space<vmem>>
    %dma_start3A_267 = arith.constant 0 : i32
    %dma_start3A_268 = arith.constant 0 : i32
    %dma_start3A_269 = tpu.memref_slice %arg9[%dma_start3A_267, %dma_start3A_268] : memref<10000x128xf32, #tpu.memory_space<vmem_shared>> -> memref<10000x128xf32, #tpu.memory_space<vmem_shared>>
    %dma_start3A_270 = tpu.memref_slice %arg11[%dma_start3A_260] : memref<3x!tpu.dma_semaphore, #tpu.memory_space<semaphore_mem>> -> memref<1x!tpu.dma_semaphore, #tpu.memory_space<semaphore_mem>>
    %dma_start3A_271 = tpu.memref_squeeze %dma_start3A_270 : memref<1x!tpu.dma_semaphore, #tpu.memory_space<semaphore_mem>> -> memref<!tpu.dma_semaphore, #tpu.memory_space<semaphore_mem>>
    tpu.enqueue_indirect_dma source(%dma_start3A_264 : memref<80x128xf32, #tpu.memory_space<vmem>>) target(%dma_start3A_269 : memref<10000x128xf32, #tpu.memory_space<vmem_shared>>) offsets(%dma_start3A_266 : memref<80xi32, #tpu.memory_space<vmem>>) semaphore(%dma_start3A_271 : memref<!tpu.dma_semaphore, #tpu.memory_space<semaphore_mem>>) {add = true}
    %dma_wait3A_272 = arith.constant 1 : i32
    %dma_wait3A_273 = arith.constant 1 : i32
    %dma_wait3A_274 = arith.constant 0 : i32
    %dma_wait3A_275 = arith.constant 0 : i32
    %dma_wait3A_276 = tpu.memref_slice %arg8[%dma_wait3A_272, %dma_wait3A_274, %dma_wait3A_275] : memref<3x80x128xf32, #tpu.memory_space<vmem>> -> memref<1x80x128xf32, #tpu.memory_space<vmem>>
    %dma_wait3A_277 = tpu.memref_squeeze %dma_wait3A_276 : memref<1x80x128xf32, #tpu.memory_space<vmem>> -> memref<80x128xf32, #tpu.memory_space<vmem>>
    %dma_wait3A_278 = arith.constant 9920 : i32
    %dma_wait3A_279 = tpu.memref_slice %arg6[%dma_wait3A_278] : memref<10000xi32, #tpu.memory_space<vmem>> -> memref<80xi32, #tpu.memory_space<vmem>>
    %dma_wait3A_280 = arith.constant 0 : i32
    %dma_wait3A_281 = arith.constant 0 : i32
    %dma_wait3A_282 = tpu.memref_slice %arg2[%dma_wait3A_280, %dma_wait3A_281] : memref<10000x128xf32, #tpu.memory_space<hbm>> -> memref<10000x128xf32, #tpu.memory_space<hbm>>
    %dma_wait3A_283 = tpu.memref_slice %arg10[%dma_wait3A_273] : memref<3x!tpu.dma_semaphore, #tpu.memory_space<semaphore_mem>> -> memref<1x!tpu.dma_semaphore, #tpu.memory_space<semaphore_mem>>
    %dma_wait3A_284 = tpu.memref_squeeze %dma_wait3A_283 : memref<1x!tpu.dma_semaphore, #tpu.memory_space<semaphore_mem>> -> memref<!tpu.dma_semaphore, #tpu.memory_space<semaphore_mem>>
    tpu.wait_indirect_dma semaphore(%dma_wait3A_284 : memref<!tpu.dma_semaphore, #tpu.memory_space<semaphore_mem>>) src(%dma_wait3A_282 : memref<10000x128xf32, #tpu.memory_space<hbm>>) dst(%dma_wait3A_277 : memref<80x128xf32, #tpu.memory_space<vmem>>)
    %dma_wait3A_285 = arith.constant 0 : i32
    %dma_wait3A_286 = arith.constant 0 : i32
    %dma_wait3A_287 = arith.constant 0 : i32
    %dma_wait3A_288 = arith.constant 0 : i32
    %dma_wait3A_289 = tpu.memref_slice %arg8[%dma_wait3A_285, %dma_wait3A_287, %dma_wait3A_288] : memref<3x80x128xf32, #tpu.memory_space<vmem>> -> memref<1x80x128xf32, #tpu.memory_space<vmem>>
    %dma_wait3A_290 = tpu.memref_squeeze %dma_wait3A_289 : memref<1x80x128xf32, #tpu.memory_space<vmem>> -> memref<80x128xf32, #tpu.memory_space<vmem>>
    %dma_wait3A_291 = arith.constant 0 : i32
    %dma_wait3A_292 = arith.constant 0 : i32
    %dma_wait3A_293 = tpu.memref_slice %arg9[%dma_wait3A_291, %dma_wait3A_292] : memref<10000x128xf32, #tpu.memory_space<vmem_shared>> -> memref<80x128xf32, #tpu.memory_space<vmem_shared>>
    %dma_wait3A_294 = tpu.memref_slice %arg11[%dma_wait3A_286] : memref<3x!tpu.dma_semaphore, #tpu.memory_space<semaphore_mem>> -> memref<1x!tpu.dma_semaphore, #tpu.memory_space<semaphore_mem>>
    %dma_wait3A_295 = tpu.memref_squeeze %dma_wait3A_294 : memref<1x!tpu.dma_semaphore, #tpu.memory_space<semaphore_mem>> -> memref<!tpu.dma_semaphore, #tpu.memory_space<semaphore_mem>>
    %dma_wait3A_296 = arith.constant 0 : i32
    %dma_wait3A_297 = arith.constant 0 : i32
    %dma_wait3A_298 = tpu.memref_slice %arg9[%dma_wait3A_296, %dma_wait3A_297] : memref<10000x128xf32, #tpu.memory_space<vmem_shared>> -> memref<80x128xf32, #tpu.memory_space<vmem_shared>>
    %dma_wait3A_299 = arith.constant 0 : i32
    %dma_wait3A_300 = arith.constant 0 : i32
    %dma_wait3A_301 = tpu.memref_slice %arg8[%dma_wait3A_285, %dma_wait3A_299, %dma_wait3A_300] : memref<3x80x128xf32, #tpu.memory_space<vmem>> -> memref<1x80x128xf32, #tpu.memory_space<vmem>>
    %dma_wait3A_302 = tpu.memref_squeeze %dma_wait3A_301 : memref<1x80x128xf32, #tpu.memory_space<vmem>> -> memref<80x128xf32, #tpu.memory_space<vmem>>
    tpu.wait_dma2 semaphore(%dma_wait3A_295 : memref<!tpu.dma_semaphore, #tpu.memory_space<semaphore_mem>>) src(%dma_wait3A_302 : memref<80x128xf32, #tpu.memory_space<vmem>>) dst(%dma_wait3A_298 : memref<80x128xf32, #tpu.memory_space<vmem_shared>>)
    %dma_start3A_303 = arith.constant 1 : i32
    %dma_start3A_304 = arith.constant 1 : i32
    %dma_start3A_305 = arith.constant 0 : i32
    %dma_start3A_306 = arith.constant 0 : i32
    %dma_start3A_307 = tpu.memref_slice %arg8[%dma_start3A_303, %dma_start3A_305, %dma_start3A_306] : memref<3x80x128xf32, #tpu.memory_space<vmem>> -> memref<1x80x128xf32, #tpu.memory_space<vmem>>
    %dma_start3A_308 = tpu.memref_squeeze %dma_start3A_307 : memref<1x80x128xf32, #tpu.memory_space<vmem>> -> memref<80x128xf32, #tpu.memory_space<vmem>>
    %dma_start3A_309 = arith.constant 9920 : i32
    %dma_start3A_310 = tpu.memref_slice %arg7[%dma_start3A_309] : memref<10000xi32, #tpu.memory_space<vmem>> -> memref<80xi32, #tpu.memory_space<vmem>>
    %dma_start3A_311 = arith.constant 0 : i32
    %dma_start3A_312 = arith.constant 0 : i32
    %dma_start3A_313 = tpu.memref_slice %arg9[%dma_start3A_311, %dma_start3A_312] : memref<10000x128xf32, #tpu.memory_space<vmem_shared>> -> memref<10000x128xf32, #tpu.memory_space<vmem_shared>>
    %dma_start3A_314 = tpu.memref_slice %arg11[%dma_start3A_304] : memref<3x!tpu.dma_semaphore, #tpu.memory_space<semaphore_mem>> -> memref<1x!tpu.dma_semaphore, #tpu.memory_space<semaphore_mem>>
    %dma_start3A_315 = tpu.memref_squeeze %dma_start3A_314 : memref<1x!tpu.dma_semaphore, #tpu.memory_space<semaphore_mem>> -> memref<!tpu.dma_semaphore, #tpu.memory_space<semaphore_mem>>
    tpu.enqueue_indirect_dma source(%dma_start3A_308 : memref<80x128xf32, #tpu.memory_space<vmem>>) target(%dma_start3A_313 : memref<10000x128xf32, #tpu.memory_space<vmem_shared>>) offsets(%dma_start3A_310 : memref<80xi32, #tpu.memory_space<vmem>>) semaphore(%dma_start3A_315 : memref<!tpu.dma_semaphore, #tpu.memory_space<semaphore_mem>>) {add = true}
    %dma_wait3A_316 = arith.constant 1 : i32
    %dma_wait3A_317 = arith.constant 1 : i32
    %dma_wait3A_318 = arith.constant 0 : i32
    %dma_wait3A_319 = arith.constant 0 : i32
    %dma_wait3A_320 = tpu.memref_slice %arg8[%dma_wait3A_316, %dma_wait3A_318, %dma_wait3A_319] : memref<3x80x128xf32, #tpu.memory_space<vmem>> -> memref<1x80x128xf32, #tpu.memory_space<vmem>>
    %dma_wait3A_321 = tpu.memref_squeeze %dma_wait3A_320 : memref<1x80x128xf32, #tpu.memory_space<vmem>> -> memref<80x128xf32, #tpu.memory_space<vmem>>
    %dma_wait3A_322 = arith.constant 0 : i32
    %dma_wait3A_323 = arith.constant 0 : i32
    %dma_wait3A_324 = tpu.memref_slice %arg9[%dma_wait3A_322, %dma_wait3A_323] : memref<10000x128xf32, #tpu.memory_space<vmem_shared>> -> memref<80x128xf32, #tpu.memory_space<vmem_shared>>
    %dma_wait3A_325 = tpu.memref_slice %arg11[%dma_wait3A_317] : memref<3x!tpu.dma_semaphore, #tpu.memory_space<semaphore_mem>> -> memref<1x!tpu.dma_semaphore, #tpu.memory_space<semaphore_mem>>
    %dma_wait3A_326 = tpu.memref_squeeze %dma_wait3A_325 : memref<1x!tpu.dma_semaphore, #tpu.memory_space<semaphore_mem>> -> memref<!tpu.dma_semaphore, #tpu.memory_space<semaphore_mem>>
    %dma_wait3A_327 = arith.constant 0 : i32
    %dma_wait3A_328 = arith.constant 0 : i32
    %dma_wait3A_329 = tpu.memref_slice %arg9[%dma_wait3A_327, %dma_wait3A_328] : memref<10000x128xf32, #tpu.memory_space<vmem_shared>> -> memref<80x128xf32, #tpu.memory_space<vmem_shared>>
    %dma_wait3A_330 = arith.constant 0 : i32
    %dma_wait3A_331 = arith.constant 0 : i32
    %dma_wait3A_332 = tpu.memref_slice %arg8[%dma_wait3A_316, %dma_wait3A_330, %dma_wait3A_331] : memref<3x80x128xf32, #tpu.memory_space<vmem>> -> memref<1x80x128xf32, #tpu.memory_space<vmem>>
    %dma_wait3A_333 = tpu.memref_squeeze %dma_wait3A_332 : memref<1x80x128xf32, #tpu.memory_space<vmem>> -> memref<80x128xf32, #tpu.memory_space<vmem>>
    tpu.wait_dma2 semaphore(%dma_wait3A_326 : memref<!tpu.dma_semaphore, #tpu.memory_space<semaphore_mem>>) src(%dma_wait3A_333 : memref<80x128xf32, #tpu.memory_space<vmem>>) dst(%dma_wait3A_329 : memref<80x128xf32, #tpu.memory_space<vmem_shared>>)
    %barrier3A_334 = arith.constant 0 : index
    tpu.barrier barrier_id(%barrier3A_334)
    %mul3A_335 = arith.constant 624 : i32
    %mul3A_336 = arith.muli %arg1, %mul3A_335 : i32
    %mul3A_337 = arith.constant 624 : i32
    %mul3A_338 = arith.muli %arg1, %mul3A_337 : i32
    "tpu.region"() ({
      %run_scoped3A_344 = tpu.sem_alloc : memref<!tpu.dma_semaphore, #tpu.memory_space<semaphore_mem>>
      %dma_start3A_345 = arith.constant 0 : i32
      %dma_start3A_346 = tpu.memref_slice %arg5[%arg0, %mul3A_338, %dma_start3A_345] : memref<2x10000x128xf32, #tpu.memory_space<hbm>> -> memref<1x624x128xf32, #tpu.memory_space<hbm>>
      %dma_start3A_347 = tpu.memref_squeeze %dma_start3A_346 : memref<1x624x128xf32, #tpu.memory_space<hbm>> -> memref<624x128xf32, #tpu.memory_space<hbm>>
      %dma_start3A_348 = arith.constant 0 : i32
      %dma_start3A_349 = tpu.memref_slice %arg9[%mul3A_336, %dma_start3A_348] : memref<10000x128xf32, #tpu.memory_space<vmem_shared>> -> memref<624x128xf32, #tpu.memory_space<vmem_shared>>
      tpu.enqueue_dma source(%dma_start3A_349 : memref<624x128xf32, #tpu.memory_space<vmem_shared>>) target(%dma_start3A_347 : memref<624x128xf32, #tpu.memory_space<hbm>>) target_semaphore(%run_scoped3A_344 : memref<!tpu.dma_semaphore, #tpu.memory_space<semaphore_mem>>)
      %dma_wait3A_350 = arith.constant 0 : i32
      %dma_wait3A_351 = tpu.memref_slice %arg5[%arg0, %mul3A_338, %dma_wait3A_350] : memref<2x10000x128xf32, #tpu.memory_space<hbm>> -> memref<1x624x128xf32, #tpu.memory_space<hbm>>
      %dma_wait3A_352 = tpu.memref_squeeze %dma_wait3A_351 : memref<1x624x128xf32, #tpu.memory_space<hbm>> -> memref<624x128xf32, #tpu.memory_space<hbm>>
      %dma_wait3A_353 = arith.constant 0 : i32
      %dma_wait3A_354 = tpu.memref_slice %arg9[%mul3A_336, %dma_wait3A_353] : memref<10000x128xf32, #tpu.memory_space<vmem_shared>> -> memref<624x128xf32, #tpu.memory_space<vmem_shared>>
      tpu.wait_dma2 semaphore(%run_scoped3A_344 : memref<!tpu.dma_semaphore, #tpu.memory_space<semaphore_mem>>) src(%dma_wait3A_354 : memref<624x128xf32, #tpu.memory_space<vmem_shared>>) dst(%dma_wait3A_352 : memref<624x128xf32, #tpu.memory_space<hbm>>)
      tpu.yield
    }) : () -> ()
    %eq3A_339 = arith.constant 15 : i32
    %eq3A_340 = arith.cmpi eq, %arg1, %eq3A_339 : i32
    %convert_element_type3A_341 = arith.extui %eq3A_340 : i1 to i32
    %cond3A_342 = arith.constant 0 : i32
    %cond3A_343 = arith.cmpi ne, %convert_element_type3A_341, %cond3A_342 : i32
    scf.if %cond3A_343 {
      "tpu.region"() ({
        %run_scoped3A_344 = tpu.sem_alloc : memref<!tpu.dma_semaphore, #tpu.memory_space<semaphore_mem>>
        %dma_start3A_345 = arith.constant 9984 : i32
        %dma_start3A_346 = arith.constant 0 : i32
        %dma_start3A_347 = tpu.memref_slice %arg5[%arg0, %dma_start3A_345, %dma_start3A_346] : memref<2x10000x128xf32, #tpu.memory_space<hbm>> -> memref<1x16x128xf32, #tpu.memory_space<hbm>>
        %dma_start3A_348 = tpu.memref_squeeze %dma_start3A_347 : memref<1x16x128xf32, #tpu.memory_space<hbm>> -> memref<16x128xf32, #tpu.memory_space<hbm>>
        %dma_start3A_349 = arith.constant 9984 : i32
        %dma_start3A_350 = arith.constant 0 : i32
        %dma_start3A_351 = tpu.memref_slice %arg9[%dma_start3A_349, %dma_start3A_350] : memref<10000x128xf32, #tpu.memory_space<vmem_shared>> -> memref<16x128xf32, #tpu.memory_space<vmem_shared>>
        tpu.enqueue_dma source(%dma_start3A_351 : memref<16x128xf32, #tpu.memory_space<vmem_shared>>) target(%dma_start3A_348 : memref<16x128xf32, #tpu.memory_space<hbm>>) target_semaphore(%run_scoped3A_344 : memref<!tpu.dma_semaphore, #tpu.memory_space<semaphore_mem>>)
        %dma_wait3A_352 = arith.constant 9984 : i32
        %dma_wait3A_353 = arith.constant 0 : i32
        %dma_wait3A_354 = tpu.memref_slice %arg5[%arg0, %dma_wait3A_352, %dma_wait3A_353] : memref<2x10000x128xf32, #tpu.memory_space<hbm>> -> memref<1x16x128xf32, #tpu.memory_space<hbm>>
        %dma_wait3A_355 = tpu.memref_squeeze %dma_wait3A_354 : memref<1x16x128xf32, #tpu.memory_space<hbm>> -> memref<16x128xf32, #tpu.memory_space<hbm>>
        %dma_wait3A_356 = arith.constant 9984 : i32
        %dma_wait3A_357 = arith.constant 0 : i32
        %dma_wait3A_358 = tpu.memref_slice %arg9[%dma_wait3A_356, %dma_wait3A_357] : memref<10000x128xf32, #tpu.memory_space<vmem_shared>> -> memref<16x128xf32, #tpu.memory_space<vmem_shared>>
        tpu.wait_dma2 semaphore(%run_scoped3A_344 : memref<!tpu.dma_semaphore, #tpu.memory_space<semaphore_mem>>) src(%dma_wait3A_358 : memref<16x128xf32, #tpu.memory_space<vmem_shared>>) dst(%dma_wait3A_355 : memref<16x128xf32, #tpu.memory_space<hbm>>)
        tpu.yield
      }) : () -> ()
    } else {
    }
    return
  }
}

#map = affine_map<(d0, d1) -> (0, 0)>
#map1 = affine_map<(d0, d1) -> (0, 0, 0)>
module attributes {stable_mosaic.version = 14 : i64} {
  func.func @_sc_segment_sum(%arg0: i32, %arg1: i32, %arg2: memref<10000x128xf32, #tpu.memory_space<hbm>>, %arg3: memref<32x10000xi32, #tpu.memory_space<hbm>>, %arg4: memref<32x10000xi32, #tpu.memory_space<hbm>>, %arg5: memref<2x10000x128xf32, #tpu.memory_space<hbm>>, %arg6: memref<10000xi32, #tpu.memory_space<vmem>>, %arg7: memref<10000xi32, #tpu.memory_space<vmem>>, %arg8: memref<3x80x128xf32, #tpu.memory_space<vmem>>, %arg9: memref<10000x128xf32, #tpu.memory_space<vmem_shared>>, %arg10: memref<3x!tpu.dma_semaphore, #tpu.memory_space<semaphore_mem>>, %arg11: memref<3x!tpu.dma_semaphore, #tpu.memory_space<semaphore_mem>>) attributes {dimension_semantics = [#tpu.dimension_semantics<core_parallel>, #tpu.dimension_semantics<subcore_parallel>], iteration_bounds = array<i64: 2, 16>, scalar_prefetch = 0 : i64, scratch_operands = 6 : i64, tpu.core_type = #tpu.core_type<sc_vector_subcore>, window_params = [{transform_indices = #map}, {transform_indices = #map}, {transform_indices = #map}, {transform_indices = #map1}]} {
    %mul3A = arith.constant 16 : i32
    %mul3A_0 = arith.muli %arg0, %mul3A : i32
    %add3A = arith.addi %mul3A_0, %arg1 : i32
    "tpu.region"() ({
      %run_scoped3A_344 = tpu.sem_alloc : memref<!tpu.dma_semaphore, #tpu.memory_space<semaphore_mem>>
      %dma_start3A_345 = arith.constant 0 : i32
      %dma_start3A_346 = tpu.memref_slice %arg3[%add3A, %dma_start3A_345] : memref<32x10000xi32, #tpu.memory_space<hbm>> -> memref<1x10000xi32, #tpu.memory_space<hbm>>
      %dma_start3A_347 = tpu.memref_squeeze %dma_start3A_346 : memref<1x10000xi32, #tpu.memory_space<hbm>> -> memref<10000xi32, #tpu.memory_space<hbm>>
      %dma_start3A_348 = arith.constant 0 : i32
      %dma_start3A_349 = tpu.memref_slice %arg3[%add3A, %dma_start3A_348] : memref<32x10000xi32, #tpu.memory_space<hbm>> -> memref<1x10000xi32, #tpu.memory_space<hbm>>
      %dma_start3A_350 = tpu.memref_squeeze %dma_start3A_349 : memref<1x10000xi32, #tpu.memory_space<hbm>> -> memref<10000xi32, #tpu.memory_space<hbm>>
      tpu.enqueue_dma source(%dma_start3A_350 : memref<10000xi32, #tpu.memory_space<hbm>>) target(%arg6 : memref<10000xi32, #tpu.memory_space<vmem>>) target_semaphore(%run_scoped3A_344 : memref<!tpu.dma_semaphore, #tpu.memory_space<semaphore_mem>>)
      %dma_wait3A_351 = arith.constant 0 : i32
      %dma_wait3A_352 = tpu.memref_slice %arg3[%add3A, %dma_wait3A_351] : memref<32x10000xi32, #tpu.memory_space<hbm>> -> memref<1x10000xi32, #tpu.memory_space<hbm>>
      %dma_wait3A_353 = tpu.memref_squeeze %dma_wait3A_352 : memref<1x10000xi32, #tpu.memory_space<hbm>> -> memref<10000xi32, #tpu.memory_space<hbm>>
      %dma_wait3A_354 = arith.constant 0 : i32
      %dma_wait3A_355 = tpu.memref_slice %arg3[%add3A, %dma_wait3A_354] : memref<32x10000xi32, #tpu.memory_space<hbm>> -> memref<1x10000xi32, #tpu.memory_space<hbm>>
      %dma_wait3A_356 = tpu.memref_squeeze %dma_wait3A_355 : memref<1x10000xi32, #tpu.memory_space<hbm>> -> memref<10000xi32, #tpu.memory_space<hbm>>
      tpu.wait_dma2 semaphore(%run_scoped3A_344 : memref<!tpu.dma_semaphore, #tpu.memory_space<semaphore_mem>>) src(%dma_wait3A_356 : memref<10000xi32, #tpu.memory_space<hbm>>) dst(%arg6 : memref<10000xi32, #tpu.memory_space<vmem>>)
      tpu.yield
    }) : () -> ()
    "tpu.region"() ({
      %run_scoped3A_344 = tpu.sem_alloc : memref<!tpu.dma_semaphore, #tpu.memory_space<semaphore_mem>>
      %dma_start3A_345 = arith.constant 0 : i32
      %dma_start3A_346 = tpu.memref_slice %arg4[%add3A, %dma_start3A_345] : memref<32x10000xi32, #tpu.memory_space<hbm>> -> memref<1x10000xi32, #tpu.memory_space<hbm>>
      %dma_start3A_347 = tpu.memref_squeeze %dma_start3A_346 : memref<1x10000xi32, #tpu.memory_space<hbm>> -> memref<10000xi32, #tpu.memory_space<hbm>>
      %dma_start3A_348 = arith.constant 0 : i32
      %dma_start3A_349 = tpu.memref_slice %arg4[%add3A, %dma_start3A_348] : memref<32x10000xi32, #tpu.memory_space<hbm>> -> memref<1x10000xi32, #tpu.memory_space<hbm>>
      %dma_start3A_350 = tpu.memref_squeeze %dma_start3A_349 : memref<1x10000xi32, #tpu.memory_space<hbm>> -> memref<10000xi32, #tpu.memory_space<hbm>>
      tpu.enqueue_dma source(%dma_start3A_350 : memref<10000xi32, #tpu.memory_space<hbm>>) target(%arg7 : memref<10000xi32, #tpu.memory_space<vmem>>) target_semaphore(%run_scoped3A_344 : memref<!tpu.dma_semaphore, #tpu.memory_space<semaphore_mem>>)
      %dma_wait3A_351 = arith.constant 0 : i32
      %dma_wait3A_352 = tpu.memref_slice %arg4[%add3A, %dma_wait3A_351] : memref<32x10000xi32, #tpu.memory_space<hbm>> -> memref<1x10000xi32, #tpu.memory_space<hbm>>
      %dma_wait3A_353 = tpu.memref_squeeze %dma_wait3A_352 : memref<1x10000xi32, #tpu.memory_space<hbm>> -> memref<10000xi32, #tpu.memory_space<hbm>>
      %dma_wait3A_354 = arith.constant 0 : i32
      %dma_wait3A_355 = tpu.memref_slice %arg4[%add3A, %dma_wait3A_354] : memref<32x10000xi32, #tpu.memory_space<hbm>> -> memref<1x10000xi32, #tpu.memory_space<hbm>>
      %dma_wait3A_356 = tpu.memref_squeeze %dma_wait3A_355 : memref<1x10000xi32, #tpu.memory_space<hbm>> -> memref<10000xi32, #tpu.memory_space<hbm>>
      tpu.wait_dma2 semaphore(%run_scoped3A_344 : memref<!tpu.dma_semaphore, #tpu.memory_space<semaphore_mem>>) src(%dma_wait3A_356 : memref<10000xi32, #tpu.memory_space<hbm>>) dst(%arg7 : memref<10000xi32, #tpu.memory_space<vmem>>)
      tpu.yield
    }) : () -> ()
    %dma_start3A = arith.constant 0 : i32
    %dma_start3A_1 = arith.constant 0 : i32
    %dma_start3A_2 = arith.constant 0 : i32
    %dma_start3A_3 = arith.constant 0 : i32
    %dma_start3A_4 = tpu.memref_slice %arg8[%dma_start3A, %dma_start3A_2, %dma_start3A_3] : memref<3x80x128xf32, #tpu.memory_space<vmem>> -> memref<1x80x128xf32, #tpu.memory_space<vmem>>
    %dma_start3A_5 = tpu.memref_squeeze %dma_start3A_4 : memref<1x80x128xf32, #tpu.memory_space<vmem>> -> memref<80x128xf32, #tpu.memory_space<vmem>>
    %dma_start3A_6 = arith.constant 0 : i32
    %dma_start3A_7 = tpu.memref_slice %arg6[%dma_start3A_6] : memref<10000xi32, #tpu.memory_space<vmem>> -> memref<80xi32, #tpu.memory_space<vmem>>
    %dma_start3A_8 = arith.constant 0 : i32
    %dma_start3A_9 = arith.constant 0 : i32
    %dma_start3A_10 = tpu.memref_slice %arg2[%dma_start3A_8, %dma_start3A_9] : memref<10000x128xf32, #tpu.memory_space<hbm>> -> memref<10000x128xf32, #tpu.memory_space<hbm>>
    %dma_start3A_11 = tpu.memref_slice %arg10[%dma_start3A_1] : memref<3x!tpu.dma_semaphore, #tpu.memory_space<semaphore_mem>> -> memref<1x!tpu.dma_semaphore, #tpu.memory_space<semaphore_mem>>
    %dma_start3A_12 = tpu.memref_squeeze %dma_start3A_11 : memref<1x!tpu.dma_semaphore, #tpu.memory_space<semaphore_mem>> -> memref<!tpu.dma_semaphore, #tpu.memory_space<semaphore_mem>>
    tpu.enqueue_indirect_dma source(%dma_start3A_10 : memref<10000x128xf32, #tpu.memory_space<hbm>>) target(%dma_start3A_5 : memref<80x128xf32, #tpu.memory_space<vmem>>) offsets(%dma_start3A_7 : memref<80xi32, #tpu.memory_space<vmem>>) semaphore(%dma_start3A_12 : memref<!tpu.dma_semaphore, #tpu.memory_space<semaphore_mem>>)
    %dma_start3A_13 = arith.constant 1 : i32
    %dma_start3A_14 = arith.constant 1 : i32
    %dma_start3A_15 = arith.constant 0 : i32
    %dma_start3A_16 = arith.constant 0 : i32
    %dma_start3A_17 = tpu.memref_slice %arg8[%dma_start3A_13, %dma_start3A_15, %dma_start3A_16] : memref<3x80x128xf32, #tpu.memory_space<vmem>> -> memref<1x80x128xf32, #tpu.memory_space<vmem>>
    %dma_start3A_18 = tpu.memref_squeeze %dma_start3A_17 : memref<1x80x128xf32, #tpu.memory_space<vmem>> -> memref<80x128xf32, #tpu.memory_space<vmem>>
    %dma_start3A_19 = arith.constant 80 : i32
    %dma_start3A_20 = tpu.memref_slice %arg6[%dma_start3A_19] : memref<10000xi32, #tpu.memory_space<vmem>> -> memref<80xi32, #tpu.memory_space<vmem>>
    %dma_start3A_21 = arith.constant 0 : i32
    %dma_start3A_22 = arith.constant 0 : i32
    %dma_start3A_23 = tpu.memref_slice %arg2[%dma_start3A_21, %dma_start3A_22] : memref<10000x128xf32, #tpu.memory_space<hbm>> -> memref<10000x128xf32, #tpu.memory_space<hbm>>
    %dma_start3A_24 = tpu.memref_slice %arg10[%dma_start3A_14] : memref<3x!tpu.dma_semaphore, #tpu.memory_space<semaphore_mem>> -> memref<1x!tpu.dma_semaphore, #tpu.memory_space<semaphore_mem>>
    %dma_start3A_25 = tpu.memref_squeeze %dma_start3A_24 : memref<1x!tpu.dma_semaphore, #tpu.memory_space<semaphore_mem>> -> memref<!tpu.dma_semaphore, #tpu.memory_space<semaphore_mem>>
    tpu.enqueue_indirect_dma source(%dma_start3A_23 : memref<10000x128xf32, #tpu.memory_space<hbm>>) target(%dma_start3A_18 : memref<80x128xf32, #tpu.memory_space<vmem>>) offsets(%dma_start3A_20 : memref<80xi32, #tpu.memory_space<vmem>>) semaphore(%dma_start3A_25 : memref<!tpu.dma_semaphore, #tpu.memory_space<semaphore_mem>>)
    %broadcast_in_dim3A = arith.constant 0.000000e+00 : f32
    %broadcast_in_dim3A_26 = vector.broadcast %broadcast_in_dim3A : f32 to vector<16xf32>
    %scan3A = arith.constant 0 : i32
    %scan3A_27 = arith.constant 80 : i32
    %scan3A_28 = arith.addi %scan3A, %scan3A_27 : i32
    %scan3A_29 = arith.constant 1 : i32
    scf.for %scan3A_344 = %scan3A to %scan3A_28 step %scan3A_29  : i32 {
      %mul3A_345 = arith.constant 1 : i32
      %mul3A_346 = arith.muli %scan3A_344, %mul3A_345 : i32
      %add3A_347 = arith.constant 0 : i32
      %add3A_348 = arith.addi %add3A_347, %mul3A_346 : i32
      %swap3A = arith.constant 2 : i32
      %swap3A_349 = arith.index_cast %swap3A : i32 to index
      %swap3A_350 = arith.index_cast %add3A_348 : i32 to index
      %swap3A_351 = arith.constant 0 : index
      %swap3A_352 = tpu.vector_load %arg8[%swap3A_349, %swap3A_350, %swap3A_351] {strides = array<i32>} : memref<3x80x128xf32, #tpu.memory_space<vmem>>, vector<1x1x16xf32>,
      %swap3A_353 = vector.shape_cast %swap3A_352 : vector<1x1x16xf32> to vector<16xf32>
      %swap3A_354 = vector.shape_cast %broadcast_in_dim3A_26 : vector<16xf32> to vector<1x1x16xf32>
      tpu.vector_store %arg8[%swap3A_349, %swap3A_350, %swap3A_351], %swap3A_354 {strides = array<i32>} : memref<3x80x128xf32, #tpu.memory_space<vmem>>, vector<1x1x16xf32>,
      %swap3A_355 = arith.constant 2 : i32
      %swap3A_356 = arith.index_cast %swap3A_355 : i32 to index
      %swap3A_357 = arith.index_cast %add3A_348 : i32 to index
      %swap3A_358 = arith.constant 16 : index
      %swap3A_359 = tpu.vector_load %arg8[%swap3A_356, %swap3A_357, %swap3A_358] {strides = array<i32>} : memref<3x80x128xf32, #tpu.memory_space<vmem>>, vector<1x1x16xf32>,
      %swap3A_360 = vector.shape_cast %swap3A_359 : vector<1x1x16xf32> to vector<16xf32>
      %swap3A_361 = vector.shape_cast %broadcast_in_dim3A_26 : vector<16xf32> to vector<1x1x16xf32>
      tpu.vector_store %arg8[%swap3A_356, %swap3A_357, %swap3A_358], %swap3A_361 {strides = array<i32>} : memref<3x80x128xf32, #tpu.memory_space<vmem>>, vector<1x1x16xf32>,
      %swap3A_362 = arith.constant 2 : i32
      %swap3A_363 = arith.index_cast %swap3A_362 : i32 to index
      %swap3A_364 = arith.index_cast %add3A_348 : i32 to index
      %swap3A_365 = arith.constant 32 : index
      %swap3A_366 = tpu.vector_load %arg8[%swap3A_363, %swap3A_364, %swap3A_365] {strides = array<i32>} : memref<3x80x128xf32, #tpu.memory_space<vmem>>, vector<1x1x16xf32>,
      %swap3A_367 = vector.shape_cast %swap3A_366 : vector<1x1x16xf32> to vector<16xf32>
      %swap3A_368 = vector.shape_cast %broadcast_in_dim3A_26 : vector<16xf32> to vector<1x1x16xf32>
      tpu.vector_store %arg8[%swap3A_363, %swap3A_364, %swap3A_365], %swap3A_368 {strides = array<i32>} : memref<3x80x128xf32, #tpu.memory_space<vmem>>, vector<1x1x16xf32>,
      %swap3A_369 = arith.constant 2 : i32
      %swap3A_370 = arith.index_cast %swap3A_369 : i32 to index
      %swap3A_371 = arith.index_cast %add3A_348 : i32 to index
      %swap3A_372 = arith.constant 48 : index
      %swap3A_373 = tpu.vector_load %arg8[%swap3A_370, %swap3A_371, %swap3A_372] {strides = array<i32>} : memref<3x80x128xf32, #tpu.memory_space<vmem>>, vector<1x1x16xf32>,
      %swap3A_374 = vector.shape_cast %swap3A_373 : vector<1x1x16xf32> to vector<16xf32>
      %swap3A_375 = vector.shape_cast %broadcast_in_dim3A_26 : vector<16xf32> to vector<1x1x16xf32>
      tpu.vector_store %arg8[%swap3A_370, %swap3A_371, %swap3A_372], %swap3A_375 {strides = array<i32>} : memref<3x80x128xf32, #tpu.memory_space<vmem>>, vector<1x1x16xf32>,
      %swap3A_376 = arith.constant 2 : i32
      %swap3A_377 = arith.index_cast %swap3A_376 : i32 to index
      %swap3A_378 = arith.index_cast %add3A_348 : i32 to index
      %swap3A_379 = arith.constant 64 : index
      %swap3A_380 = tpu.vector_load %arg8[%swap3A_377, %swap3A_378, %swap3A_379] {strides = array<i32>} : memref<3x80x128xf32, #tpu.memory_space<vmem>>, vector<1x1x16xf32>,
      %swap3A_381 = vector.shape_cast %swap3A_380 : vector<1x1x16xf32> to vector<16xf32>
      %swap3A_382 = vector.shape_cast %broadcast_in_dim3A_26 : vector<16xf32> to vector<1x1x16xf32>
      tpu.vector_store %arg8[%swap3A_377, %swap3A_378, %swap3A_379], %swap3A_382 {strides = array<i32>} : memref<3x80x128xf32, #tpu.memory_space<vmem>>, vector<1x1x16xf32>,
      %swap3A_383 = arith.constant 2 : i32
      %swap3A_384 = arith.index_cast %swap3A_383 : i32 to index
      %swap3A_385 = arith.index_cast %add3A_348 : i32 to index
      %swap3A_386 = arith.constant 80 : index
      %swap3A_387 = tpu.vector_load %arg8[%swap3A_384, %swap3A_385, %swap3A_386] {strides = array<i32>} : memref<3x80x128xf32, #tpu.memory_space<vmem>>, vector<1x1x16xf32>,
      %swap3A_388 = vector.shape_cast %swap3A_387 : vector<1x1x16xf32> to vector<16xf32>
      %swap3A_389 = vector.shape_cast %broadcast_in_dim3A_26 : vector<16xf32> to vector<1x1x16xf32>
      tpu.vector_store %arg8[%swap3A_384, %swap3A_385, %swap3A_386], %swap3A_389 {strides = array<i32>} : memref<3x80x128xf32, #tpu.memory_space<vmem>>, vector<1x1x16xf32>,
      %swap3A_390 = arith.constant 2 : i32
      %swap3A_391 = arith.index_cast %swap3A_390 : i32 to index
      %swap3A_392 = arith.index_cast %add3A_348 : i32 to index
      %swap3A_393 = arith.constant 96 : index
      %swap3A_394 = tpu.vector_load %arg8[%swap3A_391, %swap3A_392, %swap3A_393] {strides = array<i32>} : memref<3x80x128xf32, #tpu.memory_space<vmem>>, vector<1x1x16xf32>,
      %swap3A_395 = vector.shape_cast %swap3A_394 : vector<1x1x16xf32> to vector<16xf32>
      %swap3A_396 = vector.shape_cast %broadcast_in_dim3A_26 : vector<16xf32> to vector<1x1x16xf32>
      tpu.vector_store %arg8[%swap3A_391, %swap3A_392, %swap3A_393], %swap3A_396 {strides = array<i32>} : memref<3x80x128xf32, #tpu.memory_space<vmem>>, vector<1x1x16xf32>,
      %swap3A_397 = arith.constant 2 : i32
      %swap3A_398 = arith.index_cast %swap3A_397 : i32 to index
      %swap3A_399 = arith.index_cast %add3A_348 : i32 to index
      %swap3A_400 = arith.constant 112 : index
      %swap3A_401 = tpu.vector_load %arg8[%swap3A_398, %swap3A_399, %swap3A_400] {strides = array<i32>} : memref<3x80x128xf32, #tpu.memory_space<vmem>>, vector<1x1x16xf32>,
      %swap3A_402 = vector.shape_cast %swap3A_401 : vector<1x1x16xf32> to vector<16xf32>
      %swap3A_403 = vector.shape_cast %broadcast_in_dim3A_26 : vector<16xf32> to vector<1x1x16xf32>
      tpu.vector_store %arg8[%swap3A_398, %swap3A_399, %swap3A_400], %swap3A_403 {strides = array<i32>} : memref<3x80x128xf32, #tpu.memory_space<vmem>>, vector<1x1x16xf32>,
    }
    %scan3A_30 = arith.constant 80 : i32
    %mul3A_31 = arith.constant 624 : i32
    %mul3A_32 = arith.muli %arg1, %mul3A_31 : i32
    %add3A_33 = arith.constant 0 : i32
    %add3A_34 = arith.addi %mul3A_32, %add3A_33 : i32
    %run_scoped3A = arith.constant 2 : i32
    "tpu.region"() ({
      %run_scoped3A_344 = tpu.sem_alloc : memref<!tpu.dma_semaphore, #tpu.memory_space<semaphore_mem>>
      %dma_start3A_345 = arith.constant 0 : i32
      %dma_start3A_346 = arith.constant 0 : i32
      %dma_start3A_347 = tpu.memref_slice %arg8[%run_scoped3A, %dma_start3A_345, %dma_start3A_346] : memref<3x80x128xf32, #tpu.memory_space<vmem>> -> memref<1x80x128xf32, #tpu.memory_space<vmem>>
      %dma_start3A_348 = tpu.memref_squeeze %dma_start3A_347 : memref<1x80x128xf32, #tpu.memory_space<vmem>> -> memref<80x128xf32, #tpu.memory_space<vmem>>
      %dma_start3A_349 = arith.constant 0 : i32
      %dma_start3A_350 = tpu.memref_slice %arg9[%add3A_34, %dma_start3A_349] : memref<10000x128xf32, #tpu.memory_space<vmem_shared>> -> memref<80x128xf32, #tpu.memory_space<vmem_shared>>
      %dma_start3A_351 = arith.constant 0 : i32
      %dma_start3A_352 = tpu.memref_slice %arg9[%add3A_34, %dma_start3A_351] : memref<10000x128xf32, #tpu.memory_space<vmem_shared>> -> memref<80x128xf32, #tpu.memory_space<vmem_shared>>
      %dma_start3A_353 = arith.constant 0 : i32
      %dma_start3A_354 = arith.constant 0 : i32
      %dma_start3A_355 = tpu.memref_slice %arg8[%run_scoped3A, %dma_start3A_353, %dma_start3A_354] : memref<3x80x128xf32, #tpu.memory_space<vmem>> -> memref<1x80x128xf32, #tpu.memory_space<vmem>>
      %dma_start3A_356 = tpu.memref_squeeze %dma_start3A_355 : memref<1x80x128xf32, #tpu.memory_space<vmem>> -> memref<80x128xf32, #tpu.memory_space<vmem>>
      tpu.enqueue_dma source(%dma_start3A_356 : memref<80x128xf32, #tpu.memory_space<vmem>>) target(%dma_start3A_352 : memref<80x128xf32, #tpu.memory_space<vmem_shared>>) target_semaphore(%run_scoped3A_344 : memref<!tpu.dma_semaphore, #tpu.memory_space<semaphore_mem>>)
      %dma_wait3A_357 = arith.constant 0 : i32
      %dma_wait3A_358 = arith.constant 0 : i32
      %dma_wait3A_359 = tpu.memref_slice %arg8[%run_scoped3A, %dma_wait3A_357, %dma_wait3A_358] : memref<3x80x128xf32, #tpu.memory_space<vmem>> -> memref<1x80x128xf32, #tpu.memory_space<vmem>>
      %dma_wait3A_360 = tpu.memref_squeeze %dma_wait3A_359 : memref<1x80x128xf32, #tpu.memory_space<vmem>> -> memref<80x128xf32, #tpu.memory_space<vmem>>
      %dma_wait3A_361 = arith.constant 0 : i32
      %dma_wait3A_362 = tpu.memref_slice %arg9[%add3A_34, %dma_wait3A_361] : memref<10000x128xf32, #tpu.memory_space<vmem_shared>> -> memref<80x128xf32, #tpu.memory_space<vmem_shared>>
      %dma_wait3A_363 = arith.constant 0 : i32
      %dma_wait3A_364 = tpu.memref_slice %arg9[%add3A_34, %dma_wait3A_363] : memref<10000x128xf32, #tpu.memory_space<vmem_shared>> -> memref<80x128xf32, #tpu.memory_space<vmem_shared>>
      %dma_wait3A_365 = arith.constant 0 : i32
      %dma_wait3A_366 = arith.constant 0 : i32
      %dma_wait3A_367 = tpu.memref_slice %arg8[%run_scoped3A, %dma_wait3A_365, %dma_wait3A_366] : memref<3x80x128xf32, #tpu.memory_space<vmem>> -> memref<1x80x128xf32, #tpu.memory_space<vmem>>
      %dma_wait3A_368 = tpu.memref_squeeze %dma_wait3A_367 : memref<1x80x128xf32, #tpu.memory_space<vmem>> -> memref<80x128xf32, #tpu.memory_space<vmem>>
      tpu.wait_dma2 semaphore(%run_scoped3A_344 : memref<!tpu.dma_semaphore, #tpu.memory_space<semaphore_mem>>) src(%dma_wait3A_368 : memref<80x128xf32, #tpu.memory_space<vmem>>) dst(%dma_wait3A_364 : memref<80x128xf32, #tpu.memory_space<vmem_shared>>)
      tpu.yield
    }) : () -> ()
    %mul3A_35 = arith.constant 624 : i32
    %mul3A_36 = arith.muli %arg1, %mul3A_35 : i32
    %add3A_37 = arith.constant 80 : i32
    %add3A_38 = arith.addi %mul3A_36, %add3A_37 : i32
    %run_scoped3A_39 = arith.constant 2 : i32
    "tpu.region"() ({
      %run_scoped3A_344 = tpu.sem_alloc : memref<!tpu.dma_semaphore, #tpu.memory_space<semaphore_mem>>
      %dma_start3A_345 = arith.constant 0 : i32
      %dma_start3A_346 = arith.constant 0 : i32
      %dma_start3A_347 = tpu.memref_slice %arg8[%run_scoped3A_39, %dma_start3A_345, %dma_start3A_346] : memref<3x80x128xf32, #tpu.memory_space<vmem>> -> memref<1x80x128xf32, #tpu.memory_space<vmem>>
      %dma_start3A_348 = tpu.memref_squeeze %dma_start3A_347 : memref<1x80x128xf32, #tpu.memory_space<vmem>> -> memref<80x128xf32, #tpu.memory_space<vmem>>
      %dma_start3A_349 = arith.constant 0 : i32
      %dma_start3A_350 = tpu.memref_slice %arg9[%add3A_38, %dma_start3A_349] : memref<10000x128xf32, #tpu.memory_space<vmem_shared>> -> memref<80x128xf32, #tpu.memory_space<vmem_shared>>
      %dma_start3A_351 = arith.constant 0 : i32
      %dma_start3A_352 = tpu.memref_slice %arg9[%add3A_38, %dma_start3A_351] : memref<10000x128xf32, #tpu.memory_space<vmem_shared>> -> memref<80x128xf32, #tpu.memory_space<vmem_shared>>
      %dma_start3A_353 = arith.constant 0 : i32
      %dma_start3A_354 = arith.constant 0 : i32
      %dma_start3A_355 = tpu.memref_slice %arg8[%run_scoped3A_39, %dma_start3A_353, %dma_start3A_354] : memref<3x80x128xf32, #tpu.memory_space<vmem>> -> memref<1x80x128xf32, #tpu.memory_space<vmem>>
      %dma_start3A_356 = tpu.memref_squeeze %dma_start3A_355 : memref<1x80x128xf32, #tpu.memory_space<vmem>> -> memref<80x128xf32, #tpu.memory_space<vmem>>
      tpu.enqueue_dma source(%dma_start3A_356 : memref<80x128xf32, #tpu.memory_space<vmem>>) target(%dma_start3A_352 : memref<80x128xf32, #tpu.memory_space<vmem_shared>>) target_semaphore(%run_scoped3A_344 : memref<!tpu.dma_semaphore, #tpu.memory_space<semaphore_mem>>)
      %dma_wait3A_357 = arith.constant 0 : i32
      %dma_wait3A_358 = arith.constant 0 : i32
      %dma_wait3A_359 = tpu.memref_slice %arg8[%run_scoped3A_39, %dma_wait3A_357, %dma_wait3A_358] : memref<3x80x128xf32, #tpu.memory_space<vmem>> -> memref<1x80x128xf32, #tpu.memory_space<vmem>>
      %dma_wait3A_360 = tpu.memref_squeeze %dma_wait3A_359 : memref<1x80x128xf32, #tpu.memory_space<vmem>> -> memref<80x128xf32, #tpu.memory_space<vmem>>
      %dma_wait3A_361 = arith.constant 0 : i32
      %dma_wait3A_362 = tpu.memref_slice %arg9[%add3A_38, %dma_wait3A_361] : memref<10000x128xf32, #tpu.memory_space<vmem_shared>> -> memref<80x128xf32, #tpu.memory_space<vmem_shared>>
      %dma_wait3A_363 = arith.constant 0 : i32
      %dma_wait3A_364 = tpu.memref_slice %arg9[%add3A_38, %dma_wait3A_363] : memref<10000x128xf32, #tpu.memory_space<vmem_shared>> -> memref<80x128xf32, #tpu.memory_space<vmem_shared>>
      %dma_wait3A_365 = arith.constant 0 : i32
      %dma_wait3A_366 = arith.constant 0 : i32
      %dma_wait3A_367 = tpu.memref_slice %arg8[%run_scoped3A_39, %dma_wait3A_365, %dma_wait3A_366] : memref<3x80x128xf32, #tpu.memory_space<vmem>> -> memref<1x80x128xf32, #tpu.memory_space<vmem>>
      %dma_wait3A_368 = tpu.memref_squeeze %dma_wait3A_367 : memref<1x80x128xf32, #tpu.memory_space<vmem>> -> memref<80x128xf32, #tpu.memory_space<vmem>>
      tpu.wait_dma2 semaphore(%run_scoped3A_344 : memref<!tpu.dma_semaphore, #tpu.memory_space<semaphore_mem>>) src(%dma_wait3A_368 : memref<80x128xf32, #tpu.memory_space<vmem>>) dst(%dma_wait3A_364 : memref<80x128xf32, #tpu.memory_space<vmem_shared>>)
      tpu.yield
    }) : () -> ()
    %mul3A_40 = arith.constant 624 : i32
    %mul3A_41 = arith.muli %arg1, %mul3A_40 : i32
    %add3A_42 = arith.constant 160 : i32
    %add3A_43 = arith.addi %mul3A_41, %add3A_42 : i32
    %run_scoped3A_44 = arith.constant 2 : i32
    "tpu.region"() ({
      %run_scoped3A_344 = tpu.sem_alloc : memref<!tpu.dma_semaphore, #tpu.memory_space<semaphore_mem>>
      %dma_start3A_345 = arith.constant 0 : i32
      %dma_start3A_346 = arith.constant 0 : i32
      %dma_start3A_347 = tpu.memref_slice %arg8[%run_scoped3A_44, %dma_start3A_345, %dma_start3A_346] : memref<3x80x128xf32, #tpu.memory_space<vmem>> -> memref<1x80x128xf32, #tpu.memory_space<vmem>>
      %dma_start3A_348 = tpu.memref_squeeze %dma_start3A_347 : memref<1x80x128xf32, #tpu.memory_space<vmem>> -> memref<80x128xf32, #tpu.memory_space<vmem>>
      %dma_start3A_349 = arith.constant 0 : i32
      %dma_start3A_350 = tpu.memref_slice %arg9[%add3A_43, %dma_start3A_349] : memref<10000x128xf32, #tpu.memory_space<vmem_shared>> -> memref<80x128xf32, #tpu.memory_space<vmem_shared>>
      %dma_start3A_351 = arith.constant 0 : i32
      %dma_start3A_352 = tpu.memref_slice %arg9[%add3A_43, %dma_start3A_351] : memref<10000x128xf32, #tpu.memory_space<vmem_shared>> -> memref<80x128xf32, #tpu.memory_space<vmem_shared>>
      %dma_start3A_353 = arith.constant 0 : i32
      %dma_start3A_354 = arith.constant 0 : i32
      %dma_start3A_355 = tpu.memref_slice %arg8[%run_scoped3A_44, %dma_start3A_353, %dma_start3A_354] : memref<3x80x128xf32, #tpu.memory_space<vmem>> -> memref<1x80x128xf32, #tpu.memory_space<vmem>>
      %dma_start3A_356 = tpu.memref_squeeze %dma_start3A_355 : memref<1x80x128xf32, #tpu.memory_space<vmem>> -> memref<80x128xf32, #tpu.memory_space<vmem>>
      tpu.enqueue_dma source(%dma_start3A_356 : memref<80x128xf32, #tpu.memory_space<vmem>>) target(%dma_start3A_352 : memref<80x128xf32, #tpu.memory_space<vmem_shared>>) target_semaphore(%run_scoped3A_344 : memref<!tpu.dma_semaphore, #tpu.memory_space<semaphore_mem>>)
      %dma_wait3A_357 = arith.constant 0 : i32
      %dma_wait3A_358 = arith.constant 0 : i32
      %dma_wait3A_359 = tpu.memref_slice %arg8[%run_scoped3A_44, %dma_wait3A_357, %dma_wait3A_358] : memref<3x80x128xf32, #tpu.memory_space<vmem>> -> memref<1x80x128xf32, #tpu.memory_space<vmem>>
      %dma_wait3A_360 = tpu.memref_squeeze %dma_wait3A_359 : memref<1x80x128xf32, #tpu.memory_space<vmem>> -> memref<80x128xf32, #tpu.memory_space<vmem>>
      %dma_wait3A_361 = arith.constant 0 : i32
      %dma_wait3A_362 = tpu.memref_slice %arg9[%add3A_43, %dma_wait3A_361] : memref<10000x128xf32, #tpu.memory_space<vmem_shared>> -> memref<80x128xf32, #tpu.memory_space<vmem_shared>>
      %dma_wait3A_363 = arith.constant 0 : i32
      %dma_wait3A_364 = tpu.memref_slice %arg9[%add3A_43, %dma_wait3A_363] : memref<10000x128xf32, #tpu.memory_space<vmem_shared>> -> memref<80x128xf32, #tpu.memory_space<vmem_shared>>
      %dma_wait3A_365 = arith.constant 0 : i32
      %dma_wait3A_366 = arith.constant 0 : i32
      %dma_wait3A_367 = tpu.memref_slice %arg8[%run_scoped3A_44, %dma_wait3A_365, %dma_wait3A_366] : memref<3x80x128xf32, #tpu.memory_space<vmem>> -> memref<1x80x128xf32, #tpu.memory_space<vmem>>
      %dma_wait3A_368 = tpu.memref_squeeze %dma_wait3A_367 : memref<1x80x128xf32, #tpu.memory_space<vmem>> -> memref<80x128xf32, #tpu.memory_space<vmem>>
      tpu.wait_dma2 semaphore(%run_scoped3A_344 : memref<!tpu.dma_semaphore, #tpu.memory_space<semaphore_mem>>) src(%dma_wait3A_368 : memref<80x128xf32, #tpu.memory_space<vmem>>) dst(%dma_wait3A_364 : memref<80x128xf32, #tpu.memory_space<vmem_shared>>)
      tpu.yield
    }) : () -> ()
    %mul3A_45 = arith.constant 624 : i32
    %mul3A_46 = arith.muli %arg1, %mul3A_45 : i32
    %add3A_47 = arith.constant 240 : i32
    %add3A_48 = arith.addi %mul3A_46, %add3A_47 : i32
    %run_scoped3A_49 = arith.constant 2 : i32
    "tpu.region"() ({
      %run_scoped3A_344 = tpu.sem_alloc : memref<!tpu.dma_semaphore, #tpu.memory_space<semaphore_mem>>
      %dma_start3A_345 = arith.constant 0 : i32
      %dma_start3A_346 = arith.constant 0 : i32
      %dma_start3A_347 = tpu.memref_slice %arg8[%run_scoped3A_49, %dma_start3A_345, %dma_start3A_346] : memref<3x80x128xf32, #tpu.memory_space<vmem>> -> memref<1x80x128xf32, #tpu.memory_space<vmem>>
      %dma_start3A_348 = tpu.memref_squeeze %dma_start3A_347 : memref<1x80x128xf32, #tpu.memory_space<vmem>> -> memref<80x128xf32, #tpu.memory_space<vmem>>
      %dma_start3A_349 = arith.constant 0 : i32
      %dma_start3A_350 = tpu.memref_slice %arg9[%add3A_48, %dma_start3A_349] : memref<10000x128xf32, #tpu.memory_space<vmem_shared>> -> memref<80x128xf32, #tpu.memory_space<vmem_shared>>
      %dma_start3A_351 = arith.constant 0 : i32
      %dma_start3A_352 = tpu.memref_slice %arg9[%add3A_48, %dma_start3A_351] : memref<10000x128xf32, #tpu.memory_space<vmem_shared>> -> memref<80x128xf32, #tpu.memory_space<vmem_shared>>
      %dma_start3A_353 = arith.constant 0 : i32
      %dma_start3A_354 = arith.constant 0 : i32
      %dma_start3A_355 = tpu.memref_slice %arg8[%run_scoped3A_49, %dma_start3A_353, %dma_start3A_354] : memref<3x80x128xf32, #tpu.memory_space<vmem>> -> memref<1x80x128xf32, #tpu.memory_space<vmem>>
      %dma_start3A_356 = tpu.memref_squeeze %dma_start3A_355 : memref<1x80x128xf32, #tpu.memory_space<vmem>> -> memref<80x128xf32, #tpu.memory_space<vmem>>
      tpu.enqueue_dma source(%dma_start3A_356 : memref<80x128xf32, #tpu.memory_space<vmem>>) target(%dma_start3A_352 : memref<80x128xf32, #tpu.memory_space<vmem_shared>>) target_semaphore(%run_scoped3A_344 : memref<!tpu.dma_semaphore, #tpu.memory_space<semaphore_mem>>)
      %dma_wait3A_357 = arith.constant 0 : i32
      %dma_wait3A_358 = arith.constant 0 : i32
      %dma_wait3A_359 = tpu.memref_slice %arg8[%run_scoped3A_49, %dma_wait3A_357, %dma_wait3A_358] : memref<3x80x128xf32, #tpu.memory_space<vmem>> -> memref<1x80x128xf32, #tpu.memory_space<vmem>>
      %dma_wait3A_360 = tpu.memref_squeeze %dma_wait3A_359 : memref<1x80x128xf32, #tpu.memory_space<vmem>> -> memref<80x128xf32, #tpu.memory_space<vmem>>
      %dma_wait3A_361 = arith.constant 0 : i32
      %dma_wait3A_362 = tpu.memref_slice %arg9[%add3A_48, %dma_wait3A_361] : memref<10000x128xf32, #tpu.memory_space<vmem_shared>> -> memref<80x128xf32, #tpu.memory_space<vmem_shared>>
      %dma_wait3A_363 = arith.constant 0 : i32
      %dma_wait3A_364 = tpu.memref_slice %arg9[%add3A_48, %dma_wait3A_363] : memref<10000x128xf32, #tpu.memory_space<vmem_shared>> -> memref<80x128xf32, #tpu.memory_space<vmem_shared>>
      %dma_wait3A_365 = arith.constant 0 : i32
      %dma_wait3A_366 = arith.constant 0 : i32
      %dma_wait3A_367 = tpu.memref_slice %arg8[%run_scoped3A_49, %dma_wait3A_365, %dma_wait3A_366] : memref<3x80x128xf32, #tpu.memory_space<vmem>> -> memref<1x80x128xf32, #tpu.memory_space<vmem>>
      %dma_wait3A_368 = tpu.memref_squeeze %dma_wait3A_367 : memref<1x80x128xf32, #tpu.memory_space<vmem>> -> memref<80x128xf32, #tpu.memory_space<vmem>>
      tpu.wait_dma2 semaphore(%run_scoped3A_344 : memref<!tpu.dma_semaphore, #tpu.memory_space<semaphore_mem>>) src(%dma_wait3A_368 : memref<80x128xf32, #tpu.memory_space<vmem>>) dst(%dma_wait3A_364 : memref<80x128xf32, #tpu.memory_space<vmem_shared>>)
      tpu.yield
    }) : () -> ()
    %mul3A_50 = arith.constant 624 : i32
    %mul3A_51 = arith.muli %arg1, %mul3A_50 : i32
    %add3A_52 = arith.constant 320 : i32
    %add3A_53 = arith.addi %mul3A_51, %add3A_52 : i32
    %run_scoped3A_54 = arith.constant 2 : i32
    "tpu.region"() ({
      %run_scoped3A_344 = tpu.sem_alloc : memref<!tpu.dma_semaphore, #tpu.memory_space<semaphore_mem>>
      %dma_start3A_345 = arith.constant 0 : i32
      %dma_start3A_346 = arith.constant 0 : i32
      %dma_start3A_347 = tpu.memref_slice %arg8[%run_scoped3A_54, %dma_start3A_345, %dma_start3A_346] : memref<3x80x128xf32, #tpu.memory_space<vmem>> -> memref<1x80x128xf32, #tpu.memory_space<vmem>>
      %dma_start3A_348 = tpu.memref_squeeze %dma_start3A_347 : memref<1x80x128xf32, #tpu.memory_space<vmem>> -> memref<80x128xf32, #tpu.memory_space<vmem>>
      %dma_start3A_349 = arith.constant 0 : i32
      %dma_start3A_350 = tpu.memref_slice %arg9[%add3A_53, %dma_start3A_349] : memref<10000x128xf32, #tpu.memory_space<vmem_shared>> -> memref<80x128xf32, #tpu.memory_space<vmem_shared>>
      %dma_start3A_351 = arith.constant 0 : i32
      %dma_start3A_352 = tpu.memref_slice %arg9[%add3A_53, %dma_start3A_351] : memref<10000x128xf32, #tpu.memory_space<vmem_shared>> -> memref<80x128xf32, #tpu.memory_space<vmem_shared>>
      %dma_start3A_353 = arith.constant 0 : i32
      %dma_start3A_354 = arith.constant 0 : i32
      %dma_start3A_355 = tpu.memref_slice %arg8[%run_scoped3A_54, %dma_start3A_353, %dma_start3A_354] : memref<3x80x128xf32, #tpu.memory_space<vmem>> -> memref<1x80x128xf32, #tpu.memory_space<vmem>>
      %dma_start3A_356 = tpu.memref_squeeze %dma_start3A_355 : memref<1x80x128xf32, #tpu.memory_space<vmem>> -> memref<80x128xf32, #tpu.memory_space<vmem>>
      tpu.enqueue_dma source(%dma_start3A_356 : memref<80x128xf32, #tpu.memory_space<vmem>>) target(%dma_start3A_352 : memref<80x128xf32, #tpu.memory_space<vmem_shared>>) target_semaphore(%run_scoped3A_344 : memref<!tpu.dma_semaphore, #tpu.memory_space<semaphore_mem>>)
      %dma_wait3A_357 = arith.constant 0 : i32
      %dma_wait3A_358 = arith.constant 0 : i32
      %dma_wait3A_359 = tpu.memref_slice %arg8[%run_scoped3A_54, %dma_wait3A_357, %dma_wait3A_358] : memref<3x80x128xf32, #tpu.memory_space<vmem>> -> memref<1x80x128xf32, #tpu.memory_space<vmem>>
      %dma_wait3A_360 = tpu.memref_squeeze %dma_wait3A_359 : memref<1x80x128xf32, #tpu.memory_space<vmem>> -> memref<80x128xf32, #tpu.memory_space<vmem>>
      %dma_wait3A_361 = arith.constant 0 : i32
      %dma_wait3A_362 = tpu.memref_slice %arg9[%add3A_53, %dma_wait3A_361] : memref<10000x128xf32, #tpu.memory_space<vmem_shared>> -> memref<80x128xf32, #tpu.memory_space<vmem_shared>>
      %dma_wait3A_363 = arith.constant 0 : i32
      %dma_wait3A_364 = tpu.memref_slice %arg9[%add3A_53, %dma_wait3A_363] : memref<10000x128xf32, #tpu.memory_space<vmem_shared>> -> memref<80x128xf32, #tpu.memory_space<vmem_shared>>
      %dma_wait3A_365 = arith.constant 0 : i32
      %dma_wait3A_366 = arith.constant 0 : i32
      %dma_wait3A_367 = tpu.memref_slice %arg8[%run_scoped3A_54, %dma_wait3A_365, %dma_wait3A_366] : memref<3x80x128xf32, #tpu.memory_space<vmem>> -> memref<1x80x128xf32, #tpu.memory_space<vmem>>
      %dma_wait3A_368 = tpu.memref_squeeze %dma_wait3A_367 : memref<1x80x128xf32, #tpu.memory_space<vmem>> -> memref<80x128xf32, #tpu.memory_space<vmem>>
      tpu.wait_dma2 semaphore(%run_scoped3A_344 : memref<!tpu.dma_semaphore, #tpu.memory_space<semaphore_mem>>) src(%dma_wait3A_368 : memref<80x128xf32, #tpu.memory_space<vmem>>) dst(%dma_wait3A_364 : memref<80x128xf32, #tpu.memory_space<vmem_shared>>)
      tpu.yield
    }) : () -> ()
    %mul3A_55 = arith.constant 624 : i32
    %mul3A_56 = arith.muli %arg1, %mul3A_55 : i32
    %add3A_57 = arith.constant 400 : i32
    %add3A_58 = arith.addi %mul3A_56, %add3A_57 : i32
    %run_scoped3A_59 = arith.constant 2 : i32
    "tpu.region"() ({
      %run_scoped3A_344 = tpu.sem_alloc : memref<!tpu.dma_semaphore, #tpu.memory_space<semaphore_mem>>
      %dma_start3A_345 = arith.constant 0 : i32
      %dma_start3A_346 = arith.constant 0 : i32
      %dma_start3A_347 = tpu.memref_slice %arg8[%run_scoped3A_59, %dma_start3A_345, %dma_start3A_346] : memref<3x80x128xf32, #tpu.memory_space<vmem>> -> memref<1x80x128xf32, #tpu.memory_space<vmem>>
      %dma_start3A_348 = tpu.memref_squeeze %dma_start3A_347 : memref<1x80x128xf32, #tpu.memory_space<vmem>> -> memref<80x128xf32, #tpu.memory_space<vmem>>
      %dma_start3A_349 = arith.constant 0 : i32
      %dma_start3A_350 = tpu.memref_slice %arg9[%add3A_58, %dma_start3A_349] : memref<10000x128xf32, #tpu.memory_space<vmem_shared>> -> memref<80x128xf32, #tpu.memory_space<vmem_shared>>
      %dma_start3A_351 = arith.constant 0 : i32
      %dma_start3A_352 = tpu.memref_slice %arg9[%add3A_58, %dma_start3A_351] : memref<10000x128xf32, #tpu.memory_space<vmem_shared>> -> memref<80x128xf32, #tpu.memory_space<vmem_shared>>
      %dma_start3A_353 = arith.constant 0 : i32
      %dma_start3A_354 = arith.constant 0 : i32
      %dma_start3A_355 = tpu.memref_slice %arg8[%run_scoped3A_59, %dma_start3A_353, %dma_start3A_354] : memref<3x80x128xf32, #tpu.memory_space<vmem>> -> memref<1x80x128xf32, #tpu.memory_space<vmem>>
      %dma_start3A_356 = tpu.memref_squeeze %dma_start3A_355 : memref<1x80x128xf32, #tpu.memory_space<vmem>> -> memref<80x128xf32, #tpu.memory_space<vmem>>
      tpu.enqueue_dma source(%dma_start3A_356 : memref<80x128xf32, #tpu.memory_space<vmem>>) target(%dma_start3A_352 : memref<80x128xf32, #tpu.memory_space<vmem_shared>>) target_semaphore(%run_scoped3A_344 : memref<!tpu.dma_semaphore, #tpu.memory_space<semaphore_mem>>)
      %dma_wait3A_357 = arith.constant 0 : i32
      %dma_wait3A_358 = arith.constant 0 : i32
      %dma_wait3A_359 = tpu.memref_slice %arg8[%run_scoped3A_59, %dma_wait3A_357, %dma_wait3A_358] : memref<3x80x128xf32, #tpu.memory_space<vmem>> -> memref<1x80x128xf32, #tpu.memory_space<vmem>>
      %dma_wait3A_360 = tpu.memref_squeeze %dma_wait3A_359 : memref<1x80x128xf32, #tpu.memory_space<vmem>> -> memref<80x128xf32, #tpu.memory_space<vmem>>
      %dma_wait3A_361 = arith.constant 0 : i32
      %dma_wait3A_362 = tpu.memref_slice %arg9[%add3A_58, %dma_wait3A_361] : memref<10000x128xf32, #tpu.memory_space<vmem_shared>> -> memref<80x128xf32, #tpu.memory_space<vmem_shared>>
      %dma_wait3A_363 = arith.constant 0 : i32
      %dma_wait3A_364 = tpu.memref_slice %arg9[%add3A_58, %dma_wait3A_363] : memref<10000x128xf32, #tpu.memory_space<vmem_shared>> -> memref<80x128xf32, #tpu.memory_space<vmem_shared>>
      %dma_wait3A_365 = arith.constant 0 : i32
      %dma_wait3A_366 = arith.constant 0 : i32
      %dma_wait3A_367 = tpu.memref_slice %arg8[%run_scoped3A_59, %dma_wait3A_365, %dma_wait3A_366] : memref<3x80x128xf32, #tpu.memory_space<vmem>> -> memref<1x80x128xf32, #tpu.memory_space<vmem>>
      %dma_wait3A_368 = tpu.memref_squeeze %dma_wait3A_367 : memref<1x80x128xf32, #tpu.memory_space<vmem>> -> memref<80x128xf32, #tpu.memory_space<vmem>>
      tpu.wait_dma2 semaphore(%run_scoped3A_344 : memref<!tpu.dma_semaphore, #tpu.memory_space<semaphore_mem>>) src(%dma_wait3A_368 : memref<80x128xf32, #tpu.memory_space<vmem>>) dst(%dma_wait3A_364 : memref<80x128xf32, #tpu.memory_space<vmem_shared>>)
      tpu.yield
    }) : () -> ()
    %mul3A_60 = arith.constant 624 : i32
    %mul3A_61 = arith.muli %arg1, %mul3A_60 : i32
    %add3A_62 = arith.constant 480 : i32
    %add3A_63 = arith.addi %mul3A_61, %add3A_62 : i32
    %run_scoped3A_64 = arith.constant 2 : i32
    "tpu.region"() ({
      %run_scoped3A_344 = tpu.sem_alloc : memref<!tpu.dma_semaphore, #tpu.memory_space<semaphore_mem>>
      %dma_start3A_345 = arith.constant 0 : i32
      %dma_start3A_346 = arith.constant 0 : i32
      %dma_start3A_347 = tpu.memref_slice %arg8[%run_scoped3A_64, %dma_start3A_345, %dma_start3A_346] : memref<3x80x128xf32, #tpu.memory_space<vmem>> -> memref<1x80x128xf32, #tpu.memory_space<vmem>>
      %dma_start3A_348 = tpu.memref_squeeze %dma_start3A_347 : memref<1x80x128xf32, #tpu.memory_space<vmem>> -> memref<80x128xf32, #tpu.memory_space<vmem>>
      %dma_start3A_349 = arith.constant 0 : i32
      %dma_start3A_350 = tpu.memref_slice %arg9[%add3A_63, %dma_start3A_349] : memref<10000x128xf32, #tpu.memory_space<vmem_shared>> -> memref<80x128xf32, #tpu.memory_space<vmem_shared>>
      %dma_start3A_351 = arith.constant 0 : i32
      %dma_start3A_352 = tpu.memref_slice %arg9[%add3A_63, %dma_start3A_351] : memref<10000x128xf32, #tpu.memory_space<vmem_shared>> -> memref<80x128xf32, #tpu.memory_space<vmem_shared>>
      %dma_start3A_353 = arith.constant 0 : i32
      %dma_start3A_354 = arith.constant 0 : i32
      %dma_start3A_355 = tpu.memref_slice %arg8[%run_scoped3A_64, %dma_start3A_353, %dma_start3A_354] : memref<3x80x128xf32, #tpu.memory_space<vmem>> -> memref<1x80x128xf32, #tpu.memory_space<vmem>>
      %dma_start3A_356 = tpu.memref_squeeze %dma_start3A_355 : memref<1x80x128xf32, #tpu.memory_space<vmem>> -> memref<80x128xf32, #tpu.memory_space<vmem>>
      tpu.enqueue_dma source(%dma_start3A_356 : memref<80x128xf32, #tpu.memory_space<vmem>>) target(%dma_start3A_352 : memref<80x128xf32, #tpu.memory_space<vmem_shared>>) target_semaphore(%run_scoped3A_344 : memref<!tpu.dma_semaphore, #tpu.memory_space<semaphore_mem>>)
      %dma_wait3A_357 = arith.constant 0 : i32
      %dma_wait3A_358 = arith.constant 0 : i32
      %dma_wait3A_359 = tpu.memref_slice %arg8[%run_scoped3A_64, %dma_wait3A_357, %dma_wait3A_358] : memref<3x80x128xf32, #tpu.memory_space<vmem>> -> memref<1x80x128xf32, #tpu.memory_space<vmem>>
      %dma_wait3A_360 = tpu.memref_squeeze %dma_wait3A_359 : memref<1x80x128xf32, #tpu.memory_space<vmem>> -> memref<80x128xf32, #tpu.memory_space<vmem>>
      %dma_wait3A_361 = arith.constant 0 : i32
      %dma_wait3A_362 = tpu.memref_slice %arg9[%add3A_63, %dma_wait3A_361] : memref<10000x128xf32, #tpu.memory_space<vmem_shared>> -> memref<80x128xf32, #tpu.memory_space<vmem_shared>>
      %dma_wait3A_363 = arith.constant 0 : i32
      %dma_wait3A_364 = tpu.memref_slice %arg9[%add3A_63, %dma_wait3A_363] : memref<10000x128xf32, #tpu.memory_space<vmem_shared>> -> memref<80x128xf32, #tpu.memory_space<vmem_shared>>
      %dma_wait3A_365 = arith.constant 0 : i32
      %dma_wait3A_366 = arith.constant 0 : i32
      %dma_wait3A_367 = tpu.memref_slice %arg8[%run_scoped3A_64, %dma_wait3A_365, %dma_wait3A_366] : memref<3x80x128xf32, #tpu.memory_space<vmem>> -> memref<1x80x128xf32, #tpu.memory_space<vmem>>
      %dma_wait3A_368 = tpu.memref_squeeze %dma_wait3A_367 : memref<1x80x128xf32, #tpu.memory_space<vmem>> -> memref<80x128xf32, #tpu.memory_space<vmem>>
      tpu.wait_dma2 semaphore(%run_scoped3A_344 : memref<!tpu.dma_semaphore, #tpu.memory_space<semaphore_mem>>) src(%dma_wait3A_368 : memref<80x128xf32, #tpu.memory_space<vmem>>) dst(%dma_wait3A_364 : memref<80x128xf32, #tpu.memory_space<vmem_shared>>)
      tpu.yield
    }) : () -> ()
    %eq3A = arith.constant 15 : i32
    %eq3A_65 = arith.cmpi eq, %arg1, %eq3A : i32
    %convert_element_type3A = arith.extui %eq3A_65 : i1 to i32
    %cond3A = arith.constant 0 : i32
    %cond3A_66 = arith.cmpi ne, %convert_element_type3A, %cond3A : i32
    scf.if %cond3A_66 {
      %run_scoped3A_344 = arith.constant 2 : i32
      "tpu.region"() ({
        %run_scoped3A_345 = tpu.sem_alloc : memref<!tpu.dma_semaphore, #tpu.memory_space<semaphore_mem>>
        %dma_start3A_346 = arith.constant 0 : i32
        %dma_start3A_347 = arith.constant 0 : i32
        %dma_start3A_348 = tpu.memref_slice %arg8[%run_scoped3A_344, %dma_start3A_346, %dma_start3A_347] : memref<3x80x128xf32, #tpu.memory_space<vmem>> -> memref<1x80x128xf32, #tpu.memory_space<vmem>>
        %dma_start3A_349 = tpu.memref_squeeze %dma_start3A_348 : memref<1x80x128xf32, #tpu.memory_space<vmem>> -> memref<80x128xf32, #tpu.memory_space<vmem>>
        %dma_start3A_350 = arith.constant 9920 : i32
        %dma_start3A_351 = arith.constant 0 : i32
        %dma_start3A_352 = tpu.memref_slice %arg9[%dma_start3A_350, %dma_start3A_351] : memref<10000x128xf32, #tpu.memory_space<vmem_shared>> -> memref<80x128xf32, #tpu.memory_space<vmem_shared>>
        %dma_start3A_353 = arith.constant 9920 : i32
        %dma_start3A_354 = arith.constant 0 : i32
        %dma_start3A_355 = tpu.memref_slice %arg9[%dma_start3A_353, %dma_start3A_354] : memref<10000x128xf32, #tpu.memory_space<vmem_shared>> -> memref<80x128xf32, #tpu.memory_space<vmem_shared>>
        %dma_start3A_356 = arith.constant 0 : i32
        %dma_start3A_357 = arith.constant 0 : i32
        %dma_start3A_358 = tpu.memref_slice %arg8[%run_scoped3A_344, %dma_start3A_356, %dma_start3A_357] : memref<3x80x128xf32, #tpu.memory_space<vmem>> -> memref<1x80x128xf32, #tpu.memory_space<vmem>>
        %dma_start3A_359 = tpu.memref_squeeze %dma_start3A_358 : memref<1x80x128xf32, #tpu.memory_space<vmem>> -> memref<80x128xf32, #tpu.memory_space<vmem>>
        tpu.enqueue_dma source(%dma_start3A_359 : memref<80x128xf32, #tpu.memory_space<vmem>>) target(%dma_start3A_355 : memref<80x128xf32, #tpu.memory_space<vmem_shared>>) target_semaphore(%run_scoped3A_345 : memref<!tpu.dma_semaphore, #tpu.memory_space<semaphore_mem>>)
        %dma_wait3A_360 = arith.constant 0 : i32
        %dma_wait3A_361 = arith.constant 0 : i32
        %dma_wait3A_362 = tpu.memref_slice %arg8[%run_scoped3A_344, %dma_wait3A_360, %dma_wait3A_361] : memref<3x80x128xf32, #tpu.memory_space<vmem>> -> memref<1x80x128xf32, #tpu.memory_space<vmem>>
        %dma_wait3A_363 = tpu.memref_squeeze %dma_wait3A_362 : memref<1x80x128xf32, #tpu.memory_space<vmem>> -> memref<80x128xf32, #tpu.memory_space<vmem>>
        %dma_wait3A_364 = arith.constant 9920 : i32
        %dma_wait3A_365 = arith.constant 0 : i32
        %dma_wait3A_366 = tpu.memref_slice %arg9[%dma_wait3A_364, %dma_wait3A_365] : memref<10000x128xf32, #tpu.memory_space<vmem_shared>> -> memref<80x128xf32, #tpu.memory_space<vmem_shared>>
        %dma_wait3A_367 = arith.constant 9920 : i32
        %dma_wait3A_368 = arith.constant 0 : i32
        %dma_wait3A_369 = tpu.memref_slice %arg9[%dma_wait3A_367, %dma_wait3A_368] : memref<10000x128xf32, #tpu.memory_space<vmem_shared>> -> memref<80x128xf32, #tpu.memory_space<vmem_shared>>
        %dma_wait3A_370 = arith.constant 0 : i32
        %dma_wait3A_371 = arith.constant 0 : i32
        %dma_wait3A_372 = tpu.memref_slice %arg8[%run_scoped3A_344, %dma_wait3A_370, %dma_wait3A_371] : memref<3x80x128xf32, #tpu.memory_space<vmem>> -> memref<1x80x128xf32, #tpu.memory_space<vmem>>
        %dma_wait3A_373 = tpu.memref_squeeze %dma_wait3A_372 : memref<1x80x128xf32, #tpu.memory_space<vmem>> -> memref<80x128xf32, #tpu.memory_space<vmem>>
        tpu.wait_dma2 semaphore(%run_scoped3A_345 : memref<!tpu.dma_semaphore, #tpu.memory_space<semaphore_mem>>) src(%dma_wait3A_373 : memref<80x128xf32, #tpu.memory_space<vmem>>) dst(%dma_wait3A_369 : memref<80x128xf32, #tpu.memory_space<vmem_shared>>)
        tpu.yield
      }) : () -> ()
    } else {
    }
    %ne3A = arith.constant 15 : i32
    %ne3A_67 = arith.cmpi ne, %arg1, %ne3A : i32
    %convert_element_type3A_68 = arith.extui %ne3A_67 : i1 to i32
    %cond3A_69 = arith.constant 0 : i32
    %cond3A_70 = arith.cmpi ne, %convert_element_type3A_68, %cond3A_69 : i32
    scf.if %cond3A_70 {
      %mul3A_344 = arith.constant 624 : i32
      %mul3A_345 = arith.muli %arg1, %mul3A_344 : i32
      %add3A_346 = arith.constant 560 : i32
      %add3A_347 = arith.addi %mul3A_345, %add3A_346 : i32
      %run_scoped3A_348 = arith.constant 2 : i32
      "tpu.region"() ({
        %run_scoped3A_349 = tpu.sem_alloc : memref<!tpu.dma_semaphore, #tpu.memory_space<semaphore_mem>>
        %dma_start3A_350 = arith.constant 0 : i32
        %dma_start3A_351 = arith.constant 0 : i32
        %dma_start3A_352 = tpu.memref_slice %arg8[%run_scoped3A_348, %dma_start3A_350, %dma_start3A_351] : memref<3x80x128xf32, #tpu.memory_space<vmem>> -> memref<1x64x128xf32, #tpu.memory_space<vmem>>
        %dma_start3A_353 = tpu.memref_squeeze %dma_start3A_352 : memref<1x64x128xf32, #tpu.memory_space<vmem>> -> memref<64x128xf32, #tpu.memory_space<vmem>>
        %dma_start3A_354 = arith.constant 0 : i32
        %dma_start3A_355 = tpu.memref_slice %arg9[%add3A_347, %dma_start3A_354] : memref<10000x128xf32, #tpu.memory_space<vmem_shared>> -> memref<64x128xf32, #tpu.memory_space<vmem_shared>>
        %dma_start3A_356 = arith.constant 0 : i32
        %dma_start3A_357 = tpu.memref_slice %arg9[%add3A_347, %dma_start3A_356] : memref<10000x128xf32, #tpu.memory_space<vmem_shared>> -> memref<64x128xf32, #tpu.memory_space<vmem_shared>>
        %dma_start3A_358 = arith.constant 0 : i32
        %dma_start3A_359 = arith.constant 0 : i32
        %dma_start3A_360 = tpu.memref_slice %arg8[%run_scoped3A_348, %dma_start3A_358, %dma_start3A_359] : memref<3x80x128xf32, #tpu.memory_space<vmem>> -> memref<1x64x128xf32, #tpu.memory_space<vmem>>
        %dma_start3A_361 = tpu.memref_squeeze %dma_start3A_360 : memref<1x64x128xf32, #tpu.memory_space<vmem>> -> memref<64x128xf32, #tpu.memory_space<vmem>>
        tpu.enqueue_dma source(%dma_start3A_361 : memref<64x128xf32, #tpu.memory_space<vmem>>) target(%dma_start3A_357 : memref<64x128xf32, #tpu.memory_space<vmem_shared>>) target_semaphore(%run_scoped3A_349 : memref<!tpu.dma_semaphore, #tpu.memory_space<semaphore_mem>>)
        %dma_wait3A_362 = arith.constant 0 : i32
        %dma_wait3A_363 = arith.constant 0 : i32
        %dma_wait3A_364 = tpu.memref_slice %arg8[%run_scoped3A_348, %dma_wait3A_362, %dma_wait3A_363] : memref<3x80x128xf32, #tpu.memory_space<vmem>> -> memref<1x64x128xf32, #tpu.memory_space<vmem>>
        %dma_wait3A_365 = tpu.memref_squeeze %dma_wait3A_364 : memref<1x64x128xf32, #tpu.memory_space<vmem>> -> memref<64x128xf32, #tpu.memory_space<vmem>>
        %dma_wait3A_366 = arith.constant 0 : i32
        %dma_wait3A_367 = tpu.memref_slice %arg9[%add3A_347, %dma_wait3A_366] : memref<10000x128xf32, #tpu.memory_space<vmem_shared>> -> memref<64x128xf32, #tpu.memory_space<vmem_shared>>
        %dma_wait3A_368 = arith.constant 0 : i32
        %dma_wait3A_369 = tpu.memref_slice %arg9[%add3A_347, %dma_wait3A_368] : memref<10000x128xf32, #tpu.memory_space<vmem_shared>> -> memref<64x128xf32, #tpu.memory_space<vmem_shared>>
        %dma_wait3A_370 = arith.constant 0 : i32
        %dma_wait3A_371 = arith.constant 0 : i32
        %dma_wait3A_372 = tpu.memref_slice %arg8[%run_scoped3A_348, %dma_wait3A_370, %dma_wait3A_371] : memref<3x80x128xf32, #tpu.memory_space<vmem>> -> memref<1x64x128xf32, #tpu.memory_space<vmem>>
        %dma_wait3A_373 = tpu.memref_squeeze %dma_wait3A_372 : memref<1x64x128xf32, #tpu.memory_space<vmem>> -> memref<64x128xf32, #tpu.memory_space<vmem>>
        tpu.wait_dma2 semaphore(%run_scoped3A_349 : memref<!tpu.dma_semaphore, #tpu.memory_space<semaphore_mem>>) src(%dma_wait3A_373 : memref<64x128xf32, #tpu.memory_space<vmem>>) dst(%dma_wait3A_369 : memref<64x128xf32, #tpu.memory_space<vmem_shared>>)
        tpu.yield
      }) : () -> ()
    } else {
    }
    %barrier3A = arith.constant 0 : index
    tpu.barrier barrier_id(%barrier3A)
    %dma_wait3A = arith.constant 0 : i32
    %dma_wait3A_71 = arith.constant 0 : i32
    %dma_wait3A_72 = arith.constant 0 : i32
    %dma_wait3A_73 = arith.constant 0 : i32
    %dma_wait3A_74 = tpu.memref_slice %arg8[%dma_wait3A, %dma_wait3A_72, %dma_wait3A_73] : memref<3x80x128xf32, #tpu.memory_space<vmem>> -> memref<1x80x128xf32, #tpu.memory_space<vmem>>
    %dma_wait3A_75 = tpu.memref_squeeze %dma_wait3A_74 : memref<1x80x128xf32, #tpu.memory_space<vmem>> -> memref<80x128xf32, #tpu.memory_space<vmem>>
    %dma_wait3A_76 = arith.constant 0 : i32
    %dma_wait3A_77 = tpu.memref_slice %arg6[%dma_wait3A_76] : memref<10000xi32, #tpu.memory_space<vmem>> -> memref<80xi32, #tpu.memory_space<vmem>>
    %dma_wait3A_78 = arith.constant 0 : i32
    %dma_wait3A_79 = arith.constant 0 : i32
    %dma_wait3A_80 = tpu.memref_slice %arg2[%dma_wait3A_78, %dma_wait3A_79] : memref<10000x128xf32, #tpu.memory_space<hbm>> -> memref<10000x128xf32, #tpu.memory_space<hbm>>
    %dma_wait3A_81 = tpu.memref_slice %arg10[%dma_wait3A_71] : memref<3x!tpu.dma_semaphore, #tpu.memory_space<semaphore_mem>> -> memref<1x!tpu.dma_semaphore, #tpu.memory_space<semaphore_mem>>
    %dma_wait3A_82 = tpu.memref_squeeze %dma_wait3A_81 : memref<1x!tpu.dma_semaphore, #tpu.memory_space<semaphore_mem>> -> memref<!tpu.dma_semaphore, #tpu.memory_space<semaphore_mem>>
    tpu.wait_indirect_dma semaphore(%dma_wait3A_82 : memref<!tpu.dma_semaphore, #tpu.memory_space<semaphore_mem>>) src(%dma_wait3A_80 : memref<10000x128xf32, #tpu.memory_space<hbm>>) dst(%dma_wait3A_75 : memref<80x128xf32, #tpu.memory_space<vmem>>)
    %dma_start3A_83 = arith.constant 2 : i32
    %dma_start3A_84 = arith.constant 2 : i32
    %dma_start3A_85 = arith.constant 0 : i32
    %dma_start3A_86 = arith.constant 0 : i32
    %dma_start3A_87 = tpu.memref_slice %arg8[%dma_start3A_83, %dma_start3A_85, %dma_start3A_86] : memref<3x80x128xf32, #tpu.memory_space<vmem>> -> memref<1x80x128xf32, #tpu.memory_space<vmem>>
    %dma_start3A_88 = tpu.memref_squeeze %dma_start3A_87 : memref<1x80x128xf32, #tpu.memory_space<vmem>> -> memref<80x128xf32, #tpu.memory_space<vmem>>
    %dma_start3A_89 = arith.constant 160 : i32
    %dma_start3A_90 = tpu.memref_slice %arg6[%dma_start3A_89] : memref<10000xi32, #tpu.memory_space<vmem>> -> memref<80xi32, #tpu.memory_space<vmem>>
    %dma_start3A_91 = arith.constant 0 : i32
    %dma_start3A_92 = arith.constant 0 : i32
    %dma_start3A_93 = tpu.memref_slice %arg2[%dma_start3A_91, %dma_start3A_92] : memref<10000x128xf32, #tpu.memory_space<hbm>> -> memref<10000x128xf32, #tpu.memory_space<hbm>>
    %dma_start3A_94 = tpu.memref_slice %arg10[%dma_start3A_84] : memref<3x!tpu.dma_semaphore, #tpu.memory_space<semaphore_mem>> -> memref<1x!tpu.dma_semaphore, #tpu.memory_space<semaphore_mem>>
    %dma_start3A_95 = tpu.memref_squeeze %dma_start3A_94 : memref<1x!tpu.dma_semaphore, #tpu.memory_space<semaphore_mem>> -> memref<!tpu.dma_semaphore, #tpu.memory_space<semaphore_mem>>
    tpu.enqueue_indirect_dma source(%dma_start3A_93 : memref<10000x128xf32, #tpu.memory_space<hbm>>) target(%dma_start3A_88 : memref<80x128xf32, #tpu.memory_space<vmem>>) offsets(%dma_start3A_90 : memref<80xi32, #tpu.memory_space<vmem>>) semaphore(%dma_start3A_95 : memref<!tpu.dma_semaphore, #tpu.memory_space<semaphore_mem>>)
    %dma_start3A_96 = arith.constant 0 : i32
    %dma_start3A_97 = arith.constant 0 : i32
    %dma_start3A_98 = arith.constant 0 : i32
    %dma_start3A_99 = arith.constant 0 : i32
    %dma_start3A_100 = tpu.memref_slice %arg8[%dma_start3A_96, %dma_start3A_98, %dma_start3A_99] : memref<3x80x128xf32, #tpu.memory_space<vmem>> -> memref<1x80x128xf32, #tpu.memory_space<vmem>>
    %dma_start3A_101 = tpu.memref_squeeze %dma_start3A_100 : memref<1x80x128xf32, #tpu.memory_space<vmem>> -> memref<80x128xf32, #tpu.memory_space<vmem>>
    %dma_start3A_102 = arith.constant 0 : i32
    %dma_start3A_103 = tpu.memref_slice %arg7[%dma_start3A_102] : memref<10000xi32, #tpu.memory_space<vmem>> -> memref<80xi32, #tpu.memory_space<vmem>>
    %dma_start3A_104 = arith.constant 0 : i32
    %dma_start3A_105 = arith.constant 0 : i32
    %dma_start3A_106 = tpu.memref_slice %arg9[%dma_start3A_104, %dma_start3A_105] : memref<10000x128xf32, #tpu.memory_space<vmem_shared>> -> memref<10000x128xf32, #tpu.memory_space<vmem_shared>>
    %dma_start3A_107 = tpu.memref_slice %arg11[%dma_start3A_97] : memref<3x!tpu.dma_semaphore, #tpu.memory_space<semaphore_mem>> -> memref<1x!tpu.dma_semaphore, #tpu.memory_space<semaphore_mem>>
    %dma_start3A_108 = tpu.memref_squeeze %dma_start3A_107 : memref<1x!tpu.dma_semaphore, #tpu.memory_space<semaphore_mem>> -> memref<!tpu.dma_semaphore, #tpu.memory_space<semaphore_mem>>
    tpu.enqueue_indirect_dma source(%dma_start3A_101 : memref<80x128xf32, #tpu.memory_space<vmem>>) target(%dma_start3A_106 : memref<10000x128xf32, #tpu.memory_space<vmem_shared>>) offsets(%dma_start3A_103 : memref<80xi32, #tpu.memory_space<vmem>>) semaphore(%dma_start3A_108 : memref<!tpu.dma_semaphore, #tpu.memory_space<semaphore_mem>>) {add = true}
    %scan3A_109 = arith.constant 0 : i32
    %scan3A_110 = arith.constant 40 : i32
    %scan3A_111 = arith.addi %scan3A_109, %scan3A_110 : i32
    %scan3A_112 = arith.constant 1 : i32
    scf.for %scan3A_344 = %scan3A_109 to %scan3A_111 step %scan3A_112  : i32 {
      %mul3A_345 = arith.constant 3 : i32
      %mul3A_346 = arith.muli %scan3A_344, %mul3A_345 : i32
      %add3A_347 = arith.constant 1 : i32
      %add3A_348 = arith.addi %add3A_347, %mul3A_346 : i32
      %add3A_349 = arith.constant 0 : i32
      %add3A_350 = arith.addi %add3A_348, %add3A_349 : i32
      %mul3A_351 = arith.constant 80 : i32
      %mul3A_352 = arith.muli %add3A_350, %mul3A_351 : i32
      %dma_wait3A_353 = arith.constant 1 : i32
      %dma_wait3A_354 = arith.constant 1 : i32
      %dma_wait3A_355 = arith.constant 0 : i32
      %dma_wait3A_356 = arith.constant 0 : i32
      %dma_wait3A_357 = tpu.memref_slice %arg8[%dma_wait3A_353, %dma_wait3A_355, %dma_wait3A_356] : memref<3x80x128xf32, #tpu.memory_space<vmem>> -> memref<1x80x128xf32, #tpu.memory_space<vmem>>
      %dma_wait3A_358 = tpu.memref_squeeze %dma_wait3A_357 : memref<1x80x128xf32, #tpu.memory_space<vmem>> -> memref<80x128xf32, #tpu.memory_space<vmem>>
      %dma_wait3A_359 = tpu.memref_slice %arg6[%mul3A_352] : memref<10000xi32, #tpu.memory_space<vmem>> -> memref<80xi32, #tpu.memory_space<vmem>>
      %dma_wait3A_360 = arith.constant 0 : i32
      %dma_wait3A_361 = arith.constant 0 : i32
      %dma_wait3A_362 = tpu.memref_slice %arg2[%dma_wait3A_360, %dma_wait3A_361] : memref<10000x128xf32, #tpu.memory_space<hbm>> -> memref<10000x128xf32, #tpu.memory_space<hbm>>
      %dma_wait3A_363 = tpu.memref_slice %arg10[%dma_wait3A_354] : memref<3x!tpu.dma_semaphore, #tpu.memory_space<semaphore_mem>> -> memref<1x!tpu.dma_semaphore, #tpu.memory_space<semaphore_mem>>
      %dma_wait3A_364 = tpu.memref_squeeze %dma_wait3A_363 : memref<1x!tpu.dma_semaphore, #tpu.memory_space<semaphore_mem>> -> memref<!tpu.dma_semaphore, #tpu.memory_space<semaphore_mem>>
      tpu.wait_indirect_dma semaphore(%dma_wait3A_364 : memref<!tpu.dma_semaphore, #tpu.memory_space<semaphore_mem>>) src(%dma_wait3A_362 : memref<10000x128xf32, #tpu.memory_space<hbm>>) dst(%dma_wait3A_358 : memref<80x128xf32, #tpu.memory_space<vmem>>)
      %dma_wait3A_365 = arith.constant 0 : i32
      %dma_wait3A_366 = arith.constant 0 : i32
      %dma_wait3A_367 = arith.constant 0 : i32
      %dma_wait3A_368 = arith.constant 0 : i32
      %dma_wait3A_369 = tpu.memref_slice %arg8[%dma_wait3A_365, %dma_wait3A_367, %dma_wait3A_368] : memref<3x80x128xf32, #tpu.memory_space<vmem>> -> memref<1x80x128xf32, #tpu.memory_space<vmem>>
      %dma_wait3A_370 = tpu.memref_squeeze %dma_wait3A_369 : memref<1x80x128xf32, #tpu.memory_space<vmem>> -> memref<80x128xf32, #tpu.memory_space<vmem>>
      %dma_wait3A_371 = arith.constant 0 : i32
      %dma_wait3A_372 = arith.constant 0 : i32
      %dma_wait3A_373 = tpu.memref_slice %arg9[%dma_wait3A_371, %dma_wait3A_372] : memref<10000x128xf32, #tpu.memory_space<vmem_shared>> -> memref<80x128xf32, #tpu.memory_space<vmem_shared>>
      %dma_wait3A_374 = tpu.memref_slice %arg11[%dma_wait3A_366] : memref<3x!tpu.dma_semaphore, #tpu.memory_space<semaphore_mem>> -> memref<1x!tpu.dma_semaphore, #tpu.memory_space<semaphore_mem>>
      %dma_wait3A_375 = tpu.memref_squeeze %dma_wait3A_374 : memref<1x!tpu.dma_semaphore, #tpu.memory_space<semaphore_mem>> -> memref<!tpu.dma_semaphore, #tpu.memory_space<semaphore_mem>>
      %dma_wait3A_376 = arith.constant 0 : i32
      %dma_wait3A_377 = arith.constant 0 : i32
      %dma_wait3A_378 = tpu.memref_slice %arg9[%dma_wait3A_376, %dma_wait3A_377] : memref<10000x128xf32, #tpu.memory_space<vmem_shared>> -> memref<80x128xf32, #tpu.memory_space<vmem_shared>>
      %dma_wait3A_379 = arith.constant 0 : i32
      %dma_wait3A_380 = arith.constant 0 : i32
      %dma_wait3A_381 = tpu.memref_slice %arg8[%dma_wait3A_365, %dma_wait3A_379, %dma_wait3A_380] : memref<3x80x128xf32, #tpu.memory_space<vmem>> -> memref<1x80x128xf32, #tpu.memory_space<vmem>>
      %dma_wait3A_382 = tpu.memref_squeeze %dma_wait3A_381 : memref<1x80x128xf32, #tpu.memory_space<vmem>> -> memref<80x128xf32, #tpu.memory_space<vmem>>
      tpu.wait_dma2 semaphore(%dma_wait3A_375 : memref<!tpu.dma_semaphore, #tpu.memory_space<semaphore_mem>>) src(%dma_wait3A_382 : memref<80x128xf32, #tpu.memory_space<vmem>>) dst(%dma_wait3A_378 : memref<80x128xf32, #tpu.memory_space<vmem_shared>>)
      %add3A_383 = arith.constant 2 : i32
      %add3A_384 = arith.addi %add3A_350, %add3A_383 : i32
      %mul3A_385 = arith.constant 80 : i32
      %mul3A_386 = arith.muli %add3A_384, %mul3A_385 : i32
      %dma_start3A_387 = arith.constant 0 : i32
      %dma_start3A_388 = arith.constant 0 : i32
      %dma_start3A_389 = arith.constant 0 : i32
      %dma_start3A_390 = arith.constant 0 : i32
      %dma_start3A_391 = tpu.memref_slice %arg8[%dma_start3A_387, %dma_start3A_389, %dma_start3A_390] : memref<3x80x128xf32, #tpu.memory_space<vmem>> -> memref<1x80x128xf32, #tpu.memory_space<vmem>>
      %dma_start3A_392 = tpu.memref_squeeze %dma_start3A_391 : memref<1x80x128xf32, #tpu.memory_space<vmem>> -> memref<80x128xf32, #tpu.memory_space<vmem>>
      %dma_start3A_393 = tpu.memref_slice %arg6[%mul3A_386] : memref<10000xi32, #tpu.memory_space<vmem>> -> memref<80xi32, #tpu.memory_space<vmem>>
      %dma_start3A_394 = arith.constant 0 : i32
      %dma_start3A_395 = arith.constant 0 : i32
      %dma_start3A_396 = tpu.memref_slice %arg2[%dma_start3A_394, %dma_start3A_395] : memref<10000x128xf32, #tpu.memory_space<hbm>> -> memref<10000x128xf32, #tpu.memory_space<hbm>>
      %dma_start3A_397 = tpu.memref_slice %arg10[%dma_start3A_388] : memref<3x!tpu.dma_semaphore, #tpu.memory_space<semaphore_mem>> -> memref<1x!tpu.dma_semaphore, #tpu.memory_space<semaphore_mem>>
      %dma_start3A_398 = tpu.memref_squeeze %dma_start3A_397 : memref<1x!tpu.dma_semaphore, #tpu.memory_space<semaphore_mem>> -> memref<!tpu.dma_semaphore, #tpu.memory_space<semaphore_mem>>
      tpu.enqueue_indirect_dma source(%dma_start3A_396 : memref<10000x128xf32, #tpu.memory_space<hbm>>) target(%dma_start3A_392 : memref<80x128xf32, #tpu.memory_space<vmem>>) offsets(%dma_start3A_393 : memref<80xi32, #tpu.memory_space<vmem>>) semaphore(%dma_start3A_398 : memref<!tpu.dma_semaphore, #tpu.memory_space<semaphore_mem>>)
      %mul3A_399 = arith.constant 80 : i32
      %mul3A_400 = arith.muli %add3A_350, %mul3A_399 : i32
      %dma_start3A_401 = arith.constant 1 : i32
      %dma_start3A_402 = arith.constant 1 : i32
      %dma_start3A_403 = arith.constant 0 : i32
      %dma_start3A_404 = arith.constant 0 : i32
      %dma_start3A_405 = tpu.memref_slice %arg8[%dma_start3A_401, %dma_start3A_403, %dma_start3A_404] : memref<3x80x128xf32, #tpu.memory_space<vmem>> -> memref<1x80x128xf32, #tpu.memory_space<vmem>>
      %dma_start3A_406 = tpu.memref_squeeze %dma_start3A_405 : memref<1x80x128xf32, #tpu.memory_space<vmem>> -> memref<80x128xf32, #tpu.memory_space<vmem>>
      %dma_start3A_407 = tpu.memref_slice %arg7[%mul3A_400] : memref<10000xi32, #tpu.memory_space<vmem>> -> memref<80xi32, #tpu.memory_space<vmem>>
      %dma_start3A_408 = arith.constant 0 : i32
      %dma_start3A_409 = arith.constant 0 : i32
      %dma_start3A_410 = tpu.memref_slice %arg9[%dma_start3A_408, %dma_start3A_409] : memref<10000x128xf32, #tpu.memory_space<vmem_shared>> -> memref<10000x128xf32, #tpu.memory_space<vmem_shared>>
      %dma_start3A_411 = tpu.memref_slice %arg11[%dma_start3A_402] : memref<3x!tpu.dma_semaphore, #tpu.memory_space<semaphore_mem>> -> memref<1x!tpu.dma_semaphore, #tpu.memory_space<semaphore_mem>>
      %dma_start3A_412 = tpu.memref_squeeze %dma_start3A_411 : memref<1x!tpu.dma_semaphore, #tpu.memory_space<semaphore_mem>> -> memref<!tpu.dma_semaphore, #tpu.memory_space<semaphore_mem>>
      tpu.enqueue_indirect_dma source(%dma_start3A_406 : memref<80x128xf32, #tpu.memory_space<vmem>>) target(%dma_start3A_410 : memref<10000x128xf32, #tpu.memory_space<vmem_shared>>) offsets(%dma_start3A_407 : memref<80xi32, #tpu.memory_space<vmem>>) semaphore(%dma_start3A_412 : memref<!tpu.dma_semaphore, #tpu.memory_space<semaphore_mem>>) {add = true}
      %add3A_413 = arith.constant 1 : i32
      %add3A_414 = arith.addi %add3A_348, %add3A_413 : i32
      %mul3A_415 = arith.constant 80 : i32
      %mul3A_416 = arith.muli %add3A_414, %mul3A_415 : i32
      %dma_wait3A_417 = arith.constant 2 : i32
      %dma_wait3A_418 = arith.constant 2 : i32
      %dma_wait3A_419 = arith.constant 0 : i32
      %dma_wait3A_420 = arith.constant 0 : i32
      %dma_wait3A_421 = tpu.memref_slice %arg8[%dma_wait3A_417, %dma_wait3A_419, %dma_wait3A_420] : memref<3x80x128xf32, #tpu.memory_space<vmem>> -> memref<1x80x128xf32, #tpu.memory_space<vmem>>
      %dma_wait3A_422 = tpu.memref_squeeze %dma_wait3A_421 : memref<1x80x128xf32, #tpu.memory_space<vmem>> -> memref<80x128xf32, #tpu.memory_space<vmem>>
      %dma_wait3A_423 = tpu.memref_slice %arg6[%mul3A_416] : memref<10000xi32, #tpu.memory_space<vmem>> -> memref<80xi32, #tpu.memory_space<vmem>>
      %dma_wait3A_424 = arith.constant 0 : i32
      %dma_wait3A_425 = arith.constant 0 : i32
      %dma_wait3A_426 = tpu.memref_slice %arg2[%dma_wait3A_424, %dma_wait3A_425] : memref<10000x128xf32, #tpu.memory_space<hbm>> -> memref<10000x128xf32, #tpu.memory_space<hbm>>
      %dma_wait3A_427 = tpu.memref_slice %arg10[%dma_wait3A_418] : memref<3x!tpu.dma_semaphore, #tpu.memory_space<semaphore_mem>> -> memref<1x!tpu.dma_semaphore, #tpu.memory_space<semaphore_mem>>
      %dma_wait3A_428 = tpu.memref_squeeze %dma_wait3A_427 : memref<1x!tpu.dma_semaphore, #tpu.memory_space<semaphore_mem>> -> memref<!tpu.dma_semaphore, #tpu.memory_space<semaphore_mem>>
      tpu.wait_indirect_dma semaphore(%dma_wait3A_428 : memref<!tpu.dma_semaphore, #tpu.memory_space<semaphore_mem>>) src(%dma_wait3A_426 : memref<10000x128xf32, #tpu.memory_space<hbm>>) dst(%dma_wait3A_422 : memref<80x128xf32, #tpu.memory_space<vmem>>)
      %dma_wait3A_429 = arith.constant 1 : i32
      %dma_wait3A_430 = arith.constant 1 : i32
      %dma_wait3A_431 = arith.constant 0 : i32
      %dma_wait3A_432 = arith.constant 0 : i32
      %dma_wait3A_433 = tpu.memref_slice %arg8[%dma_wait3A_429, %dma_wait3A_431, %dma_wait3A_432] : memref<3x80x128xf32, #tpu.memory_space<vmem>> -> memref<1x80x128xf32, #tpu.memory_space<vmem>>
      %dma_wait3A_434 = tpu.memref_squeeze %dma_wait3A_433 : memref<1x80x128xf32, #tpu.memory_space<vmem>> -> memref<80x128xf32, #tpu.memory_space<vmem>>
      %dma_wait3A_435 = arith.constant 0 : i32
      %dma_wait3A_436 = arith.constant 0 : i32
      %dma_wait3A_437 = tpu.memref_slice %arg9[%dma_wait3A_435, %dma_wait3A_436] : memref<10000x128xf32, #tpu.memory_space<vmem_shared>> -> memref<80x128xf32, #tpu.memory_space<vmem_shared>>
      %dma_wait3A_438 = tpu.memref_slice %arg11[%dma_wait3A_430] : memref<3x!tpu.dma_semaphore, #tpu.memory_space<semaphore_mem>> -> memref<1x!tpu.dma_semaphore, #tpu.memory_space<semaphore_mem>>
      %dma_wait3A_439 = tpu.memref_squeeze %dma_wait3A_438 : memref<1x!tpu.dma_semaphore, #tpu.memory_space<semaphore_mem>> -> memref<!tpu.dma_semaphore, #tpu.memory_space<semaphore_mem>>
      %dma_wait3A_440 = arith.constant 0 : i32
      %dma_wait3A_441 = arith.constant 0 : i32
      %dma_wait3A_442 = tpu.memref_slice %arg9[%dma_wait3A_440, %dma_wait3A_441] : memref<10000x128xf32, #tpu.memory_space<vmem_shared>> -> memref<80x128xf32, #tpu.memory_space<vmem_shared>>
      %dma_wait3A_443 = arith.constant 0 : i32
      %dma_wait3A_444 = arith.constant 0 : i32
      %dma_wait3A_445 = tpu.memref_slice %arg8[%dma_wait3A_429, %dma_wait3A_443, %dma_wait3A_444] : memref<3x80x128xf32, #tpu.memory_space<vmem>> -> memref<1x80x128xf32, #tpu.memory_space<vmem>>
      %dma_wait3A_446 = tpu.memref_squeeze %dma_wait3A_445 : memref<1x80x128xf32, #tpu.memory_space<vmem>> -> memref<80x128xf32, #tpu.memory_space<vmem>>
      tpu.wait_dma2 semaphore(%dma_wait3A_439 : memref<!tpu.dma_semaphore, #tpu.memory_space<semaphore_mem>>) src(%dma_wait3A_446 : memref<80x128xf32, #tpu.memory_space<vmem>>) dst(%dma_wait3A_442 : memref<80x128xf32, #tpu.memory_space<vmem_shared>>)
      %add3A_447 = arith.constant 2 : i32
      %add3A_448 = arith.addi %add3A_414, %add3A_447 : i32
      %mul3A_449 = arith.constant 80 : i32
      %mul3A_450 = arith.muli %add3A_448, %mul3A_449 : i32
      %dma_start3A_451 = arith.constant 1 : i32
      %dma_start3A_452 = arith.constant 1 : i32
      %dma_start3A_453 = arith.constant 0 : i32
      %dma_start3A_454 = arith.constant 0 : i32
      %dma_start3A_455 = tpu.memref_slice %arg8[%dma_start3A_451, %dma_start3A_453, %dma_start3A_454] : memref<3x80x128xf32, #tpu.memory_space<vmem>> -> memref<1x80x128xf32, #tpu.memory_space<vmem>>
      %dma_start3A_456 = tpu.memref_squeeze %dma_start3A_455 : memref<1x80x128xf32, #tpu.memory_space<vmem>> -> memref<80x128xf32, #tpu.memory_space<vmem>>
      %dma_start3A_457 = tpu.memref_slice %arg6[%mul3A_450] : memref<10000xi32, #tpu.memory_space<vmem>> -> memref<80xi32, #tpu.memory_space<vmem>>
      %dma_start3A_458 = arith.constant 0 : i32
      %dma_start3A_459 = arith.constant 0 : i32
      %dma_start3A_460 = tpu.memref_slice %arg2[%dma_start3A_458, %dma_start3A_459] : memref<10000x128xf32, #tpu.memory_space<hbm>> -> memref<10000x128xf32, #tpu.memory_space<hbm>>
      %dma_start3A_461 = tpu.memref_slice %arg10[%dma_start3A_452] : memref<3x!tpu.dma_semaphore, #tpu.memory_space<semaphore_mem>> -> memref<1x!tpu.dma_semaphore, #tpu.memory_space<semaphore_mem>>
      %dma_start3A_462 = tpu.memref_squeeze %dma_start3A_461 : memref<1x!tpu.dma_semaphore, #tpu.memory_space<semaphore_mem>> -> memref<!tpu.dma_semaphore, #tpu.memory_space<semaphore_mem>>
      tpu.enqueue_indirect_dma source(%dma_start3A_460 : memref<10000x128xf32, #tpu.memory_space<hbm>>) target(%dma_start3A_456 : memref<80x128xf32, #tpu.memory_space<vmem>>) offsets(%dma_start3A_457 : memref<80xi32, #tpu.memory_space<vmem>>) semaphore(%dma_start3A_462 : memref<!tpu.dma_semaphore, #tpu.memory_space<semaphore_mem>>)
      %mul3A_463 = arith.constant 80 : i32
      %mul3A_464 = arith.muli %add3A_414, %mul3A_463 : i32
      %dma_start3A_465 = arith.constant 2 : i32
      %dma_start3A_466 = arith.constant 2 : i32
      %dma_start3A_467 = arith.constant 0 : i32
      %dma_start3A_468 = arith.constant 0 : i32
      %dma_start3A_469 = tpu.memref_slice %arg8[%dma_start3A_465, %dma_start3A_467, %dma_start3A_468] : memref<3x80x128xf32, #tpu.memory_space<vmem>> -> memref<1x80x128xf32, #tpu.memory_space<vmem>>
      %dma_start3A_470 = tpu.memref_squeeze %dma_start3A_469 : memref<1x80x128xf32, #tpu.memory_space<vmem>> -> memref<80x128xf32, #tpu.memory_space<vmem>>
      %dma_start3A_471 = tpu.memref_slice %arg7[%mul3A_464] : memref<10000xi32, #tpu.memory_space<vmem>> -> memref<80xi32, #tpu.memory_space<vmem>>
      %dma_start3A_472 = arith.constant 0 : i32
      %dma_start3A_473 = arith.constant 0 : i32
      %dma_start3A_474 = tpu.memref_slice %arg9[%dma_start3A_472, %dma_start3A_473] : memref<10000x128xf32, #tpu.memory_space<vmem_shared>> -> memref<10000x128xf32, #tpu.memory_space<vmem_shared>>
      %dma_start3A_475 = tpu.memref_slice %arg11[%dma_start3A_466] : memref<3x!tpu.dma_semaphore, #tpu.memory_space<semaphore_mem>> -> memref<1x!tpu.dma_semaphore, #tpu.memory_space<semaphore_mem>>
      %dma_start3A_476 = tpu.memref_squeeze %dma_start3A_475 : memref<1x!tpu.dma_semaphore, #tpu.memory_space<semaphore_mem>> -> memref<!tpu.dma_semaphore, #tpu.memory_space<semaphore_mem>>
      tpu.enqueue_indirect_dma source(%dma_start3A_470 : memref<80x128xf32, #tpu.memory_space<vmem>>) target(%dma_start3A_474 : memref<10000x128xf32, #tpu.memory_space<vmem_shared>>) offsets(%dma_start3A_471 : memref<80xi32, #tpu.memory_space<vmem>>) semaphore(%dma_start3A_476 : memref<!tpu.dma_semaphore, #tpu.memory_space<semaphore_mem>>) {add = true}
      %add3A_477 = arith.constant 2 : i32
      %add3A_478 = arith.addi %add3A_348, %add3A_477 : i32
      %mul3A_479 = arith.constant 80 : i32
      %mul3A_480 = arith.muli %add3A_478, %mul3A_479 : i32
      %dma_wait3A_481 = arith.constant 0 : i32
      %dma_wait3A_482 = arith.constant 0 : i32
      %dma_wait3A_483 = arith.constant 0 : i32
      %dma_wait3A_484 = arith.constant 0 : i32
      %dma_wait3A_485 = tpu.memref_slice %arg8[%dma_wait3A_481, %dma_wait3A_483, %dma_wait3A_484] : memref<3x80x128xf32, #tpu.memory_space<vmem>> -> memref<1x80x128xf32, #tpu.memory_space<vmem>>
      %dma_wait3A_486 = tpu.memref_squeeze %dma_wait3A_485 : memref<1x80x128xf32, #tpu.memory_space<vmem>> -> memref<80x128xf32, #tpu.memory_space<vmem>>
      %dma_wait3A_487 = tpu.memref_slice %arg6[%mul3A_480] : memref<10000xi32, #tpu.memory_space<vmem>> -> memref<80xi32, #tpu.memory_space<vmem>>
      %dma_wait3A_488 = arith.constant 0 : i32
      %dma_wait3A_489 = arith.constant 0 : i32
      %dma_wait3A_490 = tpu.memref_slice %arg2[%dma_wait3A_488, %dma_wait3A_489] : memref<10000x128xf32, #tpu.memory_space<hbm>> -> memref<10000x128xf32, #tpu.memory_space<hbm>>
      %dma_wait3A_491 = tpu.memref_slice %arg10[%dma_wait3A_482] : memref<3x!tpu.dma_semaphore, #tpu.memory_space<semaphore_mem>> -> memref<1x!tpu.dma_semaphore, #tpu.memory_space<semaphore_mem>>
      %dma_wait3A_492 = tpu.memref_squeeze %dma_wait3A_491 : memref<1x!tpu.dma_semaphore, #tpu.memory_space<semaphore_mem>> -> memref<!tpu.dma_semaphore, #tpu.memory_space<semaphore_mem>>
      tpu.wait_indirect_dma semaphore(%dma_wait3A_492 : memref<!tpu.dma_semaphore, #tpu.memory_space<semaphore_mem>>) src(%dma_wait3A_490 : memref<10000x128xf32, #tpu.memory_space<hbm>>) dst(%dma_wait3A_486 : memref<80x128xf32, #tpu.memory_space<vmem>>)
      %dma_wait3A_493 = arith.constant 2 : i32
      %dma_wait3A_494 = arith.constant 2 : i32
      %dma_wait3A_495 = arith.constant 0 : i32
      %dma_wait3A_496 = arith.constant 0 : i32
      %dma_wait3A_497 = tpu.memref_slice %arg8[%dma_wait3A_493, %dma_wait3A_495, %dma_wait3A_496] : memref<3x80x128xf32, #tpu.memory_space<vmem>> -> memref<1x80x128xf32, #tpu.memory_space<vmem>>
      %dma_wait3A_498 = tpu.memref_squeeze %dma_wait3A_497 : memref<1x80x128xf32, #tpu.memory_space<vmem>> -> memref<80x128xf32, #tpu.memory_space<vmem>>
      %dma_wait3A_499 = arith.constant 0 : i32
      %dma_wait3A_500 = arith.constant 0 : i32
      %dma_wait3A_501 = tpu.memref_slice %arg9[%dma_wait3A_499, %dma_wait3A_500] : memref<10000x128xf32, #tpu.memory_space<vmem_shared>> -> memref<80x128xf32, #tpu.memory_space<vmem_shared>>
      %dma_wait3A_502 = tpu.memref_slice %arg11[%dma_wait3A_494] : memref<3x!tpu.dma_semaphore, #tpu.memory_space<semaphore_mem>> -> memref<1x!tpu.dma_semaphore, #tpu.memory_space<semaphore_mem>>
      %dma_wait3A_503 = tpu.memref_squeeze %dma_wait3A_502 : memref<1x!tpu.dma_semaphore, #tpu.memory_space<semaphore_mem>> -> memref<!tpu.dma_semaphore, #tpu.memory_space<semaphore_mem>>
      %dma_wait3A_504 = arith.constant 0 : i32
      %dma_wait3A_505 = arith.constant 0 : i32
      %dma_wait3A_506 = tpu.memref_slice %arg9[%dma_wait3A_504, %dma_wait3A_505] : memref<10000x128xf32, #tpu.memory_space<vmem_shared>> -> memref<80x128xf32, #tpu.memory_space<vmem_shared>>
      %dma_wait3A_507 = arith.constant 0 : i32
      %dma_wait3A_508 = arith.constant 0 : i32
      %dma_wait3A_509 = tpu.memref_slice %arg8[%dma_wait3A_493, %dma_wait3A_507, %dma_wait3A_508] : memref<3x80x128xf32, #tpu.memory_space<vmem>> -> memref<1x80x128xf32, #tpu.memory_space<vmem>>
      %dma_wait3A_510 = tpu.memref_squeeze %dma_wait3A_509 : memref<1x80x128xf32, #tpu.memory_space<vmem>> -> memref<80x128xf32, #tpu.memory_space<vmem>>
      tpu.wait_dma2 semaphore(%dma_wait3A_503 : memref<!tpu.dma_semaphore, #tpu.memory_space<semaphore_mem>>) src(%dma_wait3A_510 : memref<80x128xf32, #tpu.memory_space<vmem>>) dst(%dma_wait3A_506 : memref<80x128xf32, #tpu.memory_space<vmem_shared>>)
      %add3A_511 = arith.constant 2 : i32
      %add3A_512 = arith.addi %add3A_478, %add3A_511 : i32
      %mul3A_513 = arith.constant 80 : i32
      %mul3A_514 = arith.muli %add3A_512, %mul3A_513 : i32
      %dma_start3A_515 = arith.constant 2 : i32
      %dma_start3A_516 = arith.constant 2 : i32
      %dma_start3A_517 = arith.constant 0 : i32
      %dma_start3A_518 = arith.constant 0 : i32
      %dma_start3A_519 = tpu.memref_slice %arg8[%dma_start3A_515, %dma_start3A_517, %dma_start3A_518] : memref<3x80x128xf32, #tpu.memory_space<vmem>> -> memref<1x80x128xf32, #tpu.memory_space<vmem>>
      %dma_start3A_520 = tpu.memref_squeeze %dma_start3A_519 : memref<1x80x128xf32, #tpu.memory_space<vmem>> -> memref<80x128xf32, #tpu.memory_space<vmem>>
      %dma_start3A_521 = tpu.memref_slice %arg6[%mul3A_514] : memref<10000xi32, #tpu.memory_space<vmem>> -> memref<80xi32, #tpu.memory_space<vmem>>
      %dma_start3A_522 = arith.constant 0 : i32
      %dma_start3A_523 = arith.constant 0 : i32
      %dma_start3A_524 = tpu.memref_slice %arg2[%dma_start3A_522, %dma_start3A_523] : memref<10000x128xf32, #tpu.memory_space<hbm>> -> memref<10000x128xf32, #tpu.memory_space<hbm>>
      %dma_start3A_525 = tpu.memref_slice %arg10[%dma_start3A_516] : memref<3x!tpu.dma_semaphore, #tpu.memory_space<semaphore_mem>> -> memref<1x!tpu.dma_semaphore, #tpu.memory_space<semaphore_mem>>
      %dma_start3A_526 = tpu.memref_squeeze %dma_start3A_525 : memref<1x!tpu.dma_semaphore, #tpu.memory_space<semaphore_mem>> -> memref<!tpu.dma_semaphore, #tpu.memory_space<semaphore_mem>>
      tpu.enqueue_indirect_dma source(%dma_start3A_524 : memref<10000x128xf32, #tpu.memory_space<hbm>>) target(%dma_start3A_520 : memref<80x128xf32, #tpu.memory_space<vmem>>) offsets(%dma_start3A_521 : memref<80xi32, #tpu.memory_space<vmem>>) semaphore(%dma_start3A_526 : memref<!tpu.dma_semaphore, #tpu.memory_space<semaphore_mem>>)
      %mul3A_527 = arith.constant 80 : i32
      %mul3A_528 = arith.muli %add3A_478, %mul3A_527 : i32
      %dma_start3A_529 = arith.constant 0 : i32
      %dma_start3A_530 = arith.constant 0 : i32
      %dma_start3A_531 = arith.constant 0 : i32
      %dma_start3A_532 = arith.constant 0 : i32
      %dma_start3A_533 = tpu.memref_slice %arg8[%dma_start3A_529, %dma_start3A_531, %dma_start3A_532] : memref<3x80x128xf32, #tpu.memory_space<vmem>> -> memref<1x80x128xf32, #tpu.memory_space<vmem>>
      %dma_start3A_534 = tpu.memref_squeeze %dma_start3A_533 : memref<1x80x128xf32, #tpu.memory_space<vmem>> -> memref<80x128xf32, #tpu.memory_space<vmem>>
      %dma_start3A_535 = tpu.memref_slice %arg7[%mul3A_528] : memref<10000xi32, #tpu.memory_space<vmem>> -> memref<80xi32, #tpu.memory_space<vmem>>
      %dma_start3A_536 = arith.constant 0 : i32
      %dma_start3A_537 = arith.constant 0 : i32
      %dma_start3A_538 = tpu.memref_slice %arg9[%dma_start3A_536, %dma_start3A_537] : memref<10000x128xf32, #tpu.memory_space<vmem_shared>> -> memref<10000x128xf32, #tpu.memory_space<vmem_shared>>
      %dma_start3A_539 = tpu.memref_slice %arg11[%dma_start3A_530] : memref<3x!tpu.dma_semaphore, #tpu.memory_space<semaphore_mem>> -> memref<1x!tpu.dma_semaphore, #tpu.memory_space<semaphore_mem>>
      %dma_start3A_540 = tpu.memref_squeeze %dma_start3A_539 : memref<1x!tpu.dma_semaphore, #tpu.memory_space<semaphore_mem>> -> memref<!tpu.dma_semaphore, #tpu.memory_space<semaphore_mem>>
      tpu.enqueue_indirect_dma source(%dma_start3A_534 : memref<80x128xf32, #tpu.memory_space<vmem>>) target(%dma_start3A_538 : memref<10000x128xf32, #tpu.memory_space<vmem_shared>>) offsets(%dma_start3A_535 : memref<80xi32, #tpu.memory_space<vmem>>) semaphore(%dma_start3A_540 : memref<!tpu.dma_semaphore, #tpu.memory_space<semaphore_mem>>) {add = true}
    }
    %scan3A_113 = arith.constant 40 : i32
    %dma_wait3A_114 = arith.constant 1 : i32
    %dma_wait3A_115 = arith.constant 1 : i32
    %dma_wait3A_116 = arith.constant 0 : i32
    %dma_wait3A_117 = arith.constant 0 : i32
    %dma_wait3A_118 = tpu.memref_slice %arg8[%dma_wait3A_114, %dma_wait3A_116, %dma_wait3A_117] : memref<3x80x128xf32, #tpu.memory_space<vmem>> -> memref<1x80x128xf32, #tpu.memory_space<vmem>>
    %dma_wait3A_119 = tpu.memref_squeeze %dma_wait3A_118 : memref<1x80x128xf32, #tpu.memory_space<vmem>> -> memref<80x128xf32, #tpu.memory_space<vmem>>
    %dma_wait3A_120 = arith.constant 9680 : i32
    %dma_wait3A_121 = tpu.memref_slice %arg6[%dma_wait3A_120] : memref<10000xi32, #tpu.memory_space<vmem>> -> memref<80xi32, #tpu.memory_space<vmem>>
    %dma_wait3A_122 = arith.constant 0 : i32
    %dma_wait3A_123 = arith.constant 0 : i32
    %dma_wait3A_124 = tpu.memref_slice %arg2[%dma_wait3A_122, %dma_wait3A_123] : memref<10000x128xf32, #tpu.memory_space<hbm>> -> memref<10000x128xf32, #tpu.memory_space<hbm>>
    %dma_wait3A_125 = tpu.memref_slice %arg10[%dma_wait3A_115] : memref<3x!tpu.dma_semaphore, #tpu.memory_space<semaphore_mem>> -> memref<1x!tpu.dma_semaphore, #tpu.memory_space<semaphore_mem>>
    %dma_wait3A_126 = tpu.memref_squeeze %dma_wait3A_125 : memref<1x!tpu.dma_semaphore, #tpu.memory_space<semaphore_mem>> -> memref<!tpu.dma_semaphore, #tpu.memory_space<semaphore_mem>>
    tpu.wait_indirect_dma semaphore(%dma_wait3A_126 : memref<!tpu.dma_semaphore, #tpu.memory_space<semaphore_mem>>) src(%dma_wait3A_124 : memref<10000x128xf32, #tpu.memory_space<hbm>>) dst(%dma_wait3A_119 : memref<80x128xf32, #tpu.memory_space<vmem>>)
    %dma_wait3A_127 = arith.constant 0 : i32
    %dma_wait3A_128 = arith.constant 0 : i32
    %dma_wait3A_129 = arith.constant 0 : i32
    %dma_wait3A_130 = arith.constant 0 : i32
    %dma_wait3A_131 = tpu.memref_slice %arg8[%dma_wait3A_127, %dma_wait3A_129, %dma_wait3A_130] : memref<3x80x128xf32, #tpu.memory_space<vmem>> -> memref<1x80x128xf32, #tpu.memory_space<vmem>>
    %dma_wait3A_132 = tpu.memref_squeeze %dma_wait3A_131 : memref<1x80x128xf32, #tpu.memory_space<vmem>> -> memref<80x128xf32, #tpu.memory_space<vmem>>
    %dma_wait3A_133 = arith.constant 0 : i32
    %dma_wait3A_134 = arith.constant 0 : i32
    %dma_wait3A_135 = tpu.memref_slice %arg9[%dma_wait3A_133, %dma_wait3A_134] : memref<10000x128xf32, #tpu.memory_space<vmem_shared>> -> memref<80x128xf32, #tpu.memory_space<vmem_shared>>
    %dma_wait3A_136 = tpu.memref_slice %arg11[%dma_wait3A_128] : memref<3x!tpu.dma_semaphore, #tpu.memory_space<semaphore_mem>> -> memref<1x!tpu.dma_semaphore, #tpu.memory_space<semaphore_mem>>
    %dma_wait3A_137 = tpu.memref_squeeze %dma_wait3A_136 : memref<1x!tpu.dma_semaphore, #tpu.memory_space<semaphore_mem>> -> memref<!tpu.dma_semaphore, #tpu.memory_space<semaphore_mem>>
    %dma_wait3A_138 = arith.constant 0 : i32
    %dma_wait3A_139 = arith.constant 0 : i32
    %dma_wait3A_140 = tpu.memref_slice %arg9[%dma_wait3A_138, %dma_wait3A_139] : memref<10000x128xf32, #tpu.memory_space<vmem_shared>> -> memref<80x128xf32, #tpu.memory_space<vmem_shared>>
    %dma_wait3A_141 = arith.constant 0 : i32
    %dma_wait3A_142 = arith.constant 0 : i32
    %dma_wait3A_143 = tpu.memref_slice %arg8[%dma_wait3A_127, %dma_wait3A_141, %dma_wait3A_142] : memref<3x80x128xf32, #tpu.memory_space<vmem>> -> memref<1x80x128xf32, #tpu.memory_space<vmem>>
    %dma_wait3A_144 = tpu.memref_squeeze %dma_wait3A_143 : memref<1x80x128xf32, #tpu.memory_space<vmem>> -> memref<80x128xf32, #tpu.memory_space<vmem>>
    tpu.wait_dma2 semaphore(%dma_wait3A_137 : memref<!tpu.dma_semaphore, #tpu.memory_space<semaphore_mem>>) src(%dma_wait3A_144 : memref<80x128xf32, #tpu.memory_space<vmem>>) dst(%dma_wait3A_140 : memref<80x128xf32, #tpu.memory_space<vmem_shared>>)
    %dma_start3A_145 = arith.constant 0 : i32
    %dma_start3A_146 = arith.constant 0 : i32
    %dma_start3A_147 = arith.constant 0 : i32
    %dma_start3A_148 = arith.constant 0 : i32
    %dma_start3A_149 = tpu.memref_slice %arg8[%dma_start3A_145, %dma_start3A_147, %dma_start3A_148] : memref<3x80x128xf32, #tpu.memory_space<vmem>> -> memref<1x80x128xf32, #tpu.memory_space<vmem>>
    %dma_start3A_150 = tpu.memref_squeeze %dma_start3A_149 : memref<1x80x128xf32, #tpu.memory_space<vmem>> -> memref<80x128xf32, #tpu.memory_space<vmem>>
    %dma_start3A_151 = arith.constant 9840 : i32
    %dma_start3A_152 = tpu.memref_slice %arg6[%dma_start3A_151] : memref<10000xi32, #tpu.memory_space<vmem>> -> memref<80xi32, #tpu.memory_space<vmem>>
    %dma_start3A_153 = arith.constant 0 : i32
    %dma_start3A_154 = arith.constant 0 : i32
    %dma_start3A_155 = tpu.memref_slice %arg2[%dma_start3A_153, %dma_start3A_154] : memref<10000x128xf32, #tpu.memory_space<hbm>> -> memref<10000x128xf32, #tpu.memory_space<hbm>>
    %dma_start3A_156 = tpu.memref_slice %arg10[%dma_start3A_146] : memref<3x!tpu.dma_semaphore, #tpu.memory_space<semaphore_mem>> -> memref<1x!tpu.dma_semaphore, #tpu.memory_space<semaphore_mem>>
    %dma_start3A_157 = tpu.memref_squeeze %dma_start3A_156 : memref<1x!tpu.dma_semaphore, #tpu.memory_space<semaphore_mem>> -> memref<!tpu.dma_semaphore, #tpu.memory_space<semaphore_mem>>
    tpu.enqueue_indirect_dma source(%dma_start3A_155 : memref<10000x128xf32, #tpu.memory_space<hbm>>) target(%dma_start3A_150 : memref<80x128xf32, #tpu.memory_space<vmem>>) offsets(%dma_start3A_152 : memref<80xi32, #tpu.memory_space<vmem>>) semaphore(%dma_start3A_157 : memref<!tpu.dma_semaphore, #tpu.memory_space<semaphore_mem>>)
    %dma_start3A_158 = arith.constant 1 : i32
    %dma_start3A_159 = arith.constant 1 : i32
    %dma_start3A_160 = arith.constant 0 : i32
    %dma_start3A_161 = arith.constant 0 : i32
    %dma_start3A_162 = tpu.memref_slice %arg8[%dma_start3A_158, %dma_start3A_160, %dma_start3A_161] : memref<3x80x128xf32, #tpu.memory_space<vmem>> -> memref<1x80x128xf32, #tpu.memory_space<vmem>>
    %dma_start3A_163 = tpu.memref_squeeze %dma_start3A_162 : memref<1x80x128xf32, #tpu.memory_space<vmem>> -> memref<80x128xf32, #tpu.memory_space<vmem>>
    %dma_start3A_164 = arith.constant 9680 : i32
    %dma_start3A_165 = tpu.memref_slice %arg7[%dma_start3A_164] : memref<10000xi32, #tpu.memory_space<vmem>> -> memref<80xi32, #tpu.memory_space<vmem>>
    %dma_start3A_166 = arith.constant 0 : i32
    %dma_start3A_167 = arith.constant 0 : i32
    %dma_start3A_168 = tpu.memref_slice %arg9[%dma_start3A_166, %dma_start3A_167] : memref<10000x128xf32, #tpu.memory_space<vmem_shared>> -> memref<10000x128xf32, #tpu.memory_space<vmem_shared>>
    %dma_start3A_169 = tpu.memref_slice %arg11[%dma_start3A_159] : memref<3x!tpu.dma_semaphore, #tpu.memory_space<semaphore_mem>> -> memref<1x!tpu.dma_semaphore, #tpu.memory_space<semaphore_mem>>
    %dma_start3A_170 = tpu.memref_squeeze %dma_start3A_169 : memref<1x!tpu.dma_semaphore, #tpu.memory_space<semaphore_mem>> -> memref<!tpu.dma_semaphore, #tpu.memory_space<semaphore_mem>>
    tpu.enqueue_indirect_dma source(%dma_start3A_163 : memref<80x128xf32, #tpu.memory_space<vmem>>) target(%dma_start3A_168 : memref<10000x128xf32, #tpu.memory_space<vmem_shared>>) offsets(%dma_start3A_165 : memref<80xi32, #tpu.memory_space<vmem>>) semaphore(%dma_start3A_170 : memref<!tpu.dma_semaphore, #tpu.memory_space<semaphore_mem>>) {add = true}
    %dma_wait3A_171 = arith.constant 2 : i32
    %dma_wait3A_172 = arith.constant 2 : i32
    %dma_wait3A_173 = arith.constant 0 : i32
    %dma_wait3A_174 = arith.constant 0 : i32
    %dma_wait3A_175 = tpu.memref_slice %arg8[%dma_wait3A_171, %dma_wait3A_173, %dma_wait3A_174] : memref<3x80x128xf32, #tpu.memory_space<vmem>> -> memref<1x80x128xf32, #tpu.memory_space<vmem>>
    %dma_wait3A_176 = tpu.memref_squeeze %dma_wait3A_175 : memref<1x80x128xf32, #tpu.memory_space<vmem>> -> memref<80x128xf32, #tpu.memory_space<vmem>>
    %dma_wait3A_177 = arith.constant 9760 : i32
    %dma_wait3A_178 = tpu.memref_slice %arg6[%dma_wait3A_177] : memref<10000xi32, #tpu.memory_space<vmem>> -> memref<80xi32, #tpu.memory_space<vmem>>
    %dma_wait3A_179 = arith.constant 0 : i32
    %dma_wait3A_180 = arith.constant 0 : i32
    %dma_wait3A_181 = tpu.memref_slice %arg2[%dma_wait3A_179, %dma_wait3A_180] : memref<10000x128xf32, #tpu.memory_space<hbm>> -> memref<10000x128xf32, #tpu.memory_space<hbm>>
    %dma_wait3A_182 = tpu.memref_slice %arg10[%dma_wait3A_172] : memref<3x!tpu.dma_semaphore, #tpu.memory_space<semaphore_mem>> -> memref<1x!tpu.dma_semaphore, #tpu.memory_space<semaphore_mem>>
    %dma_wait3A_183 = tpu.memref_squeeze %dma_wait3A_182 : memref<1x!tpu.dma_semaphore, #tpu.memory_space<semaphore_mem>> -> memref<!tpu.dma_semaphore, #tpu.memory_space<semaphore_mem>>
    tpu.wait_indirect_dma semaphore(%dma_wait3A_183 : memref<!tpu.dma_semaphore, #tpu.memory_space<semaphore_mem>>) src(%dma_wait3A_181 : memref<10000x128xf32, #tpu.memory_space<hbm>>) dst(%dma_wait3A_176 : memref<80x128xf32, #tpu.memory_space<vmem>>)
    %dma_wait3A_184 = arith.constant 1 : i32
    %dma_wait3A_185 = arith.constant 1 : i32
    %dma_wait3A_186 = arith.constant 0 : i32
    %dma_wait3A_187 = arith.constant 0 : i32
    %dma_wait3A_188 = tpu.memref_slice %arg8[%dma_wait3A_184, %dma_wait3A_186, %dma_wait3A_187] : memref<3x80x128xf32, #tpu.memory_space<vmem>> -> memref<1x80x128xf32, #tpu.memory_space<vmem>>
    %dma_wait3A_189 = tpu.memref_squeeze %dma_wait3A_188 : memref<1x80x128xf32, #tpu.memory_space<vmem>> -> memref<80x128xf32, #tpu.memory_space<vmem>>
    %dma_wait3A_190 = arith.constant 0 : i32
    %dma_wait3A_191 = arith.constant 0 : i32
    %dma_wait3A_192 = tpu.memref_slice %arg9[%dma_wait3A_190, %dma_wait3A_191] : memref<10000x128xf32, #tpu.memory_space<vmem_shared>> -> memref<80x128xf32, #tpu.memory_space<vmem_shared>>
    %dma_wait3A_193 = tpu.memref_slice %arg11[%dma_wait3A_185] : memref<3x!tpu.dma_semaphore, #tpu.memory_space<semaphore_mem>> -> memref<1x!tpu.dma_semaphore, #tpu.memory_space<semaphore_mem>>
    %dma_wait3A_194 = tpu.memref_squeeze %dma_wait3A_193 : memref<1x!tpu.dma_semaphore, #tpu.memory_space<semaphore_mem>> -> memref<!tpu.dma_semaphore, #tpu.memory_space<semaphore_mem>>
    %dma_wait3A_195 = arith.constant 0 : i32
    %dma_wait3A_196 = arith.constant 0 : i32
    %dma_wait3A_197 = tpu.memref_slice %arg9[%dma_wait3A_195, %dma_wait3A_196] : memref<10000x128xf32, #tpu.memory_space<vmem_shared>> -> memref<80x128xf32, #tpu.memory_space<vmem_shared>>
    %dma_wait3A_198 = arith.constant 0 : i32
    %dma_wait3A_199 = arith.constant 0 : i32
    %dma_wait3A_200 = tpu.memref_slice %arg8[%dma_wait3A_184, %dma_wait3A_198, %dma_wait3A_199] : memref<3x80x128xf32, #tpu.memory_space<vmem>> -> memref<1x80x128xf32, #tpu.memory_space<vmem>>
    %dma_wait3A_201 = tpu.memref_squeeze %dma_wait3A_200 : memref<1x80x128xf32, #tpu.memory_space<vmem>> -> memref<80x128xf32, #tpu.memory_space<vmem>>
    tpu.wait_dma2 semaphore(%dma_wait3A_194 : memref<!tpu.dma_semaphore, #tpu.memory_space<semaphore_mem>>) src(%dma_wait3A_201 : memref<80x128xf32, #tpu.memory_space<vmem>>) dst(%dma_wait3A_197 : memref<80x128xf32, #tpu.memory_space<vmem_shared>>)
    %dma_start3A_202 = arith.constant 1 : i32
    %dma_start3A_203 = arith.constant 1 : i32
    %dma_start3A_204 = arith.constant 0 : i32
    %dma_start3A_205 = arith.constant 0 : i32
    %dma_start3A_206 = tpu.memref_slice %arg8[%dma_start3A_202, %dma_start3A_204, %dma_start3A_205] : memref<3x80x128xf32, #tpu.memory_space<vmem>> -> memref<1x80x128xf32, #tpu.memory_space<vmem>>
    %dma_start3A_207 = tpu.memref_squeeze %dma_start3A_206 : memref<1x80x128xf32, #tpu.memory_space<vmem>> -> memref<80x128xf32, #tpu.memory_space<vmem>>
    %dma_start3A_208 = arith.constant 9920 : i32
    %dma_start3A_209 = tpu.memref_slice %arg6[%dma_start3A_208] : memref<10000xi32, #tpu.memory_space<vmem>> -> memref<80xi32, #tpu.memory_space<vmem>>
    %dma_start3A_210 = arith.constant 0 : i32
    %dma_start3A_211 = arith.constant 0 : i32
    %dma_start3A_212 = tpu.memref_slice %arg2[%dma_start3A_210, %dma_start3A_211] : memref<10000x128xf32, #tpu.memory_space<hbm>> -> memref<10000x128xf32, #tpu.memory_space<hbm>>
    %dma_start3A_213 = tpu.memref_slice %arg10[%dma_start3A_203] : memref<3x!tpu.dma_semaphore, #tpu.memory_space<semaphore_mem>> -> memref<1x!tpu.dma_semaphore, #tpu.memory_space<semaphore_mem>>
    %dma_start3A_214 = tpu.memref_squeeze %dma_start3A_213 : memref<1x!tpu.dma_semaphore, #tpu.memory_space<semaphore_mem>> -> memref<!tpu.dma_semaphore, #tpu.memory_space<semaphore_mem>>
    tpu.enqueue_indirect_dma source(%dma_start3A_212 : memref<10000x128xf32, #tpu.memory_space<hbm>>) target(%dma_start3A_207 : memref<80x128xf32, #tpu.memory_space<vmem>>) offsets(%dma_start3A_209 : memref<80xi32, #tpu.memory_space<vmem>>) semaphore(%dma_start3A_214 : memref<!tpu.dma_semaphore, #tpu.memory_space<semaphore_mem>>)
    %dma_start3A_215 = arith.constant 2 : i32
    %dma_start3A_216 = arith.constant 2 : i32
    %dma_start3A_217 = arith.constant 0 : i32
    %dma_start3A_218 = arith.constant 0 : i32
    %dma_start3A_219 = tpu.memref_slice %arg8[%dma_start3A_215, %dma_start3A_217, %dma_start3A_218] : memref<3x80x128xf32, #tpu.memory_space<vmem>> -> memref<1x80x128xf32, #tpu.memory_space<vmem>>
    %dma_start3A_220 = tpu.memref_squeeze %dma_start3A_219 : memref<1x80x128xf32, #tpu.memory_space<vmem>> -> memref<80x128xf32, #tpu.memory_space<vmem>>
    %dma_start3A_221 = arith.constant 9760 : i32
    %dma_start3A_222 = tpu.memref_slice %arg7[%dma_start3A_221] : memref<10000xi32, #tpu.memory_space<vmem>> -> memref<80xi32, #tpu.memory_space<vmem>>
    %dma_start3A_223 = arith.constant 0 : i32
    %dma_start3A_224 = arith.constant 0 : i32
    %dma_start3A_225 = tpu.memref_slice %arg9[%dma_start3A_223, %dma_start3A_224] : memref<10000x128xf32, #tpu.memory_space<vmem_shared>> -> memref<10000x128xf32, #tpu.memory_space<vmem_shared>>
    %dma_start3A_226 = tpu.memref_slice %arg11[%dma_start3A_216] : memref<3x!tpu.dma_semaphore, #tpu.memory_space<semaphore_mem>> -> memref<1x!tpu.dma_semaphore, #tpu.memory_space<semaphore_mem>>
    %dma_start3A_227 = tpu.memref_squeeze %dma_start3A_226 : memref<1x!tpu.dma_semaphore, #tpu.memory_space<semaphore_mem>> -> memref<!tpu.dma_semaphore, #tpu.memory_space<semaphore_mem>>
    tpu.enqueue_indirect_dma source(%dma_start3A_220 : memref<80x128xf32, #tpu.memory_space<vmem>>) target(%dma_start3A_225 : memref<10000x128xf32, #tpu.memory_space<vmem_shared>>) offsets(%dma_start3A_222 : memref<80xi32, #tpu.memory_space<vmem>>) semaphore(%dma_start3A_227 : memref<!tpu.dma_semaphore, #tpu.memory_space<semaphore_mem>>) {add = true}
    %dma_wait3A_228 = arith.constant 0 : i32
    %dma_wait3A_229 = arith.constant 0 : i32
    %dma_wait3A_230 = arith.constant 0 : i32
    %dma_wait3A_231 = arith.constant 0 : i32
    %dma_wait3A_232 = tpu.memref_slice %arg8[%dma_wait3A_228, %dma_wait3A_230, %dma_wait3A_231] : memref<3x80x128xf32, #tpu.memory_space<vmem>> -> memref<1x80x128xf32, #tpu.memory_space<vmem>>
    %dma_wait3A_233 = tpu.memref_squeeze %dma_wait3A_232 : memref<1x80x128xf32, #tpu.memory_space<vmem>> -> memref<80x128xf32, #tpu.memory_space<vmem>>
    %dma_wait3A_234 = arith.constant 9840 : i32
    %dma_wait3A_235 = tpu.memref_slice %arg6[%dma_wait3A_234] : memref<10000xi32, #tpu.memory_space<vmem>> -> memref<80xi32, #tpu.memory_space<vmem>>
    %dma_wait3A_236 = arith.constant 0 : i32
    %dma_wait3A_237 = arith.constant 0 : i32
    %dma_wait3A_238 = tpu.memref_slice %arg2[%dma_wait3A_236, %dma_wait3A_237] : memref<10000x128xf32, #tpu.memory_space<hbm>> -> memref<10000x128xf32, #tpu.memory_space<hbm>>
    %dma_wait3A_239 = tpu.memref_slice %arg10[%dma_wait3A_229] : memref<3x!tpu.dma_semaphore, #tpu.memory_space<semaphore_mem>> -> memref<1x!tpu.dma_semaphore, #tpu.memory_space<semaphore_mem>>
    %dma_wait3A_240 = tpu.memref_squeeze %dma_wait3A_239 : memref<1x!tpu.dma_semaphore, #tpu.memory_space<semaphore_mem>> -> memref<!tpu.dma_semaphore, #tpu.memory_space<semaphore_mem>>
    tpu.wait_indirect_dma semaphore(%dma_wait3A_240 : memref<!tpu.dma_semaphore, #tpu.memory_space<semaphore_mem>>) src(%dma_wait3A_238 : memref<10000x128xf32, #tpu.memory_space<hbm>>) dst(%dma_wait3A_233 : memref<80x128xf32, #tpu.memory_space<vmem>>)
    %dma_wait3A_241 = arith.constant 2 : i32
    %dma_wait3A_242 = arith.constant 2 : i32
    %dma_wait3A_243 = arith.constant 0 : i32
    %dma_wait3A_244 = arith.constant 0 : i32
    %dma_wait3A_245 = tpu.memref_slice %arg8[%dma_wait3A_241, %dma_wait3A_243, %dma_wait3A_244] : memref<3x80x128xf32, #tpu.memory_space<vmem>> -> memref<1x80x128xf32, #tpu.memory_space<vmem>>
    %dma_wait3A_246 = tpu.memref_squeeze %dma_wait3A_245 : memref<1x80x128xf32, #tpu.memory_space<vmem>> -> memref<80x128xf32, #tpu.memory_space<vmem>>
    %dma_wait3A_247 = arith.constant 0 : i32
    %dma_wait3A_248 = arith.constant 0 : i32
    %dma_wait3A_249 = tpu.memref_slice %arg9[%dma_wait3A_247, %dma_wait3A_248] : memref<10000x128xf32, #tpu.memory_space<vmem_shared>> -> memref<80x128xf32, #tpu.memory_space<vmem_shared>>
    %dma_wait3A_250 = tpu.memref_slice %arg11[%dma_wait3A_242] : memref<3x!tpu.dma_semaphore, #tpu.memory_space<semaphore_mem>> -> memref<1x!tpu.dma_semaphore, #tpu.memory_space<semaphore_mem>>
    %dma_wait3A_251 = tpu.memref_squeeze %dma_wait3A_250 : memref<1x!tpu.dma_semaphore, #tpu.memory_space<semaphore_mem>> -> memref<!tpu.dma_semaphore, #tpu.memory_space<semaphore_mem>>
    %dma_wait3A_252 = arith.constant 0 : i32
    %dma_wait3A_253 = arith.constant 0 : i32
    %dma_wait3A_254 = tpu.memref_slice %arg9[%dma_wait3A_252, %dma_wait3A_253] : memref<10000x128xf32, #tpu.memory_space<vmem_shared>> -> memref<80x128xf32, #tpu.memory_space<vmem_shared>>
    %dma_wait3A_255 = arith.constant 0 : i32
    %dma_wait3A_256 = arith.constant 0 : i32
    %dma_wait3A_257 = tpu.memref_slice %arg8[%dma_wait3A_241, %dma_wait3A_255, %dma_wait3A_256] : memref<3x80x128xf32, #tpu.memory_space<vmem>> -> memref<1x80x128xf32, #tpu.memory_space<vmem>>
    %dma_wait3A_258 = tpu.memref_squeeze %dma_wait3A_257 : memref<1x80x128xf32, #tpu.memory_space<vmem>> -> memref<80x128xf32, #tpu.memory_space<vmem>>
    tpu.wait_dma2 semaphore(%dma_wait3A_251 : memref<!tpu.dma_semaphore, #tpu.memory_space<semaphore_mem>>) src(%dma_wait3A_258 : memref<80x128xf32, #tpu.memory_space<vmem>>) dst(%dma_wait3A_254 : memref<80x128xf32, #tpu.memory_space<vmem_shared>>)
    %dma_start3A_259 = arith.constant 0 : i32
    %dma_start3A_260 = arith.constant 0 : i32
    %dma_start3A_261 = arith.constant 0 : i32
    %dma_start3A_262 = arith.constant 0 : i32
    %dma_start3A_263 = tpu.memref_slice %arg8[%dma_start3A_259, %dma_start3A_261, %dma_start3A_262] : memref<3x80x128xf32, #tpu.memory_space<vmem>> -> memref<1x80x128xf32, #tpu.memory_space<vmem>>
    %dma_start3A_264 = tpu.memref_squeeze %dma_start3A_263 : memref<1x80x128xf32, #tpu.memory_space<vmem>> -> memref<80x128xf32, #tpu.memory_space<vmem>>
    %dma_start3A_265 = arith.constant 9840 : i32
    %dma_start3A_266 = tpu.memref_slice %arg7[%dma_start3A_265] : memref<10000xi32, #tpu.memory_space<vmem>> -> memref<80xi32, #tpu.memory_space<vmem>>
    %dma_start3A_267 = arith.constant 0 : i32
    %dma_start3A_268 = arith.constant 0 : i32
    %dma_start3A_269 = tpu.memref_slice %arg9[%dma_start3A_267, %dma_start3A_268] : memref<10000x128xf32, #tpu.memory_space<vmem_shared>> -> memref<10000x128xf32, #tpu.memory_space<vmem_shared>>
    %dma_start3A_270 = tpu.memref_slice %arg11[%dma_start3A_260] : memref<3x!tpu.dma_semaphore, #tpu.memory_space<semaphore_mem>> -> memref<1x!tpu.dma_semaphore, #tpu.memory_space<semaphore_mem>>
    %dma_start3A_271 = tpu.memref_squeeze %dma_start3A_270 : memref<1x!tpu.dma_semaphore, #tpu.memory_space<semaphore_mem>> -> memref<!tpu.dma_semaphore, #tpu.memory_space<semaphore_mem>>
    tpu.enqueue_indirect_dma source(%dma_start3A_264 : memref<80x128xf32, #tpu.memory_space<vmem>>) target(%dma_start3A_269 : memref<10000x128xf32, #tpu.memory_space<vmem_shared>>) offsets(%dma_start3A_266 : memref<80xi32, #tpu.memory_space<vmem>>) semaphore(%dma_start3A_271 : memref<!tpu.dma_semaphore, #tpu.memory_space<semaphore_mem>>) {add = true}
    %dma_wait3A_272 = arith.constant 1 : i32
    %dma_wait3A_273 = arith.constant 1 : i32
    %dma_wait3A_274 = arith.constant 0 : i32
    %dma_wait3A_275 = arith.constant 0 : i32
    %dma_wait3A_276 = tpu.memref_slice %arg8[%dma_wait3A_272, %dma_wait3A_274, %dma_wait3A_275] : memref<3x80x128xf32, #tpu.memory_space<vmem>> -> memref<1x80x128xf32, #tpu.memory_space<vmem>>
    %dma_wait3A_277 = tpu.memref_squeeze %dma_wait3A_276 : memref<1x80x128xf32, #tpu.memory_space<vmem>> -> memref<80x128xf32, #tpu.memory_space<vmem>>
    %dma_wait3A_278 = arith.constant 9920 : i32
    %dma_wait3A_279 = tpu.memref_slice %arg6[%dma_wait3A_278] : memref<10000xi32, #tpu.memory_space<vmem>> -> memref<80xi32, #tpu.memory_space<vmem>>
    %dma_wait3A_280 = arith.constant 0 : i32
    %dma_wait3A_281 = arith.constant 0 : i32
    %dma_wait3A_282 = tpu.memref_slice %arg2[%dma_wait3A_280, %dma_wait3A_281] : memref<10000x128xf32, #tpu.memory_space<hbm>> -> memref<10000x128xf32, #tpu.memory_space<hbm>>
    %dma_wait3A_283 = tpu.memref_slice %arg10[%dma_wait3A_273] : memref<3x!tpu.dma_semaphore, #tpu.memory_space<semaphore_mem>> -> memref<1x!tpu.dma_semaphore, #tpu.memory_space<semaphore_mem>>
    %dma_wait3A_284 = tpu.memref_squeeze %dma_wait3A_283 : memref<1x!tpu.dma_semaphore, #tpu.memory_space<semaphore_mem>> -> memref<!tpu.dma_semaphore, #tpu.memory_space<semaphore_mem>>
    tpu.wait_indirect_dma semaphore(%dma_wait3A_284 : memref<!tpu.dma_semaphore, #tpu.memory_space<semaphore_mem>>) src(%dma_wait3A_282 : memref<10000x128xf32, #tpu.memory_space<hbm>>) dst(%dma_wait3A_277 : memref<80x128xf32, #tpu.memory_space<vmem>>)
    %dma_wait3A_285 = arith.constant 0 : i32
    %dma_wait3A_286 = arith.constant 0 : i32
    %dma_wait3A_287 = arith.constant 0 : i32
    %dma_wait3A_288 = arith.constant 0 : i32
    %dma_wait3A_289 = tpu.memref_slice %arg8[%dma_wait3A_285, %dma_wait3A_287, %dma_wait3A_288] : memref<3x80x128xf32, #tpu.memory_space<vmem>> -> memref<1x80x128xf32, #tpu.memory_space<vmem>>
    %dma_wait3A_290 = tpu.memref_squeeze %dma_wait3A_289 : memref<1x80x128xf32, #tpu.memory_space<vmem>> -> memref<80x128xf32, #tpu.memory_space<vmem>>
    %dma_wait3A_291 = arith.constant 0 : i32
    %dma_wait3A_292 = arith.constant 0 : i32
    %dma_wait3A_293 = tpu.memref_slice %arg9[%dma_wait3A_291, %dma_wait3A_292] : memref<10000x128xf32, #tpu.memory_space<vmem_shared>> -> memref<80x128xf32, #tpu.memory_space<vmem_shared>>
    %dma_wait3A_294 = tpu.memref_slice %arg11[%dma_wait3A_286] : memref<3x!tpu.dma_semaphore, #tpu.memory_space<semaphore_mem>> -> memref<1x!tpu.dma_semaphore, #tpu.memory_space<semaphore_mem>>
    %dma_wait3A_295 = tpu.memref_squeeze %dma_wait3A_294 : memref<1x!tpu.dma_semaphore, #tpu.memory_space<semaphore_mem>> -> memref<!tpu.dma_semaphore, #tpu.memory_space<semaphore_mem>>
    %dma_wait3A_296 = arith.constant 0 : i32
    %dma_wait3A_297 = arith.constant 0 : i32
    %dma_wait3A_298 = tpu.memref_slice %arg9[%dma_wait3A_296, %dma_wait3A_297] : memref<10000x128xf32, #tpu.memory_space<vmem_shared>> -> memref<80x128xf32, #tpu.memory_space<vmem_shared>>
    %dma_wait3A_299 = arith.constant 0 : i32
    %dma_wait3A_300 = arith.constant 0 : i32
    %dma_wait3A_301 = tpu.memref_slice %arg8[%dma_wait3A_285, %dma_wait3A_299, %dma_wait3A_300] : memref<3x80x128xf32, #tpu.memory_space<vmem>> -> memref<1x80x128xf32, #tpu.memory_space<vmem>>
    %dma_wait3A_302 = tpu.memref_squeeze %dma_wait3A_301 : memref<1x80x128xf32, #tpu.memory_space<vmem>> -> memref<80x128xf32, #tpu.memory_space<vmem>>
    tpu.wait_dma2 semaphore(%dma_wait3A_295 : memref<!tpu.dma_semaphore, #tpu.memory_space<semaphore_mem>>) src(%dma_wait3A_302 : memref<80x128xf32, #tpu.memory_space<vmem>>) dst(%dma_wait3A_298 : memref<80x128xf32, #tpu.memory_space<vmem_shared>>)
    %dma_start3A_303 = arith.constant 1 : i32
    %dma_start3A_304 = arith.constant 1 : i32
    %dma_start3A_305 = arith.constant 0 : i32
    %dma_start3A_306 = arith.constant 0 : i32
    %dma_start3A_307 = tpu.memref_slice %arg8[%dma_start3A_303, %dma_start3A_305, %dma_start3A_306] : memref<3x80x128xf32, #tpu.memory_space<vmem>> -> memref<1x80x128xf32, #tpu.memory_space<vmem>>
    %dma_start3A_308 = tpu.memref_squeeze %dma_start3A_307 : memref<1x80x128xf32, #tpu.memory_space<vmem>> -> memref<80x128xf32, #tpu.memory_space<vmem>>
    %dma_start3A_309 = arith.constant 9920 : i32
    %dma_start3A_310 = tpu.memref_slice %arg7[%dma_start3A_309] : memref<10000xi32, #tpu.memory_space<vmem>> -> memref<80xi32, #tpu.memory_space<vmem>>
    %dma_start3A_311 = arith.constant 0 : i32
    %dma_start3A_312 = arith.constant 0 : i32
    %dma_start3A_313 = tpu.memref_slice %arg9[%dma_start3A_311, %dma_start3A_312] : memref<10000x128xf32, #tpu.memory_space<vmem_shared>> -> memref<10000x128xf32, #tpu.memory_space<vmem_shared>>
    %dma_start3A_314 = tpu.memref_slice %arg11[%dma_start3A_304] : memref<3x!tpu.dma_semaphore, #tpu.memory_space<semaphore_mem>> -> memref<1x!tpu.dma_semaphore, #tpu.memory_space<semaphore_mem>>
    %dma_start3A_315 = tpu.memref_squeeze %dma_start3A_314 : memref<1x!tpu.dma_semaphore, #tpu.memory_space<semaphore_mem>> -> memref<!tpu.dma_semaphore, #tpu.memory_space<semaphore_mem>>
    tpu.enqueue_indirect_dma source(%dma_start3A_308 : memref<80x128xf32, #tpu.memory_space<vmem>>) target(%dma_start3A_313 : memref<10000x128xf32, #tpu.memory_space<vmem_shared>>) offsets(%dma_start3A_310 : memref<80xi32, #tpu.memory_space<vmem>>) semaphore(%dma_start3A_315 : memref<!tpu.dma_semaphore, #tpu.memory_space<semaphore_mem>>) {add = true}
    %dma_wait3A_316 = arith.constant 1 : i32
    %dma_wait3A_317 = arith.constant 1 : i32
    %dma_wait3A_318 = arith.constant 0 : i32
    %dma_wait3A_319 = arith.constant 0 : i32
    %dma_wait3A_320 = tpu.memref_slice %arg8[%dma_wait3A_316, %dma_wait3A_318, %dma_wait3A_319] : memref<3x80x128xf32, #tpu.memory_space<vmem>> -> memref<1x80x128xf32, #tpu.memory_space<vmem>>
    %dma_wait3A_321 = tpu.memref_squeeze %dma_wait3A_320 : memref<1x80x128xf32, #tpu.memory_space<vmem>> -> memref<80x128xf32, #tpu.memory_space<vmem>>
    %dma_wait3A_322 = arith.constant 0 : i32
    %dma_wait3A_323 = arith.constant 0 : i32
    %dma_wait3A_324 = tpu.memref_slice %arg9[%dma_wait3A_322, %dma_wait3A_323] : memref<10000x128xf32, #tpu.memory_space<vmem_shared>> -> memref<80x128xf32, #tpu.memory_space<vmem_shared>>
    %dma_wait3A_325 = tpu.memref_slice %arg11[%dma_wait3A_317] : memref<3x!tpu.dma_semaphore, #tpu.memory_space<semaphore_mem>> -> memref<1x!tpu.dma_semaphore, #tpu.memory_space<semaphore_mem>>
    %dma_wait3A_326 = tpu.memref_squeeze %dma_wait3A_325 : memref<1x!tpu.dma_semaphore, #tpu.memory_space<semaphore_mem>> -> memref<!tpu.dma_semaphore, #tpu.memory_space<semaphore_mem>>
    %dma_wait3A_327 = arith.constant 0 : i32
    %dma_wait3A_328 = arith.constant 0 : i32
    %dma_wait3A_329 = tpu.memref_slice %arg9[%dma_wait3A_327, %dma_wait3A_328] : memref<10000x128xf32, #tpu.memory_space<vmem_shared>> -> memref<80x128xf32, #tpu.memory_space<vmem_shared>>
    %dma_wait3A_330 = arith.constant 0 : i32
    %dma_wait3A_331 = arith.constant 0 : i32
    %dma_wait3A_332 = tpu.memref_slice %arg8[%dma_wait3A_316, %dma_wait3A_330, %dma_wait3A_331] : memref<3x80x128xf32, #tpu.memory_space<vmem>> -> memref<1x80x128xf32, #tpu.memory_space<vmem>>
    %dma_wait3A_333 = tpu.memref_squeeze %dma_wait3A_332 : memref<1x80x128xf32, #tpu.memory_space<vmem>> -> memref<80x128xf32, #tpu.memory_space<vmem>>
    tpu.wait_dma2 semaphore(%dma_wait3A_326 : memref<!tpu.dma_semaphore, #tpu.memory_space<semaphore_mem>>) src(%dma_wait3A_333 : memref<80x128xf32, #tpu.memory_space<vmem>>) dst(%dma_wait3A_329 : memref<80x128xf32, #tpu.memory_space<vmem_shared>>)
    %barrier3A_334 = arith.constant 0 : index
    tpu.barrier barrier_id(%barrier3A_334)
    %mul3A_335 = arith.constant 624 : i32
    %mul3A_336 = arith.muli %arg1, %mul3A_335 : i32
    %mul3A_337 = arith.constant 624 : i32
    %mul3A_338 = arith.muli %arg1, %mul3A_337 : i32
    "tpu.region"() ({
      %run_scoped3A_344 = tpu.sem_alloc : memref<!tpu.dma_semaphore, #tpu.memory_space<semaphore_mem>>
      %dma_start3A_345 = arith.constant 0 : i32
      %dma_start3A_346 = tpu.memref_slice %arg5[%arg0, %mul3A_338, %dma_start3A_345] : memref<2x10000x128xf32, #tpu.memory_space<hbm>> -> memref<1x624x128xf32, #tpu.memory_space<hbm>>
      %dma_start3A_347 = tpu.memref_squeeze %dma_start3A_346 : memref<1x624x128xf32, #tpu.memory_space<hbm>> -> memref<624x128xf32, #tpu.memory_space<hbm>>
      %dma_start3A_348 = arith.constant 0 : i32
      %dma_start3A_349 = tpu.memref_slice %arg9[%mul3A_336, %dma_start3A_348] : memref<10000x128xf32, #tpu.memory_space<vmem_shared>> -> memref<624x128xf32, #tpu.memory_space<vmem_shared>>
      tpu.enqueue_dma source(%dma_start3A_349 : memref<624x128xf32, #tpu.memory_space<vmem_shared>>) target(%dma_start3A_347 : memref<624x128xf32, #tpu.memory_space<hbm>>) target_semaphore(%run_scoped3A_344 : memref<!tpu.dma_semaphore, #tpu.memory_space<semaphore_mem>>)
      %dma_wait3A_350 = arith.constant 0 : i32
      %dma_wait3A_351 = tpu.memref_slice %arg5[%arg0, %mul3A_338, %dma_wait3A_350] : memref<2x10000x128xf32, #tpu.memory_space<hbm>> -> memref<1x624x128xf32, #tpu.memory_space<hbm>>
      %dma_wait3A_352 = tpu.memref_squeeze %dma_wait3A_351 : memref<1x624x128xf32, #tpu.memory_space<hbm>> -> memref<624x128xf32, #tpu.memory_space<hbm>>
      %dma_wait3A_353 = arith.constant 0 : i32
      %dma_wait3A_354 = tpu.memref_slice %arg9[%mul3A_336, %dma_wait3A_353] : memref<10000x128xf32, #tpu.memory_space<vmem_shared>> -> memref<624x128xf32, #tpu.memory_space<vmem_shared>>
      tpu.wait_dma2 semaphore(%run_scoped3A_344 : memref<!tpu.dma_semaphore, #tpu.memory_space<semaphore_mem>>) src(%dma_wait3A_354 : memref<624x128xf32, #tpu.memory_space<vmem_shared>>) dst(%dma_wait3A_352 : memref<624x128xf32, #tpu.memory_space<hbm>>)
      tpu.yield
    }) : () -> ()
    %eq3A_339 = arith.constant 15 : i32
    %eq3A_340 = arith.cmpi eq, %arg1, %eq3A_339 : i32
    %convert_element_type3A_341 = arith.extui %eq3A_340 : i1 to i32
    %cond3A_342 = arith.constant 0 : i32
    %cond3A_343 = arith.cmpi ne, %convert_element_type3A_341, %cond3A_342 : i32
    scf.if %cond3A_343 {
      "tpu.region"() ({
        %run_scoped3A_344 = tpu.sem_alloc : memref<!tpu.dma_semaphore, #tpu.memory_space<semaphore_mem>>
        %dma_start3A_345 = arith.constant 9984 : i32
        %dma_start3A_346 = arith.constant 0 : i32
        %dma_start3A_347 = tpu.memref_slice %arg5[%arg0, %dma_start3A_345, %dma_start3A_346] : memref<2x10000x128xf32, #tpu.memory_space<hbm>> -> memref<1x16x128xf32, #tpu.memory_space<hbm>>
        %dma_start3A_348 = tpu.memref_squeeze %dma_start3A_347 : memref<1x16x128xf32, #tpu.memory_space<hbm>> -> memref<16x128xf32, #tpu.memory_space<hbm>>
        %dma_start3A_349 = arith.constant 9984 : i32
        %dma_start3A_350 = arith.constant 0 : i32
        %dma_start3A_351 = tpu.memref_slice %arg9[%dma_start3A_349, %dma_start3A_350] : memref<10000x128xf32, #tpu.memory_space<vmem_shared>> -> memref<16x128xf32, #tpu.memory_space<vmem_shared>>
        tpu.enqueue_dma source(%dma_start3A_351 : memref<16x128xf32, #tpu.memory_space<vmem_shared>>) target(%dma_start3A_348 : memref<16x128xf32, #tpu.memory_space<hbm>>) target_semaphore(%run_scoped3A_344 : memref<!tpu.dma_semaphore, #tpu.memory_space<semaphore_mem>>)
        %dma_wait3A_352 = arith.constant 9984 : i32
        %dma_wait3A_353 = arith.constant 0 : i32
        %dma_wait3A_354 = tpu.memref_slice %arg5[%arg0, %dma_wait3A_352, %dma_wait3A_353] : memref<2x10000x128xf32, #tpu.memory_space<hbm>> -> memref<1x16x128xf32, #tpu.memory_space<hbm>>
        %dma_wait3A_355 = tpu.memref_squeeze %dma_wait3A_354 : memref<1x16x128xf32, #tpu.memory_space<hbm>> -> memref<16x128xf32, #tpu.memory_space<hbm>>
        %dma_wait3A_356 = arith.constant 9984 : i32
        %dma_wait3A_357 = arith.constant 0 : i32
        %dma_wait3A_358 = tpu.memref_slice %arg9[%dma_wait3A_356, %dma_wait3A_357] : memref<10000x128xf32, #tpu.memory_space<vmem_shared>> -> memref<16x128xf32, #tpu.memory_space<vmem_shared>>
        tpu.wait_dma2 semaphore(%run_scoped3A_344 : memref<!tpu.dma_semaphore, #tpu.memory_space<semaphore_mem>>) src(%dma_wait3A_358 : memref<16x128xf32, #tpu.memory_space<vmem_shared>>) dst(%dma_wait3A_355 : memref<16x128xf32, #tpu.memory_space<hbm>>)
        tpu.yield
      }) : () -> ()
    } else {
    }
    return
  }
}

#map = affine_map<(d0, d1) -> (0, 0)>
#map1 = affine_map<(d0, d1) -> (0, 0, 0)>
module attributes {stable_mosaic.version = 14 : i64} {
  func.func @_sc_segment_sum(%arg0: i32, %arg1: i32, %arg2: memref<10000x128xf32, #tpu.memory_space<hbm>>, %arg3: memref<32x10000xi32, #tpu.memory_space<hbm>>, %arg4: memref<32x10000xi32, #tpu.memory_space<hbm>>, %arg5: memref<2x10000x128xf32, #tpu.memory_space<hbm>>, %arg6: memref<10000xi32, #tpu.memory_space<vmem>>, %arg7: memref<10000xi32, #tpu.memory_space<vmem>>, %arg8: memref<3x80x128xf32, #tpu.memory_space<vmem>>, %arg9: memref<10000x128xf32, #tpu.memory_space<vmem_shared>>, %arg10: memref<3x!tpu.dma_semaphore, #tpu.memory_space<semaphore_mem>>, %arg11: memref<3x!tpu.dma_semaphore, #tpu.memory_space<semaphore_mem>>) attributes {dimension_semantics = [#tpu.dimension_semantics<core_parallel>, #tpu.dimension_semantics<subcore_parallel>], iteration_bounds = array<i64: 2, 16>, scalar_prefetch = 0 : i64, scratch_operands = 6 : i64, tpu.core_type = #tpu.core_type<sc_vector_subcore>, window_params = [{transform_indices = #map}, {transform_indices = #map}, {transform_indices = #map}, {transform_indices = #map1}]} {
    %mul3A = arith.constant 16 : i32
    %mul3A_0 = arith.muli %arg0, %mul3A : i32
    %add3A = arith.addi %mul3A_0, %arg1 : i32
    "tpu.region"() ({
      %run_scoped3A_344 = tpu.sem_alloc : memref<!tpu.dma_semaphore, #tpu.memory_space<semaphore_mem>>
      %dma_start3A_345 = arith.constant 0 : i32
      %dma_start3A_346 = tpu.memref_slice %arg3[%add3A, %dma_start3A_345] : memref<32x10000xi32, #tpu.memory_space<hbm>> -> memref<1x10000xi32, #tpu.memory_space<hbm>>
      %dma_start3A_347 = tpu.memref_squeeze %dma_start3A_346 : memref<1x10000xi32, #tpu.memory_space<hbm>> -> memref<10000xi32, #tpu.memory_space<hbm>>
      %dma_start3A_348 = arith.constant 0 : i32
      %dma_start3A_349 = tpu.memref_slice %arg3[%add3A, %dma_start3A_348] : memref<32x10000xi32, #tpu.memory_space<hbm>> -> memref<1x10000xi32, #tpu.memory_space<hbm>>
      %dma_start3A_350 = tpu.memref_squeeze %dma_start3A_349 : memref<1x10000xi32, #tpu.memory_space<hbm>> -> memref<10000xi32, #tpu.memory_space<hbm>>
      tpu.enqueue_dma source(%dma_start3A_350 : memref<10000xi32, #tpu.memory_space<hbm>>) target(%arg6 : memref<10000xi32, #tpu.memory_space<vmem>>) target_semaphore(%run_scoped3A_344 : memref<!tpu.dma_semaphore, #tpu.memory_space<semaphore_mem>>)
      %dma_wait3A_351 = arith.constant 0 : i32
      %dma_wait3A_352 = tpu.memref_slice %arg3[%add3A, %dma_wait3A_351] : memref<32x10000xi32, #tpu.memory_space<hbm>> -> memref<1x10000xi32, #tpu.memory_space<hbm>>
      %dma_wait3A_353 = tpu.memref_squeeze %dma_wait3A_352 : memref<1x10000xi32, #tpu.memory_space<hbm>> -> memref<10000xi32, #tpu.memory_space<hbm>>
      %dma_wait3A_354 = arith.constant 0 : i32
      %dma_wait3A_355 = tpu.memref_slice %arg3[%add3A, %dma_wait3A_354] : memref<32x10000xi32, #tpu.memory_space<hbm>> -> memref<1x10000xi32, #tpu.memory_space<hbm>>
      %dma_wait3A_356 = tpu.memref_squeeze %dma_wait3A_355 : memref<1x10000xi32, #tpu.memory_space<hbm>> -> memref<10000xi32, #tpu.memory_space<hbm>>
      tpu.wait_dma2 semaphore(%run_scoped3A_344 : memref<!tpu.dma_semaphore, #tpu.memory_space<semaphore_mem>>) src(%dma_wait3A_356 : memref<10000xi32, #tpu.memory_space<hbm>>) dst(%arg6 : memref<10000xi32, #tpu.memory_space<vmem>>)
      tpu.yield
    }) : () -> ()
    "tpu.region"() ({
      %run_scoped3A_344 = tpu.sem_alloc : memref<!tpu.dma_semaphore, #tpu.memory_space<semaphore_mem>>
      %dma_start3A_345 = arith.constant 0 : i32
      %dma_start3A_346 = tpu.memref_slice %arg4[%add3A, %dma_start3A_345] : memref<32x10000xi32, #tpu.memory_space<hbm>> -> memref<1x10000xi32, #tpu.memory_space<hbm>>
      %dma_start3A_347 = tpu.memref_squeeze %dma_start3A_346 : memref<1x10000xi32, #tpu.memory_space<hbm>> -> memref<10000xi32, #tpu.memory_space<hbm>>
      %dma_start3A_348 = arith.constant 0 : i32
      %dma_start3A_349 = tpu.memref_slice %arg4[%add3A, %dma_start3A_348] : memref<32x10000xi32, #tpu.memory_space<hbm>> -> memref<1x10000xi32, #tpu.memory_space<hbm>>
      %dma_start3A_350 = tpu.memref_squeeze %dma_start3A_349 : memref<1x10000xi32, #tpu.memory_space<hbm>> -> memref<10000xi32, #tpu.memory_space<hbm>>
      tpu.enqueue_dma source(%dma_start3A_350 : memref<10000xi32, #tpu.memory_space<hbm>>) target(%arg7 : memref<10000xi32, #tpu.memory_space<vmem>>) target_semaphore(%run_scoped3A_344 : memref<!tpu.dma_semaphore, #tpu.memory_space<semaphore_mem>>)
      %dma_wait3A_351 = arith.constant 0 : i32
      %dma_wait3A_352 = tpu.memref_slice %arg4[%add3A, %dma_wait3A_351] : memref<32x10000xi32, #tpu.memory_space<hbm>> -> memref<1x10000xi32, #tpu.memory_space<hbm>>
      %dma_wait3A_353 = tpu.memref_squeeze %dma_wait3A_352 : memref<1x10000xi32, #tpu.memory_space<hbm>> -> memref<10000xi32, #tpu.memory_space<hbm>>
      %dma_wait3A_354 = arith.constant 0 : i32
      %dma_wait3A_355 = tpu.memref_slice %arg4[%add3A, %dma_wait3A_354] : memref<32x10000xi32, #tpu.memory_space<hbm>> -> memref<1x10000xi32, #tpu.memory_space<hbm>>
      %dma_wait3A_356 = tpu.memref_squeeze %dma_wait3A_355 : memref<1x10000xi32, #tpu.memory_space<hbm>> -> memref<10000xi32, #tpu.memory_space<hbm>>
      tpu.wait_dma2 semaphore(%run_scoped3A_344 : memref<!tpu.dma_semaphore, #tpu.memory_space<semaphore_mem>>) src(%dma_wait3A_356 : memref<10000xi32, #tpu.memory_space<hbm>>) dst(%arg7 : memref<10000xi32, #tpu.memory_space<vmem>>)
      tpu.yield
    }) : () -> ()
    %dma_start3A = arith.constant 0 : i32
    %dma_start3A_1 = arith.constant 0 : i32
    %dma_start3A_2 = arith.constant 0 : i32
    %dma_start3A_3 = arith.constant 0 : i32
    %dma_start3A_4 = tpu.memref_slice %arg8[%dma_start3A, %dma_start3A_2, %dma_start3A_3] : memref<3x80x128xf32, #tpu.memory_space<vmem>> -> memref<1x80x128xf32, #tpu.memory_space<vmem>>
    %dma_start3A_5 = tpu.memref_squeeze %dma_start3A_4 : memref<1x80x128xf32, #tpu.memory_space<vmem>> -> memref<80x128xf32, #tpu.memory_space<vmem>>
    %dma_start3A_6 = arith.constant 0 : i32
    %dma_start3A_7 = tpu.memref_slice %arg6[%dma_start3A_6] : memref<10000xi32, #tpu.memory_space<vmem>> -> memref<80xi32, #tpu.memory_space<vmem>>
    %dma_start3A_8 = arith.constant 0 : i32
    %dma_start3A_9 = arith.constant 0 : i32
    %dma_start3A_10 = tpu.memref_slice %arg2[%dma_start3A_8, %dma_start3A_9] : memref<10000x128xf32, #tpu.memory_space<hbm>> -> memref<10000x128xf32, #tpu.memory_space<hbm>>
    %dma_start3A_11 = tpu.memref_slice %arg10[%dma_start3A_1] : memref<3x!tpu.dma_semaphore, #tpu.memory_space<semaphore_mem>> -> memref<1x!tpu.dma_semaphore, #tpu.memory_space<semaphore_mem>>
    %dma_start3A_12 = tpu.memref_squeeze %dma_start3A_11 : memref<1x!tpu.dma_semaphore, #tpu.memory_space<semaphore_mem>> -> memref<!tpu.dma_semaphore, #tpu.memory_space<semaphore_mem>>
    tpu.enqueue_indirect_dma source(%dma_start3A_10 : memref<10000x128xf32, #tpu.memory_space<hbm>>) target(%dma_start3A_5 : memref<80x128xf32, #tpu.memory_space<vmem>>) offsets(%dma_start3A_7 : memref<80xi32, #tpu.memory_space<vmem>>) semaphore(%dma_start3A_12 : memref<!tpu.dma_semaphore, #tpu.memory_space<semaphore_mem>>)
    %dma_start3A_13 = arith.constant 1 : i32
    %dma_start3A_14 = arith.constant 1 : i32
    %dma_start3A_15 = arith.constant 0 : i32
    %dma_start3A_16 = arith.constant 0 : i32
    %dma_start3A_17 = tpu.memref_slice %arg8[%dma_start3A_13, %dma_start3A_15, %dma_start3A_16] : memref<3x80x128xf32, #tpu.memory_space<vmem>> -> memref<1x80x128xf32, #tpu.memory_space<vmem>>
    %dma_start3A_18 = tpu.memref_squeeze %dma_start3A_17 : memref<1x80x128xf32, #tpu.memory_space<vmem>> -> memref<80x128xf32, #tpu.memory_space<vmem>>
    %dma_start3A_19 = arith.constant 80 : i32
    %dma_start3A_20 = tpu.memref_slice %arg6[%dma_start3A_19] : memref<10000xi32, #tpu.memory_space<vmem>> -> memref<80xi32, #tpu.memory_space<vmem>>
    %dma_start3A_21 = arith.constant 0 : i32
    %dma_start3A_22 = arith.constant 0 : i32
    %dma_start3A_23 = tpu.memref_slice %arg2[%dma_start3A_21, %dma_start3A_22] : memref<10000x128xf32, #tpu.memory_space<hbm>> -> memref<10000x128xf32, #tpu.memory_space<hbm>>
    %dma_start3A_24 = tpu.memref_slice %arg10[%dma_start3A_14] : memref<3x!tpu.dma_semaphore, #tpu.memory_space<semaphore_mem>> -> memref<1x!tpu.dma_semaphore, #tpu.memory_space<semaphore_mem>>
    %dma_start3A_25 = tpu.memref_squeeze %dma_start3A_24 : memref<1x!tpu.dma_semaphore, #tpu.memory_space<semaphore_mem>> -> memref<!tpu.dma_semaphore, #tpu.memory_space<semaphore_mem>>
    tpu.enqueue_indirect_dma source(%dma_start3A_23 : memref<10000x128xf32, #tpu.memory_space<hbm>>) target(%dma_start3A_18 : memref<80x128xf32, #tpu.memory_space<vmem>>) offsets(%dma_start3A_20 : memref<80xi32, #tpu.memory_space<vmem>>) semaphore(%dma_start3A_25 : memref<!tpu.dma_semaphore, #tpu.memory_space<semaphore_mem>>)
    %broadcast_in_dim3A = arith.constant 0.000000e+00 : f32
    %broadcast_in_dim3A_26 = vector.broadcast %broadcast_in_dim3A : f32 to vector<16xf32>
    %scan3A = arith.constant 0 : i32
    %scan3A_27 = arith.constant 80 : i32
    %scan3A_28 = arith.addi %scan3A, %scan3A_27 : i32
    %scan3A_29 = arith.constant 1 : i32
    scf.for %scan3A_344 = %scan3A to %scan3A_28 step %scan3A_29  : i32 {
      %mul3A_345 = arith.constant 1 : i32
      %mul3A_346 = arith.muli %scan3A_344, %mul3A_345 : i32
      %add3A_347 = arith.constant 0 : i32
      %add3A_348 = arith.addi %add3A_347, %mul3A_346 : i32
      %swap3A = arith.constant 2 : i32
      %swap3A_349 = arith.index_cast %swap3A : i32 to index
      %swap3A_350 = arith.index_cast %add3A_348 : i32 to index
      %swap3A_351 = arith.constant 0 : index
      %swap3A_352 = tpu.vector_load %arg8[%swap3A_349, %swap3A_350, %swap3A_351] {strides = array<i32>} : memref<3x80x128xf32, #tpu.memory_space<vmem>>, vector<1x1x16xf32>,
      %swap3A_353 = vector.shape_cast %swap3A_352 : vector<1x1x16xf32> to vector<16xf32>
      %swap3A_354 = vector.shape_cast %broadcast_in_dim3A_26 : vector<16xf32> to vector<1x1x16xf32>
      tpu.vector_store %arg8[%swap3A_349, %swap3A_350, %swap3A_351], %swap3A_354 {strides = array<i32>} : memref<3x80x128xf32, #tpu.memory_space<vmem>>, vector<1x1x16xf32>,
      %swap3A_355 = arith.constant 2 : i32
      %swap3A_356 = arith.index_cast %swap3A_355 : i32 to index
      %swap3A_357 = arith.index_cast %add3A_348 : i32 to index
      %swap3A_358 = arith.constant 16 : index
      %swap3A_359 = tpu.vector_load %arg8[%swap3A_356, %swap3A_357, %swap3A_358] {strides = array<i32>} : memref<3x80x128xf32, #tpu.memory_space<vmem>>, vector<1x1x16xf32>,
      %swap3A_360 = vector.shape_cast %swap3A_359 : vector<1x1x16xf32> to vector<16xf32>
      %swap3A_361 = vector.shape_cast %broadcast_in_dim3A_26 : vector<16xf32> to vector<1x1x16xf32>
      tpu.vector_store %arg8[%swap3A_356, %swap3A_357, %swap3A_358], %swap3A_361 {strides = array<i32>} : memref<3x80x128xf32, #tpu.memory_space<vmem>>, vector<1x1x16xf32>,
      %swap3A_362 = arith.constant 2 : i32
      %swap3A_363 = arith.index_cast %swap3A_362 : i32 to index
      %swap3A_364 = arith.index_cast %add3A_348 : i32 to index
      %swap3A_365 = arith.constant 32 : index
      %swap3A_366 = tpu.vector_load %arg8[%swap3A_363, %swap3A_364, %swap3A_365] {strides = array<i32>} : memref<3x80x128xf32, #tpu.memory_space<vmem>>, vector<1x1x16xf32>,
      %swap3A_367 = vector.shape_cast %swap3A_366 : vector<1x1x16xf32> to vector<16xf32>
      %swap3A_368 = vector.shape_cast %broadcast_in_dim3A_26 : vector<16xf32> to vector<1x1x16xf32>
      tpu.vector_store %arg8[%swap3A_363, %swap3A_364, %swap3A_365], %swap3A_368 {strides = array<i32>} : memref<3x80x128xf32, #tpu.memory_space<vmem>>, vector<1x1x16xf32>,
      %swap3A_369 = arith.constant 2 : i32
      %swap3A_370 = arith.index_cast %swap3A_369 : i32 to index
      %swap3A_371 = arith.index_cast %add3A_348 : i32 to index
      %swap3A_372 = arith.constant 48 : index
      %swap3A_373 = tpu.vector_load %arg8[%swap3A_370, %swap3A_371, %swap3A_372] {strides = array<i32>} : memref<3x80x128xf32, #tpu.memory_space<vmem>>, vector<1x1x16xf32>,
      %swap3A_374 = vector.shape_cast %swap3A_373 : vector<1x1x16xf32> to vector<16xf32>
      %swap3A_375 = vector.shape_cast %broadcast_in_dim3A_26 : vector<16xf32> to vector<1x1x16xf32>
      tpu.vector_store %arg8[%swap3A_370, %swap3A_371, %swap3A_372], %swap3A_375 {strides = array<i32>} : memref<3x80x128xf32, #tpu.memory_space<vmem>>, vector<1x1x16xf32>,
      %swap3A_376 = arith.constant 2 : i32
      %swap3A_377 = arith.index_cast %swap3A_376 : i32 to index
      %swap3A_378 = arith.index_cast %add3A_348 : i32 to index
      %swap3A_379 = arith.constant 64 : index
      %swap3A_380 = tpu.vector_load %arg8[%swap3A_377, %swap3A_378, %swap3A_379] {strides = array<i32>} : memref<3x80x128xf32, #tpu.memory_space<vmem>>, vector<1x1x16xf32>,
      %swap3A_381 = vector.shape_cast %swap3A_380 : vector<1x1x16xf32> to vector<16xf32>
      %swap3A_382 = vector.shape_cast %broadcast_in_dim3A_26 : vector<16xf32> to vector<1x1x16xf32>
      tpu.vector_store %arg8[%swap3A_377, %swap3A_378, %swap3A_379], %swap3A_382 {strides = array<i32>} : memref<3x80x128xf32, #tpu.memory_space<vmem>>, vector<1x1x16xf32>,
      %swap3A_383 = arith.constant 2 : i32
      %swap3A_384 = arith.index_cast %swap3A_383 : i32 to index
      %swap3A_385 = arith.index_cast %add3A_348 : i32 to index
      %swap3A_386 = arith.constant 80 : index
      %swap3A_387 = tpu.vector_load %arg8[%swap3A_384, %swap3A_385, %swap3A_386] {strides = array<i32>} : memref<3x80x128xf32, #tpu.memory_space<vmem>>, vector<1x1x16xf32>,
      %swap3A_388 = vector.shape_cast %swap3A_387 : vector<1x1x16xf32> to vector<16xf32>
      %swap3A_389 = vector.shape_cast %broadcast_in_dim3A_26 : vector<16xf32> to vector<1x1x16xf32>
      tpu.vector_store %arg8[%swap3A_384, %swap3A_385, %swap3A_386], %swap3A_389 {strides = array<i32>} : memref<3x80x128xf32, #tpu.memory_space<vmem>>, vector<1x1x16xf32>,
      %swap3A_390 = arith.constant 2 : i32
      %swap3A_391 = arith.index_cast %swap3A_390 : i32 to index
      %swap3A_392 = arith.index_cast %add3A_348 : i32 to index
      %swap3A_393 = arith.constant 96 : index
      %swap3A_394 = tpu.vector_load %arg8[%swap3A_391, %swap3A_392, %swap3A_393] {strides = array<i32>} : memref<3x80x128xf32, #tpu.memory_space<vmem>>, vector<1x1x16xf32>,
      %swap3A_395 = vector.shape_cast %swap3A_394 : vector<1x1x16xf32> to vector<16xf32>
      %swap3A_396 = vector.shape_cast %broadcast_in_dim3A_26 : vector<16xf32> to vector<1x1x16xf32>
      tpu.vector_store %arg8[%swap3A_391, %swap3A_392, %swap3A_393], %swap3A_396 {strides = array<i32>} : memref<3x80x128xf32, #tpu.memory_space<vmem>>, vector<1x1x16xf32>,
      %swap3A_397 = arith.constant 2 : i32
      %swap3A_398 = arith.index_cast %swap3A_397 : i32 to index
      %swap3A_399 = arith.index_cast %add3A_348 : i32 to index
      %swap3A_400 = arith.constant 112 : index
      %swap3A_401 = tpu.vector_load %arg8[%swap3A_398, %swap3A_399, %swap3A_400] {strides = array<i32>} : memref<3x80x128xf32, #tpu.memory_space<vmem>>, vector<1x1x16xf32>,
      %swap3A_402 = vector.shape_cast %swap3A_401 : vector<1x1x16xf32> to vector<16xf32>
      %swap3A_403 = vector.shape_cast %broadcast_in_dim3A_26 : vector<16xf32> to vector<1x1x16xf32>
      tpu.vector_store %arg8[%swap3A_398, %swap3A_399, %swap3A_400], %swap3A_403 {strides = array<i32>} : memref<3x80x128xf32, #tpu.memory_space<vmem>>, vector<1x1x16xf32>,
    }
    %scan3A_30 = arith.constant 80 : i32
    %mul3A_31 = arith.constant 624 : i32
    %mul3A_32 = arith.muli %arg1, %mul3A_31 : i32
    %add3A_33 = arith.constant 0 : i32
    %add3A_34 = arith.addi %mul3A_32, %add3A_33 : i32
    %run_scoped3A = arith.constant 2 : i32
    "tpu.region"() ({
      %run_scoped3A_344 = tpu.sem_alloc : memref<!tpu.dma_semaphore, #tpu.memory_space<semaphore_mem>>
      %dma_start3A_345 = arith.constant 0 : i32
      %dma_start3A_346 = arith.constant 0 : i32
      %dma_start3A_347 = tpu.memref_slice %arg8[%run_scoped3A, %dma_start3A_345, %dma_start3A_346] : memref<3x80x128xf32, #tpu.memory_space<vmem>> -> memref<1x80x128xf32, #tpu.memory_space<vmem>>
      %dma_start3A_348 = tpu.memref_squeeze %dma_start3A_347 : memref<1x80x128xf32, #tpu.memory_space<vmem>> -> memref<80x128xf32, #tpu.memory_space<vmem>>
      %dma_start3A_349 = arith.constant 0 : i32
      %dma_start3A_350 = tpu.memref_slice %arg9[%add3A_34, %dma_start3A_349] : memref<10000x128xf32, #tpu.memory_space<vmem_shared>> -> memref<80x128xf32, #tpu.memory_space<vmem_shared>>
      %dma_start3A_351 = arith.constant 0 : i32
      %dma_start3A_352 = tpu.memref_slice %arg9[%add3A_34, %dma_start3A_351] : memref<10000x128xf32, #tpu.memory_space<vmem_shared>> -> memref<80x128xf32, #tpu.memory_space<vmem_shared>>
      %dma_start3A_353 = arith.constant 0 : i32
      %dma_start3A_354 = arith.constant 0 : i32
      %dma_start3A_355 = tpu.memref_slice %arg8[%run_scoped3A, %dma_start3A_353, %dma_start3A_354] : memref<3x80x128xf32, #tpu.memory_space<vmem>> -> memref<1x80x128xf32, #tpu.memory_space<vmem>>
      %dma_start3A_356 = tpu.memref_squeeze %dma_start3A_355 : memref<1x80x128xf32, #tpu.memory_space<vmem>> -> memref<80x128xf32, #tpu.memory_space<vmem>>
      tpu.enqueue_dma source(%dma_start3A_356 : memref<80x128xf32, #tpu.memory_space<vmem>>) target(%dma_start3A_352 : memref<80x128xf32, #tpu.memory_space<vmem_shared>>) target_semaphore(%run_scoped3A_344 : memref<!tpu.dma_semaphore, #tpu.memory_space<semaphore_mem>>)
      %dma_wait3A_357 = arith.constant 0 : i32
      %dma_wait3A_358 = arith.constant 0 : i32
      %dma_wait3A_359 = tpu.memref_slice %arg8[%run_scoped3A, %dma_wait3A_357, %dma_wait3A_358] : memref<3x80x128xf32, #tpu.memory_space<vmem>> -> memref<1x80x128xf32, #tpu.memory_space<vmem>>
      %dma_wait3A_360 = tpu.memref_squeeze %dma_wait3A_359 : memref<1x80x128xf32, #tpu.memory_space<vmem>> -> memref<80x128xf32, #tpu.memory_space<vmem>>
      %dma_wait3A_361 = arith.constant 0 : i32
      %dma_wait3A_362 = tpu.memref_slice %arg9[%add3A_34, %dma_wait3A_361] : memref<10000x128xf32, #tpu.memory_space<vmem_shared>> -> memref<80x128xf32, #tpu.memory_space<vmem_shared>>
      %dma_wait3A_363 = arith.constant 0 : i32
      %dma_wait3A_364 = tpu.memref_slice %arg9[%add3A_34, %dma_wait3A_363] : memref<10000x128xf32, #tpu.memory_space<vmem_shared>> -> memref<80x128xf32, #tpu.memory_space<vmem_shared>>
      %dma_wait3A_365 = arith.constant 0 : i32
      %dma_wait3A_366 = arith.constant 0 : i32
      %dma_wait3A_367 = tpu.memref_slice %arg8[%run_scoped3A, %dma_wait3A_365, %dma_wait3A_366] : memref<3x80x128xf32, #tpu.memory_space<vmem>> -> memref<1x80x128xf32, #tpu.memory_space<vmem>>
      %dma_wait3A_368 = tpu.memref_squeeze %dma_wait3A_367 : memref<1x80x128xf32, #tpu.memory_space<vmem>> -> memref<80x128xf32, #tpu.memory_space<vmem>>
      tpu.wait_dma2 semaphore(%run_scoped3A_344 : memref<!tpu.dma_semaphore, #tpu.memory_space<semaphore_mem>>) src(%dma_wait3A_368 : memref<80x128xf32, #tpu.memory_space<vmem>>) dst(%dma_wait3A_364 : memref<80x128xf32, #tpu.memory_space<vmem_shared>>)
      tpu.yield
    }) : () -> ()
    %mul3A_35 = arith.constant 624 : i32
    %mul3A_36 = arith.muli %arg1, %mul3A_35 : i32
    %add3A_37 = arith.constant 80 : i32
    %add3A_38 = arith.addi %mul3A_36, %add3A_37 : i32
    %run_scoped3A_39 = arith.constant 2 : i32
    "tpu.region"() ({
      %run_scoped3A_344 = tpu.sem_alloc : memref<!tpu.dma_semaphore, #tpu.memory_space<semaphore_mem>>
      %dma_start3A_345 = arith.constant 0 : i32
      %dma_start3A_346 = arith.constant 0 : i32
      %dma_start3A_347 = tpu.memref_slice %arg8[%run_scoped3A_39, %dma_start3A_345, %dma_start3A_346] : memref<3x80x128xf32, #tpu.memory_space<vmem>> -> memref<1x80x128xf32, #tpu.memory_space<vmem>>
      %dma_start3A_348 = tpu.memref_squeeze %dma_start3A_347 : memref<1x80x128xf32, #tpu.memory_space<vmem>> -> memref<80x128xf32, #tpu.memory_space<vmem>>
      %dma_start3A_349 = arith.constant 0 : i32
      %dma_start3A_350 = tpu.memref_slice %arg9[%add3A_38, %dma_start3A_349] : memref<10000x128xf32, #tpu.memory_space<vmem_shared>> -> memref<80x128xf32, #tpu.memory_space<vmem_shared>>
      %dma_start3A_351 = arith.constant 0 : i32
      %dma_start3A_352 = tpu.memref_slice %arg9[%add3A_38, %dma_start3A_351] : memref<10000x128xf32, #tpu.memory_space<vmem_shared>> -> memref<80x128xf32, #tpu.memory_space<vmem_shared>>
      %dma_start3A_353 = arith.constant 0 : i32
      %dma_start3A_354 = arith.constant 0 : i32
      %dma_start3A_355 = tpu.memref_slice %arg8[%run_scoped3A_39, %dma_start3A_353, %dma_start3A_354] : memref<3x80x128xf32, #tpu.memory_space<vmem>> -> memref<1x80x128xf32, #tpu.memory_space<vmem>>
      %dma_start3A_356 = tpu.memref_squeeze %dma_start3A_355 : memref<1x80x128xf32, #tpu.memory_space<vmem>> -> memref<80x128xf32, #tpu.memory_space<vmem>>
      tpu.enqueue_dma source(%dma_start3A_356 : memref<80x128xf32, #tpu.memory_space<vmem>>) target(%dma_start3A_352 : memref<80x128xf32, #tpu.memory_space<vmem_shared>>) target_semaphore(%run_scoped3A_344 : memref<!tpu.dma_semaphore, #tpu.memory_space<semaphore_mem>>)
      %dma_wait3A_357 = arith.constant 0 : i32
      %dma_wait3A_358 = arith.constant 0 : i32
      %dma_wait3A_359 = tpu.memref_slice %arg8[%run_scoped3A_39, %dma_wait3A_357, %dma_wait3A_358] : memref<3x80x128xf32, #tpu.memory_space<vmem>> -> memref<1x80x128xf32, #tpu.memory_space<vmem>>
      %dma_wait3A_360 = tpu.memref_squeeze %dma_wait3A_359 : memref<1x80x128xf32, #tpu.memory_space<vmem>> -> memref<80x128xf32, #tpu.memory_space<vmem>>
      %dma_wait3A_361 = arith.constant 0 : i32
      %dma_wait3A_362 = tpu.memref_slice %arg9[%add3A_38, %dma_wait3A_361] : memref<10000x128xf32, #tpu.memory_space<vmem_shared>> -> memref<80x128xf32, #tpu.memory_space<vmem_shared>>
      %dma_wait3A_363 = arith.constant 0 : i32
      %dma_wait3A_364 = tpu.memref_slice %arg9[%add3A_38, %dma_wait3A_363] : memref<10000x128xf32, #tpu.memory_space<vmem_shared>> -> memref<80x128xf32, #tpu.memory_space<vmem_shared>>
      %dma_wait3A_365 = arith.constant 0 : i32
      %dma_wait3A_366 = arith.constant 0 : i32
      %dma_wait3A_367 = tpu.memref_slice %arg8[%run_scoped3A_39, %dma_wait3A_365, %dma_wait3A_366] : memref<3x80x128xf32, #tpu.memory_space<vmem>> -> memref<1x80x128xf32, #tpu.memory_space<vmem>>
      %dma_wait3A_368 = tpu.memref_squeeze %dma_wait3A_367 : memref<1x80x128xf32, #tpu.memory_space<vmem>> -> memref<80x128xf32, #tpu.memory_space<vmem>>
      tpu.wait_dma2 semaphore(%run_scoped3A_344 : memref<!tpu.dma_semaphore, #tpu.memory_space<semaphore_mem>>) src(%dma_wait3A_368 : memref<80x128xf32, #tpu.memory_space<vmem>>) dst(%dma_wait3A_364 : memref<80x128xf32, #tpu.memory_space<vmem_shared>>)
      tpu.yield
    }) : () -> ()
    %mul3A_40 = arith.constant 624 : i32
    %mul3A_41 = arith.muli %arg1, %mul3A_40 : i32
    %add3A_42 = arith.constant 160 : i32
    %add3A_43 = arith.addi %mul3A_41, %add3A_42 : i32
    %run_scoped3A_44 = arith.constant 2 : i32
    "tpu.region"() ({
      %run_scoped3A_344 = tpu.sem_alloc : memref<!tpu.dma_semaphore, #tpu.memory_space<semaphore_mem>>
      %dma_start3A_345 = arith.constant 0 : i32
      %dma_start3A_346 = arith.constant 0 : i32
      %dma_start3A_347 = tpu.memref_slice %arg8[%run_scoped3A_44, %dma_start3A_345, %dma_start3A_346] : memref<3x80x128xf32, #tpu.memory_space<vmem>> -> memref<1x80x128xf32, #tpu.memory_space<vmem>>
      %dma_start3A_348 = tpu.memref_squeeze %dma_start3A_347 : memref<1x80x128xf32, #tpu.memory_space<vmem>> -> memref<80x128xf32, #tpu.memory_space<vmem>>
      %dma_start3A_349 = arith.constant 0 : i32
      %dma_start3A_350 = tpu.memref_slice %arg9[%add3A_43, %dma_start3A_349] : memref<10000x128xf32, #tpu.memory_space<vmem_shared>> -> memref<80x128xf32, #tpu.memory_space<vmem_shared>>
      %dma_start3A_351 = arith.constant 0 : i32
      %dma_start3A_352 = tpu.memref_slice %arg9[%add3A_43, %dma_start3A_351] : memref<10000x128xf32, #tpu.memory_space<vmem_shared>> -> memref<80x128xf32, #tpu.memory_space<vmem_shared>>
      %dma_start3A_353 = arith.constant 0 : i32
      %dma_start3A_354 = arith.constant 0 : i32
      %dma_start3A_355 = tpu.memref_slice %arg8[%run_scoped3A_44, %dma_start3A_353, %dma_start3A_354] : memref<3x80x128xf32, #tpu.memory_space<vmem>> -> memref<1x80x128xf32, #tpu.memory_space<vmem>>
      %dma_start3A_356 = tpu.memref_squeeze %dma_start3A_355 : memref<1x80x128xf32, #tpu.memory_space<vmem>> -> memref<80x128xf32, #tpu.memory_space<vmem>>
      tpu.enqueue_dma source(%dma_start3A_356 : memref<80x128xf32, #tpu.memory_space<vmem>>) target(%dma_start3A_352 : memref<80x128xf32, #tpu.memory_space<vmem_shared>>) target_semaphore(%run_scoped3A_344 : memref<!tpu.dma_semaphore, #tpu.memory_space<semaphore_mem>>)
      %dma_wait3A_357 = arith.constant 0 : i32
      %dma_wait3A_358 = arith.constant 0 : i32
      %dma_wait3A_359 = tpu.memref_slice %arg8[%run_scoped3A_44, %dma_wait3A_357, %dma_wait3A_358] : memref<3x80x128xf32, #tpu.memory_space<vmem>> -> memref<1x80x128xf32, #tpu.memory_space<vmem>>
      %dma_wait3A_360 = tpu.memref_squeeze %dma_wait3A_359 : memref<1x80x128xf32, #tpu.memory_space<vmem>> -> memref<80x128xf32, #tpu.memory_space<vmem>>
      %dma_wait3A_361 = arith.constant 0 : i32
      %dma_wait3A_362 = tpu.memref_slice %arg9[%add3A_43, %dma_wait3A_361] : memref<10000x128xf32, #tpu.memory_space<vmem_shared>> -> memref<80x128xf32, #tpu.memory_space<vmem_shared>>
      %dma_wait3A_363 = arith.constant 0 : i32
      %dma_wait3A_364 = tpu.memref_slice %arg9[%add3A_43, %dma_wait3A_363] : memref<10000x128xf32, #tpu.memory_space<vmem_shared>> -> memref<80x128xf32, #tpu.memory_space<vmem_shared>>
      %dma_wait3A_365 = arith.constant 0 : i32
      %dma_wait3A_366 = arith.constant 0 : i32
      %dma_wait3A_367 = tpu.memref_slice %arg8[%run_scoped3A_44, %dma_wait3A_365, %dma_wait3A_366] : memref<3x80x128xf32, #tpu.memory_space<vmem>> -> memref<1x80x128xf32, #tpu.memory_space<vmem>>
      %dma_wait3A_368 = tpu.memref_squeeze %dma_wait3A_367 : memref<1x80x128xf32, #tpu.memory_space<vmem>> -> memref<80x128xf32, #tpu.memory_space<vmem>>
      tpu.wait_dma2 semaphore(%run_scoped3A_344 : memref<!tpu.dma_semaphore, #tpu.memory_space<semaphore_mem>>) src(%dma_wait3A_368 : memref<80x128xf32, #tpu.memory_space<vmem>>) dst(%dma_wait3A_364 : memref<80x128xf32, #tpu.memory_space<vmem_shared>>)
      tpu.yield
    }) : () -> ()
    %mul3A_45 = arith.constant 624 : i32
    %mul3A_46 = arith.muli %arg1, %mul3A_45 : i32
    %add3A_47 = arith.constant 240 : i32
    %add3A_48 = arith.addi %mul3A_46, %add3A_47 : i32
    %run_scoped3A_49 = arith.constant 2 : i32
    "tpu.region"() ({
      %run_scoped3A_344 = tpu.sem_alloc : memref<!tpu.dma_semaphore, #tpu.memory_space<semaphore_mem>>
      %dma_start3A_345 = arith.constant 0 : i32
      %dma_start3A_346 = arith.constant 0 : i32
      %dma_start3A_347 = tpu.memref_slice %arg8[%run_scoped3A_49, %dma_start3A_345, %dma_start3A_346] : memref<3x80x128xf32, #tpu.memory_space<vmem>> -> memref<1x80x128xf32, #tpu.memory_space<vmem>>
      %dma_start3A_348 = tpu.memref_squeeze %dma_start3A_347 : memref<1x80x128xf32, #tpu.memory_space<vmem>> -> memref<80x128xf32, #tpu.memory_space<vmem>>
      %dma_start3A_349 = arith.constant 0 : i32
      %dma_start3A_350 = tpu.memref_slice %arg9[%add3A_48, %dma_start3A_349] : memref<10000x128xf32, #tpu.memory_space<vmem_shared>> -> memref<80x128xf32, #tpu.memory_space<vmem_shared>>
      %dma_start3A_351 = arith.constant 0 : i32
      %dma_start3A_352 = tpu.memref_slice %arg9[%add3A_48, %dma_start3A_351] : memref<10000x128xf32, #tpu.memory_space<vmem_shared>> -> memref<80x128xf32, #tpu.memory_space<vmem_shared>>
      %dma_start3A_353 = arith.constant 0 : i32
      %dma_start3A_354 = arith.constant 0 : i32
      %dma_start3A_355 = tpu.memref_slice %arg8[%run_scoped3A_49, %dma_start3A_353, %dma_start3A_354] : memref<3x80x128xf32, #tpu.memory_space<vmem>> -> memref<1x80x128xf32, #tpu.memory_space<vmem>>
      %dma_start3A_356 = tpu.memref_squeeze %dma_start3A_355 : memref<1x80x128xf32, #tpu.memory_space<vmem>> -> memref<80x128xf32, #tpu.memory_space<vmem>>
      tpu.enqueue_dma source(%dma_start3A_356 : memref<80x128xf32, #tpu.memory_space<vmem>>) target(%dma_start3A_352 : memref<80x128xf32, #tpu.memory_space<vmem_shared>>) target_semaphore(%run_scoped3A_344 : memref<!tpu.dma_semaphore, #tpu.memory_space<semaphore_mem>>)
      %dma_wait3A_357 = arith.constant 0 : i32
      %dma_wait3A_358 = arith.constant 0 : i32
      %dma_wait3A_359 = tpu.memref_slice %arg8[%run_scoped3A_49, %dma_wait3A_357, %dma_wait3A_358] : memref<3x80x128xf32, #tpu.memory_space<vmem>> -> memref<1x80x128xf32, #tpu.memory_space<vmem>>
      %dma_wait3A_360 = tpu.memref_squeeze %dma_wait3A_359 : memref<1x80x128xf32, #tpu.memory_space<vmem>> -> memref<80x128xf32, #tpu.memory_space<vmem>>
      %dma_wait3A_361 = arith.constant 0 : i32
      %dma_wait3A_362 = tpu.memref_slice %arg9[%add3A_48, %dma_wait3A_361] : memref<10000x128xf32, #tpu.memory_space<vmem_shared>> -> memref<80x128xf32, #tpu.memory_space<vmem_shared>>
      %dma_wait3A_363 = arith.constant 0 : i32
      %dma_wait3A_364 = tpu.memref_slice %arg9[%add3A_48, %dma_wait3A_363] : memref<10000x128xf32, #tpu.memory_space<vmem_shared>> -> memref<80x128xf32, #tpu.memory_space<vmem_shared>>
      %dma_wait3A_365 = arith.constant 0 : i32
      %dma_wait3A_366 = arith.constant 0 : i32
      %dma_wait3A_367 = tpu.memref_slice %arg8[%run_scoped3A_49, %dma_wait3A_365, %dma_wait3A_366] : memref<3x80x128xf32, #tpu.memory_space<vmem>> -> memref<1x80x128xf32, #tpu.memory_space<vmem>>
      %dma_wait3A_368 = tpu.memref_squeeze %dma_wait3A_367 : memref<1x80x128xf32, #tpu.memory_space<vmem>> -> memref<80x128xf32, #tpu.memory_space<vmem>>
      tpu.wait_dma2 semaphore(%run_scoped3A_344 : memref<!tpu.dma_semaphore, #tpu.memory_space<semaphore_mem>>) src(%dma_wait3A_368 : memref<80x128xf32, #tpu.memory_space<vmem>>) dst(%dma_wait3A_364 : memref<80x128xf32, #tpu.memory_space<vmem_shared>>)
      tpu.yield
    }) : () -> ()
    %mul3A_50 = arith.constant 624 : i32
    %mul3A_51 = arith.muli %arg1, %mul3A_50 : i32
    %add3A_52 = arith.constant 320 : i32
    %add3A_53 = arith.addi %mul3A_51, %add3A_52 : i32
    %run_scoped3A_54 = arith.constant 2 : i32
    "tpu.region"() ({
      %run_scoped3A_344 = tpu.sem_alloc : memref<!tpu.dma_semaphore, #tpu.memory_space<semaphore_mem>>
      %dma_start3A_345 = arith.constant 0 : i32
      %dma_start3A_346 = arith.constant 0 : i32
      %dma_start3A_347 = tpu.memref_slice %arg8[%run_scoped3A_54, %dma_start3A_345, %dma_start3A_346] : memref<3x80x128xf32, #tpu.memory_space<vmem>> -> memref<1x80x128xf32, #tpu.memory_space<vmem>>
      %dma_start3A_348 = tpu.memref_squeeze %dma_start3A_347 : memref<1x80x128xf32, #tpu.memory_space<vmem>> -> memref<80x128xf32, #tpu.memory_space<vmem>>
      %dma_start3A_349 = arith.constant 0 : i32
      %dma_start3A_350 = tpu.memref_slice %arg9[%add3A_53, %dma_start3A_349] : memref<10000x128xf32, #tpu.memory_space<vmem_shared>> -> memref<80x128xf32, #tpu.memory_space<vmem_shared>>
      %dma_start3A_351 = arith.constant 0 : i32
      %dma_start3A_352 = tpu.memref_slice %arg9[%add3A_53, %dma_start3A_351] : memref<10000x128xf32, #tpu.memory_space<vmem_shared>> -> memref<80x128xf32, #tpu.memory_space<vmem_shared>>
      %dma_start3A_353 = arith.constant 0 : i32
      %dma_start3A_354 = arith.constant 0 : i32
      %dma_start3A_355 = tpu.memref_slice %arg8[%run_scoped3A_54, %dma_start3A_353, %dma_start3A_354] : memref<3x80x128xf32, #tpu.memory_space<vmem>> -> memref<1x80x128xf32, #tpu.memory_space<vmem>>
      %dma_start3A_356 = tpu.memref_squeeze %dma_start3A_355 : memref<1x80x128xf32, #tpu.memory_space<vmem>> -> memref<80x128xf32, #tpu.memory_space<vmem>>
      tpu.enqueue_dma source(%dma_start3A_356 : memref<80x128xf32, #tpu.memory_space<vmem>>) target(%dma_start3A_352 : memref<80x128xf32, #tpu.memory_space<vmem_shared>>) target_semaphore(%run_scoped3A_344 : memref<!tpu.dma_semaphore, #tpu.memory_space<semaphore_mem>>)
      %dma_wait3A_357 = arith.constant 0 : i32
      %dma_wait3A_358 = arith.constant 0 : i32
      %dma_wait3A_359 = tpu.memref_slice %arg8[%run_scoped3A_54, %dma_wait3A_357, %dma_wait3A_358] : memref<3x80x128xf32, #tpu.memory_space<vmem>> -> memref<1x80x128xf32, #tpu.memory_space<vmem>>
      %dma_wait3A_360 = tpu.memref_squeeze %dma_wait3A_359 : memref<1x80x128xf32, #tpu.memory_space<vmem>> -> memref<80x128xf32, #tpu.memory_space<vmem>>
      %dma_wait3A_361 = arith.constant 0 : i32
      %dma_wait3A_362 = tpu.memref_slice %arg9[%add3A_53, %dma_wait3A_361] : memref<10000x128xf32, #tpu.memory_space<vmem_shared>> -> memref<80x128xf32, #tpu.memory_space<vmem_shared>>
      %dma_wait3A_363 = arith.constant 0 : i32
      %dma_wait3A_364 = tpu.memref_slice %arg9[%add3A_53, %dma_wait3A_363] : memref<10000x128xf32, #tpu.memory_space<vmem_shared>> -> memref<80x128xf32, #tpu.memory_space<vmem_shared>>
      %dma_wait3A_365 = arith.constant 0 : i32
      %dma_wait3A_366 = arith.constant 0 : i32
      %dma_wait3A_367 = tpu.memref_slice %arg8[%run_scoped3A_54, %dma_wait3A_365, %dma_wait3A_366] : memref<3x80x128xf32, #tpu.memory_space<vmem>> -> memref<1x80x128xf32, #tpu.memory_space<vmem>>
      %dma_wait3A_368 = tpu.memref_squeeze %dma_wait3A_367 : memref<1x80x128xf32, #tpu.memory_space<vmem>> -> memref<80x128xf32, #tpu.memory_space<vmem>>
      tpu.wait_dma2 semaphore(%run_scoped3A_344 : memref<!tpu.dma_semaphore, #tpu.memory_space<semaphore_mem>>) src(%dma_wait3A_368 : memref<80x128xf32, #tpu.memory_space<vmem>>) dst(%dma_wait3A_364 : memref<80x128xf32, #tpu.memory_space<vmem_shared>>)
      tpu.yield
    }) : () -> ()
    %mul3A_55 = arith.constant 624 : i32
    %mul3A_56 = arith.muli %arg1, %mul3A_55 : i32
    %add3A_57 = arith.constant 400 : i32
    %add3A_58 = arith.addi %mul3A_56, %add3A_57 : i32
    %run_scoped3A_59 = arith.constant 2 : i32
    "tpu.region"() ({
      %run_scoped3A_344 = tpu.sem_alloc : memref<!tpu.dma_semaphore, #tpu.memory_space<semaphore_mem>>
      %dma_start3A_345 = arith.constant 0 : i32
      %dma_start3A_346 = arith.constant 0 : i32
      %dma_start3A_347 = tpu.memref_slice %arg8[%run_scoped3A_59, %dma_start3A_345, %dma_start3A_346] : memref<3x80x128xf32, #tpu.memory_space<vmem>> -> memref<1x80x128xf32, #tpu.memory_space<vmem>>
      %dma_start3A_348 = tpu.memref_squeeze %dma_start3A_347 : memref<1x80x128xf32, #tpu.memory_space<vmem>> -> memref<80x128xf32, #tpu.memory_space<vmem>>
      %dma_start3A_349 = arith.constant 0 : i32
      %dma_start3A_350 = tpu.memref_slice %arg9[%add3A_58, %dma_start3A_349] : memref<10000x128xf32, #tpu.memory_space<vmem_shared>> -> memref<80x128xf32, #tpu.memory_space<vmem_shared>>
      %dma_start3A_351 = arith.constant 0 : i32
      %dma_start3A_352 = tpu.memref_slice %arg9[%add3A_58, %dma_start3A_351] : memref<10000x128xf32, #tpu.memory_space<vmem_shared>> -> memref<80x128xf32, #tpu.memory_space<vmem_shared>>
      %dma_start3A_353 = arith.constant 0 : i32
      %dma_start3A_354 = arith.constant 0 : i32
      %dma_start3A_355 = tpu.memref_slice %arg8[%run_scoped3A_59, %dma_start3A_353, %dma_start3A_354] : memref<3x80x128xf32, #tpu.memory_space<vmem>> -> memref<1x80x128xf32, #tpu.memory_space<vmem>>
      %dma_start3A_356 = tpu.memref_squeeze %dma_start3A_355 : memref<1x80x128xf32, #tpu.memory_space<vmem>> -> memref<80x128xf32, #tpu.memory_space<vmem>>
      tpu.enqueue_dma source(%dma_start3A_356 : memref<80x128xf32, #tpu.memory_space<vmem>>) target(%dma_start3A_352 : memref<80x128xf32, #tpu.memory_space<vmem_shared>>) target_semaphore(%run_scoped3A_344 : memref<!tpu.dma_semaphore, #tpu.memory_space<semaphore_mem>>)
      %dma_wait3A_357 = arith.constant 0 : i32
      %dma_wait3A_358 = arith.constant 0 : i32
      %dma_wait3A_359 = tpu.memref_slice %arg8[%run_scoped3A_59, %dma_wait3A_357, %dma_wait3A_358] : memref<3x80x128xf32, #tpu.memory_space<vmem>> -> memref<1x80x128xf32, #tpu.memory_space<vmem>>
      %dma_wait3A_360 = tpu.memref_squeeze %dma_wait3A_359 : memref<1x80x128xf32, #tpu.memory_space<vmem>> -> memref<80x128xf32, #tpu.memory_space<vmem>>
      %dma_wait3A_361 = arith.constant 0 : i32
      %dma_wait3A_362 = tpu.memref_slice %arg9[%add3A_58, %dma_wait3A_361] : memref<10000x128xf32, #tpu.memory_space<vmem_shared>> -> memref<80x128xf32, #tpu.memory_space<vmem_shared>>
      %dma_wait3A_363 = arith.constant 0 : i32
      %dma_wait3A_364 = tpu.memref_slice %arg9[%add3A_58, %dma_wait3A_363] : memref<10000x128xf32, #tpu.memory_space<vmem_shared>> -> memref<80x128xf32, #tpu.memory_space<vmem_shared>>
      %dma_wait3A_365 = arith.constant 0 : i32
      %dma_wait3A_366 = arith.constant 0 : i32
      %dma_wait3A_367 = tpu.memref_slice %arg8[%run_scoped3A_59, %dma_wait3A_365, %dma_wait3A_366] : memref<3x80x128xf32, #tpu.memory_space<vmem>> -> memref<1x80x128xf32, #tpu.memory_space<vmem>>
      %dma_wait3A_368 = tpu.memref_squeeze %dma_wait3A_367 : memref<1x80x128xf32, #tpu.memory_space<vmem>> -> memref<80x128xf32, #tpu.memory_space<vmem>>
      tpu.wait_dma2 semaphore(%run_scoped3A_344 : memref<!tpu.dma_semaphore, #tpu.memory_space<semaphore_mem>>) src(%dma_wait3A_368 : memref<80x128xf32, #tpu.memory_space<vmem>>) dst(%dma_wait3A_364 : memref<80x128xf32, #tpu.memory_space<vmem_shared>>)
      tpu.yield
    }) : () -> ()
    %mul3A_60 = arith.constant 624 : i32
    %mul3A_61 = arith.muli %arg1, %mul3A_60 : i32
    %add3A_62 = arith.constant 480 : i32
    %add3A_63 = arith.addi %mul3A_61, %add3A_62 : i32
    %run_scoped3A_64 = arith.constant 2 : i32
    "tpu.region"() ({
      %run_scoped3A_344 = tpu.sem_alloc : memref<!tpu.dma_semaphore, #tpu.memory_space<semaphore_mem>>
      %dma_start3A_345 = arith.constant 0 : i32
      %dma_start3A_346 = arith.constant 0 : i32
      %dma_start3A_347 = tpu.memref_slice %arg8[%run_scoped3A_64, %dma_start3A_345, %dma_start3A_346] : memref<3x80x128xf32, #tpu.memory_space<vmem>> -> memref<1x80x128xf32, #tpu.memory_space<vmem>>
      %dma_start3A_348 = tpu.memref_squeeze %dma_start3A_347 : memref<1x80x128xf32, #tpu.memory_space<vmem>> -> memref<80x128xf32, #tpu.memory_space<vmem>>
      %dma_start3A_349 = arith.constant 0 : i32
      %dma_start3A_350 = tpu.memref_slice %arg9[%add3A_63, %dma_start3A_349] : memref<10000x128xf32, #tpu.memory_space<vmem_shared>> -> memref<80x128xf32, #tpu.memory_space<vmem_shared>>
      %dma_start3A_351 = arith.constant 0 : i32
      %dma_start3A_352 = tpu.memref_slice %arg9[%add3A_63, %dma_start3A_351] : memref<10000x128xf32, #tpu.memory_space<vmem_shared>> -> memref<80x128xf32, #tpu.memory_space<vmem_shared>>
      %dma_start3A_353 = arith.constant 0 : i32
      %dma_start3A_354 = arith.constant 0 : i32
      %dma_start3A_355 = tpu.memref_slice %arg8[%run_scoped3A_64, %dma_start3A_353, %dma_start3A_354] : memref<3x80x128xf32, #tpu.memory_space<vmem>> -> memref<1x80x128xf32, #tpu.memory_space<vmem>>
      %dma_start3A_356 = tpu.memref_squeeze %dma_start3A_355 : memref<1x80x128xf32, #tpu.memory_space<vmem>> -> memref<80x128xf32, #tpu.memory_space<vmem>>
      tpu.enqueue_dma source(%dma_start3A_356 : memref<80x128xf32, #tpu.memory_space<vmem>>) target(%dma_start3A_352 : memref<80x128xf32, #tpu.memory_space<vmem_shared>>) target_semaphore(%run_scoped3A_344 : memref<!tpu.dma_semaphore, #tpu.memory_space<semaphore_mem>>)
      %dma_wait3A_357 = arith.constant 0 : i32
      %dma_wait3A_358 = arith.constant 0 : i32
      %dma_wait3A_359 = tpu.memref_slice %arg8[%run_scoped3A_64, %dma_wait3A_357, %dma_wait3A_358] : memref<3x80x128xf32, #tpu.memory_space<vmem>> -> memref<1x80x128xf32, #tpu.memory_space<vmem>>
      %dma_wait3A_360 = tpu.memref_squeeze %dma_wait3A_359 : memref<1x80x128xf32, #tpu.memory_space<vmem>> -> memref<80x128xf32, #tpu.memory_space<vmem>>
      %dma_wait3A_361 = arith.constant 0 : i32
      %dma_wait3A_362 = tpu.memref_slice %arg9[%add3A_63, %dma_wait3A_361] : memref<10000x128xf32, #tpu.memory_space<vmem_shared>> -> memref<80x128xf32, #tpu.memory_space<vmem_shared>>
      %dma_wait3A_363 = arith.constant 0 : i32
      %dma_wait3A_364 = tpu.memref_slice %arg9[%add3A_63, %dma_wait3A_363] : memref<10000x128xf32, #tpu.memory_space<vmem_shared>> -> memref<80x128xf32, #tpu.memory_space<vmem_shared>>
      %dma_wait3A_365 = arith.constant 0 : i32
      %dma_wait3A_366 = arith.constant 0 : i32
      %dma_wait3A_367 = tpu.memref_slice %arg8[%run_scoped3A_64, %dma_wait3A_365, %dma_wait3A_366] : memref<3x80x128xf32, #tpu.memory_space<vmem>> -> memref<1x80x128xf32, #tpu.memory_space<vmem>>
      %dma_wait3A_368 = tpu.memref_squeeze %dma_wait3A_367 : memref<1x80x128xf32, #tpu.memory_space<vmem>> -> memref<80x128xf32, #tpu.memory_space<vmem>>
      tpu.wait_dma2 semaphore(%run_scoped3A_344 : memref<!tpu.dma_semaphore, #tpu.memory_space<semaphore_mem>>) src(%dma_wait3A_368 : memref<80x128xf32, #tpu.memory_space<vmem>>) dst(%dma_wait3A_364 : memref<80x128xf32, #tpu.memory_space<vmem_shared>>)
      tpu.yield
    }) : () -> ()
    %eq3A = arith.constant 15 : i32
    %eq3A_65 = arith.cmpi eq, %arg1, %eq3A : i32
    %convert_element_type3A = arith.extui %eq3A_65 : i1 to i32
    %cond3A = arith.constant 0 : i32
    %cond3A_66 = arith.cmpi ne, %convert_element_type3A, %cond3A : i32
    scf.if %cond3A_66 {
      %run_scoped3A_344 = arith.constant 2 : i32
      "tpu.region"() ({
        %run_scoped3A_345 = tpu.sem_alloc : memref<!tpu.dma_semaphore, #tpu.memory_space<semaphore_mem>>
        %dma_start3A_346 = arith.constant 0 : i32
        %dma_start3A_347 = arith.constant 0 : i32
        %dma_start3A_348 = tpu.memref_slice %arg8[%run_scoped3A_344, %dma_start3A_346, %dma_start3A_347] : memref<3x80x128xf32, #tpu.memory_space<vmem>> -> memref<1x80x128xf32, #tpu.memory_space<vmem>>
        %dma_start3A_349 = tpu.memref_squeeze %dma_start3A_348 : memref<1x80x128xf32, #tpu.memory_space<vmem>> -> memref<80x128xf32, #tpu.memory_space<vmem>>
        %dma_start3A_350 = arith.constant 9920 : i32
        %dma_start3A_351 = arith.constant 0 : i32
        %dma_start3A_352 = tpu.memref_slice %arg9[%dma_start3A_350, %dma_start3A_351] : memref<10000x128xf32, #tpu.memory_space<vmem_shared>> -> memref<80x128xf32, #tpu.memory_space<vmem_shared>>
        %dma_start3A_353 = arith.constant 9920 : i32
        %dma_start3A_354 = arith.constant 0 : i32
        %dma_start3A_355 = tpu.memref_slice %arg9[%dma_start3A_353, %dma_start3A_354] : memref<10000x128xf32, #tpu.memory_space<vmem_shared>> -> memref<80x128xf32, #tpu.memory_space<vmem_shared>>
        %dma_start3A_356 = arith.constant 0 : i32
        %dma_start3A_357 = arith.constant 0 : i32
        %dma_start3A_358 = tpu.memref_slice %arg8[%run_scoped3A_344, %dma_start3A_356, %dma_start3A_357] : memref<3x80x128xf32, #tpu.memory_space<vmem>> -> memref<1x80x128xf32, #tpu.memory_space<vmem>>
        %dma_start3A_359 = tpu.memref_squeeze %dma_start3A_358 : memref<1x80x128xf32, #tpu.memory_space<vmem>> -> memref<80x128xf32, #tpu.memory_space<vmem>>
        tpu.enqueue_dma source(%dma_start3A_359 : memref<80x128xf32, #tpu.memory_space<vmem>>) target(%dma_start3A_355 : memref<80x128xf32, #tpu.memory_space<vmem_shared>>) target_semaphore(%run_scoped3A_345 : memref<!tpu.dma_semaphore, #tpu.memory_space<semaphore_mem>>)
        %dma_wait3A_360 = arith.constant 0 : i32
        %dma_wait3A_361 = arith.constant 0 : i32
        %dma_wait3A_362 = tpu.memref_slice %arg8[%run_scoped3A_344, %dma_wait3A_360, %dma_wait3A_361] : memref<3x80x128xf32, #tpu.memory_space<vmem>> -> memref<1x80x128xf32, #tpu.memory_space<vmem>>
        %dma_wait3A_363 = tpu.memref_squeeze %dma_wait3A_362 : memref<1x80x128xf32, #tpu.memory_space<vmem>> -> memref<80x128xf32, #tpu.memory_space<vmem>>
        %dma_wait3A_364 = arith.constant 9920 : i32
        %dma_wait3A_365 = arith.constant 0 : i32
        %dma_wait3A_366 = tpu.memref_slice %arg9[%dma_wait3A_364, %dma_wait3A_365] : memref<10000x128xf32, #tpu.memory_space<vmem_shared>> -> memref<80x128xf32, #tpu.memory_space<vmem_shared>>
        %dma_wait3A_367 = arith.constant 9920 : i32
        %dma_wait3A_368 = arith.constant 0 : i32
        %dma_wait3A_369 = tpu.memref_slice %arg9[%dma_wait3A_367, %dma_wait3A_368] : memref<10000x128xf32, #tpu.memory_space<vmem_shared>> -> memref<80x128xf32, #tpu.memory_space<vmem_shared>>
        %dma_wait3A_370 = arith.constant 0 : i32
        %dma_wait3A_371 = arith.constant 0 : i32
        %dma_wait3A_372 = tpu.memref_slice %arg8[%run_scoped3A_344, %dma_wait3A_370, %dma_wait3A_371] : memref<3x80x128xf32, #tpu.memory_space<vmem>> -> memref<1x80x128xf32, #tpu.memory_space<vmem>>
        %dma_wait3A_373 = tpu.memref_squeeze %dma_wait3A_372 : memref<1x80x128xf32, #tpu.memory_space<vmem>> -> memref<80x128xf32, #tpu.memory_space<vmem>>
        tpu.wait_dma2 semaphore(%run_scoped3A_345 : memref<!tpu.dma_semaphore, #tpu.memory_space<semaphore_mem>>) src(%dma_wait3A_373 : memref<80x128xf32, #tpu.memory_space<vmem>>) dst(%dma_wait3A_369 : memref<80x128xf32, #tpu.memory_space<vmem_shared>>)
        tpu.yield
      }) : () -> ()
    } else {
    }
    %ne3A = arith.constant 15 : i32
    %ne3A_67 = arith.cmpi ne, %arg1, %ne3A : i32
    %convert_element_type3A_68 = arith.extui %ne3A_67 : i1 to i32
    %cond3A_69 = arith.constant 0 : i32
    %cond3A_70 = arith.cmpi ne, %convert_element_type3A_68, %cond3A_69 : i32
    scf.if %cond3A_70 {
      %mul3A_344 = arith.constant 624 : i32
      %mul3A_345 = arith.muli %arg1, %mul3A_344 : i32
      %add3A_346 = arith.constant 560 : i32
      %add3A_347 = arith.addi %mul3A_345, %add3A_346 : i32
      %run_scoped3A_348 = arith.constant 2 : i32
      "tpu.region"() ({
        %run_scoped3A_349 = tpu.sem_alloc : memref<!tpu.dma_semaphore, #tpu.memory_space<semaphore_mem>>
        %dma_start3A_350 = arith.constant 0 : i32
        %dma_start3A_351 = arith.constant 0 : i32
        %dma_start3A_352 = tpu.memref_slice %arg8[%run_scoped3A_348, %dma_start3A_350, %dma_start3A_351] : memref<3x80x128xf32, #tpu.memory_space<vmem>> -> memref<1x64x128xf32, #tpu.memory_space<vmem>>
        %dma_start3A_353 = tpu.memref_squeeze %dma_start3A_352 : memref<1x64x128xf32, #tpu.memory_space<vmem>> -> memref<64x128xf32, #tpu.memory_space<vmem>>
        %dma_start3A_354 = arith.constant 0 : i32
        %dma_start3A_355 = tpu.memref_slice %arg9[%add3A_347, %dma_start3A_354] : memref<10000x128xf32, #tpu.memory_space<vmem_shared>> -> memref<64x128xf32, #tpu.memory_space<vmem_shared>>
        %dma_start3A_356 = arith.constant 0 : i32
        %dma_start3A_357 = tpu.memref_slice %arg9[%add3A_347, %dma_start3A_356] : memref<10000x128xf32, #tpu.memory_space<vmem_shared>> -> memref<64x128xf32, #tpu.memory_space<vmem_shared>>
        %dma_start3A_358 = arith.constant 0 : i32
        %dma_start3A_359 = arith.constant 0 : i32
        %dma_start3A_360 = tpu.memref_slice %arg8[%run_scoped3A_348, %dma_start3A_358, %dma_start3A_359] : memref<3x80x128xf32, #tpu.memory_space<vmem>> -> memref<1x64x128xf32, #tpu.memory_space<vmem>>
        %dma_start3A_361 = tpu.memref_squeeze %dma_start3A_360 : memref<1x64x128xf32, #tpu.memory_space<vmem>> -> memref<64x128xf32, #tpu.memory_space<vmem>>
        tpu.enqueue_dma source(%dma_start3A_361 : memref<64x128xf32, #tpu.memory_space<vmem>>) target(%dma_start3A_357 : memref<64x128xf32, #tpu.memory_space<vmem_shared>>) target_semaphore(%run_scoped3A_349 : memref<!tpu.dma_semaphore, #tpu.memory_space<semaphore_mem>>)
        %dma_wait3A_362 = arith.constant 0 : i32
        %dma_wait3A_363 = arith.constant 0 : i32
        %dma_wait3A_364 = tpu.memref_slice %arg8[%run_scoped3A_348, %dma_wait3A_362, %dma_wait3A_363] : memref<3x80x128xf32, #tpu.memory_space<vmem>> -> memref<1x64x128xf32, #tpu.memory_space<vmem>>
        %dma_wait3A_365 = tpu.memref_squeeze %dma_wait3A_364 : memref<1x64x128xf32, #tpu.memory_space<vmem>> -> memref<64x128xf32, #tpu.memory_space<vmem>>
        %dma_wait3A_366 = arith.constant 0 : i32
        %dma_wait3A_367 = tpu.memref_slice %arg9[%add3A_347, %dma_wait3A_366] : memref<10000x128xf32, #tpu.memory_space<vmem_shared>> -> memref<64x128xf32, #tpu.memory_space<vmem_shared>>
        %dma_wait3A_368 = arith.constant 0 : i32
        %dma_wait3A_369 = tpu.memref_slice %arg9[%add3A_347, %dma_wait3A_368] : memref<10000x128xf32, #tpu.memory_space<vmem_shared>> -> memref<64x128xf32, #tpu.memory_space<vmem_shared>>
        %dma_wait3A_370 = arith.constant 0 : i32
        %dma_wait3A_371 = arith.constant 0 : i32
        %dma_wait3A_372 = tpu.memref_slice %arg8[%run_scoped3A_348, %dma_wait3A_370, %dma_wait3A_371] : memref<3x80x128xf32, #tpu.memory_space<vmem>> -> memref<1x64x128xf32, #tpu.memory_space<vmem>>
        %dma_wait3A_373 = tpu.memref_squeeze %dma_wait3A_372 : memref<1x64x128xf32, #tpu.memory_space<vmem>> -> memref<64x128xf32, #tpu.memory_space<vmem>>
        tpu.wait_dma2 semaphore(%run_scoped3A_349 : memref<!tpu.dma_semaphore, #tpu.memory_space<semaphore_mem>>) src(%dma_wait3A_373 : memref<64x128xf32, #tpu.memory_space<vmem>>) dst(%dma_wait3A_369 : memref<64x128xf32, #tpu.memory_space<vmem_shared>>)
        tpu.yield
      }) : () -> ()
    } else {
    }
    %barrier3A = arith.constant 0 : index
    tpu.barrier barrier_id(%barrier3A)
    %dma_wait3A = arith.constant 0 : i32
    %dma_wait3A_71 = arith.constant 0 : i32
    %dma_wait3A_72 = arith.constant 0 : i32
    %dma_wait3A_73 = arith.constant 0 : i32
    %dma_wait3A_74 = tpu.memref_slice %arg8[%dma_wait3A, %dma_wait3A_72, %dma_wait3A_73] : memref<3x80x128xf32, #tpu.memory_space<vmem>> -> memref<1x80x128xf32, #tpu.memory_space<vmem>>
    %dma_wait3A_75 = tpu.memref_squeeze %dma_wait3A_74 : memref<1x80x128xf32, #tpu.memory_space<vmem>> -> memref<80x128xf32, #tpu.memory_space<vmem>>
    %dma_wait3A_76 = arith.constant 0 : i32
    %dma_wait3A_77 = tpu.memref_slice %arg6[%dma_wait3A_76] : memref<10000xi32, #tpu.memory_space<vmem>> -> memref<80xi32, #tpu.memory_space<vmem>>
    %dma_wait3A_78 = arith.constant 0 : i32
    %dma_wait3A_79 = arith.constant 0 : i32
    %dma_wait3A_80 = tpu.memref_slice %arg2[%dma_wait3A_78, %dma_wait3A_79] : memref<10000x128xf32, #tpu.memory_space<hbm>> -> memref<10000x128xf32, #tpu.memory_space<hbm>>
    %dma_wait3A_81 = tpu.memref_slice %arg10[%dma_wait3A_71] : memref<3x!tpu.dma_semaphore, #tpu.memory_space<semaphore_mem>> -> memref<1x!tpu.dma_semaphore, #tpu.memory_space<semaphore_mem>>
    %dma_wait3A_82 = tpu.memref_squeeze %dma_wait3A_81 : memref<1x!tpu.dma_semaphore, #tpu.memory_space<semaphore_mem>> -> memref<!tpu.dma_semaphore, #tpu.memory_space<semaphore_mem>>
    tpu.wait_indirect_dma semaphore(%dma_wait3A_82 : memref<!tpu.dma_semaphore, #tpu.memory_space<semaphore_mem>>) src(%dma_wait3A_80 : memref<10000x128xf32, #tpu.memory_space<hbm>>) dst(%dma_wait3A_75 : memref<80x128xf32, #tpu.memory_space<vmem>>)
    %dma_start3A_83 = arith.constant 2 : i32
    %dma_start3A_84 = arith.constant 2 : i32
    %dma_start3A_85 = arith.constant 0 : i32
    %dma_start3A_86 = arith.constant 0 : i32
    %dma_start3A_87 = tpu.memref_slice %arg8[%dma_start3A_83, %dma_start3A_85, %dma_start3A_86] : memref<3x80x128xf32, #tpu.memory_space<vmem>> -> memref<1x80x128xf32, #tpu.memory_space<vmem>>
    %dma_start3A_88 = tpu.memref_squeeze %dma_start3A_87 : memref<1x80x128xf32, #tpu.memory_space<vmem>> -> memref<80x128xf32, #tpu.memory_space<vmem>>
    %dma_start3A_89 = arith.constant 160 : i32
    %dma_start3A_90 = tpu.memref_slice %arg6[%dma_start3A_89] : memref<10000xi32, #tpu.memory_space<vmem>> -> memref<80xi32, #tpu.memory_space<vmem>>
    %dma_start3A_91 = arith.constant 0 : i32
    %dma_start3A_92 = arith.constant 0 : i32
    %dma_start3A_93 = tpu.memref_slice %arg2[%dma_start3A_91, %dma_start3A_92] : memref<10000x128xf32, #tpu.memory_space<hbm>> -> memref<10000x128xf32, #tpu.memory_space<hbm>>
    %dma_start3A_94 = tpu.memref_slice %arg10[%dma_start3A_84] : memref<3x!tpu.dma_semaphore, #tpu.memory_space<semaphore_mem>> -> memref<1x!tpu.dma_semaphore, #tpu.memory_space<semaphore_mem>>
    %dma_start3A_95 = tpu.memref_squeeze %dma_start3A_94 : memref<1x!tpu.dma_semaphore, #tpu.memory_space<semaphore_mem>> -> memref<!tpu.dma_semaphore, #tpu.memory_space<semaphore_mem>>
    tpu.enqueue_indirect_dma source(%dma_start3A_93 : memref<10000x128xf32, #tpu.memory_space<hbm>>) target(%dma_start3A_88 : memref<80x128xf32, #tpu.memory_space<vmem>>) offsets(%dma_start3A_90 : memref<80xi32, #tpu.memory_space<vmem>>) semaphore(%dma_start3A_95 : memref<!tpu.dma_semaphore, #tpu.memory_space<semaphore_mem>>)
    %dma_start3A_96 = arith.constant 0 : i32
    %dma_start3A_97 = arith.constant 0 : i32
    %dma_start3A_98 = arith.constant 0 : i32
    %dma_start3A_99 = arith.constant 0 : i32
    %dma_start3A_100 = tpu.memref_slice %arg8[%dma_start3A_96, %dma_start3A_98, %dma_start3A_99] : memref<3x80x128xf32, #tpu.memory_space<vmem>> -> memref<1x80x128xf32, #tpu.memory_space<vmem>>
    %dma_start3A_101 = tpu.memref_squeeze %dma_start3A_100 : memref<1x80x128xf32, #tpu.memory_space<vmem>> -> memref<80x128xf32, #tpu.memory_space<vmem>>
    %dma_start3A_102 = arith.constant 0 : i32
    %dma_start3A_103 = tpu.memref_slice %arg7[%dma_start3A_102] : memref<10000xi32, #tpu.memory_space<vmem>> -> memref<80xi32, #tpu.memory_space<vmem>>
    %dma_start3A_104 = arith.constant 0 : i32
    %dma_start3A_105 = arith.constant 0 : i32
    %dma_start3A_106 = tpu.memref_slice %arg9[%dma_start3A_104, %dma_start3A_105] : memref<10000x128xf32, #tpu.memory_space<vmem_shared>> -> memref<10000x128xf32, #tpu.memory_space<vmem_shared>>
    %dma_start3A_107 = tpu.memref_slice %arg11[%dma_start3A_97] : memref<3x!tpu.dma_semaphore, #tpu.memory_space<semaphore_mem>> -> memref<1x!tpu.dma_semaphore, #tpu.memory_space<semaphore_mem>>
    %dma_start3A_108 = tpu.memref_squeeze %dma_start3A_107 : memref<1x!tpu.dma_semaphore, #tpu.memory_space<semaphore_mem>> -> memref<!tpu.dma_semaphore, #tpu.memory_space<semaphore_mem>>
    tpu.enqueue_indirect_dma source(%dma_start3A_101 : memref<80x128xf32, #tpu.memory_space<vmem>>) target(%dma_start3A_106 : memref<10000x128xf32, #tpu.memory_space<vmem_shared>>) offsets(%dma_start3A_103 : memref<80xi32, #tpu.memory_space<vmem>>) semaphore(%dma_start3A_108 : memref<!tpu.dma_semaphore, #tpu.memory_space<semaphore_mem>>) {add = true}
    %scan3A_109 = arith.constant 0 : i32
    %scan3A_110 = arith.constant 40 : i32
    %scan3A_111 = arith.addi %scan3A_109, %scan3A_110 : i32
    %scan3A_112 = arith.constant 1 : i32
    scf.for %scan3A_344 = %scan3A_109 to %scan3A_111 step %scan3A_112  : i32 {
      %mul3A_345 = arith.constant 3 : i32
      %mul3A_346 = arith.muli %scan3A_344, %mul3A_345 : i32
      %add3A_347 = arith.constant 1 : i32
      %add3A_348 = arith.addi %add3A_347, %mul3A_346 : i32
      %add3A_349 = arith.constant 0 : i32
      %add3A_350 = arith.addi %add3A_348, %add3A_349 : i32
      %mul3A_351 = arith.constant 80 : i32
      %mul3A_352 = arith.muli %add3A_350, %mul3A_351 : i32
      %dma_wait3A_353 = arith.constant 1 : i32
      %dma_wait3A_354 = arith.constant 1 : i32
      %dma_wait3A_355 = arith.constant 0 : i32
      %dma_wait3A_356 = arith.constant 0 : i32
      %dma_wait3A_357 = tpu.memref_slice %arg8[%dma_wait3A_353, %dma_wait3A_355, %dma_wait3A_356] : memref<3x80x128xf32, #tpu.memory_space<vmem>> -> memref<1x80x128xf32, #tpu.memory_space<vmem>>
      %dma_wait3A_358 = tpu.memref_squeeze %dma_wait3A_357 : memref<1x80x128xf32, #tpu.memory_space<vmem>> -> memref<80x128xf32, #tpu.memory_space<vmem>>
      %dma_wait3A_359 = tpu.memref_slice %arg6[%mul3A_352] : memref<10000xi32, #tpu.memory_space<vmem>> -> memref<80xi32, #tpu.memory_space<vmem>>
      %dma_wait3A_360 = arith.constant 0 : i32
      %dma_wait3A_361 = arith.constant 0 : i32
      %dma_wait3A_362 = tpu.memref_slice %arg2[%dma_wait3A_360, %dma_wait3A_361] : memref<10000x128xf32, #tpu.memory_space<hbm>> -> memref<10000x128xf32, #tpu.memory_space<hbm>>
      %dma_wait3A_363 = tpu.memref_slice %arg10[%dma_wait3A_354] : memref<3x!tpu.dma_semaphore, #tpu.memory_space<semaphore_mem>> -> memref<1x!tpu.dma_semaphore, #tpu.memory_space<semaphore_mem>>
      %dma_wait3A_364 = tpu.memref_squeeze %dma_wait3A_363 : memref<1x!tpu.dma_semaphore, #tpu.memory_space<semaphore_mem>> -> memref<!tpu.dma_semaphore, #tpu.memory_space<semaphore_mem>>
      tpu.wait_indirect_dma semaphore(%dma_wait3A_364 : memref<!tpu.dma_semaphore, #tpu.memory_space<semaphore_mem>>) src(%dma_wait3A_362 : memref<10000x128xf32, #tpu.memory_space<hbm>>) dst(%dma_wait3A_358 : memref<80x128xf32, #tpu.memory_space<vmem>>)
      %dma_wait3A_365 = arith.constant 0 : i32
      %dma_wait3A_366 = arith.constant 0 : i32
      %dma_wait3A_367 = arith.constant 0 : i32
      %dma_wait3A_368 = arith.constant 0 : i32
      %dma_wait3A_369 = tpu.memref_slice %arg8[%dma_wait3A_365, %dma_wait3A_367, %dma_wait3A_368] : memref<3x80x128xf32, #tpu.memory_space<vmem>> -> memref<1x80x128xf32, #tpu.memory_space<vmem>>
      %dma_wait3A_370 = tpu.memref_squeeze %dma_wait3A_369 : memref<1x80x128xf32, #tpu.memory_space<vmem>> -> memref<80x128xf32, #tpu.memory_space<vmem>>
      %dma_wait3A_371 = arith.constant 0 : i32
      %dma_wait3A_372 = arith.constant 0 : i32
      %dma_wait3A_373 = tpu.memref_slice %arg9[%dma_wait3A_371, %dma_wait3A_372] : memref<10000x128xf32, #tpu.memory_space<vmem_shared>> -> memref<80x128xf32, #tpu.memory_space<vmem_shared>>
      %dma_wait3A_374 = tpu.memref_slice %arg11[%dma_wait3A_366] : memref<3x!tpu.dma_semaphore, #tpu.memory_space<semaphore_mem>> -> memref<1x!tpu.dma_semaphore, #tpu.memory_space<semaphore_mem>>
      %dma_wait3A_375 = tpu.memref_squeeze %dma_wait3A_374 : memref<1x!tpu.dma_semaphore, #tpu.memory_space<semaphore_mem>> -> memref<!tpu.dma_semaphore, #tpu.memory_space<semaphore_mem>>
      %dma_wait3A_376 = arith.constant 0 : i32
      %dma_wait3A_377 = arith.constant 0 : i32
      %dma_wait3A_378 = tpu.memref_slice %arg9[%dma_wait3A_376, %dma_wait3A_377] : memref<10000x128xf32, #tpu.memory_space<vmem_shared>> -> memref<80x128xf32, #tpu.memory_space<vmem_shared>>
      %dma_wait3A_379 = arith.constant 0 : i32
      %dma_wait3A_380 = arith.constant 0 : i32
      %dma_wait3A_381 = tpu.memref_slice %arg8[%dma_wait3A_365, %dma_wait3A_379, %dma_wait3A_380] : memref<3x80x128xf32, #tpu.memory_space<vmem>> -> memref<1x80x128xf32, #tpu.memory_space<vmem>>
      %dma_wait3A_382 = tpu.memref_squeeze %dma_wait3A_381 : memref<1x80x128xf32, #tpu.memory_space<vmem>> -> memref<80x128xf32, #tpu.memory_space<vmem>>
      tpu.wait_dma2 semaphore(%dma_wait3A_375 : memref<!tpu.dma_semaphore, #tpu.memory_space<semaphore_mem>>) src(%dma_wait3A_382 : memref<80x128xf32, #tpu.memory_space<vmem>>) dst(%dma_wait3A_378 : memref<80x128xf32, #tpu.memory_space<vmem_shared>>)
      %add3A_383 = arith.constant 2 : i32
      %add3A_384 = arith.addi %add3A_350, %add3A_383 : i32
      %mul3A_385 = arith.constant 80 : i32
      %mul3A_386 = arith.muli %add3A_384, %mul3A_385 : i32
      %dma_start3A_387 = arith.constant 0 : i32
      %dma_start3A_388 = arith.constant 0 : i32
      %dma_start3A_389 = arith.constant 0 : i32
      %dma_start3A_390 = arith.constant 0 : i32
      %dma_start3A_391 = tpu.memref_slice %arg8[%dma_start3A_387, %dma_start3A_389, %dma_start3A_390] : memref<3x80x128xf32, #tpu.memory_space<vmem>> -> memref<1x80x128xf32, #tpu.memory_space<vmem>>
      %dma_start3A_392 = tpu.memref_squeeze %dma_start3A_391 : memref<1x80x128xf32, #tpu.memory_space<vmem>> -> memref<80x128xf32, #tpu.memory_space<vmem>>
      %dma_start3A_393 = tpu.memref_slice %arg6[%mul3A_386] : memref<10000xi32, #tpu.memory_space<vmem>> -> memref<80xi32, #tpu.memory_space<vmem>>
      %dma_start3A_394 = arith.constant 0 : i32
      %dma_start3A_395 = arith.constant 0 : i32
      %dma_start3A_396 = tpu.memref_slice %arg2[%dma_start3A_394, %dma_start3A_395] : memref<10000x128xf32, #tpu.memory_space<hbm>> -> memref<10000x128xf32, #tpu.memory_space<hbm>>
      %dma_start3A_397 = tpu.memref_slice %arg10[%dma_start3A_388] : memref<3x!tpu.dma_semaphore, #tpu.memory_space<semaphore_mem>> -> memref<1x!tpu.dma_semaphore, #tpu.memory_space<semaphore_mem>>
      %dma_start3A_398 = tpu.memref_squeeze %dma_start3A_397 : memref<1x!tpu.dma_semaphore, #tpu.memory_space<semaphore_mem>> -> memref<!tpu.dma_semaphore, #tpu.memory_space<semaphore_mem>>
      tpu.enqueue_indirect_dma source(%dma_start3A_396 : memref<10000x128xf32, #tpu.memory_space<hbm>>) target(%dma_start3A_392 : memref<80x128xf32, #tpu.memory_space<vmem>>) offsets(%dma_start3A_393 : memref<80xi32, #tpu.memory_space<vmem>>) semaphore(%dma_start3A_398 : memref<!tpu.dma_semaphore, #tpu.memory_space<semaphore_mem>>)
      %mul3A_399 = arith.constant 80 : i32
      %mul3A_400 = arith.muli %add3A_350, %mul3A_399 : i32
      %dma_start3A_401 = arith.constant 1 : i32
      %dma_start3A_402 = arith.constant 1 : i32
      %dma_start3A_403 = arith.constant 0 : i32
      %dma_start3A_404 = arith.constant 0 : i32
      %dma_start3A_405 = tpu.memref_slice %arg8[%dma_start3A_401, %dma_start3A_403, %dma_start3A_404] : memref<3x80x128xf32, #tpu.memory_space<vmem>> -> memref<1x80x128xf32, #tpu.memory_space<vmem>>
      %dma_start3A_406 = tpu.memref_squeeze %dma_start3A_405 : memref<1x80x128xf32, #tpu.memory_space<vmem>> -> memref<80x128xf32, #tpu.memory_space<vmem>>
      %dma_start3A_407 = tpu.memref_slice %arg7[%mul3A_400] : memref<10000xi32, #tpu.memory_space<vmem>> -> memref<80xi32, #tpu.memory_space<vmem>>
      %dma_start3A_408 = arith.constant 0 : i32
      %dma_start3A_409 = arith.constant 0 : i32
      %dma_start3A_410 = tpu.memref_slice %arg9[%dma_start3A_408, %dma_start3A_409] : memref<10000x128xf32, #tpu.memory_space<vmem_shared>> -> memref<10000x128xf32, #tpu.memory_space<vmem_shared>>
      %dma_start3A_411 = tpu.memref_slice %arg11[%dma_start3A_402] : memref<3x!tpu.dma_semaphore, #tpu.memory_space<semaphore_mem>> -> memref<1x!tpu.dma_semaphore, #tpu.memory_space<semaphore_mem>>
      %dma_start3A_412 = tpu.memref_squeeze %dma_start3A_411 : memref<1x!tpu.dma_semaphore, #tpu.memory_space<semaphore_mem>> -> memref<!tpu.dma_semaphore, #tpu.memory_space<semaphore_mem>>
      tpu.enqueue_indirect_dma source(%dma_start3A_406 : memref<80x128xf32, #tpu.memory_space<vmem>>) target(%dma_start3A_410 : memref<10000x128xf32, #tpu.memory_space<vmem_shared>>) offsets(%dma_start3A_407 : memref<80xi32, #tpu.memory_space<vmem>>) semaphore(%dma_start3A_412 : memref<!tpu.dma_semaphore, #tpu.memory_space<semaphore_mem>>) {add = true}
      %add3A_413 = arith.constant 1 : i32
      %add3A_414 = arith.addi %add3A_348, %add3A_413 : i32
      %mul3A_415 = arith.constant 80 : i32
      %mul3A_416 = arith.muli %add3A_414, %mul3A_415 : i32
      %dma_wait3A_417 = arith.constant 2 : i32
      %dma_wait3A_418 = arith.constant 2 : i32
      %dma_wait3A_419 = arith.constant 0 : i32
      %dma_wait3A_420 = arith.constant 0 : i32
      %dma_wait3A_421 = tpu.memref_slice %arg8[%dma_wait3A_417, %dma_wait3A_419, %dma_wait3A_420] : memref<3x80x128xf32, #tpu.memory_space<vmem>> -> memref<1x80x128xf32, #tpu.memory_space<vmem>>
      %dma_wait3A_422 = tpu.memref_squeeze %dma_wait3A_421 : memref<1x80x128xf32, #tpu.memory_space<vmem>> -> memref<80x128xf32, #tpu.memory_space<vmem>>
      %dma_wait3A_423 = tpu.memref_slice %arg6[%mul3A_416] : memref<10000xi32, #tpu.memory_space<vmem>> -> memref<80xi32, #tpu.memory_space<vmem>>
      %dma_wait3A_424 = arith.constant 0 : i32
      %dma_wait3A_425 = arith.constant 0 : i32
      %dma_wait3A_426 = tpu.memref_slice %arg2[%dma_wait3A_424, %dma_wait3A_425] : memref<10000x128xf32, #tpu.memory_space<hbm>> -> memref<10000x128xf32, #tpu.memory_space<hbm>>
      %dma_wait3A_427 = tpu.memref_slice %arg10[%dma_wait3A_418] : memref<3x!tpu.dma_semaphore, #tpu.memory_space<semaphore_mem>> -> memref<1x!tpu.dma_semaphore, #tpu.memory_space<semaphore_mem>>
      %dma_wait3A_428 = tpu.memref_squeeze %dma_wait3A_427 : memref<1x!tpu.dma_semaphore, #tpu.memory_space<semaphore_mem>> -> memref<!tpu.dma_semaphore, #tpu.memory_space<semaphore_mem>>
      tpu.wait_indirect_dma semaphore(%dma_wait3A_428 : memref<!tpu.dma_semaphore, #tpu.memory_space<semaphore_mem>>) src(%dma_wait3A_426 : memref<10000x128xf32, #tpu.memory_space<hbm>>) dst(%dma_wait3A_422 : memref<80x128xf32, #tpu.memory_space<vmem>>)
      %dma_wait3A_429 = arith.constant 1 : i32
      %dma_wait3A_430 = arith.constant 1 : i32
      %dma_wait3A_431 = arith.constant 0 : i32
      %dma_wait3A_432 = arith.constant 0 : i32
      %dma_wait3A_433 = tpu.memref_slice %arg8[%dma_wait3A_429, %dma_wait3A_431, %dma_wait3A_432] : memref<3x80x128xf32, #tpu.memory_space<vmem>> -> memref<1x80x128xf32, #tpu.memory_space<vmem>>
      %dma_wait3A_434 = tpu.memref_squeeze %dma_wait3A_433 : memref<1x80x128xf32, #tpu.memory_space<vmem>> -> memref<80x128xf32, #tpu.memory_space<vmem>>
      %dma_wait3A_435 = arith.constant 0 : i32
      %dma_wait3A_436 = arith.constant 0 : i32
      %dma_wait3A_437 = tpu.memref_slice %arg9[%dma_wait3A_435, %dma_wait3A_436] : memref<10000x128xf32, #tpu.memory_space<vmem_shared>> -> memref<80x128xf32, #tpu.memory_space<vmem_shared>>
      %dma_wait3A_438 = tpu.memref_slice %arg11[%dma_wait3A_430] : memref<3x!tpu.dma_semaphore, #tpu.memory_space<semaphore_mem>> -> memref<1x!tpu.dma_semaphore, #tpu.memory_space<semaphore_mem>>
      %dma_wait3A_439 = tpu.memref_squeeze %dma_wait3A_438 : memref<1x!tpu.dma_semaphore, #tpu.memory_space<semaphore_mem>> -> memref<!tpu.dma_semaphore, #tpu.memory_space<semaphore_mem>>
      %dma_wait3A_440 = arith.constant 0 : i32
      %dma_wait3A_441 = arith.constant 0 : i32
      %dma_wait3A_442 = tpu.memref_slice %arg9[%dma_wait3A_440, %dma_wait3A_441] : memref<10000x128xf32, #tpu.memory_space<vmem_shared>> -> memref<80x128xf32, #tpu.memory_space<vmem_shared>>
      %dma_wait3A_443 = arith.constant 0 : i32
      %dma_wait3A_444 = arith.constant 0 : i32
      %dma_wait3A_445 = tpu.memref_slice %arg8[%dma_wait3A_429, %dma_wait3A_443, %dma_wait3A_444] : memref<3x80x128xf32, #tpu.memory_space<vmem>> -> memref<1x80x128xf32, #tpu.memory_space<vmem>>
      %dma_wait3A_446 = tpu.memref_squeeze %dma_wait3A_445 : memref<1x80x128xf32, #tpu.memory_space<vmem>> -> memref<80x128xf32, #tpu.memory_space<vmem>>
      tpu.wait_dma2 semaphore(%dma_wait3A_439 : memref<!tpu.dma_semaphore, #tpu.memory_space<semaphore_mem>>) src(%dma_wait3A_446 : memref<80x128xf32, #tpu.memory_space<vmem>>) dst(%dma_wait3A_442 : memref<80x128xf32, #tpu.memory_space<vmem_shared>>)
      %add3A_447 = arith.constant 2 : i32
      %add3A_448 = arith.addi %add3A_414, %add3A_447 : i32
      %mul3A_449 = arith.constant 80 : i32
      %mul3A_450 = arith.muli %add3A_448, %mul3A_449 : i32
      %dma_start3A_451 = arith.constant 1 : i32
      %dma_start3A_452 = arith.constant 1 : i32
      %dma_start3A_453 = arith.constant 0 : i32
      %dma_start3A_454 = arith.constant 0 : i32
      %dma_start3A_455 = tpu.memref_slice %arg8[%dma_start3A_451, %dma_start3A_453, %dma_start3A_454] : memref<3x80x128xf32, #tpu.memory_space<vmem>> -> memref<1x80x128xf32, #tpu.memory_space<vmem>>
      %dma_start3A_456 = tpu.memref_squeeze %dma_start3A_455 : memref<1x80x128xf32, #tpu.memory_space<vmem>> -> memref<80x128xf32, #tpu.memory_space<vmem>>
      %dma_start3A_457 = tpu.memref_slice %arg6[%mul3A_450] : memref<10000xi32, #tpu.memory_space<vmem>> -> memref<80xi32, #tpu.memory_space<vmem>>
      %dma_start3A_458 = arith.constant 0 : i32
      %dma_start3A_459 = arith.constant 0 : i32
      %dma_start3A_460 = tpu.memref_slice %arg2[%dma_start3A_458, %dma_start3A_459] : memref<10000x128xf32, #tpu.memory_space<hbm>> -> memref<10000x128xf32, #tpu.memory_space<hbm>>
      %dma_start3A_461 = tpu.memref_slice %arg10[%dma_start3A_452] : memref<3x!tpu.dma_semaphore, #tpu.memory_space<semaphore_mem>> -> memref<1x!tpu.dma_semaphore, #tpu.memory_space<semaphore_mem>>
      %dma_start3A_462 = tpu.memref_squeeze %dma_start3A_461 : memref<1x!tpu.dma_semaphore, #tpu.memory_space<semaphore_mem>> -> memref<!tpu.dma_semaphore, #tpu.memory_space<semaphore_mem>>
      tpu.enqueue_indirect_dma source(%dma_start3A_460 : memref<10000x128xf32, #tpu.memory_space<hbm>>) target(%dma_start3A_456 : memref<80x128xf32, #tpu.memory_space<vmem>>) offsets(%dma_start3A_457 : memref<80xi32, #tpu.memory_space<vmem>>) semaphore(%dma_start3A_462 : memref<!tpu.dma_semaphore, #tpu.memory_space<semaphore_mem>>)
      %mul3A_463 = arith.constant 80 : i32
      %mul3A_464 = arith.muli %add3A_414, %mul3A_463 : i32
      %dma_start3A_465 = arith.constant 2 : i32
      %dma_start3A_466 = arith.constant 2 : i32
      %dma_start3A_467 = arith.constant 0 : i32
      %dma_start3A_468 = arith.constant 0 : i32
      %dma_start3A_469 = tpu.memref_slice %arg8[%dma_start3A_465, %dma_start3A_467, %dma_start3A_468] : memref<3x80x128xf32, #tpu.memory_space<vmem>> -> memref<1x80x128xf32, #tpu.memory_space<vmem>>
      %dma_start3A_470 = tpu.memref_squeeze %dma_start3A_469 : memref<1x80x128xf32, #tpu.memory_space<vmem>> -> memref<80x128xf32, #tpu.memory_space<vmem>>
      %dma_start3A_471 = tpu.memref_slice %arg7[%mul3A_464] : memref<10000xi32, #tpu.memory_space<vmem>> -> memref<80xi32, #tpu.memory_space<vmem>>
      %dma_start3A_472 = arith.constant 0 : i32
      %dma_start3A_473 = arith.constant 0 : i32
      %dma_start3A_474 = tpu.memref_slice %arg9[%dma_start3A_472, %dma_start3A_473] : memref<10000x128xf32, #tpu.memory_space<vmem_shared>> -> memref<10000x128xf32, #tpu.memory_space<vmem_shared>>
      %dma_start3A_475 = tpu.memref_slice %arg11[%dma_start3A_466] : memref<3x!tpu.dma_semaphore, #tpu.memory_space<semaphore_mem>> -> memref<1x!tpu.dma_semaphore, #tpu.memory_space<semaphore_mem>>
      %dma_start3A_476 = tpu.memref_squeeze %dma_start3A_475 : memref<1x!tpu.dma_semaphore, #tpu.memory_space<semaphore_mem>> -> memref<!tpu.dma_semaphore, #tpu.memory_space<semaphore_mem>>
      tpu.enqueue_indirect_dma source(%dma_start3A_470 : memref<80x128xf32, #tpu.memory_space<vmem>>) target(%dma_start3A_474 : memref<10000x128xf32, #tpu.memory_space<vmem_shared>>) offsets(%dma_start3A_471 : memref<80xi32, #tpu.memory_space<vmem>>) semaphore(%dma_start3A_476 : memref<!tpu.dma_semaphore, #tpu.memory_space<semaphore_mem>>) {add = true}
      %add3A_477 = arith.constant 2 : i32
      %add3A_478 = arith.addi %add3A_348, %add3A_477 : i32
      %mul3A_479 = arith.constant 80 : i32
      %mul3A_480 = arith.muli %add3A_478, %mul3A_479 : i32
      %dma_wait3A_481 = arith.constant 0 : i32
      %dma_wait3A_482 = arith.constant 0 : i32
      %dma_wait3A_483 = arith.constant 0 : i32
      %dma_wait3A_484 = arith.constant 0 : i32
      %dma_wait3A_485 = tpu.memref_slice %arg8[%dma_wait3A_481, %dma_wait3A_483, %dma_wait3A_484] : memref<3x80x128xf32, #tpu.memory_space<vmem>> -> memref<1x80x128xf32, #tpu.memory_space<vmem>>
      %dma_wait3A_486 = tpu.memref_squeeze %dma_wait3A_485 : memref<1x80x128xf32, #tpu.memory_space<vmem>> -> memref<80x128xf32, #tpu.memory_space<vmem>>
      %dma_wait3A_487 = tpu.memref_slice %arg6[%mul3A_480] : memref<10000xi32, #tpu.memory_space<vmem>> -> memref<80xi32, #tpu.memory_space<vmem>>
      %dma_wait3A_488 = arith.constant 0 : i32
      %dma_wait3A_489 = arith.constant 0 : i32
      %dma_wait3A_490 = tpu.memref_slice %arg2[%dma_wait3A_488, %dma_wait3A_489] : memref<10000x128xf32, #tpu.memory_space<hbm>> -> memref<10000x128xf32, #tpu.memory_space<hbm>>
      %dma_wait3A_491 = tpu.memref_slice %arg10[%dma_wait3A_482] : memref<3x!tpu.dma_semaphore, #tpu.memory_space<semaphore_mem>> -> memref<1x!tpu.dma_semaphore, #tpu.memory_space<semaphore_mem>>
      %dma_wait3A_492 = tpu.memref_squeeze %dma_wait3A_491 : memref<1x!tpu.dma_semaphore, #tpu.memory_space<semaphore_mem>> -> memref<!tpu.dma_semaphore, #tpu.memory_space<semaphore_mem>>
      tpu.wait_indirect_dma semaphore(%dma_wait3A_492 : memref<!tpu.dma_semaphore, #tpu.memory_space<semaphore_mem>>) src(%dma_wait3A_490 : memref<10000x128xf32, #tpu.memory_space<hbm>>) dst(%dma_wait3A_486 : memref<80x128xf32, #tpu.memory_space<vmem>>)
      %dma_wait3A_493 = arith.constant 2 : i32
      %dma_wait3A_494 = arith.constant 2 : i32
      %dma_wait3A_495 = arith.constant 0 : i32
      %dma_wait3A_496 = arith.constant 0 : i32
      %dma_wait3A_497 = tpu.memref_slice %arg8[%dma_wait3A_493, %dma_wait3A_495, %dma_wait3A_496] : memref<3x80x128xf32, #tpu.memory_space<vmem>> -> memref<1x80x128xf32, #tpu.memory_space<vmem>>
      %dma_wait3A_498 = tpu.memref_squeeze %dma_wait3A_497 : memref<1x80x128xf32, #tpu.memory_space<vmem>> -> memref<80x128xf32, #tpu.memory_space<vmem>>
      %dma_wait3A_499 = arith.constant 0 : i32
      %dma_wait3A_500 = arith.constant 0 : i32
      %dma_wait3A_501 = tpu.memref_slice %arg9[%dma_wait3A_499, %dma_wait3A_500] : memref<10000x128xf32, #tpu.memory_space<vmem_shared>> -> memref<80x128xf32, #tpu.memory_space<vmem_shared>>
      %dma_wait3A_502 = tpu.memref_slice %arg11[%dma_wait3A_494] : memref<3x!tpu.dma_semaphore, #tpu.memory_space<semaphore_mem>> -> memref<1x!tpu.dma_semaphore, #tpu.memory_space<semaphore_mem>>
      %dma_wait3A_503 = tpu.memref_squeeze %dma_wait3A_502 : memref<1x!tpu.dma_semaphore, #tpu.memory_space<semaphore_mem>> -> memref<!tpu.dma_semaphore, #tpu.memory_space<semaphore_mem>>
      %dma_wait3A_504 = arith.constant 0 : i32
      %dma_wait3A_505 = arith.constant 0 : i32
      %dma_wait3A_506 = tpu.memref_slice %arg9[%dma_wait3A_504, %dma_wait3A_505] : memref<10000x128xf32, #tpu.memory_space<vmem_shared>> -> memref<80x128xf32, #tpu.memory_space<vmem_shared>>
      %dma_wait3A_507 = arith.constant 0 : i32
      %dma_wait3A_508 = arith.constant 0 : i32
      %dma_wait3A_509 = tpu.memref_slice %arg8[%dma_wait3A_493, %dma_wait3A_507, %dma_wait3A_508] : memref<3x80x128xf32, #tpu.memory_space<vmem>> -> memref<1x80x128xf32, #tpu.memory_space<vmem>>
      %dma_wait3A_510 = tpu.memref_squeeze %dma_wait3A_509 : memref<1x80x128xf32, #tpu.memory_space<vmem>> -> memref<80x128xf32, #tpu.memory_space<vmem>>
      tpu.wait_dma2 semaphore(%dma_wait3A_503 : memref<!tpu.dma_semaphore, #tpu.memory_space<semaphore_mem>>) src(%dma_wait3A_510 : memref<80x128xf32, #tpu.memory_space<vmem>>) dst(%dma_wait3A_506 : memref<80x128xf32, #tpu.memory_space<vmem_shared>>)
      %add3A_511 = arith.constant 2 : i32
      %add3A_512 = arith.addi %add3A_478, %add3A_511 : i32
      %mul3A_513 = arith.constant 80 : i32
      %mul3A_514 = arith.muli %add3A_512, %mul3A_513 : i32
      %dma_start3A_515 = arith.constant 2 : i32
      %dma_start3A_516 = arith.constant 2 : i32
      %dma_start3A_517 = arith.constant 0 : i32
      %dma_start3A_518 = arith.constant 0 : i32
      %dma_start3A_519 = tpu.memref_slice %arg8[%dma_start3A_515, %dma_start3A_517, %dma_start3A_518] : memref<3x80x128xf32, #tpu.memory_space<vmem>> -> memref<1x80x128xf32, #tpu.memory_space<vmem>>
      %dma_start3A_520 = tpu.memref_squeeze %dma_start3A_519 : memref<1x80x128xf32, #tpu.memory_space<vmem>> -> memref<80x128xf32, #tpu.memory_space<vmem>>
      %dma_start3A_521 = tpu.memref_slice %arg6[%mul3A_514] : memref<10000xi32, #tpu.memory_space<vmem>> -> memref<80xi32, #tpu.memory_space<vmem>>
      %dma_start3A_522 = arith.constant 0 : i32
      %dma_start3A_523 = arith.constant 0 : i32
      %dma_start3A_524 = tpu.memref_slice %arg2[%dma_start3A_522, %dma_start3A_523] : memref<10000x128xf32, #tpu.memory_space<hbm>> -> memref<10000x128xf32, #tpu.memory_space<hbm>>
      %dma_start3A_525 = tpu.memref_slice %arg10[%dma_start3A_516] : memref<3x!tpu.dma_semaphore, #tpu.memory_space<semaphore_mem>> -> memref<1x!tpu.dma_semaphore, #tpu.memory_space<semaphore_mem>>
      %dma_start3A_526 = tpu.memref_squeeze %dma_start3A_525 : memref<1x!tpu.dma_semaphore, #tpu.memory_space<semaphore_mem>> -> memref<!tpu.dma_semaphore, #tpu.memory_space<semaphore_mem>>
      tpu.enqueue_indirect_dma source(%dma_start3A_524 : memref<10000x128xf32, #tpu.memory_space<hbm>>) target(%dma_start3A_520 : memref<80x128xf32, #tpu.memory_space<vmem>>) offsets(%dma_start3A_521 : memref<80xi32, #tpu.memory_space<vmem>>) semaphore(%dma_start3A_526 : memref<!tpu.dma_semaphore, #tpu.memory_space<semaphore_mem>>)
      %mul3A_527 = arith.constant 80 : i32
      %mul3A_528 = arith.muli %add3A_478, %mul3A_527 : i32
      %dma_start3A_529 = arith.constant 0 : i32
      %dma_start3A_530 = arith.constant 0 : i32
      %dma_start3A_531 = arith.constant 0 : i32
      %dma_start3A_532 = arith.constant 0 : i32
      %dma_start3A_533 = tpu.memref_slice %arg8[%dma_start3A_529, %dma_start3A_531, %dma_start3A_532] : memref<3x80x128xf32, #tpu.memory_space<vmem>> -> memref<1x80x128xf32, #tpu.memory_space<vmem>>
      %dma_start3A_534 = tpu.memref_squeeze %dma_start3A_533 : memref<1x80x128xf32, #tpu.memory_space<vmem>> -> memref<80x128xf32, #tpu.memory_space<vmem>>
      %dma_start3A_535 = tpu.memref_slice %arg7[%mul3A_528] : memref<10000xi32, #tpu.memory_space<vmem>> -> memref<80xi32, #tpu.memory_space<vmem>>
      %dma_start3A_536 = arith.constant 0 : i32
      %dma_start3A_537 = arith.constant 0 : i32
      %dma_start3A_538 = tpu.memref_slice %arg9[%dma_start3A_536, %dma_start3A_537] : memref<10000x128xf32, #tpu.memory_space<vmem_shared>> -> memref<10000x128xf32, #tpu.memory_space<vmem_shared>>
      %dma_start3A_539 = tpu.memref_slice %arg11[%dma_start3A_530] : memref<3x!tpu.dma_semaphore, #tpu.memory_space<semaphore_mem>> -> memref<1x!tpu.dma_semaphore, #tpu.memory_space<semaphore_mem>>
      %dma_start3A_540 = tpu.memref_squeeze %dma_start3A_539 : memref<1x!tpu.dma_semaphore, #tpu.memory_space<semaphore_mem>> -> memref<!tpu.dma_semaphore, #tpu.memory_space<semaphore_mem>>
      tpu.enqueue_indirect_dma source(%dma_start3A_534 : memref<80x128xf32, #tpu.memory_space<vmem>>) target(%dma_start3A_538 : memref<10000x128xf32, #tpu.memory_space<vmem_shared>>) offsets(%dma_start3A_535 : memref<80xi32, #tpu.memory_space<vmem>>) semaphore(%dma_start3A_540 : memref<!tpu.dma_semaphore, #tpu.memory_space<semaphore_mem>>) {add = true}
    }
    %scan3A_113 = arith.constant 40 : i32
    %dma_wait3A_114 = arith.constant 1 : i32
    %dma_wait3A_115 = arith.constant 1 : i32
    %dma_wait3A_116 = arith.constant 0 : i32
    %dma_wait3A_117 = arith.constant 0 : i32
    %dma_wait3A_118 = tpu.memref_slice %arg8[%dma_wait3A_114, %dma_wait3A_116, %dma_wait3A_117] : memref<3x80x128xf32, #tpu.memory_space<vmem>> -> memref<1x80x128xf32, #tpu.memory_space<vmem>>
    %dma_wait3A_119 = tpu.memref_squeeze %dma_wait3A_118 : memref<1x80x128xf32, #tpu.memory_space<vmem>> -> memref<80x128xf32, #tpu.memory_space<vmem>>
    %dma_wait3A_120 = arith.constant 9680 : i32
    %dma_wait3A_121 = tpu.memref_slice %arg6[%dma_wait3A_120] : memref<10000xi32, #tpu.memory_space<vmem>> -> memref<80xi32, #tpu.memory_space<vmem>>
    %dma_wait3A_122 = arith.constant 0 : i32
    %dma_wait3A_123 = arith.constant 0 : i32
    %dma_wait3A_124 = tpu.memref_slice %arg2[%dma_wait3A_122, %dma_wait3A_123] : memref<10000x128xf32, #tpu.memory_space<hbm>> -> memref<10000x128xf32, #tpu.memory_space<hbm>>
    %dma_wait3A_125 = tpu.memref_slice %arg10[%dma_wait3A_115] : memref<3x!tpu.dma_semaphore, #tpu.memory_space<semaphore_mem>> -> memref<1x!tpu.dma_semaphore, #tpu.memory_space<semaphore_mem>>
    %dma_wait3A_126 = tpu.memref_squeeze %dma_wait3A_125 : memref<1x!tpu.dma_semaphore, #tpu.memory_space<semaphore_mem>> -> memref<!tpu.dma_semaphore, #tpu.memory_space<semaphore_mem>>
    tpu.wait_indirect_dma semaphore(%dma_wait3A_126 : memref<!tpu.dma_semaphore, #tpu.memory_space<semaphore_mem>>) src(%dma_wait3A_124 : memref<10000x128xf32, #tpu.memory_space<hbm>>) dst(%dma_wait3A_119 : memref<80x128xf32, #tpu.memory_space<vmem>>)
    %dma_wait3A_127 = arith.constant 0 : i32
    %dma_wait3A_128 = arith.constant 0 : i32
    %dma_wait3A_129 = arith.constant 0 : i32
    %dma_wait3A_130 = arith.constant 0 : i32
    %dma_wait3A_131 = tpu.memref_slice %arg8[%dma_wait3A_127, %dma_wait3A_129, %dma_wait3A_130] : memref<3x80x128xf32, #tpu.memory_space<vmem>> -> memref<1x80x128xf32, #tpu.memory_space<vmem>>
    %dma_wait3A_132 = tpu.memref_squeeze %dma_wait3A_131 : memref<1x80x128xf32, #tpu.memory_space<vmem>> -> memref<80x128xf32, #tpu.memory_space<vmem>>
    %dma_wait3A_133 = arith.constant 0 : i32
    %dma_wait3A_134 = arith.constant 0 : i32
    %dma_wait3A_135 = tpu.memref_slice %arg9[%dma_wait3A_133, %dma_wait3A_134] : memref<10000x128xf32, #tpu.memory_space<vmem_shared>> -> memref<80x128xf32, #tpu.memory_space<vmem_shared>>
    %dma_wait3A_136 = tpu.memref_slice %arg11[%dma_wait3A_128] : memref<3x!tpu.dma_semaphore, #tpu.memory_space<semaphore_mem>> -> memref<1x!tpu.dma_semaphore, #tpu.memory_space<semaphore_mem>>
    %dma_wait3A_137 = tpu.memref_squeeze %dma_wait3A_136 : memref<1x!tpu.dma_semaphore, #tpu.memory_space<semaphore_mem>> -> memref<!tpu.dma_semaphore, #tpu.memory_space<semaphore_mem>>
    %dma_wait3A_138 = arith.constant 0 : i32
    %dma_wait3A_139 = arith.constant 0 : i32
    %dma_wait3A_140 = tpu.memref_slice %arg9[%dma_wait3A_138, %dma_wait3A_139] : memref<10000x128xf32, #tpu.memory_space<vmem_shared>> -> memref<80x128xf32, #tpu.memory_space<vmem_shared>>
    %dma_wait3A_141 = arith.constant 0 : i32
    %dma_wait3A_142 = arith.constant 0 : i32
    %dma_wait3A_143 = tpu.memref_slice %arg8[%dma_wait3A_127, %dma_wait3A_141, %dma_wait3A_142] : memref<3x80x128xf32, #tpu.memory_space<vmem>> -> memref<1x80x128xf32, #tpu.memory_space<vmem>>
    %dma_wait3A_144 = tpu.memref_squeeze %dma_wait3A_143 : memref<1x80x128xf32, #tpu.memory_space<vmem>> -> memref<80x128xf32, #tpu.memory_space<vmem>>
    tpu.wait_dma2 semaphore(%dma_wait3A_137 : memref<!tpu.dma_semaphore, #tpu.memory_space<semaphore_mem>>) src(%dma_wait3A_144 : memref<80x128xf32, #tpu.memory_space<vmem>>) dst(%dma_wait3A_140 : memref<80x128xf32, #tpu.memory_space<vmem_shared>>)
    %dma_start3A_145 = arith.constant 0 : i32
    %dma_start3A_146 = arith.constant 0 : i32
    %dma_start3A_147 = arith.constant 0 : i32
    %dma_start3A_148 = arith.constant 0 : i32
    %dma_start3A_149 = tpu.memref_slice %arg8[%dma_start3A_145, %dma_start3A_147, %dma_start3A_148] : memref<3x80x128xf32, #tpu.memory_space<vmem>> -> memref<1x80x128xf32, #tpu.memory_space<vmem>>
    %dma_start3A_150 = tpu.memref_squeeze %dma_start3A_149 : memref<1x80x128xf32, #tpu.memory_space<vmem>> -> memref<80x128xf32, #tpu.memory_space<vmem>>
    %dma_start3A_151 = arith.constant 9840 : i32
    %dma_start3A_152 = tpu.memref_slice %arg6[%dma_start3A_151] : memref<10000xi32, #tpu.memory_space<vmem>> -> memref<80xi32, #tpu.memory_space<vmem>>
    %dma_start3A_153 = arith.constant 0 : i32
    %dma_start3A_154 = arith.constant 0 : i32
    %dma_start3A_155 = tpu.memref_slice %arg2[%dma_start3A_153, %dma_start3A_154] : memref<10000x128xf32, #tpu.memory_space<hbm>> -> memref<10000x128xf32, #tpu.memory_space<hbm>>
    %dma_start3A_156 = tpu.memref_slice %arg10[%dma_start3A_146] : memref<3x!tpu.dma_semaphore, #tpu.memory_space<semaphore_mem>> -> memref<1x!tpu.dma_semaphore, #tpu.memory_space<semaphore_mem>>
    %dma_start3A_157 = tpu.memref_squeeze %dma_start3A_156 : memref<1x!tpu.dma_semaphore, #tpu.memory_space<semaphore_mem>> -> memref<!tpu.dma_semaphore, #tpu.memory_space<semaphore_mem>>
    tpu.enqueue_indirect_dma source(%dma_start3A_155 : memref<10000x128xf32, #tpu.memory_space<hbm>>) target(%dma_start3A_150 : memref<80x128xf32, #tpu.memory_space<vmem>>) offsets(%dma_start3A_152 : memref<80xi32, #tpu.memory_space<vmem>>) semaphore(%dma_start3A_157 : memref<!tpu.dma_semaphore, #tpu.memory_space<semaphore_mem>>)
    %dma_start3A_158 = arith.constant 1 : i32
    %dma_start3A_159 = arith.constant 1 : i32
    %dma_start3A_160 = arith.constant 0 : i32
    %dma_start3A_161 = arith.constant 0 : i32
    %dma_start3A_162 = tpu.memref_slice %arg8[%dma_start3A_158, %dma_start3A_160, %dma_start3A_161] : memref<3x80x128xf32, #tpu.memory_space<vmem>> -> memref<1x80x128xf32, #tpu.memory_space<vmem>>
    %dma_start3A_163 = tpu.memref_squeeze %dma_start3A_162 : memref<1x80x128xf32, #tpu.memory_space<vmem>> -> memref<80x128xf32, #tpu.memory_space<vmem>>
    %dma_start3A_164 = arith.constant 9680 : i32
    %dma_start3A_165 = tpu.memref_slice %arg7[%dma_start3A_164] : memref<10000xi32, #tpu.memory_space<vmem>> -> memref<80xi32, #tpu.memory_space<vmem>>
    %dma_start3A_166 = arith.constant 0 : i32
    %dma_start3A_167 = arith.constant 0 : i32
    %dma_start3A_168 = tpu.memref_slice %arg9[%dma_start3A_166, %dma_start3A_167] : memref<10000x128xf32, #tpu.memory_space<vmem_shared>> -> memref<10000x128xf32, #tpu.memory_space<vmem_shared>>
    %dma_start3A_169 = tpu.memref_slice %arg11[%dma_start3A_159] : memref<3x!tpu.dma_semaphore, #tpu.memory_space<semaphore_mem>> -> memref<1x!tpu.dma_semaphore, #tpu.memory_space<semaphore_mem>>
    %dma_start3A_170 = tpu.memref_squeeze %dma_start3A_169 : memref<1x!tpu.dma_semaphore, #tpu.memory_space<semaphore_mem>> -> memref<!tpu.dma_semaphore, #tpu.memory_space<semaphore_mem>>
    tpu.enqueue_indirect_dma source(%dma_start3A_163 : memref<80x128xf32, #tpu.memory_space<vmem>>) target(%dma_start3A_168 : memref<10000x128xf32, #tpu.memory_space<vmem_shared>>) offsets(%dma_start3A_165 : memref<80xi32, #tpu.memory_space<vmem>>) semaphore(%dma_start3A_170 : memref<!tpu.dma_semaphore, #tpu.memory_space<semaphore_mem>>) {add = true}
    %dma_wait3A_171 = arith.constant 2 : i32
    %dma_wait3A_172 = arith.constant 2 : i32
    %dma_wait3A_173 = arith.constant 0 : i32
    %dma_wait3A_174 = arith.constant 0 : i32
    %dma_wait3A_175 = tpu.memref_slice %arg8[%dma_wait3A_171, %dma_wait3A_173, %dma_wait3A_174] : memref<3x80x128xf32, #tpu.memory_space<vmem>> -> memref<1x80x128xf32, #tpu.memory_space<vmem>>
    %dma_wait3A_176 = tpu.memref_squeeze %dma_wait3A_175 : memref<1x80x128xf32, #tpu.memory_space<vmem>> -> memref<80x128xf32, #tpu.memory_space<vmem>>
    %dma_wait3A_177 = arith.constant 9760 : i32
    %dma_wait3A_178 = tpu.memref_slice %arg6[%dma_wait3A_177] : memref<10000xi32, #tpu.memory_space<vmem>> -> memref<80xi32, #tpu.memory_space<vmem>>
    %dma_wait3A_179 = arith.constant 0 : i32
    %dma_wait3A_180 = arith.constant 0 : i32
    %dma_wait3A_181 = tpu.memref_slice %arg2[%dma_wait3A_179, %dma_wait3A_180] : memref<10000x128xf32, #tpu.memory_space<hbm>> -> memref<10000x128xf32, #tpu.memory_space<hbm>>
    %dma_wait3A_182 = tpu.memref_slice %arg10[%dma_wait3A_172] : memref<3x!tpu.dma_semaphore, #tpu.memory_space<semaphore_mem>> -> memref<1x!tpu.dma_semaphore, #tpu.memory_space<semaphore_mem>>
    %dma_wait3A_183 = tpu.memref_squeeze %dma_wait3A_182 : memref<1x!tpu.dma_semaphore, #tpu.memory_space<semaphore_mem>> -> memref<!tpu.dma_semaphore, #tpu.memory_space<semaphore_mem>>
    tpu.wait_indirect_dma semaphore(%dma_wait3A_183 : memref<!tpu.dma_semaphore, #tpu.memory_space<semaphore_mem>>) src(%dma_wait3A_181 : memref<10000x128xf32, #tpu.memory_space<hbm>>) dst(%dma_wait3A_176 : memref<80x128xf32, #tpu.memory_space<vmem>>)
    %dma_wait3A_184 = arith.constant 1 : i32
    %dma_wait3A_185 = arith.constant 1 : i32
    %dma_wait3A_186 = arith.constant 0 : i32
    %dma_wait3A_187 = arith.constant 0 : i32
    %dma_wait3A_188 = tpu.memref_slice %arg8[%dma_wait3A_184, %dma_wait3A_186, %dma_wait3A_187] : memref<3x80x128xf32, #tpu.memory_space<vmem>> -> memref<1x80x128xf32, #tpu.memory_space<vmem>>
    %dma_wait3A_189 = tpu.memref_squeeze %dma_wait3A_188 : memref<1x80x128xf32, #tpu.memory_space<vmem>> -> memref<80x128xf32, #tpu.memory_space<vmem>>
    %dma_wait3A_190 = arith.constant 0 : i32
    %dma_wait3A_191 = arith.constant 0 : i32
    %dma_wait3A_192 = tpu.memref_slice %arg9[%dma_wait3A_190, %dma_wait3A_191] : memref<10000x128xf32, #tpu.memory_space<vmem_shared>> -> memref<80x128xf32, #tpu.memory_space<vmem_shared>>
    %dma_wait3A_193 = tpu.memref_slice %arg11[%dma_wait3A_185] : memref<3x!tpu.dma_semaphore, #tpu.memory_space<semaphore_mem>> -> memref<1x!tpu.dma_semaphore, #tpu.memory_space<semaphore_mem>>
    %dma_wait3A_194 = tpu.memref_squeeze %dma_wait3A_193 : memref<1x!tpu.dma_semaphore, #tpu.memory_space<semaphore_mem>> -> memref<!tpu.dma_semaphore, #tpu.memory_space<semaphore_mem>>
    %dma_wait3A_195 = arith.constant 0 : i32
    %dma_wait3A_196 = arith.constant 0 : i32
    %dma_wait3A_197 = tpu.memref_slice %arg9[%dma_wait3A_195, %dma_wait3A_196] : memref<10000x128xf32, #tpu.memory_space<vmem_shared>> -> memref<80x128xf32, #tpu.memory_space<vmem_shared>>
    %dma_wait3A_198 = arith.constant 0 : i32
    %dma_wait3A_199 = arith.constant 0 : i32
    %dma_wait3A_200 = tpu.memref_slice %arg8[%dma_wait3A_184, %dma_wait3A_198, %dma_wait3A_199] : memref<3x80x128xf32, #tpu.memory_space<vmem>> -> memref<1x80x128xf32, #tpu.memory_space<vmem>>
    %dma_wait3A_201 = tpu.memref_squeeze %dma_wait3A_200 : memref<1x80x128xf32, #tpu.memory_space<vmem>> -> memref<80x128xf32, #tpu.memory_space<vmem>>
    tpu.wait_dma2 semaphore(%dma_wait3A_194 : memref<!tpu.dma_semaphore, #tpu.memory_space<semaphore_mem>>) src(%dma_wait3A_201 : memref<80x128xf32, #tpu.memory_space<vmem>>) dst(%dma_wait3A_197 : memref<80x128xf32, #tpu.memory_space<vmem_shared>>)
    %dma_start3A_202 = arith.constant 1 : i32
    %dma_start3A_203 = arith.constant 1 : i32
    %dma_start3A_204 = arith.constant 0 : i32
    %dma_start3A_205 = arith.constant 0 : i32
    %dma_start3A_206 = tpu.memref_slice %arg8[%dma_start3A_202, %dma_start3A_204, %dma_start3A_205] : memref<3x80x128xf32, #tpu.memory_space<vmem>> -> memref<1x80x128xf32, #tpu.memory_space<vmem>>
    %dma_start3A_207 = tpu.memref_squeeze %dma_start3A_206 : memref<1x80x128xf32, #tpu.memory_space<vmem>> -> memref<80x128xf32, #tpu.memory_space<vmem>>
    %dma_start3A_208 = arith.constant 9920 : i32
    %dma_start3A_209 = tpu.memref_slice %arg6[%dma_start3A_208] : memref<10000xi32, #tpu.memory_space<vmem>> -> memref<80xi32, #tpu.memory_space<vmem>>
    %dma_start3A_210 = arith.constant 0 : i32
    %dma_start3A_211 = arith.constant 0 : i32
    %dma_start3A_212 = tpu.memref_slice %arg2[%dma_start3A_210, %dma_start3A_211] : memref<10000x128xf32, #tpu.memory_space<hbm>> -> memref<10000x128xf32, #tpu.memory_space<hbm>>
    %dma_start3A_213 = tpu.memref_slice %arg10[%dma_start3A_203] : memref<3x!tpu.dma_semaphore, #tpu.memory_space<semaphore_mem>> -> memref<1x!tpu.dma_semaphore, #tpu.memory_space<semaphore_mem>>
    %dma_start3A_214 = tpu.memref_squeeze %dma_start3A_213 : memref<1x!tpu.dma_semaphore, #tpu.memory_space<semaphore_mem>> -> memref<!tpu.dma_semaphore, #tpu.memory_space<semaphore_mem>>
    tpu.enqueue_indirect_dma source(%dma_start3A_212 : memref<10000x128xf32, #tpu.memory_space<hbm>>) target(%dma_start3A_207 : memref<80x128xf32, #tpu.memory_space<vmem>>) offsets(%dma_start3A_209 : memref<80xi32, #tpu.memory_space<vmem>>) semaphore(%dma_start3A_214 : memref<!tpu.dma_semaphore, #tpu.memory_space<semaphore_mem>>)
    %dma_start3A_215 = arith.constant 2 : i32
    %dma_start3A_216 = arith.constant 2 : i32
    %dma_start3A_217 = arith.constant 0 : i32
    %dma_start3A_218 = arith.constant 0 : i32
    %dma_start3A_219 = tpu.memref_slice %arg8[%dma_start3A_215, %dma_start3A_217, %dma_start3A_218] : memref<3x80x128xf32, #tpu.memory_space<vmem>> -> memref<1x80x128xf32, #tpu.memory_space<vmem>>
    %dma_start3A_220 = tpu.memref_squeeze %dma_start3A_219 : memref<1x80x128xf32, #tpu.memory_space<vmem>> -> memref<80x128xf32, #tpu.memory_space<vmem>>
    %dma_start3A_221 = arith.constant 9760 : i32
    %dma_start3A_222 = tpu.memref_slice %arg7[%dma_start3A_221] : memref<10000xi32, #tpu.memory_space<vmem>> -> memref<80xi32, #tpu.memory_space<vmem>>
    %dma_start3A_223 = arith.constant 0 : i32
    %dma_start3A_224 = arith.constant 0 : i32
    %dma_start3A_225 = tpu.memref_slice %arg9[%dma_start3A_223, %dma_start3A_224] : memref<10000x128xf32, #tpu.memory_space<vmem_shared>> -> memref<10000x128xf32, #tpu.memory_space<vmem_shared>>
    %dma_start3A_226 = tpu.memref_slice %arg11[%dma_start3A_216] : memref<3x!tpu.dma_semaphore, #tpu.memory_space<semaphore_mem>> -> memref<1x!tpu.dma_semaphore, #tpu.memory_space<semaphore_mem>>
    %dma_start3A_227 = tpu.memref_squeeze %dma_start3A_226 : memref<1x!tpu.dma_semaphore, #tpu.memory_space<semaphore_mem>> -> memref<!tpu.dma_semaphore, #tpu.memory_space<semaphore_mem>>
    tpu.enqueue_indirect_dma source(%dma_start3A_220 : memref<80x128xf32, #tpu.memory_space<vmem>>) target(%dma_start3A_225 : memref<10000x128xf32, #tpu.memory_space<vmem_shared>>) offsets(%dma_start3A_222 : memref<80xi32, #tpu.memory_space<vmem>>) semaphore(%dma_start3A_227 : memref<!tpu.dma_semaphore, #tpu.memory_space<semaphore_mem>>) {add = true}
    %dma_wait3A_228 = arith.constant 0 : i32
    %dma_wait3A_229 = arith.constant 0 : i32
    %dma_wait3A_230 = arith.constant 0 : i32
    %dma_wait3A_231 = arith.constant 0 : i32
    %dma_wait3A_232 = tpu.memref_slice %arg8[%dma_wait3A_228, %dma_wait3A_230, %dma_wait3A_231] : memref<3x80x128xf32, #tpu.memory_space<vmem>> -> memref<1x80x128xf32, #tpu.memory_space<vmem>>
    %dma_wait3A_233 = tpu.memref_squeeze %dma_wait3A_232 : memref<1x80x128xf32, #tpu.memory_space<vmem>> -> memref<80x128xf32, #tpu.memory_space<vmem>>
    %dma_wait3A_234 = arith.constant 9840 : i32
    %dma_wait3A_235 = tpu.memref_slice %arg6[%dma_wait3A_234] : memref<10000xi32, #tpu.memory_space<vmem>> -> memref<80xi32, #tpu.memory_space<vmem>>
    %dma_wait3A_236 = arith.constant 0 : i32
    %dma_wait3A_237 = arith.constant 0 : i32
    %dma_wait3A_238 = tpu.memref_slice %arg2[%dma_wait3A_236, %dma_wait3A_237] : memref<10000x128xf32, #tpu.memory_space<hbm>> -> memref<10000x128xf32, #tpu.memory_space<hbm>>
    %dma_wait3A_239 = tpu.memref_slice %arg10[%dma_wait3A_229] : memref<3x!tpu.dma_semaphore, #tpu.memory_space<semaphore_mem>> -> memref<1x!tpu.dma_semaphore, #tpu.memory_space<semaphore_mem>>
    %dma_wait3A_240 = tpu.memref_squeeze %dma_wait3A_239 : memref<1x!tpu.dma_semaphore, #tpu.memory_space<semaphore_mem>> -> memref<!tpu.dma_semaphore, #tpu.memory_space<semaphore_mem>>
    tpu.wait_indirect_dma semaphore(%dma_wait3A_240 : memref<!tpu.dma_semaphore, #tpu.memory_space<semaphore_mem>>) src(%dma_wait3A_238 : memref<10000x128xf32, #tpu.memory_space<hbm>>) dst(%dma_wait3A_233 : memref<80x128xf32, #tpu.memory_space<vmem>>)
    %dma_wait3A_241 = arith.constant 2 : i32
    %dma_wait3A_242 = arith.constant 2 : i32
    %dma_wait3A_243 = arith.constant 0 : i32
    %dma_wait3A_244 = arith.constant 0 : i32
    %dma_wait3A_245 = tpu.memref_slice %arg8[%dma_wait3A_241, %dma_wait3A_243, %dma_wait3A_244] : memref<3x80x128xf32, #tpu.memory_space<vmem>> -> memref<1x80x128xf32, #tpu.memory_space<vmem>>
    %dma_wait3A_246 = tpu.memref_squeeze %dma_wait3A_245 : memref<1x80x128xf32, #tpu.memory_space<vmem>> -> memref<80x128xf32, #tpu.memory_space<vmem>>
    %dma_wait3A_247 = arith.constant 0 : i32
    %dma_wait3A_248 = arith.constant 0 : i32
    %dma_wait3A_249 = tpu.memref_slice %arg9[%dma_wait3A_247, %dma_wait3A_248] : memref<10000x128xf32, #tpu.memory_space<vmem_shared>> -> memref<80x128xf32, #tpu.memory_space<vmem_shared>>
    %dma_wait3A_250 = tpu.memref_slice %arg11[%dma_wait3A_242] : memref<3x!tpu.dma_semaphore, #tpu.memory_space<semaphore_mem>> -> memref<1x!tpu.dma_semaphore, #tpu.memory_space<semaphore_mem>>
    %dma_wait3A_251 = tpu.memref_squeeze %dma_wait3A_250 : memref<1x!tpu.dma_semaphore, #tpu.memory_space<semaphore_mem>> -> memref<!tpu.dma_semaphore, #tpu.memory_space<semaphore_mem>>
    %dma_wait3A_252 = arith.constant 0 : i32
    %dma_wait3A_253 = arith.constant 0 : i32
    %dma_wait3A_254 = tpu.memref_slice %arg9[%dma_wait3A_252, %dma_wait3A_253] : memref<10000x128xf32, #tpu.memory_space<vmem_shared>> -> memref<80x128xf32, #tpu.memory_space<vmem_shared>>
    %dma_wait3A_255 = arith.constant 0 : i32
    %dma_wait3A_256 = arith.constant 0 : i32
    %dma_wait3A_257 = tpu.memref_slice %arg8[%dma_wait3A_241, %dma_wait3A_255, %dma_wait3A_256] : memref<3x80x128xf32, #tpu.memory_space<vmem>> -> memref<1x80x128xf32, #tpu.memory_space<vmem>>
    %dma_wait3A_258 = tpu.memref_squeeze %dma_wait3A_257 : memref<1x80x128xf32, #tpu.memory_space<vmem>> -> memref<80x128xf32, #tpu.memory_space<vmem>>
    tpu.wait_dma2 semaphore(%dma_wait3A_251 : memref<!tpu.dma_semaphore, #tpu.memory_space<semaphore_mem>>) src(%dma_wait3A_258 : memref<80x128xf32, #tpu.memory_space<vmem>>) dst(%dma_wait3A_254 : memref<80x128xf32, #tpu.memory_space<vmem_shared>>)
    %dma_start3A_259 = arith.constant 0 : i32
    %dma_start3A_260 = arith.constant 0 : i32
    %dma_start3A_261 = arith.constant 0 : i32
    %dma_start3A_262 = arith.constant 0 : i32
    %dma_start3A_263 = tpu.memref_slice %arg8[%dma_start3A_259, %dma_start3A_261, %dma_start3A_262] : memref<3x80x128xf32, #tpu.memory_space<vmem>> -> memref<1x80x128xf32, #tpu.memory_space<vmem>>
    %dma_start3A_264 = tpu.memref_squeeze %dma_start3A_263 : memref<1x80x128xf32, #tpu.memory_space<vmem>> -> memref<80x128xf32, #tpu.memory_space<vmem>>
    %dma_start3A_265 = arith.constant 9840 : i32
    %dma_start3A_266 = tpu.memref_slice %arg7[%dma_start3A_265] : memref<10000xi32, #tpu.memory_space<vmem>> -> memref<80xi32, #tpu.memory_space<vmem>>
    %dma_start3A_267 = arith.constant 0 : i32
    %dma_start3A_268 = arith.constant 0 : i32
    %dma_start3A_269 = tpu.memref_slice %arg9[%dma_start3A_267, %dma_start3A_268] : memref<10000x128xf32, #tpu.memory_space<vmem_shared>> -> memref<10000x128xf32, #tpu.memory_space<vmem_shared>>
    %dma_start3A_270 = tpu.memref_slice %arg11[%dma_start3A_260] : memref<3x!tpu.dma_semaphore, #tpu.memory_space<semaphore_mem>> -> memref<1x!tpu.dma_semaphore, #tpu.memory_space<semaphore_mem>>
    %dma_start3A_271 = tpu.memref_squeeze %dma_start3A_270 : memref<1x!tpu.dma_semaphore, #tpu.memory_space<semaphore_mem>> -> memref<!tpu.dma_semaphore, #tpu.memory_space<semaphore_mem>>
    tpu.enqueue_indirect_dma source(%dma_start3A_264 : memref<80x128xf32, #tpu.memory_space<vmem>>) target(%dma_start3A_269 : memref<10000x128xf32, #tpu.memory_space<vmem_shared>>) offsets(%dma_start3A_266 : memref<80xi32, #tpu.memory_space<vmem>>) semaphore(%dma_start3A_271 : memref<!tpu.dma_semaphore, #tpu.memory_space<semaphore_mem>>) {add = true}
    %dma_wait3A_272 = arith.constant 1 : i32
    %dma_wait3A_273 = arith.constant 1 : i32
    %dma_wait3A_274 = arith.constant 0 : i32
    %dma_wait3A_275 = arith.constant 0 : i32
    %dma_wait3A_276 = tpu.memref_slice %arg8[%dma_wait3A_272, %dma_wait3A_274, %dma_wait3A_275] : memref<3x80x128xf32, #tpu.memory_space<vmem>> -> memref<1x80x128xf32, #tpu.memory_space<vmem>>
    %dma_wait3A_277 = tpu.memref_squeeze %dma_wait3A_276 : memref<1x80x128xf32, #tpu.memory_space<vmem>> -> memref<80x128xf32, #tpu.memory_space<vmem>>
    %dma_wait3A_278 = arith.constant 9920 : i32
    %dma_wait3A_279 = tpu.memref_slice %arg6[%dma_wait3A_278] : memref<10000xi32, #tpu.memory_space<vmem>> -> memref<80xi32, #tpu.memory_space<vmem>>
    %dma_wait3A_280 = arith.constant 0 : i32
    %dma_wait3A_281 = arith.constant 0 : i32
    %dma_wait3A_282 = tpu.memref_slice %arg2[%dma_wait3A_280, %dma_wait3A_281] : memref<10000x128xf32, #tpu.memory_space<hbm>> -> memref<10000x128xf32, #tpu.memory_space<hbm>>
    %dma_wait3A_283 = tpu.memref_slice %arg10[%dma_wait3A_273] : memref<3x!tpu.dma_semaphore, #tpu.memory_space<semaphore_mem>> -> memref<1x!tpu.dma_semaphore, #tpu.memory_space<semaphore_mem>>
    %dma_wait3A_284 = tpu.memref_squeeze %dma_wait3A_283 : memref<1x!tpu.dma_semaphore, #tpu.memory_space<semaphore_mem>> -> memref<!tpu.dma_semaphore, #tpu.memory_space<semaphore_mem>>
    tpu.wait_indirect_dma semaphore(%dma_wait3A_284 : memref<!tpu.dma_semaphore, #tpu.memory_space<semaphore_mem>>) src(%dma_wait3A_282 : memref<10000x128xf32, #tpu.memory_space<hbm>>) dst(%dma_wait3A_277 : memref<80x128xf32, #tpu.memory_space<vmem>>)
    %dma_wait3A_285 = arith.constant 0 : i32
    %dma_wait3A_286 = arith.constant 0 : i32
    %dma_wait3A_287 = arith.constant 0 : i32
    %dma_wait3A_288 = arith.constant 0 : i32
    %dma_wait3A_289 = tpu.memref_slice %arg8[%dma_wait3A_285, %dma_wait3A_287, %dma_wait3A_288] : memref<3x80x128xf32, #tpu.memory_space<vmem>> -> memref<1x80x128xf32, #tpu.memory_space<vmem>>
    %dma_wait3A_290 = tpu.memref_squeeze %dma_wait3A_289 : memref<1x80x128xf32, #tpu.memory_space<vmem>> -> memref<80x128xf32, #tpu.memory_space<vmem>>
    %dma_wait3A_291 = arith.constant 0 : i32
    %dma_wait3A_292 = arith.constant 0 : i32
    %dma_wait3A_293 = tpu.memref_slice %arg9[%dma_wait3A_291, %dma_wait3A_292] : memref<10000x128xf32, #tpu.memory_space<vmem_shared>> -> memref<80x128xf32, #tpu.memory_space<vmem_shared>>
    %dma_wait3A_294 = tpu.memref_slice %arg11[%dma_wait3A_286] : memref<3x!tpu.dma_semaphore, #tpu.memory_space<semaphore_mem>> -> memref<1x!tpu.dma_semaphore, #tpu.memory_space<semaphore_mem>>
    %dma_wait3A_295 = tpu.memref_squeeze %dma_wait3A_294 : memref<1x!tpu.dma_semaphore, #tpu.memory_space<semaphore_mem>> -> memref<!tpu.dma_semaphore, #tpu.memory_space<semaphore_mem>>
    %dma_wait3A_296 = arith.constant 0 : i32
    %dma_wait3A_297 = arith.constant 0 : i32
    %dma_wait3A_298 = tpu.memref_slice %arg9[%dma_wait3A_296, %dma_wait3A_297] : memref<10000x128xf32, #tpu.memory_space<vmem_shared>> -> memref<80x128xf32, #tpu.memory_space<vmem_shared>>
    %dma_wait3A_299 = arith.constant 0 : i32
    %dma_wait3A_300 = arith.constant 0 : i32
    %dma_wait3A_301 = tpu.memref_slice %arg8[%dma_wait3A_285, %dma_wait3A_299, %dma_wait3A_300] : memref<3x80x128xf32, #tpu.memory_space<vmem>> -> memref<1x80x128xf32, #tpu.memory_space<vmem>>
    %dma_wait3A_302 = tpu.memref_squeeze %dma_wait3A_301 : memref<1x80x128xf32, #tpu.memory_space<vmem>> -> memref<80x128xf32, #tpu.memory_space<vmem>>
    tpu.wait_dma2 semaphore(%dma_wait3A_295 : memref<!tpu.dma_semaphore, #tpu.memory_space<semaphore_mem>>) src(%dma_wait3A_302 : memref<80x128xf32, #tpu.memory_space<vmem>>) dst(%dma_wait3A_298 : memref<80x128xf32, #tpu.memory_space<vmem_shared>>)
    %dma_start3A_303 = arith.constant 1 : i32
    %dma_start3A_304 = arith.constant 1 : i32
    %dma_start3A_305 = arith.constant 0 : i32
    %dma_start3A_306 = arith.constant 0 : i32
    %dma_start3A_307 = tpu.memref_slice %arg8[%dma_start3A_303, %dma_start3A_305, %dma_start3A_306] : memref<3x80x128xf32, #tpu.memory_space<vmem>> -> memref<1x80x128xf32, #tpu.memory_space<vmem>>
    %dma_start3A_308 = tpu.memref_squeeze %dma_start3A_307 : memref<1x80x128xf32, #tpu.memory_space<vmem>> -> memref<80x128xf32, #tpu.memory_space<vmem>>
    %dma_start3A_309 = arith.constant 9920 : i32
    %dma_start3A_310 = tpu.memref_slice %arg7[%dma_start3A_309] : memref<10000xi32, #tpu.memory_space<vmem>> -> memref<80xi32, #tpu.memory_space<vmem>>
    %dma_start3A_311 = arith.constant 0 : i32
    %dma_start3A_312 = arith.constant 0 : i32
    %dma_start3A_313 = tpu.memref_slice %arg9[%dma_start3A_311, %dma_start3A_312] : memref<10000x128xf32, #tpu.memory_space<vmem_shared>> -> memref<10000x128xf32, #tpu.memory_space<vmem_shared>>
    %dma_start3A_314 = tpu.memref_slice %arg11[%dma_start3A_304] : memref<3x!tpu.dma_semaphore, #tpu.memory_space<semaphore_mem>> -> memref<1x!tpu.dma_semaphore, #tpu.memory_space<semaphore_mem>>
    %dma_start3A_315 = tpu.memref_squeeze %dma_start3A_314 : memref<1x!tpu.dma_semaphore, #tpu.memory_space<semaphore_mem>> -> memref<!tpu.dma_semaphore, #tpu.memory_space<semaphore_mem>>
    tpu.enqueue_indirect_dma source(%dma_start3A_308 : memref<80x128xf32, #tpu.memory_space<vmem>>) target(%dma_start3A_313 : memref<10000x128xf32, #tpu.memory_space<vmem_shared>>) offsets(%dma_start3A_310 : memref<80xi32, #tpu.memory_space<vmem>>) semaphore(%dma_start3A_315 : memref<!tpu.dma_semaphore, #tpu.memory_space<semaphore_mem>>) {add = true}
    %dma_wait3A_316 = arith.constant 1 : i32
    %dma_wait3A_317 = arith.constant 1 : i32
    %dma_wait3A_318 = arith.constant 0 : i32
    %dma_wait3A_319 = arith.constant 0 : i32
    %dma_wait3A_320 = tpu.memref_slice %arg8[%dma_wait3A_316, %dma_wait3A_318, %dma_wait3A_319] : memref<3x80x128xf32, #tpu.memory_space<vmem>> -> memref<1x80x128xf32, #tpu.memory_space<vmem>>
    %dma_wait3A_321 = tpu.memref_squeeze %dma_wait3A_320 : memref<1x80x128xf32, #tpu.memory_space<vmem>> -> memref<80x128xf32, #tpu.memory_space<vmem>>
    %dma_wait3A_322 = arith.constant 0 : i32
    %dma_wait3A_323 = arith.constant 0 : i32
    %dma_wait3A_324 = tpu.memref_slice %arg9[%dma_wait3A_322, %dma_wait3A_323] : memref<10000x128xf32, #tpu.memory_space<vmem_shared>> -> memref<80x128xf32, #tpu.memory_space<vmem_shared>>
    %dma_wait3A_325 = tpu.memref_slice %arg11[%dma_wait3A_317] : memref<3x!tpu.dma_semaphore, #tpu.memory_space<semaphore_mem>> -> memref<1x!tpu.dma_semaphore, #tpu.memory_space<semaphore_mem>>
    %dma_wait3A_326 = tpu.memref_squeeze %dma_wait3A_325 : memref<1x!tpu.dma_semaphore, #tpu.memory_space<semaphore_mem>> -> memref<!tpu.dma_semaphore, #tpu.memory_space<semaphore_mem>>
    %dma_wait3A_327 = arith.constant 0 : i32
    %dma_wait3A_328 = arith.constant 0 : i32
    %dma_wait3A_329 = tpu.memref_slice %arg9[%dma_wait3A_327, %dma_wait3A_328] : memref<10000x128xf32, #tpu.memory_space<vmem_shared>> -> memref<80x128xf32, #tpu.memory_space<vmem_shared>>
    %dma_wait3A_330 = arith.constant 0 : i32
    %dma_wait3A_331 = arith.constant 0 : i32
    %dma_wait3A_332 = tpu.memref_slice %arg8[%dma_wait3A_316, %dma_wait3A_330, %dma_wait3A_331] : memref<3x80x128xf32, #tpu.memory_space<vmem>> -> memref<1x80x128xf32, #tpu.memory_space<vmem>>
    %dma_wait3A_333 = tpu.memref_squeeze %dma_wait3A_332 : memref<1x80x128xf32, #tpu.memory_space<vmem>> -> memref<80x128xf32, #tpu.memory_space<vmem>>
    tpu.wait_dma2 semaphore(%dma_wait3A_326 : memref<!tpu.dma_semaphore, #tpu.memory_space<semaphore_mem>>) src(%dma_wait3A_333 : memref<80x128xf32, #tpu.memory_space<vmem>>) dst(%dma_wait3A_329 : memref<80x128xf32, #tpu.memory_space<vmem_shared>>)
    %barrier3A_334 = arith.constant 0 : index
    tpu.barrier barrier_id(%barrier3A_334)
    %mul3A_335 = arith.constant 624 : i32
    %mul3A_336 = arith.muli %arg1, %mul3A_335 : i32
    %mul3A_337 = arith.constant 624 : i32
    %mul3A_338 = arith.muli %arg1, %mul3A_337 : i32
    "tpu.region"() ({
      %run_scoped3A_344 = tpu.sem_alloc : memref<!tpu.dma_semaphore, #tpu.memory_space<semaphore_mem>>
      %dma_start3A_345 = arith.constant 0 : i32
      %dma_start3A_346 = tpu.memref_slice %arg5[%arg0, %mul3A_338, %dma_start3A_345] : memref<2x10000x128xf32, #tpu.memory_space<hbm>> -> memref<1x624x128xf32, #tpu.memory_space<hbm>>
      %dma_start3A_347 = tpu.memref_squeeze %dma_start3A_346 : memref<1x624x128xf32, #tpu.memory_space<hbm>> -> memref<624x128xf32, #tpu.memory_space<hbm>>
      %dma_start3A_348 = arith.constant 0 : i32
      %dma_start3A_349 = tpu.memref_slice %arg9[%mul3A_336, %dma_start3A_348] : memref<10000x128xf32, #tpu.memory_space<vmem_shared>> -> memref<624x128xf32, #tpu.memory_space<vmem_shared>>
      tpu.enqueue_dma source(%dma_start3A_349 : memref<624x128xf32, #tpu.memory_space<vmem_shared>>) target(%dma_start3A_347 : memref<624x128xf32, #tpu.memory_space<hbm>>) target_semaphore(%run_scoped3A_344 : memref<!tpu.dma_semaphore, #tpu.memory_space<semaphore_mem>>)
      %dma_wait3A_350 = arith.constant 0 : i32
      %dma_wait3A_351 = tpu.memref_slice %arg5[%arg0, %mul3A_338, %dma_wait3A_350] : memref<2x10000x128xf32, #tpu.memory_space<hbm>> -> memref<1x624x128xf32, #tpu.memory_space<hbm>>
      %dma_wait3A_352 = tpu.memref_squeeze %dma_wait3A_351 : memref<1x624x128xf32, #tpu.memory_space<hbm>> -> memref<624x128xf32, #tpu.memory_space<hbm>>
      %dma_wait3A_353 = arith.constant 0 : i32
      %dma_wait3A_354 = tpu.memref_slice %arg9[%mul3A_336, %dma_wait3A_353] : memref<10000x128xf32, #tpu.memory_space<vmem_shared>> -> memref<624x128xf32, #tpu.memory_space<vmem_shared>>
      tpu.wait_dma2 semaphore(%run_scoped3A_344 : memref<!tpu.dma_semaphore, #tpu.memory_space<semaphore_mem>>) src(%dma_wait3A_354 : memref<624x128xf32, #tpu.memory_space<vmem_shared>>) dst(%dma_wait3A_352 : memref<624x128xf32, #tpu.memory_space<hbm>>)
      tpu.yield
    }) : () -> ()
    %eq3A_339 = arith.constant 15 : i32
    %eq3A_340 = arith.cmpi eq, %arg1, %eq3A_339 : i32
    %convert_element_type3A_341 = arith.extui %eq3A_340 : i1 to i32
    %cond3A_342 = arith.constant 0 : i32
    %cond3A_343 = arith.cmpi ne, %convert_element_type3A_341, %cond3A_342 : i32
    scf.if %cond3A_343 {
      "tpu.region"() ({
        %run_scoped3A_344 = tpu.sem_alloc : memref<!tpu.dma_semaphore, #tpu.memory_space<semaphore_mem>>
        %dma_start3A_345 = arith.constant 9984 : i32
        %dma_start3A_346 = arith.constant 0 : i32
        %dma_start3A_347 = tpu.memref_slice %arg5[%arg0, %dma_start3A_345, %dma_start3A_346] : memref<2x10000x128xf32, #tpu.memory_space<hbm>> -> memref<1x16x128xf32, #tpu.memory_space<hbm>>
        %dma_start3A_348 = tpu.memref_squeeze %dma_start3A_347 : memref<1x16x128xf32, #tpu.memory_space<hbm>> -> memref<16x128xf32, #tpu.memory_space<hbm>>
        %dma_start3A_349 = arith.constant 9984 : i32
        %dma_start3A_350 = arith.constant 0 : i32
        %dma_start3A_351 = tpu.memref_slice %arg9[%dma_start3A_349, %dma_start3A_350] : memref<10000x128xf32, #tpu.memory_space<vmem_shared>> -> memref<16x128xf32, #tpu.memory_space<vmem_shared>>
        tpu.enqueue_dma source(%dma_start3A_351 : memref<16x128xf32, #tpu.memory_space<vmem_shared>>) target(%dma_start3A_348 : memref<16x128xf32, #tpu.memory_space<hbm>>) target_semaphore(%run_scoped3A_344 : memref<!tpu.dma_semaphore, #tpu.memory_space<semaphore_mem>>)
        %dma_wait3A_352 = arith.constant 9984 : i32
        %dma_wait3A_353 = arith.constant 0 : i32
        %dma_wait3A_354 = tpu.memref_slice %arg5[%arg0, %dma_wait3A_352, %dma_wait3A_353] : memref<2x10000x128xf32, #tpu.memory_space<hbm>> -> memref<1x16x128xf32, #tpu.memory_space<hbm>>
        %dma_wait3A_355 = tpu.memref_squeeze %dma_wait3A_354 : memref<1x16x128xf32, #tpu.memory_space<hbm>> -> memref<16x128xf32, #tpu.memory_space<hbm>>
        %dma_wait3A_356 = arith.constant 9984 : i32
        %dma_wait3A_357 = arith.constant 0 : i32
        %dma_wait3A_358 = tpu.memref_slice %arg9[%dma_wait3A_356, %dma_wait3A_357] : memref<10000x128xf32, #tpu.memory_space<vmem_shared>> -> memref<16x128xf32, #tpu.memory_space<vmem_shared>>
        tpu.wait_dma2 semaphore(%run_scoped3A_344 : memref<!tpu.dma_semaphore, #tpu.memory_space<semaphore_mem>>) src(%dma_wait3A_358 : memref<16x128xf32, #tpu.memory_space<vmem_shared>>) dst(%dma_wait3A_355 : memref<16x128xf32, #tpu.memory_space<hbm>>)
        tpu.yield
      }) : () -> ()
    } else {
    }
    return
  }
}

module attributes {stable_mosaic.version = 14 : i64} {
  func.func @_mlp_body(%arg0: i32, %arg1: memref<1xf32, #tpu.memory_space<smem>>, %arg2: memref<2000x128xf32, #tpu.memory_space<vmem>>, %arg3: memref<2x2000x128xf32, #tpu.memory_space<vmem>>, %arg4: memref<128x128xf32, #tpu.memory_space<vmem>>, %arg5: memref<1x128xf32, #tpu.memory_space<vmem>>, %arg6: memref<128x128xf32, #tpu.memory_space<vmem>>, %arg7: memref<1x128xf32, #tpu.memory_space<vmem>>, %arg8: memref<2000x128xf32, #tpu.memory_space<vmem>>) attributes {dimension_semantics = [#tpu.dimension_semantics<arbitrary>], iteration_bounds = array<i64: 5>, scalar_prefetch = 0 : i64, scratch_operands = 0 : i64, tpu.core_type = #tpu.core_type<tc>, window_params = [{transform_indices = @transform_0, window_bounds = array<i64: 1>}, {transform_indices = @transform_1, window_bounds = array<i64: 2000, 128>}, {transform_indices = @transform_2, window_bounds = array<i64: 2, 2000, 128>}, {pipeline_mode = #tpu.pipeline_mode<synchronous>, transform_indices = @transform_3, window_bounds = array<i64: 128, 128>}, {pipeline_mode = #tpu.pipeline_mode<synchronous>, transform_indices = @transform_4, window_bounds = array<i64: 1, 128>}, {pipeline_mode = #tpu.pipeline_mode<synchronous>, transform_indices = @transform_5, window_bounds = array<i64: 128, 128>}, {pipeline_mode = #tpu.pipeline_mode<synchronous>, transform_indices = @transform_6, window_bounds = array<i64: 1, 128>}, {transform_indices = @transform_7, window_bounds = array<i64: 2000, 128>}]} {
    %get3A = arith.constant 0 : index
    %get3A_0 = memref.load %arg1[%get3A] : memref<1xf32, #tpu.memory_space<smem>>
    %add3A = arith.constant 1.000000e+00 : f32
    %add3A_1 = arith.addf %add3A, %get3A_0 : f32
    %get3A_2 = arith.constant 0 : index
    %get3A_3 = arith.constant 0 : index
    %get3A_4 = vector.load %arg2[%get3A_2, %get3A_3] : memref<2000x128xf32, #tpu.memory_space<vmem>>, vector<2000x128xf32>
    %mul3A = vector.broadcast %add3A_1 : f32 to vector<2000x128xf32>
    %mul3A_5 = arith.mulf %mul3A, %get3A_4 : vector<2000x128xf32>
    %get3A_6 = arith.constant 0 : index
    %get3A_7 = arith.constant 0 : index
    %get3A_8 = arith.constant 0 : index
    %get3A_9 = vector.load %arg3[%get3A_6, %get3A_7, %get3A_8] : memref<2x2000x128xf32, #tpu.memory_space<vmem>>, vector<1x2000x128xf32>
    %get3A_10 = vector.shape_cast %get3A_9 : vector<1x2000x128xf32> to vector<2000x128xf32>
    %add3A_11 = arith.addf %mul3A_5, %get3A_10 : vector<2000x128xf32>
    %get3A_12 = arith.constant 1 : index
    %get3A_13 = arith.constant 0 : index
    %get3A_14 = arith.constant 0 : index
    %get3A_15 = vector.load %arg3[%get3A_12, %get3A_13, %get3A_14] : memref<2x2000x128xf32, #tpu.memory_space<vmem>>, vector<1x2000x128xf32>
    %get3A_16 = vector.shape_cast %get3A_15 : vector<1x2000x128xf32> to vector<2000x128xf32>
    %add3A_17 = arith.addf %add3A_11, %get3A_16 : vector<2000x128xf32>
    %get3A_18 = arith.constant 0 : index
    %get3A_19 = arith.constant 0 : index
    %get3A_20 = vector.load %arg4[%get3A_18, %get3A_19] : memref<128x128xf32, #tpu.memory_space<vmem>>, vector<128x128xf32>
    %dot_general3A = arith.constant dense<0.000000e+00> : vector<2000x128xf32>
    %dot_general3A_21 = tpu.matmul %add3A_17, %get3A_20, %dot_general3A {dimension_numbers = #tpu.dot_dimension_numbers<[1], [0], [0], [1], [0, 0, 1, 1], [], []>, transpose_lhs_hint = false} : vector<2000x128xf32>, vector<128x128xf32>, vector<2000x128xf32> -> vector<2000x128xf32>
    %get3A_22 = arith.constant 0 : index
    %get3A_23 = arith.constant 0 : index
    %get3A_24 = vector.load %arg5[%get3A_22, %get3A_23] : memref<1x128xf32, #tpu.memory_space<vmem>>, vector<1x128xf32>
    %add3A_25 = vector.broadcast %get3A_24 : vector<1x128xf32> to vector<2000x128xf32>
    %add3A_26 = arith.addf %dot_general3A_21, %add3A_25 : vector<2000x128xf32>
    %max3A = arith.constant 0.000000e+00 : f32
    %max3A_27 = vector.broadcast %max3A : f32 to vector<2000x128xf32>
    %max3A_28 = arith.maximumf %add3A_26, %max3A_27 : vector<2000x128xf32>
    %get3A_29 = arith.constant 0 : index
    %get3A_30 = arith.constant 0 : index
    %get3A_31 = vector.load %arg6[%get3A_29, %get3A_30] : memref<128x128xf32, #tpu.memory_space<vmem>>, vector<128x128xf32>
    %dot_general3A_32 = arith.constant dense<0.000000e+00> : vector<2000x128xf32>
    %dot_general3A_33 = tpu.matmul %max3A_28, %get3A_31, %dot_general3A_32 {dimension_numbers = #tpu.dot_dimension_numbers<[1], [0], [0], [1], [0, 0, 1, 1], [], []>, transpose_lhs_hint = false} : vector<2000x128xf32>, vector<128x128xf32>, vector<2000x128xf32> -> vector<2000x128xf32>
    %get3A_34 = arith.constant 0 : index
    %get3A_35 = arith.constant 0 : index
    %get3A_36 = vector.load %arg7[%get3A_34, %get3A_35] : memref<1x128xf32, #tpu.memory_space<vmem>>, vector<1x128xf32>
    %add3A_37 = vector.broadcast %get3A_36 : vector<1x128xf32> to vector<2000x128xf32>
    %add3A_38 = arith.addf %dot_general3A_33, %add3A_37 : vector<2000x128xf32>
    %swap3A = arith.constant 0 : index
    %swap3A_39 = arith.constant 0 : index
    %swap3A_40 = vector.load %arg8[%swap3A, %swap3A_39] : memref<2000x128xf32, #tpu.memory_space<vmem>>, vector<2000x128xf32>
    tpu.vector_store %arg8[%swap3A, %swap3A_39], %add3A_38 {strides = array<i32>} : memref<2000x128xf32, #tpu.memory_space<vmem>>, vector<2000x128xf32>,
    return
  }
  func.func @transform_0(%arg0: i32) -> i32 {
    %c0_i32 = arith.constant 0 : i32
    %c0_i32_0 = arith.constant 0 : i32
    return %c0_i32 : i32
  }
  func.func @transform_1(%arg0: i32) -> (i32, i32) {
    %c0_i32 = arith.constant 0 : i32
    %c0_i32_0 = arith.constant 0 : i32
    return %arg0, %c0_i32 : i32, i32
  }
  func.func @transform_2(%arg0: i32) -> (i32, i32, i32) {
    %c0_i32 = arith.constant 0 : i32
    %c0_i32_0 = arith.constant 0 : i32
    %c0_i32_1 = arith.constant 0 : i32
    return %c0_i32, %arg0, %c0_i32_0 : i32, i32, i32
  }
  func.func @transform_3(%arg0: i32) -> (i32, i32) {
    %c0_i32 = arith.constant 0 : i32
    %c0_i32_0 = arith.constant 0 : i32
    %c0_i32_1 = arith.constant 0 : i32
    return %c0_i32, %c0_i32_0 : i32, i32
  }
  func.func @transform_4(%arg0: i32) -> (i32, i32) {
    %c0_i32 = arith.constant 0 : i32
    %c0_i32_0 = arith.constant 0 : i32
    %c0_i32_1 = arith.constant 0 : i32
    return %c0_i32, %c0_i32_0 : i32, i32
  }
  func.func @transform_5(%arg0: i32) -> (i32, i32) {
    %c0_i32 = arith.constant 0 : i32
    %c0_i32_0 = arith.constant 0 : i32
    %c0_i32_1 = arith.constant 0 : i32
    return %c0_i32, %c0_i32_0 : i32, i32
  }
  func.func @transform_6(%arg0: i32) -> (i32, i32) {
    %c0_i32 = arith.constant 0 : i32
    %c0_i32_0 = arith.constant 0 : i32
    %c0_i32_1 = arith.constant 0 : i32
    return %c0_i32, %c0_i32_0 : i32, i32
  }
  func.func @transform_7(%arg0: i32) -> (i32, i32) {
    %c0_i32 = arith.constant 0 : i32
    %c0_i32_0 = arith.constant 0 : i32
    return %arg0, %c0_i32 : i32, i32
  }
}

module attributes {stable_mosaic.version = 14 : i64} {
  func.func @_mlp_body(%arg0: i32, %arg1: memref<1xf32, #tpu.memory_space<smem>>, %arg2: memref<2000x128xf32, #tpu.memory_space<vmem>>, %arg3: memref<2x2000x128xf32, #tpu.memory_space<vmem>>, %arg4: memref<128x128xf32, #tpu.memory_space<vmem>>, %arg5: memref<1x128xf32, #tpu.memory_space<vmem>>, %arg6: memref<128x128xf32, #tpu.memory_space<vmem>>, %arg7: memref<1x128xf32, #tpu.memory_space<vmem>>, %arg8: memref<2000x128xf32, #tpu.memory_space<vmem>>) attributes {dimension_semantics = [#tpu.dimension_semantics<arbitrary>], iteration_bounds = array<i64: 5>, scalar_prefetch = 0 : i64, scratch_operands = 0 : i64, tpu.core_type = #tpu.core_type<tc>, window_params = [{transform_indices = @transform_0, window_bounds = array<i64: 1>}, {transform_indices = @transform_1, window_bounds = array<i64: 2000, 128>}, {transform_indices = @transform_2, window_bounds = array<i64: 2, 2000, 128>}, {pipeline_mode = #tpu.pipeline_mode<synchronous>, transform_indices = @transform_3, window_bounds = array<i64: 128, 128>}, {pipeline_mode = #tpu.pipeline_mode<synchronous>, transform_indices = @transform_4, window_bounds = array<i64: 1, 128>}, {pipeline_mode = #tpu.pipeline_mode<synchronous>, transform_indices = @transform_5, window_bounds = array<i64: 128, 128>}, {pipeline_mode = #tpu.pipeline_mode<synchronous>, transform_indices = @transform_6, window_bounds = array<i64: 1, 128>}, {transform_indices = @transform_7, window_bounds = array<i64: 2000, 128>}]} {
    %get3A = arith.constant 0 : index
    %get3A_0 = memref.load %arg1[%get3A] : memref<1xf32, #tpu.memory_space<smem>>
    %add3A = arith.constant 1.000000e+00 : f32
    %add3A_1 = arith.addf %add3A, %get3A_0 : f32
    %get3A_2 = arith.constant 0 : index
    %get3A_3 = arith.constant 0 : index
    %get3A_4 = vector.load %arg2[%get3A_2, %get3A_3] : memref<2000x128xf32, #tpu.memory_space<vmem>>, vector<2000x128xf32>
    %mul3A = vector.broadcast %add3A_1 : f32 to vector<2000x128xf32>
    %mul3A_5 = arith.mulf %mul3A, %get3A_4 : vector<2000x128xf32>
    %get3A_6 = arith.constant 0 : index
    %get3A_7 = arith.constant 0 : index
    %get3A_8 = arith.constant 0 : index
    %get3A_9 = vector.load %arg3[%get3A_6, %get3A_7, %get3A_8] : memref<2x2000x128xf32, #tpu.memory_space<vmem>>, vector<1x2000x128xf32>
    %get3A_10 = vector.shape_cast %get3A_9 : vector<1x2000x128xf32> to vector<2000x128xf32>
    %add3A_11 = arith.addf %mul3A_5, %get3A_10 : vector<2000x128xf32>
    %get3A_12 = arith.constant 1 : index
    %get3A_13 = arith.constant 0 : index
    %get3A_14 = arith.constant 0 : index
    %get3A_15 = vector.load %arg3[%get3A_12, %get3A_13, %get3A_14] : memref<2x2000x128xf32, #tpu.memory_space<vmem>>, vector<1x2000x128xf32>
    %get3A_16 = vector.shape_cast %get3A_15 : vector<1x2000x128xf32> to vector<2000x128xf32>
    %add3A_17 = arith.addf %add3A_11, %get3A_16 : vector<2000x128xf32>
    %get3A_18 = arith.constant 0 : index
    %get3A_19 = arith.constant 0 : index
    %get3A_20 = vector.load %arg4[%get3A_18, %get3A_19] : memref<128x128xf32, #tpu.memory_space<vmem>>, vector<128x128xf32>
    %dot_general3A = arith.constant dense<0.000000e+00> : vector<2000x128xf32>
    %dot_general3A_21 = tpu.matmul %add3A_17, %get3A_20, %dot_general3A {dimension_numbers = #tpu.dot_dimension_numbers<[1], [0], [0], [1], [0, 0, 1, 1], [], []>, transpose_lhs_hint = false} : vector<2000x128xf32>, vector<128x128xf32>, vector<2000x128xf32> -> vector<2000x128xf32>
    %get3A_22 = arith.constant 0 : index
    %get3A_23 = arith.constant 0 : index
    %get3A_24 = vector.load %arg5[%get3A_22, %get3A_23] : memref<1x128xf32, #tpu.memory_space<vmem>>, vector<1x128xf32>
    %add3A_25 = vector.broadcast %get3A_24 : vector<1x128xf32> to vector<2000x128xf32>
    %add3A_26 = arith.addf %dot_general3A_21, %add3A_25 : vector<2000x128xf32>
    %max3A = arith.constant 0.000000e+00 : f32
    %max3A_27 = vector.broadcast %max3A : f32 to vector<2000x128xf32>
    %max3A_28 = arith.maximumf %add3A_26, %max3A_27 : vector<2000x128xf32>
    %get3A_29 = arith.constant 0 : index
    %get3A_30 = arith.constant 0 : index
    %get3A_31 = vector.load %arg6[%get3A_29, %get3A_30] : memref<128x128xf32, #tpu.memory_space<vmem>>, vector<128x128xf32>
    %dot_general3A_32 = arith.constant dense<0.000000e+00> : vector<2000x128xf32>
    %dot_general3A_33 = tpu.matmul %max3A_28, %get3A_31, %dot_general3A_32 {dimension_numbers = #tpu.dot_dimension_numbers<[1], [0], [0], [1], [0, 0, 1, 1], [], []>, transpose_lhs_hint = false} : vector<2000x128xf32>, vector<128x128xf32>, vector<2000x128xf32> -> vector<2000x128xf32>
    %get3A_34 = arith.constant 0 : index
    %get3A_35 = arith.constant 0 : index
    %get3A_36 = vector.load %arg7[%get3A_34, %get3A_35] : memref<1x128xf32, #tpu.memory_space<vmem>>, vector<1x128xf32>
    %add3A_37 = vector.broadcast %get3A_36 : vector<1x128xf32> to vector<2000x128xf32>
    %add3A_38 = arith.addf %dot_general3A_33, %add3A_37 : vector<2000x128xf32>
    %swap3A = arith.constant 0 : index
    %swap3A_39 = arith.constant 0 : index
    %swap3A_40 = vector.load %arg8[%swap3A, %swap3A_39] : memref<2000x128xf32, #tpu.memory_space<vmem>>, vector<2000x128xf32>
    tpu.vector_store %arg8[%swap3A, %swap3A_39], %add3A_38 {strides = array<i32>} : memref<2000x128xf32, #tpu.memory_space<vmem>>, vector<2000x128xf32>,
    return
  }
  func.func @transform_0(%arg0: i32) -> i32 {
    %c0_i32 = arith.constant 0 : i32
    %c0_i32_0 = arith.constant 0 : i32
    return %c0_i32 : i32
  }
  func.func @transform_1(%arg0: i32) -> (i32, i32) {
    %c0_i32 = arith.constant 0 : i32
    %c0_i32_0 = arith.constant 0 : i32
    return %arg0, %c0_i32 : i32, i32
  }
  func.func @transform_2(%arg0: i32) -> (i32, i32, i32) {
    %c0_i32 = arith.constant 0 : i32
    %c0_i32_0 = arith.constant 0 : i32
    %c0_i32_1 = arith.constant 0 : i32
    return %c0_i32, %arg0, %c0_i32_0 : i32, i32, i32
  }
  func.func @transform_3(%arg0: i32) -> (i32, i32) {
    %c0_i32 = arith.constant 0 : i32
    %c0_i32_0 = arith.constant 0 : i32
    %c0_i32_1 = arith.constant 0 : i32
    return %c0_i32, %c0_i32_0 : i32, i32
  }
  func.func @transform_4(%arg0: i32) -> (i32, i32) {
    %c0_i32 = arith.constant 0 : i32
    %c0_i32_0 = arith.constant 0 : i32
    %c0_i32_1 = arith.constant 0 : i32
    return %c0_i32, %c0_i32_0 : i32, i32
  }
  func.func @transform_5(%arg0: i32) -> (i32, i32) {
    %c0_i32 = arith.constant 0 : i32
    %c0_i32_0 = arith.constant 0 : i32
    %c0_i32_1 = arith.constant 0 : i32
    return %c0_i32, %c0_i32_0 : i32, i32
  }
  func.func @transform_6(%arg0: i32) -> (i32, i32) {
    %c0_i32 = arith.constant 0 : i32
    %c0_i32_0 = arith.constant 0 : i32
    %c0_i32_1 = arith.constant 0 : i32
    return %c0_i32, %c0_i32_0 : i32, i32
  }
  func.func @transform_7(%arg0: i32) -> (i32, i32) {
    %c0_i32 = arith.constant 0 : i32
    %c0_i32_0 = arith.constant 0 : i32
    return %arg0, %c0_i32 : i32, i32
  }
}

</mosaic_0001>

<sc_bundles>
// kernel: kernel.11.cloned.1.call-start
scs
__scs_entry_jumppad:
0x0: {  	(pc) =	sbr.rel $0x88, $3  }
0x1: {  	(tag) =	ssettag $0x0;
	lr =	simm.s32 $0x1  }
0x2: {  	[smem:$0x3F90] =	sst lr;
	_ =	strace $0xD0000000  }
0x3: {  	_ = 	snop  }
0x4: {  	_ = 	snop  }
0x5: {  	_ = 	snop  }
0x6: {  	_ = 	snop  }
0x7: {  	_ = 	snop  }
__scs_overlays_trampoline_lowered:
0x8: {  	[smem:$0x3F9F] =	sst s0  }
0x9: {  	[smem:$0x3FA0] =	sst s1  }
0xa: {  	[smem:$0x3FA1] =	sst s2  }
0xb: {  	[smem:$0x3FA2] =	sst s3  }
0xc: {  	[smem:$0x3FA3] =	sst s4  }
0xd: {  	[smem:$0x3FA4] =	sst s5  }
0xe: {  	[smem:$0x3FA5] =	sst s6  }
0xf: {  	[smem:$0x3FA6] =	sst s7  }
0x10: {  	[smem:$0x3FA7] =	sst s8  }
0x11: {  	[smem:$0x3FA8] =	sst s9;
	s0 =	simm.s32 @!p0 $0x0  }
0x12: {  	s1 =	sld [smem:$0x3F8E];
	s0 =	simm.s32 @p0 $0x1  }
0x13: {  	[smem:$0x3FA9] =	sst s0;
	s0 =	simm.s32 @!p1 $0x0  }
0x14: {  	s2 =	sld [smem:$0x3F8D];
	s0 =	simm.s32 @p1 $0x1  }
0x15: {  	[smem:$0x3FAA] =	sst s0;
	s0 =	simm.s32 @!p2 $0x0  }
0x16: {  	s3 =	sld [smem:$0x3FDB];
	s0 =	simm.s32 @p2 $0x1  }
0x17: {  	s4 =	simm.s32 $0x1BF5;
	[smem:$0x3FAC] =	sst s0  }
0x18: {  	s0 =	sld [smem:$0x3F8F];
	_ =	swait.ge [sflag:s4], $0x0  }
0x19: {  	s7 =	sld [smem:$0x3F90]  }
0x1a: {  	s8 =	sadd.s32 $0xFFFFE003, lr  }
0x1b: {  	s9 =	sadd.s32 $0xFFFFFEF7, lr;
	s5 =	simm.s32 $0xFFFFFFFF;
	p2 =	slt.u32 s8, $0xFFFFF086  }
0x1c: {  	p1 =	slt.u32 s9, $0xF7A;
	s5 =	simm.s32 @!p2 $0x0  }
0x1d: {  	s5 =	simm.s32 @p1 $0x1;
	p0 =	seq.s32 s7, s2  }
0x1e: {  	s7 =	smul.u32 @!p0 $0xF7A, s2;
	p2 =	seq.s32 @!p0 s5, $0x0  }
0x1f: {  	s9 =	smul.u32 $0xF7A, s1;
	s8 =	simm.s32 @!p0 $0x1BF5;
	p2 =	por !p2, p0  }
0x20: {  	[sflag:s8] =	ssyncset.s32 @!p0 $0xFFFFF086;
	s6 =	sadd.s32 @!p0 s3, s7;
	s7 =	simm.s32 @!p0 $0x108  }
0x21: {  	s3 =	sadd.s32 s3, s9;
	s6 =	sadd.s32 @!p0 $0x88, s6;
	s7 =	simm.s32 @p2 $0x1082  }
0x22: {  	[simem:s7], [sflag:s8] =	dma.local @!p0 [hbm:s6], $0xF7A  }
0x23: {  	s9 =	sor.u32 $0xD0000000, s2;
	s6 =	simm.s32 $0x108;
	_ =	swait.ge @!p0 [sflag:s8], $0x0  }
0x24: {  	s3 =	sadd.s32 $0x88, s3;
	s6 =	simm.s32 @!p1 $0x1082;
	[sflag:s4] =	ssyncset.s32 $0xFFFFF086  }
0x25: {  	[simem:s6], [sflag:s4] =	dma.local [hbm:s3], $0xF7A  }
0x26: {  	[smem:$0x3F90] =	sst s1;
	(tag) =	ssettag s2;
	_ =	strace s9  }
0x27: {  	s1 =	sld [smem:$0x3FA0]  }
0x28: {  	s2 =	sld [smem:$0x3FA1]  }
0x29: {  	s4 =	sld [smem:$0x3FA3]  }
0x2a: {  	p0 =	seq.s32 s5, $0x0;
	s5 =	sld [smem:$0x3FA4]  }
0x2b: {  	s6 =	sld [smem:$0x3FA5]  }
0x2c: {  	s7 =	sld [smem:$0x3FA6]  }
0x2d: {  	s3 =	simm.s32 $0x108;
	s8 =	sld [smem:$0x3FA7]  }
0x2e: {  	s3 =	simm.s32 @!p0 $0x1082;
	s9 =	sld [smem:$0x3FA8]  }
0x2f: {  	lr =	sadd.s32 s0, s3;
	s0 =	sld [smem:$0x3F9F]  }
0x30: {  	s3 =	sld [smem:$0x3FA2]  }
0x31: {  	[smem:$0x3FAB] =	sst s10  }
0x32: {  	s10 =	sld [smem:$0x3FA9];
	_ =	sdelay $0x3  }
0x33: {  	p0 =	seq.s32 s10, $0x1;
	s10 =	sld [smem:$0x3FAB];
	_ =	sdelay $0x3  }
0x34: {  	[smem:$0x3FAB] =	sst s10  }
0x35: {  	s10 =	sld [smem:$0x3FAA];
	_ =	sdelay $0x3  }
0x36: {  	p1 =	seq.s32 s10, $0x1;
	s10 =	sld [smem:$0x3FAB];
	_ =	sdelay $0x3  }
0x37: {  	[smem:$0x3FAB] =	sst s10  }
0x38: {  	s10 =	sld [smem:$0x3FAC]  }
0x39: {  	_ = 	snop;
	(pc) =	sbr.ind lr, $3  }
0x3a: {  	_ = 	snop  }
0x3b: {  	_ = 	snop  }
0x3c: {  	p2 =	seq.s32 s10, $0x1;
	s10 =	sld [smem:$0x3FAB]  }
0x3d: {  	_ =	shalt  }
0x3e: {  	_ =	shalt  }
0x3f: {  	_ =	shalt  }
0x40: {  	_ =	shalt  }
0x41: {  	_ =	shalt  }
0x42: {  	_ =	shalt  }
0x43: {  	_ =	shalt  }
0x44: {  	_ =	shalt  }
0x45: {  	_ =	shalt  }
0x46: {  	_ =	shalt  }
0x47: {  	_ =	shalt  }
0x48: {  	_ =	shalt  }
0x49: {  	_ =	shalt  }
0x4a: {  	_ =	shalt  }
0x4b: {  	_ =	shalt  }
0x4c: {  	_ =	shalt  }
0x4d: {  	_ =	shalt  }
0x4e: {  	_ =	shalt  }
0x4f: {  	_ =	shalt  }
0x50: {  	_ =	shalt  }
0x51: {  	_ =	shalt  }
0x52: {  	_ =	shalt  }
0x53: {  	_ =	shalt  }
0x54: {  	_ =	shalt  }
0x55: {  	_ =	shalt  }
0x56: {  	_ =	shalt  }
0x57: {  	_ =	shalt  }
0x58: {  	_ =	shalt  }
0x59: {  	_ =	shalt  }
0x5a: {  	_ =	shalt  }
0x5b: {  	_ =	shalt  }
0x5c: {  	_ =	shalt  }
0x5d: {  	_ =	shalt  }
0x5e: {  	_ =	shalt  }
0x5f: {  	_ =	shalt  }
0x60: {  	_ =	shalt  }
0x61: {  	_ =	shalt  }
0x62: {  	_ =	shalt  }
0x63: {  	_ =	shalt  }
0x64: {  	_ =	shalt  }
0x65: {  	_ =	shalt  }
0x66: {  	_ =	shalt  }
0x67: {  	_ =	shalt  }
0x68: {  	_ =	shalt  }
0x69: {  	_ =	shalt  }
0x6a: {  	_ =	shalt  }
0x6b: {  	_ =	shalt  }
0x6c: {  	_ =	shalt  }
0x6d: {  	_ =	shalt  }
0x6e: {  	_ =	shalt  }
0x6f: {  	_ =	shalt  }
0x70: {  	_ =	shalt  }
0x71: {  	_ =	shalt  }
0x72: {  	_ =	shalt  }
0x73: {  	_ =	shalt  }
0x74: {  	_ =	shalt  }
0x75: {  	_ =	shalt  }
0x76: {  	_ =	shalt  }
0x77: {  	_ =	shalt  }
0x78: {  	_ =	shalt  }
0x79: {  	_ =	shalt  }
0x7a: {  	_ =	shalt  }
0x7b: {  	_ =	shalt  }
0x7c: {  	_ =	shalt  }
0x7d: {  	_ =	shalt  }
0x7e: {  	_ =	shalt  }
0x7f: {  	_ =	shalt  }
0x80: {  	_ =	shalt  }
0x81: {  	_ =	shalt  }
0x82: {  	_ =	shalt  }
0x83: {  	_ =	shalt  }
0x84: {  	_ =	shalt  }
0x85: {  	_ =	shalt  }
0x86: {  	_ =	shalt  }
0x87: {  	_ =	shalt  }
.Lfunc_end0:
.L_simem_size_0:
called_computation.1_lowered:
.L_overlay_start_0:
0x88: {  	s2 =	sld [smem:$0x3FD9]  }
0x89: {  	s3 =	sld [smem:$0x3FFE];
	_ =	sdelay $0x1  }
0x8a: {  	s1 =	srdreg.scid  }
0x8b: {  	s0 =	sand.u32 $0x1, s1  }
0x8c: {  	s17 =	sshll.u32 s0, $0xA;
	s2 =	sadd.s32 s3, s2  }
0x8d: {  	s2 =	sadd.s32 s2, s17  }
0x8e: {  	[smem:$0x3FB7] =	sst s2  }
0x8f: {  	_ = 	snop  }
0x90: {  	s2 =	sld [smem:$0x3FD0];
	(tm) =	ssettm $0x1  }
0x91: {  	s18 =	sld [smem:$0x3FFB];
	_ =	sdelay $0x3  }
0x92: {  	_ =	strace s18  }
0x93: {  	s3 =	sld [smem:$0x3FFC];
	_ =	sdelay $0x3  }
0x94: {  	_ =	strace s3  }
0x95: {  	s3 =	sld [smem:$0x3FFD];
	_ =	sdelay $0x3  }
0x96: {  	_ =	strace s3  }
0x97: {  	_ =	strace $0x8FFFFFFF  }
0x98: {  	s19 =	sld [smem:$0x3FDB];
	_ =	sdelay $0x1  }
0x99: {  	s4 =	simm.s32 $_scs_section_size  }
0x9a: {  	s5 =	simm.s32 $_size__tile_overlayer_lowered;
	s6 =	simm.s32 $_tile_overlayer_lowered  }
0x9b: {  	s22 =	simm.s32 $0x1BFF;
	s21 =	sshll.u32 s6, $0x1;
	s3 =	sadd.s32 s4, s19  }
0x9c: {  	s7 =	simm.s32 $0x0;
	s20 =	sshll.u32 s5, $0x1;
	s5 =	sadd.s32 s21, s3  }
0x9d: {  	[timem:s7], [sflag:s22] =	dma.local [hbm:s5], s20  }
0x9e: {  	_ =	swait.ge [sflag:s22], s20  }
0x9f: {  	s4 =	ssub.s32 $0x0, s20;
	[sflag:s22] =	ssyncset.done $0x0  }
0xa0: {  	[sflag:s22] =	ssyncadd.s32 s4;
	_ =	sdelay $0x1  }
0xa1: {  	s23 =	simm.s32 $0x1B8B  }
0xa2: {  	_ =	swait.ge [sflag:s23], $0x1  }
0xa3: {  	[sflag:s23] =	ssyncset.done $0x0  }
0xa4: {  	s25 =	simm.s32 $0x1B8E;
	s24 =	sld [smem:$0x3FFE];
	[sflag:s23] =	ssyncadd.s32 $0xFFFFFFFF  }
0xa5: {  	s26 =	simm.s32 $execute0_lowered;
	[smem:$0x3FD2] =	sst s25  }
0xa6: {  	s5 =	sshll.u32 s26, $0x1;
	_ =	strace $0x80000049;
	[dreg:$0x1] =	wrdreg $0xFFFFFFFF  }
0xa7: {  	s28 =	simm.s32 $_size_execute0_lowered;
	s3 =	sadd.s32 s3, s5;
	[dreg:$0x0] =	wrdreg $0x0  }
0xa8: {  	s5 =	sshll.u32 s28, $0x1;
	[dreg:$0x2] =	wrdreg s3  }
0xa9: {  	[dreg:$0x3] =	wrdreg s5  }
0xaa: {  	[dreg:$0x4] =	wrdreg $0xC0  }
0xab: {  	_ =	task [dreg:s7], $0x5FFFF  }
0xac: {  	[dreg:$0x1] =	wrdreg $0xFFFFFFFF  }
0xad: {  	[dreg:$0x0] =	wrdreg $0x60  }
0xae: {  	[dreg:$0x2] =	wrdreg s2  }
0xaf: {  	[dreg:$0x3] =	wrdreg s24  }
0xb0: {  	[dreg:$0x4] =	wrdreg $0xC7000  }
0xb1: {  	[dreg:$0x5] =	wrdreg $0x9  }
0xb2: {  	_ =	task.clear_ibuf [dreg:s7], $0x6FFFF;
	_ =	strace $0x90000049  }
0xb3: {  	s29 =	simm.s32 $0x9;
	_ =	strace $0x8000004B  }
0xb4: {  	_ =	swait.ge [sflag:s29], $0x1  }
0xb5: {  	[sflag:s29] =	ssyncadd.s32 $0xFFFFFFFF  }
0xb6: {  	_ =	strace $0x9000004B  }
0xb7: {  	_ =	sfence  }
0xb8: {  	s30 =	sld [smem:$0x0];
	_ =	sdelay $0x2  }
0xb9: {  	s31 =	sshll.u32 s1, $0xD;
	s1 =	sshrl.u32 s1, $0x2  }
0xba: {  	s3 =	sand.u32 $0x4000, s31;
	s1 =	sadd.s32 s1, s30  }
0xbb: {  	s0 =	sor.u32 s3, s0;
	s1 =	sshll.u32 s1, $0x11  }
0xbc: {  	s0 =	sor.u32 s1, s0  }
0xbd: {  	s0 =	sadd.s32 $0x8F2B, s0  }
0xbe: {  	[sflag:s0] =	ssyncadd.remote.s32 $0x1  }
0xbf: {  	_ =	sfence.sel $0xFFFF  }
0xc0: {  	[dreg:$0x0] =	wrdreg $0xFFFFFFFF;
	(pc) =	sbr.abs _section_cstart, $3  }
0xc1: {  	[dreg:$0x1] =	wrdreg $0xFFFFFFFF  }
0xc2: {  	_ =	task.clear_ibuf [dreg:s7], $0x2FFFF;
	_ =	strace $0x9FFFFFFF  }
0xc3: {  	(tm) =	ssettm $0x7FFFFFFF  }
tec
execute0_lowered:
.L_overlay_start_1:
0x0: {  	(tag) =	ssettag $0x1  }
0x1: {  	s1 =	rddreg [dreg:$0x0]  }
0x2: {  	s0 =	srdreg.scid;
	s4 =	rddreg [dreg:$0x1]  }
0x3: {  	s8 =	stileid.u32;
	s3 =	rddreg [dreg:$0x2];
	s6 =	simm.s32 $0x0  }
0x4: {  	s19 =	simm.s32 $0x80;
	s20 =	simm.s32 $0x400;
	s28 =	simm.s32 $0x9F00  }
0x5: {  	s29 =	simm.s32 $0x1;
	s31 =	simm.s32 $0x2;
	s30 =	simm.s32 $0x5  }
0x6: {  	s0 =	sand.u32 $0x1, s0;
	s5 =	sshll.u32 s8, $0x7;
	s22 =	smul.u32 $0x4E000, s8  }
0x7: {  	[smem:$0x7FF] =	sst s6;
	s25 =	smul.u32 $0x13800, s8;
	s15 =	sadd.s32 $0x136000, s3  }
0x8: {  	p0 =	sne.s32 s8, $0xF;
	s2 =	sshll.u32 s0, $0x4;
	s5 =	sand.u32 $0x380, s5  }
0x9: {  	s21 =	ssub.s32 $0x2, s0;
	_ =	strace $0x8000004A;
	s0 =	smul.u32 $0x138800, s0  }
0xa: {  	s2 =	sor.u32 s8, s2;
	s7 =	sshrl.u32 s21, $0x1;
	s6 =	sshrl.u32 s22, $0x2  }
0xb: {  	s22 =	simm.s32 $0x2780;
	s2 =	sshrl.u32 s2, $0x3;
	s6 =	sadd.s32 s6, s3  }
0xc: {  	s2 =	smul.u32 $0x13C00, s2;
	s24 =	sadd.s32 $0x2800, s6;
	s26 =	sadd.s32 $0x5000, s6  }
0xd: {  	s10 =	sadd.s32 $0x7800, s6;
	s11 =	sadd.s32 $0xA000, s6;
	s12 =	sadd.s32 $0xC800, s6  }
0xe: {  	s13 =	sadd.s32 $0xF000, s6;
	s14 =	sadd.s32 $0x11800, s6;
	[dreg:$0x6] =	wrdreg s24  }
0xf: {  	[dreg:$0x7] =	wrdreg s26;
	s24 =	simm.s32 $0x4F00;
	s2 =	sor.u32 s5, s2  }
0x10: {  	s26 =	simm.s32 $0x7700;
	s5 =	ssub.s32 s21, s7;
	s2 =	sshrl.u32 s2, $0x3  }
0x11: {  	s21 =	simm.s32 $0x7;
	s18 =	smax.u32 s5, $0x1;
	s2 =	sadd.s32 s2, s4  }
0x12: {  	s5 =	simm.s32 $0x0;
	s23 =	sadd.s32 $0x3200, s2;
	s2 =	sadd.s32 $0xD000, s2  }
0x13: {  	s4 =	sadd.s32 $0x16E00, s4;
	[dreg:$0x5] =	wrdreg s2;
	s2 =	sadd.s32 s25, s0  }
0x14: {  	[dreg:$0x4] =	wrdreg s23;
	s0 =	sshrl.u32 s0, $0x3;
	s2 =	sshrl.u32 s2, $0x3  }
0x15: {  	s23 =	simm.s32 $0x50;
	s0 =	sadd.s32 s4, s0;
	s16 =	sadd.s32 s4, s2  }
0x16: {  	s17 =	sadd.s32 $0x27000, s0;
	s0 =	sadd.s32 $0x138000, s3;
	s2 =	simm.s32 $0x4  }
0x17: {  	v0 =	vimm.f32 $0.0e+00;
	s4 =	simm.s32 $0x6;
	s25 =	sshrl.u32 @!p0 s0, $0x3;
	s0 =	simm.s32 $0x3  }
.LBB2_1:
0x18: {  	s7 =	simm.s32 $0x0;
	s8 =	rddreg [dreg:$0x4]  }
0x19: {  	[tilespmem:s7], [sflag:$0x7] =	stream.strided.gather [hbm4b:s8+s19], $0x2780, s20, s19, $0x38;
	[tilespmem:$0x1FF80] =	vst v63  }
0x1a: {  	_ =	swait.ge [sflag:s21], $0x2780  }
0x1b: {  	[sflag:s21] =	ssyncset.done $0x0  }
0x1c: {  	s9 =	rddreg [dreg:$0x5];
	[sflag:s21] =	ssyncadd.s32 $0xFFFFD880  }
0x1d: {  	[tilespmem:s22], [sflag:$0x7] =	stream.strided.gather [hbm4b:s9+s19], $0x2780, s20, s19, $0x38;
	[tilespmem:$0x1FF80] =	vst v63  }
0x1e: {  	_ =	swait.ge [sflag:s21], $0x2780  }
0x1f: {  	[sflag:s21] =	ssyncset.done $0x0  }
0x20: {  	[sflag:s21] =	ssyncadd.s32 $0xFFFFD880  }
0x21: {  	[tilespmem:s24], [sflag:$0x1] =	stream.indirect.gather [hbm4b:s1+s23], $0x80, s7, s23, $0xb8;
	[tilespmem:$0x1FF80] =	vst v63  }
0x22: {  	s8 =	simm.s32 $0x200;
	s7 =	simm.s32 $0x0  }
0x23: {  	[tilespmem:s26], [sflag:$0x2] =	stream.indirect.gather [hbm4b:s1+s23], $0x80, s23, s23, $0xb8;
	[tilespmem:$0x1FF80] =	vst v63  }
.LBB2_2:
0x24: {  	p1 =	sne.s32 s8, $0x9E00;
	[tilespmem:s7+$0x9F70] =	vst v0  }
0x25: {  	[tilespmem:s7+$0x9F00] =	vst v0  }
0x26: {  	[tilespmem:s7+$0x9F10] =	vst v0  }
.Ltmp0:
0x27: {  	[tilespmem:s7+$0x9F20] =	vst v0;
	(pc) =	sbr.rel @p1 .LBB2_2-.Ltmp0, $4  }
0x28: {  	[tilespmem:s7+$0x9F30] =	vst v0  }
0x29: {  	[tilespmem:s7+$0x9F40] =	vst v0  }
0x2a: {  	[tilespmem:s7+$0x9F50] =	vst v0  }
0x2b: {  	[tilespmem:s7+$0x9F60] =	vst v0;
	s7 =	sshra.s32 s8, $0x2;
	s8 =	sadd.s32 $0x200, s8  }
0x2c: {  	[tilespmem:s7+$0x9F70] =	vst v0  }
0x2d: {  	[tilespmem:s7+$0x9F00] =	vst v0  }
0x2e: {  	[tilespmem:s7+$0x9F10] =	vst v0  }
0x2f: {  	[tilespmem:s7+$0x9F20] =	vst v0  }
0x30: {  	[tilespmem:s7+$0x9F30] =	vst v0  }
0x31: {  	[tilespmem:s7+$0x9F40] =	vst v0  }
0x32: {  	[tilespmem:s7+$0x9F50] =	vst v0  }
0x33: {  	[tilespmem:s7+$0x9F60] =	vst v0  }
0x34: {  	[spmem:s6] =	stream.linear.scatter [tilespmem:s28], [sflag:$0x7], $0x2800, $0x38;
	[tilespmem:$0x1FF80] =	vst v63  }
0x35: {  	_ =	swait.ge [sflag:s21], $0x2800  }
0x36: {  	[sflag:s21] =	ssyncset.done $0x0  }
0x37: {  	s8 =	rddreg [dreg:$0x6];
	[sflag:s21] =	ssyncadd.s32 $0xFFFFD800  }
0x38: {  	[spmem:s8] =	stream.linear.scatter [tilespmem:s28], [sflag:$0x7], $0x2800, $0x38;
	[tilespmem:$0x1FF80] =	vst v63  }
0x39: {  	_ =	swait.ge [sflag:s21], $0x2800  }
0x3a: {  	[sflag:s21] =	ssyncset.done $0x0  }
0x3b: {  	s9 =	rddreg [dreg:$0x7];
	[sflag:s21] =	ssyncadd.s32 $0xFFFFD800  }
0x3c: {  	[spmem:s9] =	stream.linear.scatter [tilespmem:s28], [sflag:$0x7], $0x2800, $0x38;
	[tilespmem:$0x1FF80] =	vst v63  }
0x3d: {  	_ =	swait.ge [sflag:s21], $0x2800  }
0x3e: {  	[sflag:s21] =	ssyncset.done $0x0  }
0x3f: {  	[sflag:s21] =	ssyncadd.s32 $0xFFFFD800  }
0x40: {  	[spmem:s10] =	stream.linear.scatter [tilespmem:s28], [sflag:$0x7], $0x2800, $0x38;
	[tilespmem:$0x1FF80] =	vst v63  }
0x41: {  	_ =	swait.ge [sflag:s21], $0x2800  }
0x42: {  	[sflag:s21] =	ssyncset.done $0x0  }
0x43: {  	[sflag:s21] =	ssyncadd.s32 $0xFFFFD800  }
0x44: {  	[spmem:s11] =	stream.linear.scatter [tilespmem:s28], [sflag:$0x7], $0x2800, $0x38;
	[tilespmem:$0x1FF80] =	vst v63  }
0x45: {  	_ =	swait.ge [sflag:s21], $0x2800  }
0x46: {  	[sflag:s21] =	ssyncset.done $0x0  }
0x47: {  	[sflag:s21] =	ssyncadd.s32 $0xFFFFD800  }
0x48: {  	[spmem:s12] =	stream.linear.scatter [tilespmem:s28], [sflag:$0x7], $0x2800, $0x38;
	[tilespmem:$0x1FF80] =	vst v63  }
0x49: {  	_ =	swait.ge [sflag:s21], $0x2800  }
0x4a: {  	[sflag:s21] =	ssyncset.done $0x0  }
0x4b: {  	[sflag:s21] =	ssyncadd.s32 $0xFFFFD800  }
0x4c: {  	[spmem:s13] =	stream.linear.scatter [tilespmem:s28], [sflag:$0x7], $0x2800, $0x38;
	[tilespmem:$0x1FF80] =	vst v63  }
0x4d: {  	_ =	swait.ge [sflag:s21], $0x2800  }
0x4e: {  	[sflag:s21] =	ssyncset.done $0x0  }
0x4f: {  	s7 =	simm.s32 @p0 $0x9F00;
	[sflag:s21] =	ssyncadd.s32 $0xFFFFD800  }
0x50: {  	[spmem:s14] =	stream.linear.scatter @p0 [tilespmem:s7], [sflag:$0x7], $0x2000, $0x38;
	[tilespmem:$0x1FF80] =	vst v63  }
0x51: {  	s7 =	simm.s32 @p0 $0x7  }
0x52: {  	_ =	swait.ge @p0 [sflag:s7], $0x2000  }
0x53: {  	[sflag:s7] =	ssyncset.done @p0 $0x0  }
0x54: {  	[sflag:s7] =	ssyncadd.s32 @p0 $0xFFFFE000;
	s7 =	simm.s32 @!p0 $0x9F00  }
0x55: {  	[spmem:s15] =	stream.linear.scatter @!p0 [tilespmem:s7], [sflag:$0x7], $0x2800, $0x38;
	[tilespmem:$0x1FF80] =	vst v63  }
0x56: {  	s7 =	simm.s32 @!p0 $0x7  }
0x57: {  	_ =	swait.ge @!p0 [sflag:s7], $0x2800  }
0x58: {  	[sflag:s7] =	ssyncset.done @!p0 $0x0  }
0x59: {  	[sflag:s7] =	ssyncadd.s32 @!p0 $0xFFFFD800  }
0x5a: {  	[bflag:$0x0] =	sbarrier.arrive $0xFFFF  }
0x5b: {  	_ =	swait.ge [sflag:s29], $0x2800  }
0x5c: {  	[sflag:s29] =	ssyncset.done $0x0  }
0x5d: {  	s8 =	simm.s32 $0xA0;
	[sflag:s29] =	ssyncadd.s32 $0xFFFFD800  }
0x5e: {  	[tilespmem:s28], [sflag:$0x3] =	stream.indirect.gather [hbm4b:s1+s23], $0x80, s8, s23, $0xb8;
	[tilespmem:$0x1FF80] =	vst v63  }
0x5f: {  	_ = 	snop  }
0x60: {  	[spmem:s3] =	stream.indirect.scatter.add.f32 [tilespmem:s24], [sflag:$0x4], $0x80, s22, s23, $0xb8;
	[tilespmem:$0x1FF80] =	vst v63  }
0x61: {  	_ =	swait.ge [sflag:s31], $0x2800  }
0x62: {  	[sflag:s31] =	ssyncset.done $0x0  }
0x63: {  	[sflag:s31] =	ssyncadd.s32 $0xFFFFD800  }
0x64: {  	_ =	swait.ge [sflag:s2], $0x2800  }
0x65: {  	[sflag:s2] =	ssyncset.done $0x0  }
0x66: {  	s9 =	simm.s32 $0xF0;
	[sflag:s2] =	ssyncadd.s32 $0xFFFFD800  }
0x67: {  	[tilespmem:s24], [sflag:$0x1] =	stream.indirect.gather [hbm4b:s1+s23], $0x80, s9, s23, $0xb8;
	[tilespmem:$0x1FF80] =	vst v63  }
0x68: {  	s8 =	simm.s32 $0x27D0  }
0x69: {  	[spmem:s3] =	stream.indirect.scatter.add.f32 [tilespmem:s26], [sflag:$0x5], $0x80, s8, s23, $0xb8;
	[tilespmem:$0x1FF80] =	vst v63  }
0x6a: {  	_ =	swait.ge [sflag:s0], $0x2800  }
0x6b: {  	[sflag:s0] =	ssyncset.done $0x0  }
0x6c: {  	[sflag:s0] =	ssyncadd.s32 $0xFFFFD800  }
0x6d: {  	_ =	swait.ge [sflag:s30], $0x2800  }
0x6e: {  	[sflag:s30] =	ssyncset.done $0x0  }
0x6f: {  	s9 =	simm.s32 $0x140;
	[sflag:s30] =	ssyncadd.s32 $0xFFFFD800  }
0x70: {  	[tilespmem:s26], [sflag:$0x2] =	stream.indirect.gather [hbm4b:s1+s23], $0x80, s9, s23, $0xb8;
	[tilespmem:$0x1FF80] =	vst v63  }
0x71: {  	s8 =	simm.s32 $0x2820  }
0x72: {  	[spmem:s3] =	stream.indirect.scatter.add.f32 [tilespmem:s28], [sflag:$0x6], $0x80, s8, s23, $0xb8;
	[tilespmem:$0x1FF80] =	vst v63  }
0x73: {  	_ =	swait.ge [sflag:s29], $0x2800  }
0x74: {  	[sflag:s29] =	ssyncset.done $0x0  }
0x75: {  	[sflag:s29] =	ssyncadd.s32 $0xFFFFD800  }
0x76: {  	_ =	swait.ge [sflag:s4], $0x2800  }
0x77: {  	s7 =	simm.s32 $0x3C0;
	[sflag:s4] =	ssyncset.done $0x0  }
0x78: {  	s9 =	simm.s32 $0x190;
	s8 =	simm.s32 $0x2870;
	[sflag:s4] =	ssyncadd.s32 $0xFFFFD800  }
0x79: {  	[tilespmem:s28], [sflag:$0x3] =	stream.indirect.gather [hbm4b:s1+s23], $0x80, s9, s23, $0xb8;
	[tilespmem:$0x1FF80] =	vst v63  }
.LBB2_4:
0x7a: {  	[spmem:s3] =	stream.indirect.scatter.add.f32 [tilespmem:s24], [sflag:$0x4], $0x80, s8, s23, $0xb8;
	[tilespmem:$0x1FF80] =	vst v63  }
0x7b: {  	s8 =	smov.u32 s7  }
0x7c: {  	p1 =	sne.s32 s7, $0x9240;
	s7 =	sadd.s32 $0x3C0, s7;
	_ =	swait.ge [sflag:s31], $0x2800  }
0x7d: {  	[sflag:s31] =	ssyncset.done $0x0  }
0x7e: {  	[sflag:s31] =	ssyncadd.s32 $0xFFFFD800  }
0x7f: {  	_ =	swait.ge [sflag:s2], $0x2800  }
0x80: {  	s8 =	sshra.s32 s8, $0x2;
	[sflag:s2] =	ssyncset.done $0x0  }
0x81: {  	s9 =	sadd.s32 $0xF0, s8;
	[sflag:s2] =	ssyncadd.s32 $0xFFFFD800  }
0x82: {  	[tilespmem:s24], [sflag:$0x1] =	stream.indirect.gather [hbm4b:s1+s23], $0x80, s9, s23, $0xb8;
	[tilespmem:$0x1FF80] =	vst v63  }
0x83: {  	s9 =	sadd.s32 $0x27D0, s8  }
0x84: {  	[spmem:s3] =	stream.indirect.scatter.add.f32 [tilespmem:s26], [sflag:$0x5], $0x80, s9, s23, $0xb8;
	[tilespmem:$0x1FF80] =	vst v63  }
0x85: {  	_ =	swait.ge [sflag:s0], $0x2800  }
0x86: {  	[sflag:s0] =	ssyncset.done $0x0  }
0x87: {  	[sflag:s0] =	ssyncadd.s32 $0xFFFFD800  }
0x88: {  	_ =	swait.ge [sflag:s30], $0x2800  }
0x89: {  	[sflag:s30] =	ssyncset.done $0x0  }
0x8a: {  	s9 =	sadd.s32 $0x140, s8;
	[sflag:s30] =	ssyncadd.s32 $0xFFFFD800  }
0x8b: {  	[tilespmem:s26], [sflag:$0x2] =	stream.indirect.gather [hbm4b:s1+s23], $0x80, s9, s23, $0xb8;
	[tilespmem:$0x1FF80] =	vst v63  }
0x8c: {  	s9 =	sadd.s32 $0x2820, s8  }
0x8d: {  	[spmem:s3] =	stream.indirect.scatter.add.f32 [tilespmem:s28], [sflag:$0x6], $0x80, s9, s23, $0xb8;
	[tilespmem:$0x1FF80] =	vst v63  }
0x8e: {  	_ =	swait.ge [sflag:s29], $0x2800  }
0x8f: {  	[sflag:s29] =	ssyncset.done $0x0  }
0x90: {  	[sflag:s29] =	ssyncadd.s32 $0xFFFFD800  }
.Ltmp1:
0x91: {  	_ =	swait.ge [sflag:s4], $0x2800;
	(pc) =	sbr.rel @p1 .LBB2_4-.Ltmp1, $4  }
0x92: {  	[sflag:s4] =	ssyncset.done $0x0  }
0x93: {  	s9 =	sadd.s32 $0x190, s8;
	[sflag:s4] =	ssyncadd.s32 $0xFFFFD800  }
0x94: {  	[tilespmem:s28], [sflag:$0x3] =	stream.indirect.gather [hbm4b:s1+s23], $0x80, s9, s23, $0xb8;
	[tilespmem:$0x1FF80] =	vst v63  }
0x95: {  	s8 =	sadd.s32 $0x2870, s8  }
0x96: {  	[spmem:s3] =	stream.indirect.scatter.add.f32 [tilespmem:s24], [sflag:$0x4], $0x80, s8, s23, $0xb8;
	[tilespmem:$0x1FF80] =	vst v63  }
0x97: {  	_ =	swait.ge [sflag:s31], $0x2800  }
0x98: {  	[sflag:s31] =	ssyncset.done $0x0  }
0x99: {  	[sflag:s31] =	ssyncadd.s32 $0xFFFFD800  }
0x9a: {  	_ =	swait.ge [sflag:s2], $0x2800  }
0x9b: {  	[sflag:s2] =	ssyncset.done $0x0  }
0x9c: {  	s7 =	simm.s32 $0x2670;
	[sflag:s2] =	ssyncadd.s32 $0xFFFFD800  }
0x9d: {  	[tilespmem:s24], [sflag:$0x1] =	stream.indirect.gather [hbm4b:s1+s23], $0x80, s7, s23, $0xb8;
	[tilespmem:$0x1FF80] =	vst v63  }
0x9e: {  	s9 =	simm.s32 $0x4D50  }
0x9f: {  	[spmem:s3] =	stream.indirect.scatter.add.f32 [tilespmem:s26], [sflag:$0x5], $0x80, s9, s23, $0xb8;
	[tilespmem:$0x1FF80] =	vst v63  }
0xa0: {  	_ =	swait.ge [sflag:s0], $0x2800  }
0xa1: {  	[sflag:s0] =	ssyncset.done $0x0  }
0xa2: {  	[sflag:s0] =	ssyncadd.s32 $0xFFFFD800  }
0xa3: {  	_ =	swait.ge [sflag:s30], $0x2800  }
0xa4: {  	[sflag:s30] =	ssyncset.done $0x0  }
0xa5: {  	s8 =	simm.s32 $0x26C0;
	[sflag:s30] =	ssyncadd.s32 $0xFFFFD800  }
0xa6: {  	[tilespmem:s26], [sflag:$0x2] =	stream.indirect.gather [hbm4b:s1+s23], $0x80, s8, s23, $0xb8;
	[tilespmem:$0x1FF80] =	vst v63  }
0xa7: {  	s9 =	simm.s32 $0x4DA0  }
0xa8: {  	[spmem:s3] =	stream.indirect.scatter.add.f32 [tilespmem:s28], [sflag:$0x6], $0x80, s9, s23, $0xb8;
	[tilespmem:$0x1FF80] =	vst v63  }
0xa9: {  	_ =	swait.ge [sflag:s29], $0x2800  }
0xaa: {  	[sflag:s29] =	ssyncset.done $0x0  }
0xab: {  	[sflag:s29] =	ssyncadd.s32 $0xFFFFD800  }
0xac: {  	_ =	swait.ge [sflag:s4], $0x2800  }
0xad: {  	[sflag:s4] =	ssyncset.done $0x0  }
0xae: {  	s8 =	simm.s32 $0x4DF0;
	[sflag:s4] =	ssyncadd.s32 $0xFFFFD800  }
0xaf: {  	[spmem:s3] =	stream.indirect.scatter.add.f32 [tilespmem:s24], [sflag:$0x4], $0x80, s8, s23, $0xb8;
	[tilespmem:$0x1FF80] =	vst v63  }
0xb0: {  	_ =	swait.ge [sflag:s31], $0x2800  }
0xb1: {  	[sflag:s31] =	ssyncset.done $0x0  }
0xb2: {  	[sflag:s31] =	ssyncadd.s32 $0xFFFFD800  }
0xb3: {  	_ =	swait.ge [sflag:s2], $0x2800  }
0xb4: {  	[sflag:s2] =	ssyncset.done $0x0  }
0xb5: {  	s9 =	simm.s32 $0x4E40;
	[sflag:s2] =	ssyncadd.s32 $0xFFFFD800  }
0xb6: {  	[spmem:s3] =	stream.indirect.scatter.add.f32 [tilespmem:s26], [sflag:$0x5], $0x80, s9, s23, $0xb8;
	[tilespmem:$0x1FF80] =	vst v63  }
0xb7: {  	_ =	swait.ge [sflag:s30], $0x2800  }
0xb8: {  	s8 =	stileid.u32;
	[sflag:s30] =	ssyncset.done $0x0  }
0xb9: {  	s7 =	sshll.u32 s8, $0x6;
	[sflag:s30] =	ssyncadd.s32 $0xFFFFD800  }
0xba: {  	s7 =	sor.u32 $0x1C07, s7;
	s9 =	sshrl.u32 s6, $0x3;
	[bflag:$0x0] =	sbarrier.arrive $0xFFFF  }
0xbb: {  	[hbm:s16], [sflag:s7] =	dma.local [spmem:s9], $0x2700  }
0xbc: {  	_ =	swait.ge [sflag:s21], $0x2700  }
0xbd: {  	s5 =	sadd.s32 $0x1, s5;
	[sflag:s21] =	ssyncset.done $0x0  }
0xbe: {  	p1 =	sne.s32 s5, s18;
	[sflag:s21] =	ssyncadd.s32 $0xFFFFD900  }
0xbf: {  	[hbm:s17], [sflag:s7] =	dma.local @!p0 [spmem:s25], $0x100  }
.Ltmp2:
0xc0: {  	_ = 	snop;
	(pc) =	sbr.rel @p1 .LBB2_1-.Ltmp2, $4  }
0xc1: {  	s7 =	simm.s32 @!p0 $0x7  }
0xc2: {  	_ =	swait.ge @!p0 [sflag:s7], $0x100  }
0xc3: {  	[sflag:s7] =	ssyncset.done @!p0 $0x0  }
0xc4: {  	[sflag:s7] =	ssyncadd.s32 @!p0 $0xFFFFFF00  }
0xc5: {  	_ =	sfence.sel $0x180000  }
0xc6: {  	[bflag:$0x0] =	sbarrier.arrive $0xFFFF  }
0xc7: {  	_ =	strace $0x9000004A  }
0xc8: {  	s0 =	stileid.u32;
	[bflag:$0x2] =	sbarrier.arrive $0xFFFF  }
0xc9: {  	p0 =	sne.s32 s0, $0x0;
	s0 =	rddreg [dreg:$0x3]  }
0xca: {  	s0 =	sadd.s32 @!p0 $0x100000, s0  }
0xcb: {  	[sflag:s0] =	ssyncadd.tile.s32 @!p0 $0x1;
	_ =	shalt  }
.Lfunc_end2:
_tile_overlayer_lowered:
.L_overlay_start_2:
0xcc: {  	(tag) =	ssettag $0x2  }
0xcd: {  	s0 =	rddreg [dreg:$0x0];
	s2 =	stileid.u32  }
0xce: {  	s1 =	rddreg [dreg:$0x1];
	p0 =	sne.s32 s2, $0x0  }
0xcf: {  	s3 =	rddreg [dreg:$0x2];
	[bflag:$0x3] =	sbarrier.arrive $0xFFFF;
	s2 =	simm.s32 @!p0 $0x1C07  }
0xd0: {  	[timem:s3], [sflag:s2] =	dma.local @!p0 [hbm:s0], s1  }
0xd1: {  	s0 =	simm.s32 @!p0 $0x7  }
0xd2: {  	_ =	swait.ge @!p0 [sflag:s0], s1  }
0xd3: {  	s1 =	ssub.s32 @!p0 $0x0, s1;
	[sflag:s0] =	ssyncset.done @!p0 $0x0  }
0xd4: {  	[sflag:s0] =	ssyncadd.s32 @!p0 s1  }
0xd5: {  	[bflag:$0x3] =	sbarrier.arrive $0xFFFF  }
0xd6: {  	_ =	shalt  }

// kernel: kernel.14.cloned.1.call-start
scs
__scs_entry_jumppad:
0x0: {  	(pc) =	sbr.rel $0x88, $3  }
0x1: {  	(tag) =	ssettag $0x0;
	lr =	simm.s32 $0x1  }
0x2: {  	[smem:$0x3F90] =	sst lr;
	_ =	strace $0xD0000000  }
0x3: {  	_ = 	snop  }
0x4: {  	_ = 	snop  }
0x5: {  	_ = 	snop  }
0x6: {  	_ = 	snop  }
0x7: {  	_ = 	snop  }
__scs_overlays_trampoline_lowered:
0x8: {  	[smem:$0x3F9F] =	sst s0  }
0x9: {  	[smem:$0x3FA0] =	sst s1  }
0xa: {  	[smem:$0x3FA1] =	sst s2  }
0xb: {  	[smem:$0x3FA2] =	sst s3  }
0xc: {  	[smem:$0x3FA3] =	sst s4  }
0xd: {  	[smem:$0x3FA4] =	sst s5  }
0xe: {  	[smem:$0x3FA5] =	sst s6  }
0xf: {  	[smem:$0x3FA6] =	sst s7  }
0x10: {  	[smem:$0x3FA7] =	sst s8  }
0x11: {  	[smem:$0x3FA8] =	sst s9;
	s0 =	simm.s32 @!p0 $0x0  }
0x12: {  	s1 =	sld [smem:$0x3F8E];
	s0 =	simm.s32 @p0 $0x1  }
0x13: {  	[smem:$0x3FA9] =	sst s0;
	s0 =	simm.s32 @!p1 $0x0  }
0x14: {  	s2 =	sld [smem:$0x3F8D];
	s0 =	simm.s32 @p1 $0x1  }
0x15: {  	[smem:$0x3FAA] =	sst s0;
	s0 =	simm.s32 @!p2 $0x0  }
0x16: {  	s3 =	sld [smem:$0x3FDB];
	s0 =	simm.s32 @p2 $0x1  }
0x17: {  	s4 =	simm.s32 $0x1BF5;
	[smem:$0x3FAC] =	sst s0  }
0x18: {  	s0 =	sld [smem:$0x3F8F];
	_ =	swait.ge [sflag:s4], $0x0  }
0x19: {  	s7 =	sld [smem:$0x3F90]  }
0x1a: {  	s8 =	sadd.s32 $0xFFFFE003, lr  }
0x1b: {  	s9 =	sadd.s32 $0xFFFFFEF7, lr;
	s5 =	simm.s32 $0xFFFFFFFF;
	p2 =	slt.u32 s8, $0xFFFFF086  }
0x1c: {  	p1 =	slt.u32 s9, $0xF7A;
	s5 =	simm.s32 @!p2 $0x0  }
0x1d: {  	s5 =	simm.s32 @p1 $0x1;
	p0 =	seq.s32 s7, s2  }
0x1e: {  	s7 =	smul.u32 @!p0 $0xF7A, s2;
	p2 =	seq.s32 @!p0 s5, $0x0  }
0x1f: {  	s9 =	smul.u32 $0xF7A, s1;
	s8 =	simm.s32 @!p0 $0x1BF5;
	p2 =	por !p2, p0  }
0x20: {  	[sflag:s8] =	ssyncset.s32 @!p0 $0xFFFFF086;
	s6 =	sadd.s32 @!p0 s3, s7;
	s7 =	simm.s32 @!p0 $0x108  }
0x21: {  	s3 =	sadd.s32 s3, s9;
	s6 =	sadd.s32 @!p0 $0x88, s6;
	s7 =	simm.s32 @p2 $0x1082  }
0x22: {  	[simem:s7], [sflag:s8] =	dma.local @!p0 [hbm:s6], $0xF7A  }
0x23: {  	s9 =	sor.u32 $0xD0000000, s2;
	s6 =	simm.s32 $0x108;
	_ =	swait.ge @!p0 [sflag:s8], $0x0  }
0x24: {  	s3 =	sadd.s32 $0x88, s3;
	s6 =	simm.s32 @!p1 $0x1082;
	[sflag:s4] =	ssyncset.s32 $0xFFFFF086  }
0x25: {  	[simem:s6], [sflag:s4] =	dma.local [hbm:s3], $0xF7A  }
0x26: {  	[smem:$0x3F90] =	sst s1;
	(tag) =	ssettag s2;
	_ =	strace s9  }
0x27: {  	s1 =	sld [smem:$0x3FA0]  }
0x28: {  	s2 =	sld [smem:$0x3FA1]  }
0x29: {  	s4 =	sld [smem:$0x3FA3]  }
0x2a: {  	p0 =	seq.s32 s5, $0x0;
	s5 =	sld [smem:$0x3FA4]  }
0x2b: {  	s6 =	sld [smem:$0x3FA5]  }
0x2c: {  	s7 =	sld [smem:$0x3FA6]  }
0x2d: {  	s3 =	simm.s32 $0x108;
	s8 =	sld [smem:$0x3FA7]  }
0x2e: {  	s3 =	simm.s32 @!p0 $0x1082;
	s9 =	sld [smem:$0x3FA8]  }
0x2f: {  	lr =	sadd.s32 s0, s3;
	s0 =	sld [smem:$0x3F9F]  }
0x30: {  	s3 =	sld [smem:$0x3FA2]  }
0x31: {  	[smem:$0x3FAB] =	sst s10  }
0x32: {  	s10 =	sld [smem:$0x3FA9];
	_ =	sdelay $0x3  }
0x33: {  	p0 =	seq.s32 s10, $0x1;
	s10 =	sld [smem:$0x3FAB];
	_ =	sdelay $0x3  }
0x34: {  	[smem:$0x3FAB] =	sst s10  }
0x35: {  	s10 =	sld [smem:$0x3FAA];
	_ =	sdelay $0x3  }
0x36: {  	p1 =	seq.s32 s10, $0x1;
	s10 =	sld [smem:$0x3FAB];
	_ =	sdelay $0x3  }
0x37: {  	[smem:$0x3FAB] =	sst s10  }
0x38: {  	s10 =	sld [smem:$0x3FAC]  }
0x39: {  	_ = 	snop;
	(pc) =	sbr.ind lr, $3  }
0x3a: {  	_ = 	snop  }
0x3b: {  	_ = 	snop  }
0x3c: {  	p2 =	seq.s32 s10, $0x1;
	s10 =	sld [smem:$0x3FAB]  }
0x3d: {  	_ =	shalt  }
0x3e: {  	_ =	shalt  }
0x3f: {  	_ =	shalt  }
0x40: {  	_ =	shalt  }
0x41: {  	_ =	shalt  }
0x42: {  	_ =	shalt  }
0x43: {  	_ =	shalt  }
0x44: {  	_ =	shalt  }
0x45: {  	_ =	shalt  }
0x46: {  	_ =	shalt  }
0x47: {  	_ =	shalt  }
0x48: {  	_ =	shalt  }
0x49: {  	_ =	shalt  }
0x4a: {  	_ =	shalt  }
0x4b: {  	_ =	shalt  }
0x4c: {  	_ =	shalt  }
0x4d: {  	_ =	shalt  }
0x4e: {  	_ =	shalt  }
0x4f: {  	_ =	shalt  }
0x50: {  	_ =	shalt  }
0x51: {  	_ =	shalt  }
0x52: {  	_ =	shalt  }
0x53: {  	_ =	shalt  }
0x54: {  	_ =	shalt  }
0x55: {  	_ =	shalt  }
0x56: {  	_ =	shalt  }
0x57: {  	_ =	shalt  }
0x58: {  	_ =	shalt  }
0x59: {  	_ =	shalt  }
0x5a: {  	_ =	shalt  }
0x5b: {  	_ =	shalt  }
0x5c: {  	_ =	shalt  }
0x5d: {  	_ =	shalt  }
0x5e: {  	_ =	shalt  }
0x5f: {  	_ =	shalt  }
0x60: {  	_ =	shalt  }
0x61: {  	_ =	shalt  }
0x62: {  	_ =	shalt  }
0x63: {  	_ =	shalt  }
0x64: {  	_ =	shalt  }
0x65: {  	_ =	shalt  }
0x66: {  	_ =	shalt  }
0x67: {  	_ =	shalt  }
0x68: {  	_ =	shalt  }
0x69: {  	_ =	shalt  }
0x6a: {  	_ =	shalt  }
0x6b: {  	_ =	shalt  }
0x6c: {  	_ =	shalt  }
0x6d: {  	_ =	shalt  }
0x6e: {  	_ =	shalt  }
0x6f: {  	_ =	shalt  }
0x70: {  	_ =	shalt  }
0x71: {  	_ =	shalt  }
0x72: {  	_ =	shalt  }
0x73: {  	_ =	shalt  }
0x74: {  	_ =	shalt  }
0x75: {  	_ =	shalt  }
0x76: {  	_ =	shalt  }
0x77: {  	_ =	shalt  }
0x78: {  	_ =	shalt  }
0x79: {  	_ =	shalt  }
0x7a: {  	_ =	shalt  }
0x7b: {  	_ =	shalt  }
0x7c: {  	_ =	shalt  }
0x7d: {  	_ =	shalt  }
0x7e: {  	_ =	shalt  }
0x7f: {  	_ =	shalt  }
0x80: {  	_ =	shalt  }
0x81: {  	_ =	shalt  }
0x82: {  	_ =	shalt  }
0x83: {  	_ =	shalt  }
0x84: {  	_ =	shalt  }
0x85: {  	_ =	shalt  }
0x86: {  	_ =	shalt  }
0x87: {  	_ =	shalt  }
.Lfunc_end0:
.L_simem_size_0:
called_computation.2_lowered:
.L_overlay_start_0:
0x88: {  	s2 =	sld [smem:$0x3FD9]  }
0x89: {  	s3 =	sld [smem:$0x3FFE];
	_ =	sdelay $0x1  }
0x8a: {  	s1 =	srdreg.scid  }
0x8b: {  	s0 =	sand.u32 $0x1, s1  }
0x8c: {  	s17 =	sshll.u32 s0, $0xA;
	s2 =	sadd.s32 s3, s2  }
0x8d: {  	s2 =	sadd.s32 s2, s17  }
0x8e: {  	[smem:$0x3FB7] =	sst s2  }
0x8f: {  	_ = 	snop  }
0x90: {  	s2 =	sld [smem:$0x3FD0];
	(tm) =	ssettm $0x1  }
0x91: {  	s18 =	sld [smem:$0x3FFB];
	_ =	sdelay $0x3  }
0x92: {  	_ =	strace s18  }
0x93: {  	s3 =	sld [smem:$0x3FFC];
	_ =	sdelay $0x3  }
0x94: {  	_ =	strace s3  }
0x95: {  	s3 =	sld [smem:$0x3FFD];
	_ =	sdelay $0x3  }
0x96: {  	_ =	strace s3  }
0x97: {  	_ =	strace $0x8FFFFFFF  }
0x98: {  	s19 =	sld [smem:$0x3FDB];
	_ =	sdelay $0x1  }
0x99: {  	s4 =	simm.s32 $_scs_section_size  }
0x9a: {  	s5 =	simm.s32 $_size__tile_overlayer_lowered;
	s6 =	simm.s32 $_tile_overlayer_lowered  }
0x9b: {  	s22 =	simm.s32 $0x1BFF;
	s21 =	sshll.u32 s6, $0x1;
	s3 =	sadd.s32 s4, s19  }
0x9c: {  	s7 =	simm.s32 $0x0;
	s20 =	sshll.u32 s5, $0x1;
	s5 =	sadd.s32 s21, s3  }
0x9d: {  	[timem:s7], [sflag:s22] =	dma.local [hbm:s5], s20  }
0x9e: {  	_ =	swait.ge [sflag:s22], s20  }
0x9f: {  	s4 =	ssub.s32 $0x0, s20;
	[sflag:s22] =	ssyncset.done $0x0  }
0xa0: {  	[sflag:s22] =	ssyncadd.s32 s4;
	_ =	sdelay $0x1  }
0xa1: {  	s23 =	simm.s32 $0x1B8B  }
0xa2: {  	_ =	swait.ge [sflag:s23], $0x1  }
0xa3: {  	[sflag:s23] =	ssyncset.done $0x0  }
0xa4: {  	s25 =	simm.s32 $0x1B8E;
	s24 =	sld [smem:$0x3FFE];
	[sflag:s23] =	ssyncadd.s32 $0xFFFFFFFF  }
0xa5: {  	s26 =	simm.s32 $execute0_lowered;
	[smem:$0x3FD2] =	sst s25  }
0xa6: {  	s5 =	sshll.u32 s26, $0x1;
	_ =	strace $0x8000004C;
	[dreg:$0x1] =	wrdreg $0xFFFFFFFF  }
0xa7: {  	s28 =	simm.s32 $_size_execute0_lowered;
	s3 =	sadd.s32 s3, s5;
	[dreg:$0x0] =	wrdreg $0x0  }
0xa8: {  	s5 =	sshll.u32 s28, $0x1;
	[dreg:$0x2] =	wrdreg s3  }
0xa9: {  	[dreg:$0x3] =	wrdreg s5  }
0xaa: {  	[dreg:$0x4] =	wrdreg $0xC0  }
0xab: {  	_ =	task [dreg:s7], $0x5FFFF  }
0xac: {  	[dreg:$0x1] =	wrdreg $0xFFFFFFFF  }
0xad: {  	[dreg:$0x0] =	wrdreg $0x60  }
0xae: {  	[dreg:$0x2] =	wrdreg s2  }
0xaf: {  	[dreg:$0x3] =	wrdreg s24  }
0xb0: {  	[dreg:$0x4] =	wrdreg $0xC7000  }
0xb1: {  	[dreg:$0x5] =	wrdreg $0x9  }
0xb2: {  	_ =	task.clear_ibuf [dreg:s7], $0x6FFFF;
	_ =	strace $0x9000004C  }
0xb3: {  	s29 =	simm.s32 $0x9;
	_ =	strace $0x8000004E  }
0xb4: {  	_ =	swait.ge [sflag:s29], $0x1  }
0xb5: {  	[sflag:s29] =	ssyncadd.s32 $0xFFFFFFFF  }
0xb6: {  	_ =	strace $0x9000004E  }
0xb7: {  	_ =	sfence  }
0xb8: {  	s30 =	sld [smem:$0x0];
	_ =	sdelay $0x2  }
0xb9: {  	s31 =	sshll.u32 s1, $0xD;
	s1 =	sshrl.u32 s1, $0x2  }
0xba: {  	s3 =	sand.u32 $0x4000, s31;
	s1 =	sadd.s32 s1, s30  }
0xbb: {  	s0 =	sor.u32 s3, s0;
	s1 =	sshll.u32 s1, $0x11  }
0xbc: {  	s0 =	sor.u32 s1, s0  }
0xbd: {  	s0 =	sadd.s32 $0x8F2B, s0  }
0xbe: {  	[sflag:s0] =	ssyncadd.remote.s32 $0x1  }
0xbf: {  	_ =	sfence.sel $0xFFFF  }
0xc0: {  	[dreg:$0x0] =	wrdreg $0xFFFFFFFF;
	(pc) =	sbr.abs _section_cstart, $3  }
0xc1: {  	[dreg:$0x1] =	wrdreg $0xFFFFFFFF  }
0xc2: {  	_ =	task.clear_ibuf [dreg:s7], $0x2FFFF;
	_ =	strace $0x9FFFFFFF  }
0xc3: {  	(tm) =	ssettm $0x7FFFFFFF  }
tec
execute0_lowered:
.L_overlay_start_1:
0x0: {  	(tag) =	ssettag $0x1  }
0x1: {  	s1 =	rddreg [dreg:$0x0]  }
0x2: {  	s0 =	srdreg.scid;
	s4 =	rddreg [dreg:$0x1]  }
0x3: {  	s8 =	stileid.u32;
	s3 =	rddreg [dreg:$0x2];
	s6 =	simm.s32 $0x0  }
0x4: {  	s19 =	simm.s32 $0x80;
	s20 =	simm.s32 $0x400;
	s28 =	simm.s32 $0x9F00  }
0x5: {  	s29 =	simm.s32 $0x1;
	s31 =	simm.s32 $0x2;
	s30 =	simm.s32 $0x5  }
0x6: {  	s0 =	sand.u32 $0x1, s0;
	s5 =	sshll.u32 s8, $0x7;
	s22 =	smul.u32 $0x4E000, s8  }
0x7: {  	[smem:$0x7FF] =	sst s6;
	s25 =	smul.u32 $0x13800, s8;
	s15 =	sadd.s32 $0x136000, s3  }
0x8: {  	p0 =	sne.s32 s8, $0xF;
	s2 =	sshll.u32 s0, $0x4;
	s5 =	sand.u32 $0x380, s5  }
0x9: {  	s21 =	ssub.s32 $0x2, s0;
	_ =	strace $0x8000004D;
	s0 =	smul.u32 $0x138800, s0  }
0xa: {  	s2 =	sor.u32 s8, s2;
	s7 =	sshrl.u32 s21, $0x1;
	s6 =	sshrl.u32 s22, $0x2  }
0xb: {  	s22 =	simm.s32 $0x2780;
	s2 =	sshrl.u32 s2, $0x3;
	s6 =	sadd.s32 s6, s3  }
0xc: {  	s2 =	smul.u32 $0x13C00, s2;
	s24 =	sadd.s32 $0x2800, s6;
	s26 =	sadd.s32 $0x5000, s6  }
0xd: {  	s10 =	sadd.s32 $0x7800, s6;
	s11 =	sadd.s32 $0xA000, s6;
	s12 =	sadd.s32 $0xC800, s6  }
0xe: {  	s13 =	sadd.s32 $0xF000, s6;
	s14 =	sadd.s32 $0x11800, s6;
	[dreg:$0x6] =	wrdreg s24  }
0xf: {  	[dreg:$0x7] =	wrdreg s26;
	s24 =	simm.s32 $0x4F00;
	s2 =	sor.u32 s5, s2  }
0x10: {  	s26 =	simm.s32 $0x7700;
	s5 =	ssub.s32 s21, s7;
	s2 =	sshrl.u32 s2, $0x3  }
0x11: {  	s21 =	simm.s32 $0x7;
	s18 =	smax.u32 s5, $0x1;
	s2 =	sadd.s32 s2, s4  }
0x12: {  	s5 =	simm.s32 $0x0;
	s23 =	sadd.s32 $0x3200, s2;
	s2 =	sadd.s32 $0xD000, s2  }
0x13: {  	s4 =	sadd.s32 $0x16E00, s4;
	[dreg:$0x5] =	wrdreg s2;
	s2 =	sadd.s32 s25, s0  }
0x14: {  	[dreg:$0x4] =	wrdreg s23;
	s0 =	sshrl.u32 s0, $0x3;
	s2 =	sshrl.u32 s2, $0x3  }
0x15: {  	s23 =	simm.s32 $0x50;
	s0 =	sadd.s32 s4, s0;
	s16 =	sadd.s32 s4, s2  }
0x16: {  	s17 =	sadd.s32 $0x27000, s0;
	s0 =	sadd.s32 $0x138000, s3;
	s2 =	simm.s32 $0x4  }
0x17: {  	v0 =	vimm.f32 $0.0e+00;
	s4 =	simm.s32 $0x6;
	s25 =	sshrl.u32 @!p0 s0, $0x3;
	s0 =	simm.s32 $0x3  }
.LBB2_1:
0x18: {  	s7 =	simm.s32 $0x0;
	s8 =	rddreg [dreg:$0x4]  }
0x19: {  	[tilespmem:s7], [sflag:$0x7] =	stream.strided.gather [hbm4b:s8+s19], $0x2780, s20, s19, $0x38;
	[tilespmem:$0x1FF80] =	vst v63  }
0x1a: {  	_ =	swait.ge [sflag:s21], $0x2780  }
0x1b: {  	[sflag:s21] =	ssyncset.done $0x0  }
0x1c: {  	s9 =	rddreg [dreg:$0x5];
	[sflag:s21] =	ssyncadd.s32 $0xFFFFD880  }
0x1d: {  	[tilespmem:s22], [sflag:$0x7] =	stream.strided.gather [hbm4b:s9+s19], $0x2780, s20, s19, $0x38;
	[tilespmem:$0x1FF80] =	vst v63  }
0x1e: {  	_ =	swait.ge [sflag:s21], $0x2780  }
0x1f: {  	[sflag:s21] =	ssyncset.done $0x0  }
0x20: {  	[sflag:s21] =	ssyncadd.s32 $0xFFFFD880  }
0x21: {  	[tilespmem:s24], [sflag:$0x1] =	stream.indirect.gather [hbm4b:s1+s23], $0x80, s7, s23, $0xb8;
	[tilespmem:$0x1FF80] =	vst v63  }
0x22: {  	s8 =	simm.s32 $0x200;
	s7 =	simm.s32 $0x0  }
0x23: {  	[tilespmem:s26], [sflag:$0x2] =	stream.indirect.gather [hbm4b:s1+s23], $0x80, s23, s23, $0xb8;
	[tilespmem:$0x1FF80] =	vst v63  }
.LBB2_2:
0x24: {  	p1 =	sne.s32 s8, $0x9E00;
	[tilespmem:s7+$0x9F70] =	vst v0  }
0x25: {  	[tilespmem:s7+$0x9F00] =	vst v0  }
0x26: {  	[tilespmem:s7+$0x9F10] =	vst v0  }
.Ltmp0:
0x27: {  	[tilespmem:s7+$0x9F20] =	vst v0;
	(pc) =	sbr.rel @p1 .LBB2_2-.Ltmp0, $4  }
0x28: {  	[tilespmem:s7+$0x9F30] =	vst v0  }
0x29: {  	[tilespmem:s7+$0x9F40] =	vst v0  }
0x2a: {  	[tilespmem:s7+$0x9F50] =	vst v0  }
0x2b: {  	[tilespmem:s7+$0x9F60] =	vst v0;
	s7 =	sshra.s32 s8, $0x2;
	s8 =	sadd.s32 $0x200, s8  }
0x2c: {  	[tilespmem:s7+$0x9F70] =	vst v0  }
0x2d: {  	[tilespmem:s7+$0x9F00] =	vst v0  }
0x2e: {  	[tilespmem:s7+$0x9F10] =	vst v0  }
0x2f: {  	[tilespmem:s7+$0x9F20] =	vst v0  }
0x30: {  	[tilespmem:s7+$0x9F30] =	vst v0  }
0x31: {  	[tilespmem:s7+$0x9F40] =	vst v0  }
0x32: {  	[tilespmem:s7+$0x9F50] =	vst v0  }
0x33: {  	[tilespmem:s7+$0x9F60] =	vst v0  }
0x34: {  	[spmem:s6] =	stream.linear.scatter [tilespmem:s28], [sflag:$0x7], $0x2800, $0x38;
	[tilespmem:$0x1FF80] =	vst v63  }
0x35: {  	_ =	swait.ge [sflag:s21], $0x2800  }
0x36: {  	[sflag:s21] =	ssyncset.done $0x0  }
0x37: {  	s8 =	rddreg [dreg:$0x6];
	[sflag:s21] =	ssyncadd.s32 $0xFFFFD800  }
0x38: {  	[spmem:s8] =	stream.linear.scatter [tilespmem:s28], [sflag:$0x7], $0x2800, $0x38;
	[tilespmem:$0x1FF80] =	vst v63  }
0x39: {  	_ =	swait.ge [sflag:s21], $0x2800  }
0x3a: {  	[sflag:s21] =	ssyncset.done $0x0  }
0x3b: {  	s9 =	rddreg [dreg:$0x7];
	[sflag:s21] =	ssyncadd.s32 $0xFFFFD800  }
0x3c: {  	[spmem:s9] =	stream.linear.scatter [tilespmem:s28], [sflag:$0x7], $0x2800, $0x38;
	[tilespmem:$0x1FF80] =	vst v63  }
0x3d: {  	_ =	swait.ge [sflag:s21], $0x2800  }
0x3e: {  	[sflag:s21] =	ssyncset.done $0x0  }
0x3f: {  	[sflag:s21] =	ssyncadd.s32 $0xFFFFD800  }
0x40: {  	[spmem:s10] =	stream.linear.scatter [tilespmem:s28], [sflag:$0x7], $0x2800, $0x38;
	[tilespmem:$0x1FF80] =	vst v63  }
0x41: {  	_ =	swait.ge [sflag:s21], $0x2800  }
0x42: {  	[sflag:s21] =	ssyncset.done $0x0  }
0x43: {  	[sflag:s21] =	ssyncadd.s32 $0xFFFFD800  }
0x44: {  	[spmem:s11] =	stream.linear.scatter [tilespmem:s28], [sflag:$0x7], $0x2800, $0x38;
	[tilespmem:$0x1FF80] =	vst v63  }
0x45: {  	_ =	swait.ge [sflag:s21], $0x2800  }
0x46: {  	[sflag:s21] =	ssyncset.done $0x0  }
0x47: {  	[sflag:s21] =	ssyncadd.s32 $0xFFFFD800  }
0x48: {  	[spmem:s12] =	stream.linear.scatter [tilespmem:s28], [sflag:$0x7], $0x2800, $0x38;
	[tilespmem:$0x1FF80] =	vst v63  }
0x49: {  	_ =	swait.ge [sflag:s21], $0x2800  }
0x4a: {  	[sflag:s21] =	ssyncset.done $0x0  }
0x4b: {  	[sflag:s21] =	ssyncadd.s32 $0xFFFFD800  }
0x4c: {  	[spmem:s13] =	stream.linear.scatter [tilespmem:s28], [sflag:$0x7], $0x2800, $0x38;
	[tilespmem:$0x1FF80] =	vst v63  }
0x4d: {  	_ =	swait.ge [sflag:s21], $0x2800  }
0x4e: {  	[sflag:s21] =	ssyncset.done $0x0  }
0x4f: {  	s7 =	simm.s32 @p0 $0x9F00;
	[sflag:s21] =	ssyncadd.s32 $0xFFFFD800  }
0x50: {  	[spmem:s14] =	stream.linear.scatter @p0 [tilespmem:s7], [sflag:$0x7], $0x2000, $0x38;
	[tilespmem:$0x1FF80] =	vst v63  }
0x51: {  	s7 =	simm.s32 @p0 $0x7  }
0x52: {  	_ =	swait.ge @p0 [sflag:s7], $0x2000  }
0x53: {  	[sflag:s7] =	ssyncset.done @p0 $0x0  }
0x54: {  	[sflag:s7] =	ssyncadd.s32 @p0 $0xFFFFE000;
	s7 =	simm.s32 @!p0 $0x9F00  }
0x55: {  	[spmem:s15] =	stream.linear.scatter @!p0 [tilespmem:s7], [sflag:$0x7], $0x2800, $0x38;
	[tilespmem:$0x1FF80] =	vst v63  }
0x56: {  	s7 =	simm.s32 @!p0 $0x7  }
0x57: {  	_ =	swait.ge @!p0 [sflag:s7], $0x2800  }
0x58: {  	[sflag:s7] =	ssyncset.done @!p0 $0x0  }
0x59: {  	[sflag:s7] =	ssyncadd.s32 @!p0 $0xFFFFD800  }
0x5a: {  	[bflag:$0x0] =	sbarrier.arrive $0xFFFF  }
0x5b: {  	_ =	swait.ge [sflag:s29], $0x2800  }
0x5c: {  	[sflag:s29] =	ssyncset.done $0x0  }
0x5d: {  	s8 =	simm.s32 $0xA0;
	[sflag:s29] =	ssyncadd.s32 $0xFFFFD800  }
0x5e: {  	[tilespmem:s28], [sflag:$0x3] =	stream.indirect.gather [hbm4b:s1+s23], $0x80, s8, s23, $0xb8;
	[tilespmem:$0x1FF80] =	vst v63  }
0x5f: {  	_ = 	snop  }
0x60: {  	[spmem:s3] =	stream.indirect.scatter.add.f32 [tilespmem:s24], [sflag:$0x4], $0x80, s22, s23, $0xb8;
	[tilespmem:$0x1FF80] =	vst v63  }
0x61: {  	_ =	swait.ge [sflag:s31], $0x2800  }
0x62: {  	[sflag:s31] =	ssyncset.done $0x0  }
0x63: {  	[sflag:s31] =	ssyncadd.s32 $0xFFFFD800  }
0x64: {  	_ =	swait.ge [sflag:s2], $0x2800  }
0x65: {  	[sflag:s2] =	ssyncset.done $0x0  }
0x66: {  	s9 =	simm.s32 $0xF0;
	[sflag:s2] =	ssyncadd.s32 $0xFFFFD800  }
0x67: {  	[tilespmem:s24], [sflag:$0x1] =	stream.indirect.gather [hbm4b:s1+s23], $0x80, s9, s23, $0xb8;
	[tilespmem:$0x1FF80] =	vst v63  }
0x68: {  	s8 =	simm.s32 $0x27D0  }
0x69: {  	[spmem:s3] =	stream.indirect.scatter.add.f32 [tilespmem:s26], [sflag:$0x5], $0x80, s8, s23, $0xb8;
	[tilespmem:$0x1FF80] =	vst v63  }
0x6a: {  	_ =	swait.ge [sflag:s0], $0x2800  }
0x6b: {  	[sflag:s0] =	ssyncset.done $0x0  }
0x6c: {  	[sflag:s0] =	ssyncadd.s32 $0xFFFFD800  }
0x6d: {  	_ =	swait.ge [sflag:s30], $0x2800  }
0x6e: {  	[sflag:s30] =	ssyncset.done $0x0  }
0x6f: {  	s9 =	simm.s32 $0x140;
	[sflag:s30] =	ssyncadd.s32 $0xFFFFD800  }
0x70: {  	[tilespmem:s26], [sflag:$0x2] =	stream.indirect.gather [hbm4b:s1+s23], $0x80, s9, s23, $0xb8;
	[tilespmem:$0x1FF80] =	vst v63  }
0x71: {  	s8 =	simm.s32 $0x2820  }
0x72: {  	[spmem:s3] =	stream.indirect.scatter.add.f32 [tilespmem:s28], [sflag:$0x6], $0x80, s8, s23, $0xb8;
	[tilespmem:$0x1FF80] =	vst v63  }
0x73: {  	_ =	swait.ge [sflag:s29], $0x2800  }
0x74: {  	[sflag:s29] =	ssyncset.done $0x0  }
0x75: {  	[sflag:s29] =	ssyncadd.s32 $0xFFFFD800  }
0x76: {  	_ =	swait.ge [sflag:s4], $0x2800  }
0x77: {  	s7 =	simm.s32 $0x3C0;
	[sflag:s4] =	ssyncset.done $0x0  }
0x78: {  	s9 =	simm.s32 $0x190;
	s8 =	simm.s32 $0x2870;
	[sflag:s4] =	ssyncadd.s32 $0xFFFFD800  }
0x79: {  	[tilespmem:s28], [sflag:$0x3] =	stream.indirect.gather [hbm4b:s1+s23], $0x80, s9, s23, $0xb8;
	[tilespmem:$0x1FF80] =	vst v63  }
.LBB2_4:
0x7a: {  	[spmem:s3] =	stream.indirect.scatter.add.f32 [tilespmem:s24], [sflag:$0x4], $0x80, s8, s23, $0xb8;
	[tilespmem:$0x1FF80] =	vst v63  }
0x7b: {  	s8 =	smov.u32 s7  }
0x7c: {  	p1 =	sne.s32 s7, $0x9240;
	s7 =	sadd.s32 $0x3C0, s7;
	_ =	swait.ge [sflag:s31], $0x2800  }
0x7d: {  	[sflag:s31] =	ssyncset.done $0x0  }
0x7e: {  	[sflag:s31] =	ssyncadd.s32 $0xFFFFD800  }
0x7f: {  	_ =	swait.ge [sflag:s2], $0x2800  }
0x80: {  	s8 =	sshra.s32 s8, $0x2;
	[sflag:s2] =	ssyncset.done $0x0  }
0x81: {  	s9 =	sadd.s32 $0xF0, s8;
	[sflag:s2] =	ssyncadd.s32 $0xFFFFD800  }
0x82: {  	[tilespmem:s24], [sflag:$0x1] =	stream.indirect.gather [hbm4b:s1+s23], $0x80, s9, s23, $0xb8;
	[tilespmem:$0x1FF80] =	vst v63  }
0x83: {  	s9 =	sadd.s32 $0x27D0, s8  }
0x84: {  	[spmem:s3] =	stream.indirect.scatter.add.f32 [tilespmem:s26], [sflag:$0x5], $0x80, s9, s23, $0xb8;
	[tilespmem:$0x1FF80] =	vst v63  }
0x85: {  	_ =	swait.ge [sflag:s0], $0x2800  }
0x86: {  	[sflag:s0] =	ssyncset.done $0x0  }
0x87: {  	[sflag:s0] =	ssyncadd.s32 $0xFFFFD800  }
0x88: {  	_ =	swait.ge [sflag:s30], $0x2800  }
0x89: {  	[sflag:s30] =	ssyncset.done $0x0  }
0x8a: {  	s9 =	sadd.s32 $0x140, s8;
	[sflag:s30] =	ssyncadd.s32 $0xFFFFD800  }
0x8b: {  	[tilespmem:s26], [sflag:$0x2] =	stream.indirect.gather [hbm4b:s1+s23], $0x80, s9, s23, $0xb8;
	[tilespmem:$0x1FF80] =	vst v63  }
0x8c: {  	s9 =	sadd.s32 $0x2820, s8  }
0x8d: {  	[spmem:s3] =	stream.indirect.scatter.add.f32 [tilespmem:s28], [sflag:$0x6], $0x80, s9, s23, $0xb8;
	[tilespmem:$0x1FF80] =	vst v63  }
0x8e: {  	_ =	swait.ge [sflag:s29], $0x2800  }
0x8f: {  	[sflag:s29] =	ssyncset.done $0x0  }
0x90: {  	[sflag:s29] =	ssyncadd.s32 $0xFFFFD800  }
.Ltmp1:
0x91: {  	_ =	swait.ge [sflag:s4], $0x2800;
	(pc) =	sbr.rel @p1 .LBB2_4-.Ltmp1, $4  }
0x92: {  	[sflag:s4] =	ssyncset.done $0x0  }
0x93: {  	s9 =	sadd.s32 $0x190, s8;
	[sflag:s4] =	ssyncadd.s32 $0xFFFFD800  }
0x94: {  	[tilespmem:s28], [sflag:$0x3] =	stream.indirect.gather [hbm4b:s1+s23], $0x80, s9, s23, $0xb8;
	[tilespmem:$0x1FF80] =	vst v63  }
0x95: {  	s8 =	sadd.s32 $0x2870, s8  }
0x96: {  	[spmem:s3] =	stream.indirect.scatter.add.f32 [tilespmem:s24], [sflag:$0x4], $0x80, s8, s23, $0xb8;
	[tilespmem:$0x1FF80] =	vst v63  }
0x97: {  	_ =	swait.ge [sflag:s31], $0x2800  }
0x98: {  	[sflag:s31] =	ssyncset.done $0x0  }
0x99: {  	[sflag:s31] =	ssyncadd.s32 $0xFFFFD800  }
0x9a: {  	_ =	swait.ge [sflag:s2], $0x2800  }
0x9b: {  	[sflag:s2] =	ssyncset.done $0x0  }
0x9c: {  	s7 =	simm.s32 $0x2670;
	[sflag:s2] =	ssyncadd.s32 $0xFFFFD800  }
0x9d: {  	[tilespmem:s24], [sflag:$0x1] =	stream.indirect.gather [hbm4b:s1+s23], $0x80, s7, s23, $0xb8;
	[tilespmem:$0x1FF80] =	vst v63  }
0x9e: {  	s9 =	simm.s32 $0x4D50  }
0x9f: {  	[spmem:s3] =	stream.indirect.scatter.add.f32 [tilespmem:s26], [sflag:$0x5], $0x80, s9, s23, $0xb8;
	[tilespmem:$0x1FF80] =	vst v63  }
0xa0: {  	_ =	swait.ge [sflag:s0], $0x2800  }
0xa1: {  	[sflag:s0] =	ssyncset.done $0x0  }
0xa2: {  	[sflag:s0] =	ssyncadd.s32 $0xFFFFD800  }
0xa3: {  	_ =	swait.ge [sflag:s30], $0x2800  }
0xa4: {  	[sflag:s30] =	ssyncset.done $0x0  }
0xa5: {  	s8 =	simm.s32 $0x26C0;
	[sflag:s30] =	ssyncadd.s32 $0xFFFFD800  }
0xa6: {  	[tilespmem:s26], [sflag:$0x2] =	stream.indirect.gather [hbm4b:s1+s23], $0x80, s8, s23, $0xb8;
	[tilespmem:$0x1FF80] =	vst v63  }
0xa7: {  	s9 =	simm.s32 $0x4DA0  }
0xa8: {  	[spmem:s3] =	stream.indirect.scatter.add.f32 [tilespmem:s28], [sflag:$0x6], $0x80, s9, s23, $0xb8;
	[tilespmem:$0x1FF80] =	vst v63  }
0xa9: {  	_ =	swait.ge [sflag:s29], $0x2800  }
0xaa: {  	[sflag:s29] =	ssyncset.done $0x0  }
0xab: {  	[sflag:s29] =	ssyncadd.s32 $0xFFFFD800  }
0xac: {  	_ =	swait.ge [sflag:s4], $0x2800  }
0xad: {  	[sflag:s4] =	ssyncset.done $0x0  }
0xae: {  	s8 =	simm.s32 $0x4DF0;
	[sflag:s4] =	ssyncadd.s32 $0xFFFFD800  }
0xaf: {  	[spmem:s3] =	stream.indirect.scatter.add.f32 [tilespmem:s24], [sflag:$0x4], $0x80, s8, s23, $0xb8;
	[tilespmem:$0x1FF80] =	vst v63  }
0xb0: {  	_ =	swait.ge [sflag:s31], $0x2800  }
0xb1: {  	[sflag:s31] =	ssyncset.done $0x0  }
0xb2: {  	[sflag:s31] =	ssyncadd.s32 $0xFFFFD800  }
0xb3: {  	_ =	swait.ge [sflag:s2], $0x2800  }
0xb4: {  	[sflag:s2] =	ssyncset.done $0x0  }
0xb5: {  	s9 =	simm.s32 $0x4E40;
	[sflag:s2] =	ssyncadd.s32 $0xFFFFD800  }
0xb6: {  	[spmem:s3] =	stream.indirect.scatter.add.f32 [tilespmem:s26], [sflag:$0x5], $0x80, s9, s23, $0xb8;
	[tilespmem:$0x1FF80] =	vst v63  }
0xb7: {  	_ =	swait.ge [sflag:s30], $0x2800  }
0xb8: {  	s8 =	stileid.u32;
	[sflag:s30] =	ssyncset.done $0x0  }
0xb9: {  	s7 =	sshll.u32 s8, $0x6;
	[sflag:s30] =	ssyncadd.s32 $0xFFFFD800  }
0xba: {  	s7 =	sor.u32 $0x1C07, s7;
	s9 =	sshrl.u32 s6, $0x3;
	[bflag:$0x0] =	sbarrier.arrive $0xFFFF  }
0xbb: {  	[hbm:s16], [sflag:s7] =	dma.local [spmem:s9], $0x2700  }
0xbc: {  	_ =	swait.ge [sflag:s21], $0x2700  }
0xbd: {  	s5 =	sadd.s32 $0x1, s5;
	[sflag:s21] =	ssyncset.done $0x0  }
0xbe: {  	p1 =	sne.s32 s5, s18;
	[sflag:s21] =	ssyncadd.s32 $0xFFFFD900  }
0xbf: {  	[hbm:s17], [sflag:s7] =	dma.local @!p0 [spmem:s25], $0x100  }
.Ltmp2:
0xc0: {  	_ = 	snop;
	(pc) =	sbr.rel @p1 .LBB2_1-.Ltmp2, $4  }
0xc1: {  	s7 =	simm.s32 @!p0 $0x7  }
0xc2: {  	_ =	swait.ge @!p0 [sflag:s7], $0x100  }
0xc3: {  	[sflag:s7] =	ssyncset.done @!p0 $0x0  }
0xc4: {  	[sflag:s7] =	ssyncadd.s32 @!p0 $0xFFFFFF00  }
0xc5: {  	_ =	sfence.sel $0x180000  }
0xc6: {  	[bflag:$0x0] =	sbarrier.arrive $0xFFFF  }
0xc7: {  	_ =	strace $0x9000004D  }
0xc8: {  	s0 =	stileid.u32;
	[bflag:$0x2] =	sbarrier.arrive $0xFFFF  }
0xc9: {  	p0 =	sne.s32 s0, $0x0;
	s0 =	rddreg [dreg:$0x3]  }
0xca: {  	s0 =	sadd.s32 @!p0 $0x100000, s0  }
0xcb: {  	[sflag:s0] =	ssyncadd.tile.s32 @!p0 $0x1;
	_ =	shalt  }
.Lfunc_end2:
_tile_overlayer_lowered:
.L_overlay_start_2:
0xcc: {  	(tag) =	ssettag $0x2  }
0xcd: {  	s0 =	rddreg [dreg:$0x0];
	s2 =	stileid.u32  }
0xce: {  	s1 =	rddreg [dreg:$0x1];
	p0 =	sne.s32 s2, $0x0  }
0xcf: {  	s3 =	rddreg [dreg:$0x2];
	[bflag:$0x3] =	sbarrier.arrive $0xFFFF;
	s2 =	simm.s32 @!p0 $0x1C07  }
0xd0: {  	[timem:s3], [sflag:s2] =	dma.local @!p0 [hbm:s0], s1  }
0xd1: {  	s0 =	simm.s32 @!p0 $0x7  }
0xd2: {  	_ =	swait.ge @!p0 [sflag:s0], s1  }
0xd3: {  	s1 =	ssub.s32 @!p0 $0x0, s1;
	[sflag:s0] =	ssyncset.done @!p0 $0x0  }
0xd4: {  	[sflag:s0] =	ssyncadd.s32 @!p0 s1  }
0xd5: {  	[bflag:$0x3] =	sbarrier.arrive $0xFFFF  }
0xd6: {  	_ =	shalt  }

// kernel: kernel.8.cloned.1.call-start
scs
__scs_entry_jumppad:
0x0: {  	(pc) =	sbr.rel $0x88, $3  }
0x1: {  	(tag) =	ssettag $0x0;
	lr =	simm.s32 $0x1  }
0x2: {  	[smem:$0x3F90] =	sst lr;
	_ =	strace $0xD0000000  }
0x3: {  	_ = 	snop  }
0x4: {  	_ = 	snop  }
0x5: {  	_ = 	snop  }
0x6: {  	_ = 	snop  }
0x7: {  	_ = 	snop  }
__scs_overlays_trampoline_lowered:
0x8: {  	[smem:$0x3F9F] =	sst s0  }
0x9: {  	[smem:$0x3FA0] =	sst s1  }
0xa: {  	[smem:$0x3FA1] =	sst s2  }
0xb: {  	[smem:$0x3FA2] =	sst s3  }
0xc: {  	[smem:$0x3FA3] =	sst s4  }
0xd: {  	[smem:$0x3FA4] =	sst s5  }
0xe: {  	[smem:$0x3FA5] =	sst s6  }
0xf: {  	[smem:$0x3FA6] =	sst s7  }
0x10: {  	[smem:$0x3FA7] =	sst s8  }
0x11: {  	[smem:$0x3FA8] =	sst s9;
	s0 =	simm.s32 @!p0 $0x0  }
0x12: {  	s1 =	sld [smem:$0x3F8E];
	s0 =	simm.s32 @p0 $0x1  }
0x13: {  	[smem:$0x3FA9] =	sst s0;
	s0 =	simm.s32 @!p1 $0x0  }
0x14: {  	s2 =	sld [smem:$0x3F8D];
	s0 =	simm.s32 @p1 $0x1  }
0x15: {  	[smem:$0x3FAA] =	sst s0;
	s0 =	simm.s32 @!p2 $0x0  }
0x16: {  	s3 =	sld [smem:$0x3FDB];
	s0 =	simm.s32 @p2 $0x1  }
0x17: {  	s4 =	simm.s32 $0x1BF5;
	[smem:$0x3FAC] =	sst s0  }
0x18: {  	s0 =	sld [smem:$0x3F8F];
	_ =	swait.ge [sflag:s4], $0x0  }
0x19: {  	s7 =	sld [smem:$0x3F90]  }
0x1a: {  	s8 =	sadd.s32 $0xFFFFE003, lr  }
0x1b: {  	s9 =	sadd.s32 $0xFFFFFEF7, lr;
	s5 =	simm.s32 $0xFFFFFFFF;
	p2 =	slt.u32 s8, $0xFFFFF086  }
0x1c: {  	p1 =	slt.u32 s9, $0xF7A;
	s5 =	simm.s32 @!p2 $0x0  }
0x1d: {  	s5 =	simm.s32 @p1 $0x1;
	p0 =	seq.s32 s7, s2  }
0x1e: {  	s7 =	smul.u32 @!p0 $0xF7A, s2;
	p2 =	seq.s32 @!p0 s5, $0x0  }
0x1f: {  	s9 =	smul.u32 $0xF7A, s1;
	s8 =	simm.s32 @!p0 $0x1BF5;
	p2 =	por !p2, p0  }
0x20: {  	[sflag:s8] =	ssyncset.s32 @!p0 $0xFFFFF086;
	s6 =	sadd.s32 @!p0 s3, s7;
	s7 =	simm.s32 @!p0 $0x108  }
0x21: {  	s3 =	sadd.s32 s3, s9;
	s6 =	sadd.s32 @!p0 $0x88, s6;
	s7 =	simm.s32 @p2 $0x1082  }
0x22: {  	[simem:s7], [sflag:s8] =	dma.local @!p0 [hbm:s6], $0xF7A  }
0x23: {  	s9 =	sor.u32 $0xD0000000, s2;
	s6 =	simm.s32 $0x108;
	_ =	swait.ge @!p0 [sflag:s8], $0x0  }
0x24: {  	s3 =	sadd.s32 $0x88, s3;
	s6 =	simm.s32 @!p1 $0x1082;
	[sflag:s4] =	ssyncset.s32 $0xFFFFF086  }
0x25: {  	[simem:s6], [sflag:s4] =	dma.local [hbm:s3], $0xF7A  }
0x26: {  	[smem:$0x3F90] =	sst s1;
	(tag) =	ssettag s2;
	_ =	strace s9  }
0x27: {  	s1 =	sld [smem:$0x3FA0]  }
0x28: {  	s2 =	sld [smem:$0x3FA1]  }
0x29: {  	s4 =	sld [smem:$0x3FA3]  }
0x2a: {  	p0 =	seq.s32 s5, $0x0;
	s5 =	sld [smem:$0x3FA4]  }
0x2b: {  	s6 =	sld [smem:$0x3FA5]  }
0x2c: {  	s7 =	sld [smem:$0x3FA6]  }
0x2d: {  	s3 =	simm.s32 $0x108;
	s8 =	sld [smem:$0x3FA7]  }
0x2e: {  	s3 =	simm.s32 @!p0 $0x1082;
	s9 =	sld [smem:$0x3FA8]  }
0x2f: {  	lr =	sadd.s32 s0, s3;
	s0 =	sld [smem:$0x3F9F]  }
0x30: {  	s3 =	sld [smem:$0x3FA2]  }
0x31: {  	[smem:$0x3FAB] =	sst s10  }
0x32: {  	s10 =	sld [smem:$0x3FA9];
	_ =	sdelay $0x3  }
0x33: {  	p0 =	seq.s32 s10, $0x1;
	s10 =	sld [smem:$0x3FAB];
	_ =	sdelay $0x3  }
0x34: {  	[smem:$0x3FAB] =	sst s10  }
0x35: {  	s10 =	sld [smem:$0x3FAA];
	_ =	sdelay $0x3  }
0x36: {  	p1 =	seq.s32 s10, $0x1;
	s10 =	sld [smem:$0x3FAB];
	_ =	sdelay $0x3  }
0x37: {  	[smem:$0x3FAB] =	sst s10  }
0x38: {  	s10 =	sld [smem:$0x3FAC]  }
0x39: {  	_ = 	snop;
	(pc) =	sbr.ind lr, $3  }
0x3a: {  	_ = 	snop  }
0x3b: {  	_ = 	snop  }
0x3c: {  	p2 =	seq.s32 s10, $0x1;
	s10 =	sld [smem:$0x3FAB]  }
0x3d: {  	_ =	shalt  }
0x3e: {  	_ =	shalt  }
0x3f: {  	_ =	shalt  }
0x40: {  	_ =	shalt  }
0x41: {  	_ =	shalt  }
0x42: {  	_ =	shalt  }
0x43: {  	_ =	shalt  }
0x44: {  	_ =	shalt  }
0x45: {  	_ =	shalt  }
0x46: {  	_ =	shalt  }
0x47: {  	_ =	shalt  }
0x48: {  	_ =	shalt  }
0x49: {  	_ =	shalt  }
0x4a: {  	_ =	shalt  }
0x4b: {  	_ =	shalt  }
0x4c: {  	_ =	shalt  }
0x4d: {  	_ =	shalt  }
0x4e: {  	_ =	shalt  }
0x4f: {  	_ =	shalt  }
0x50: {  	_ =	shalt  }
0x51: {  	_ =	shalt  }
0x52: {  	_ =	shalt  }
0x53: {  	_ =	shalt  }
0x54: {  	_ =	shalt  }
0x55: {  	_ =	shalt  }
0x56: {  	_ =	shalt  }
0x57: {  	_ =	shalt  }
0x58: {  	_ =	shalt  }
0x59: {  	_ =	shalt  }
0x5a: {  	_ =	shalt  }
0x5b: {  	_ =	shalt  }
0x5c: {  	_ =	shalt  }
0x5d: {  	_ =	shalt  }
0x5e: {  	_ =	shalt  }
0x5f: {  	_ =	shalt  }
0x60: {  	_ =	shalt  }
0x61: {  	_ =	shalt  }
0x62: {  	_ =	shalt  }
0x63: {  	_ =	shalt  }
0x64: {  	_ =	shalt  }
0x65: {  	_ =	shalt  }
0x66: {  	_ =	shalt  }
0x67: {  	_ =	shalt  }
0x68: {  	_ =	shalt  }
0x69: {  	_ =	shalt  }
0x6a: {  	_ =	shalt  }
0x6b: {  	_ =	shalt  }
0x6c: {  	_ =	shalt  }
0x6d: {  	_ =	shalt  }
0x6e: {  	_ =	shalt  }
0x6f: {  	_ =	shalt  }
0x70: {  	_ =	shalt  }
0x71: {  	_ =	shalt  }
0x72: {  	_ =	shalt  }
0x73: {  	_ =	shalt  }
0x74: {  	_ =	shalt  }
0x75: {  	_ =	shalt  }
0x76: {  	_ =	shalt  }
0x77: {  	_ =	shalt  }
0x78: {  	_ =	shalt  }
0x79: {  	_ =	shalt  }
0x7a: {  	_ =	shalt  }
0x7b: {  	_ =	shalt  }
0x7c: {  	_ =	shalt  }
0x7d: {  	_ =	shalt  }
0x7e: {  	_ =	shalt  }
0x7f: {  	_ =	shalt  }
0x80: {  	_ =	shalt  }
0x81: {  	_ =	shalt  }
0x82: {  	_ =	shalt  }
0x83: {  	_ =	shalt  }
0x84: {  	_ =	shalt  }
0x85: {  	_ =	shalt  }
0x86: {  	_ =	shalt  }
0x87: {  	_ =	shalt  }
.Lfunc_end0:
.L_simem_size_0:
called_computation_lowered:
.L_overlay_start_0:
0x88: {  	s2 =	sld [smem:$0x3FD9]  }
0x89: {  	s3 =	sld [smem:$0x3FFE];
	_ =	sdelay $0x1  }
0x8a: {  	s1 =	srdreg.scid  }
0x8b: {  	s0 =	sand.u32 $0x1, s1  }
0x8c: {  	s17 =	sshll.u32 s0, $0xA;
	s2 =	sadd.s32 s3, s2  }
0x8d: {  	s2 =	sadd.s32 s2, s17  }
0x8e: {  	[smem:$0x3FB7] =	sst s2  }
0x8f: {  	_ = 	snop  }
0x90: {  	s2 =	sld [smem:$0x3FC9];
	(tm) =	ssettm $0x1  }
0x91: {  	s18 =	sld [smem:$0x3FFB];
	_ =	sdelay $0x3  }
0x92: {  	_ =	strace s18  }
0x93: {  	s3 =	sld [smem:$0x3FFC];
	_ =	sdelay $0x3  }
0x94: {  	_ =	strace s3  }
0x95: {  	s3 =	sld [smem:$0x3FFD];
	_ =	sdelay $0x3  }
0x96: {  	_ =	strace s3  }
0x97: {  	_ =	strace $0x8FFFFFFF  }
0x98: {  	s19 =	sld [smem:$0x3FDB];
	_ =	sdelay $0x1  }
0x99: {  	s4 =	simm.s32 $_scs_section_size  }
0x9a: {  	s5 =	simm.s32 $_size__tile_overlayer_lowered;
	s6 =	simm.s32 $_tile_overlayer_lowered  }
0x9b: {  	s22 =	simm.s32 $0x1BFF;
	s21 =	sshll.u32 s6, $0x1;
	s3 =	sadd.s32 s4, s19  }
0x9c: {  	s7 =	simm.s32 $0x0;
	s20 =	sshll.u32 s5, $0x1;
	s5 =	sadd.s32 s21, s3  }
0x9d: {  	[timem:s7], [sflag:s22] =	dma.local [hbm:s5], s20  }
0x9e: {  	_ =	swait.ge [sflag:s22], s20  }
0x9f: {  	s4 =	ssub.s32 $0x0, s20;
	[sflag:s22] =	ssyncset.done $0x0  }
0xa0: {  	[sflag:s22] =	ssyncadd.s32 s4;
	_ =	sdelay $0x1  }
0xa1: {  	s23 =	simm.s32 $0x1B8B  }
0xa2: {  	_ =	swait.ge [sflag:s23], $0x1  }
0xa3: {  	[sflag:s23] =	ssyncset.done $0x0  }
0xa4: {  	s25 =	simm.s32 $0x1B8E;
	s24 =	sld [smem:$0x3FFE];
	[sflag:s23] =	ssyncadd.s32 $0xFFFFFFFF  }
0xa5: {  	s26 =	simm.s32 $execute0_lowered;
	[smem:$0x3FD2] =	sst s25  }
0xa6: {  	s5 =	sshll.u32 s26, $0x1;
	_ =	strace $0x80000046;
	[dreg:$0x1] =	wrdreg $0xFFFFFFFF  }
0xa7: {  	s28 =	simm.s32 $_size_execute0_lowered;
	s3 =	sadd.s32 s3, s5;
	[dreg:$0x0] =	wrdreg $0x0  }
0xa8: {  	s5 =	sshll.u32 s28, $0x1;
	[dreg:$0x2] =	wrdreg s3  }
0xa9: {  	[dreg:$0x3] =	wrdreg s5  }
0xaa: {  	[dreg:$0x4] =	wrdreg $0xC0  }
0xab: {  	_ =	task [dreg:s7], $0x5FFFF  }
0xac: {  	[dreg:$0x1] =	wrdreg $0xFFFFFFFF  }
0xad: {  	[dreg:$0x0] =	wrdreg $0x60  }
0xae: {  	[dreg:$0x2] =	wrdreg s2  }
0xaf: {  	[dreg:$0x3] =	wrdreg s24  }
0xb0: {  	[dreg:$0x4] =	wrdreg $0xC7000  }
0xb1: {  	[dreg:$0x5] =	wrdreg $0x9  }
0xb2: {  	_ =	task.clear_ibuf [dreg:s7], $0x6FFFF;
	_ =	strace $0x90000046  }
0xb3: {  	s29 =	simm.s32 $0x9;
	_ =	strace $0x80000048  }
0xb4: {  	_ =	swait.ge [sflag:s29], $0x1  }
0xb5: {  	[sflag:s29] =	ssyncadd.s32 $0xFFFFFFFF  }
0xb6: {  	_ =	strace $0x90000048  }
0xb7: {  	_ =	sfence  }
0xb8: {  	s30 =	sld [smem:$0x0];
	_ =	sdelay $0x2  }
0xb9: {  	s31 =	sshll.u32 s1, $0xD;
	s1 =	sshrl.u32 s1, $0x2  }
0xba: {  	s3 =	sand.u32 $0x4000, s31;
	s1 =	sadd.s32 s1, s30  }
0xbb: {  	s0 =	sor.u32 s3, s0;
	s1 =	sshll.u32 s1, $0x11  }
0xbc: {  	s0 =	sor.u32 s1, s0  }
0xbd: {  	s0 =	sadd.s32 $0x8F2B, s0  }
0xbe: {  	[sflag:s0] =	ssyncadd.remote.s32 $0x1  }
0xbf: {  	_ =	sfence.sel $0xFFFF  }
0xc0: {  	[dreg:$0x0] =	wrdreg $0xFFFFFFFF;
	(pc) =	sbr.abs _section_cstart, $3  }
0xc1: {  	[dreg:$0x1] =	wrdreg $0xFFFFFFFF  }
0xc2: {  	_ =	task.clear_ibuf [dreg:s7], $0x2FFFF;
	_ =	strace $0x9FFFFFFF  }
0xc3: {  	(tm) =	ssettm $0x7FFFFFFF  }
tec
execute0_lowered:
.L_overlay_start_1:
0x0: {  	(tag) =	ssettag $0x1  }
0x1: {  	s1 =	rddreg [dreg:$0x0]  }
0x2: {  	s0 =	srdreg.scid;
	s4 =	rddreg [dreg:$0x1]  }
0x3: {  	s8 =	stileid.u32;
	s3 =	rddreg [dreg:$0x2];
	s6 =	simm.s32 $0x0  }
0x4: {  	s19 =	simm.s32 $0x80;
	s20 =	simm.s32 $0x400;
	s28 =	simm.s32 $0x9F00  }
0x5: {  	s29 =	simm.s32 $0x1;
	s31 =	simm.s32 $0x2;
	s30 =	simm.s32 $0x5  }
0x6: {  	s0 =	sand.u32 $0x1, s0;
	s5 =	sshll.u32 s8, $0x7;
	s22 =	smul.u32 $0x4E000, s8  }
0x7: {  	[smem:$0x7FF] =	sst s6;
	s25 =	smul.u32 $0x13800, s8;
	s15 =	sadd.s32 $0x136000, s3  }
0x8: {  	p0 =	sne.s32 s8, $0xF;
	s2 =	sshll.u32 s0, $0x4;
	s5 =	sand.u32 $0x380, s5  }
0x9: {  	s21 =	ssub.s32 $0x2, s0;
	_ =	strace $0x80000047;
	s0 =	smul.u32 $0x138800, s0  }
0xa: {  	s2 =	sor.u32 s8, s2;
	s7 =	sshrl.u32 s21, $0x1;
	s6 =	sshrl.u32 s22, $0x2  }
0xb: {  	s22 =	simm.s32 $0x2780;
	s2 =	sshrl.u32 s2, $0x3;
	s6 =	sadd.s32 s6, s3  }
0xc: {  	s2 =	smul.u32 $0x13C00, s2;
	s24 =	sadd.s32 $0x2800, s6;
	s26 =	sadd.s32 $0x5000, s6  }
0xd: {  	s10 =	sadd.s32 $0x7800, s6;
	s11 =	sadd.s32 $0xA000, s6;
	s12 =	sadd.s32 $0xC800, s6  }
0xe: {  	s13 =	sadd.s32 $0xF000, s6;
	s14 =	sadd.s32 $0x11800, s6;
	[dreg:$0x6] =	wrdreg s24  }
0xf: {  	[dreg:$0x7] =	wrdreg s26;
	s24 =	simm.s32 $0x4F00;
	s2 =	sor.u32 s5, s2  }
0x10: {  	s26 =	simm.s32 $0x7700;
	s5 =	ssub.s32 s21, s7;
	s2 =	sshrl.u32 s2, $0x3  }
0x11: {  	s21 =	simm.s32 $0x7;
	s18 =	smax.u32 s5, $0x1;
	s2 =	sadd.s32 s2, s4  }
0x12: {  	s5 =	simm.s32 $0x0;
	s23 =	sadd.s32 $0x3200, s2;
	s2 =	sadd.s32 $0xD000, s2  }
0x13: {  	s4 =	sadd.s32 $0x16E00, s4;
	[dreg:$0x5] =	wrdreg s2;
	s2 =	sadd.s32 s25, s0  }
0x14: {  	[dreg:$0x4] =	wrdreg s23;
	s0 =	sshrl.u32 s0, $0x3;
	s2 =	sshrl.u32 s2, $0x3  }
0x15: {  	s23 =	simm.s32 $0x50;
	s0 =	sadd.s32 s4, s0;
	s16 =	sadd.s32 s4, s2  }
0x16: {  	s17 =	sadd.s32 $0x27000, s0;
	s0 =	sadd.s32 $0x138000, s3;
	s2 =	simm.s32 $0x4  }
0x17: {  	v0 =	vimm.f32 $0.0e+00;
	s4 =	simm.s32 $0x6;
	s25 =	sshrl.u32 @!p0 s0, $0x3;
	s0 =	simm.s32 $0x3  }
.LBB2_1:
0x18: {  	s7 =	simm.s32 $0x0;
	s8 =	rddreg [dreg:$0x4]  }
0x19: {  	[tilespmem:s7], [sflag:$0x7] =	stream.strided.gather [hbm4b:s8+s19], $0x2780, s20, s19, $0x38;
	[tilespmem:$0x1FF80] =	vst v63  }
0x1a: {  	_ =	swait.ge [sflag:s21], $0x2780  }
0x1b: {  	[sflag:s21] =	ssyncset.done $0x0  }
0x1c: {  	s9 =	rddreg [dreg:$0x5];
	[sflag:s21] =	ssyncadd.s32 $0xFFFFD880  }
0x1d: {  	[tilespmem:s22], [sflag:$0x7] =	stream.strided.gather [hbm4b:s9+s19], $0x2780, s20, s19, $0x38;
	[tilespmem:$0x1FF80] =	vst v63  }
0x1e: {  	_ =	swait.ge [sflag:s21], $0x2780  }
0x1f: {  	[sflag:s21] =	ssyncset.done $0x0  }
0x20: {  	[sflag:s21] =	ssyncadd.s32 $0xFFFFD880  }
0x21: {  	[tilespmem:s24], [sflag:$0x1] =	stream.indirect.gather [hbm4b:s1+s23], $0x80, s7, s23, $0xb8;
	[tilespmem:$0x1FF80] =	vst v63  }
0x22: {  	s8 =	simm.s32 $0x200;
	s7 =	simm.s32 $0x0  }
0x23: {  	[tilespmem:s26], [sflag:$0x2] =	stream.indirect.gather [hbm4b:s1+s23], $0x80, s23, s23, $0xb8;
	[tilespmem:$0x1FF80] =	vst v63  }
.LBB2_2:
0x24: {  	p1 =	sne.s32 s8, $0x9E00;
	[tilespmem:s7+$0x9F70] =	vst v0  }
0x25: {  	[tilespmem:s7+$0x9F00] =	vst v0  }
0x26: {  	[tilespmem:s7+$0x9F10] =	vst v0  }
.Ltmp0:
0x27: {  	[tilespmem:s7+$0x9F20] =	vst v0;
	(pc) =	sbr.rel @p1 .LBB2_2-.Ltmp0, $4  }
0x28: {  	[tilespmem:s7+$0x9F30] =	vst v0  }
0x29: {  	[tilespmem:s7+$0x9F40] =	vst v0  }
0x2a: {  	[tilespmem:s7+$0x9F50] =	vst v0  }
0x2b: {  	[tilespmem:s7+$0x9F60] =	vst v0;
	s7 =	sshra.s32 s8, $0x2;
	s8 =	sadd.s32 $0x200, s8  }
0x2c: {  	[tilespmem:s7+$0x9F70] =	vst v0  }
0x2d: {  	[tilespmem:s7+$0x9F00] =	vst v0  }
0x2e: {  	[tilespmem:s7+$0x9F10] =	vst v0  }
0x2f: {  	[tilespmem:s7+$0x9F20] =	vst v0  }
0x30: {  	[tilespmem:s7+$0x9F30] =	vst v0  }
0x31: {  	[tilespmem:s7+$0x9F40] =	vst v0  }
0x32: {  	[tilespmem:s7+$0x9F50] =	vst v0  }
0x33: {  	[tilespmem:s7+$0x9F60] =	vst v0  }
0x34: {  	[spmem:s6] =	stream.linear.scatter [tilespmem:s28], [sflag:$0x7], $0x2800, $0x38;
	[tilespmem:$0x1FF80] =	vst v63  }
0x35: {  	_ =	swait.ge [sflag:s21], $0x2800  }
0x36: {  	[sflag:s21] =	ssyncset.done $0x0  }
0x37: {  	s8 =	rddreg [dreg:$0x6];
	[sflag:s21] =	ssyncadd.s32 $0xFFFFD800  }
0x38: {  	[spmem:s8] =	stream.linear.scatter [tilespmem:s28], [sflag:$0x7], $0x2800, $0x38;
	[tilespmem:$0x1FF80] =	vst v63  }
0x39: {  	_ =	swait.ge [sflag:s21], $0x2800  }
0x3a: {  	[sflag:s21] =	ssyncset.done $0x0  }
0x3b: {  	s9 =	rddreg [dreg:$0x7];
	[sflag:s21] =	ssyncadd.s32 $0xFFFFD800  }
0x3c: {  	[spmem:s9] =	stream.linear.scatter [tilespmem:s28], [sflag:$0x7], $0x2800, $0x38;
	[tilespmem:$0x1FF80] =	vst v63  }
0x3d: {  	_ =	swait.ge [sflag:s21], $0x2800  }
0x3e: {  	[sflag:s21] =	ssyncset.done $0x0  }
0x3f: {  	[sflag:s21] =	ssyncadd.s32 $0xFFFFD800  }
0x40: {  	[spmem:s10] =	stream.linear.scatter [tilespmem:s28], [sflag:$0x7], $0x2800, $0x38;
	[tilespmem:$0x1FF80] =	vst v63  }
0x41: {  	_ =	swait.ge [sflag:s21], $0x2800  }
0x42: {  	[sflag:s21] =	ssyncset.done $0x0  }
0x43: {  	[sflag:s21] =	ssyncadd.s32 $0xFFFFD800  }
0x44: {  	[spmem:s11] =	stream.linear.scatter [tilespmem:s28], [sflag:$0x7], $0x2800, $0x38;
	[tilespmem:$0x1FF80] =	vst v63  }
0x45: {  	_ =	swait.ge [sflag:s21], $0x2800  }
0x46: {  	[sflag:s21] =	ssyncset.done $0x0  }
0x47: {  	[sflag:s21] =	ssyncadd.s32 $0xFFFFD800  }
0x48: {  	[spmem:s12] =	stream.linear.scatter [tilespmem:s28], [sflag:$0x7], $0x2800, $0x38;
	[tilespmem:$0x1FF80] =	vst v63  }
0x49: {  	_ =	swait.ge [sflag:s21], $0x2800  }
0x4a: {  	[sflag:s21] =	ssyncset.done $0x0  }
0x4b: {  	[sflag:s21] =	ssyncadd.s32 $0xFFFFD800  }
0x4c: {  	[spmem:s13] =	stream.linear.scatter [tilespmem:s28], [sflag:$0x7], $0x2800, $0x38;
	[tilespmem:$0x1FF80] =	vst v63  }
0x4d: {  	_ =	swait.ge [sflag:s21], $0x2800  }
0x4e: {  	[sflag:s21] =	ssyncset.done $0x0  }
0x4f: {  	s7 =	simm.s32 @p0 $0x9F00;
	[sflag:s21] =	ssyncadd.s32 $0xFFFFD800  }
0x50: {  	[spmem:s14] =	stream.linear.scatter @p0 [tilespmem:s7], [sflag:$0x7], $0x2000, $0x38;
	[tilespmem:$0x1FF80] =	vst v63  }
0x51: {  	s7 =	simm.s32 @p0 $0x7  }
0x52: {  	_ =	swait.ge @p0 [sflag:s7], $0x2000  }
0x53: {  	[sflag:s7] =	ssyncset.done @p0 $0x0  }
0x54: {  	[sflag:s7] =	ssyncadd.s32 @p0 $0xFFFFE000;
	s7 =	simm.s32 @!p0 $0x9F00  }
0x55: {  	[spmem:s15] =	stream.linear.scatter @!p0 [tilespmem:s7], [sflag:$0x7], $0x2800, $0x38;
	[tilespmem:$0x1FF80] =	vst v63  }
0x56: {  	s7 =	simm.s32 @!p0 $0x7  }
0x57: {  	_ =	swait.ge @!p0 [sflag:s7], $0x2800  }
0x58: {  	[sflag:s7] =	ssyncset.done @!p0 $0x0  }
0x59: {  	[sflag:s7] =	ssyncadd.s32 @!p0 $0xFFFFD800  }
0x5a: {  	[bflag:$0x0] =	sbarrier.arrive $0xFFFF  }
0x5b: {  	_ =	swait.ge [sflag:s29], $0x2800  }
0x5c: {  	[sflag:s29] =	ssyncset.done $0x0  }
0x5d: {  	s8 =	simm.s32 $0xA0;
	[sflag:s29] =	ssyncadd.s32 $0xFFFFD800  }
0x5e: {  	[tilespmem:s28], [sflag:$0x3] =	stream.indirect.gather [hbm4b:s1+s23], $0x80, s8, s23, $0xb8;
	[tilespmem:$0x1FF80] =	vst v63  }
0x5f: {  	_ = 	snop  }
0x60: {  	[spmem:s3] =	stream.indirect.scatter.add.f32 [tilespmem:s24], [sflag:$0x4], $0x80, s22, s23, $0xb8;
	[tilespmem:$0x1FF80] =	vst v63  }
0x61: {  	_ =	swait.ge [sflag:s31], $0x2800  }
0x62: {  	[sflag:s31] =	ssyncset.done $0x0  }
0x63: {  	[sflag:s31] =	ssyncadd.s32 $0xFFFFD800  }
0x64: {  	_ =	swait.ge [sflag:s2], $0x2800  }
0x65: {  	[sflag:s2] =	ssyncset.done $0x0  }
0x66: {  	s9 =	simm.s32 $0xF0;
	[sflag:s2] =	ssyncadd.s32 $0xFFFFD800  }
0x67: {  	[tilespmem:s24], [sflag:$0x1] =	stream.indirect.gather [hbm4b:s1+s23], $0x80, s9, s23, $0xb8;
	[tilespmem:$0x1FF80] =	vst v63  }
0x68: {  	s8 =	simm.s32 $0x27D0  }
0x69: {  	[spmem:s3] =	stream.indirect.scatter.add.f32 [tilespmem:s26], [sflag:$0x5], $0x80, s8, s23, $0xb8;
	[tilespmem:$0x1FF80] =	vst v63  }
0x6a: {  	_ =	swait.ge [sflag:s0], $0x2800  }
0x6b: {  	[sflag:s0] =	ssyncset.done $0x0  }
0x6c: {  	[sflag:s0] =	ssyncadd.s32 $0xFFFFD800  }
0x6d: {  	_ =	swait.ge [sflag:s30], $0x2800  }
0x6e: {  	[sflag:s30] =	ssyncset.done $0x0  }
0x6f: {  	s9 =	simm.s32 $0x140;
	[sflag:s30] =	ssyncadd.s32 $0xFFFFD800  }
0x70: {  	[tilespmem:s26], [sflag:$0x2] =	stream.indirect.gather [hbm4b:s1+s23], $0x80, s9, s23, $0xb8;
	[tilespmem:$0x1FF80] =	vst v63  }
0x71: {  	s8 =	simm.s32 $0x2820  }
0x72: {  	[spmem:s3] =	stream.indirect.scatter.add.f32 [tilespmem:s28], [sflag:$0x6], $0x80, s8, s23, $0xb8;
	[tilespmem:$0x1FF80] =	vst v63  }
0x73: {  	_ =	swait.ge [sflag:s29], $0x2800  }
0x74: {  	[sflag:s29] =	ssyncset.done $0x0  }
0x75: {  	[sflag:s29] =	ssyncadd.s32 $0xFFFFD800  }
0x76: {  	_ =	swait.ge [sflag:s4], $0x2800  }
0x77: {  	s7 =	simm.s32 $0x3C0;
	[sflag:s4] =	ssyncset.done $0x0  }
0x78: {  	s9 =	simm.s32 $0x190;
	s8 =	simm.s32 $0x2870;
	[sflag:s4] =	ssyncadd.s32 $0xFFFFD800  }
0x79: {  	[tilespmem:s28], [sflag:$0x3] =	stream.indirect.gather [hbm4b:s1+s23], $0x80, s9, s23, $0xb8;
	[tilespmem:$0x1FF80] =	vst v63  }
.LBB2_4:
0x7a: {  	[spmem:s3] =	stream.indirect.scatter.add.f32 [tilespmem:s24], [sflag:$0x4], $0x80, s8, s23, $0xb8;
	[tilespmem:$0x1FF80] =	vst v63  }
0x7b: {  	s8 =	smov.u32 s7  }
0x7c: {  	p1 =	sne.s32 s7, $0x9240;
	s7 =	sadd.s32 $0x3C0, s7;
	_ =	swait.ge [sflag:s31], $0x2800  }
0x7d: {  	[sflag:s31] =	ssyncset.done $0x0  }
0x7e: {  	[sflag:s31] =	ssyncadd.s32 $0xFFFFD800  }
0x7f: {  	_ =	swait.ge [sflag:s2], $0x2800  }
0x80: {  	s8 =	sshra.s32 s8, $0x2;
	[sflag:s2] =	ssyncset.done $0x0  }
0x81: {  	s9 =	sadd.s32 $0xF0, s8;
	[sflag:s2] =	ssyncadd.s32 $0xFFFFD800  }
0x82: {  	[tilespmem:s24], [sflag:$0x1] =	stream.indirect.gather [hbm4b:s1+s23], $0x80, s9, s23, $0xb8;
	[tilespmem:$0x1FF80] =	vst v63  }
0x83: {  	s9 =	sadd.s32 $0x27D0, s8  }
0x84: {  	[spmem:s3] =	stream.indirect.scatter.add.f32 [tilespmem:s26], [sflag:$0x5], $0x80, s9, s23, $0xb8;
	[tilespmem:$0x1FF80] =	vst v63  }
0x85: {  	_ =	swait.ge [sflag:s0], $0x2800  }
0x86: {  	[sflag:s0] =	ssyncset.done $0x0  }
0x87: {  	[sflag:s0] =	ssyncadd.s32 $0xFFFFD800  }
0x88: {  	_ =	swait.ge [sflag:s30], $0x2800  }
0x89: {  	[sflag:s30] =	ssyncset.done $0x0  }
0x8a: {  	s9 =	sadd.s32 $0x140, s8;
	[sflag:s30] =	ssyncadd.s32 $0xFFFFD800  }
0x8b: {  	[tilespmem:s26], [sflag:$0x2] =	stream.indirect.gather [hbm4b:s1+s23], $0x80, s9, s23, $0xb8;
	[tilespmem:$0x1FF80] =	vst v63  }
0x8c: {  	s9 =	sadd.s32 $0x2820, s8  }
0x8d: {  	[spmem:s3] =	stream.indirect.scatter.add.f32 [tilespmem:s28], [sflag:$0x6], $0x80, s9, s23, $0xb8;
	[tilespmem:$0x1FF80] =	vst v63  }
0x8e: {  	_ =	swait.ge [sflag:s29], $0x2800  }
0x8f: {  	[sflag:s29] =	ssyncset.done $0x0  }
0x90: {  	[sflag:s29] =	ssyncadd.s32 $0xFFFFD800  }
.Ltmp1:
0x91: {  	_ =	swait.ge [sflag:s4], $0x2800;
	(pc) =	sbr.rel @p1 .LBB2_4-.Ltmp1, $4  }
0x92: {  	[sflag:s4] =	ssyncset.done $0x0  }
0x93: {  	s9 =	sadd.s32 $0x190, s8;
	[sflag:s4] =	ssyncadd.s32 $0xFFFFD800  }
0x94: {  	[tilespmem:s28], [sflag:$0x3] =	stream.indirect.gather [hbm4b:s1+s23], $0x80, s9, s23, $0xb8;
	[tilespmem:$0x1FF80] =	vst v63  }
0x95: {  	s8 =	sadd.s32 $0x2870, s8  }
0x96: {  	[spmem:s3] =	stream.indirect.scatter.add.f32 [tilespmem:s24], [sflag:$0x4], $0x80, s8, s23, $0xb8;
	[tilespmem:$0x1FF80] =	vst v63  }
0x97: {  	_ =	swait.ge [sflag:s31], $0x2800  }
0x98: {  	[sflag:s31] =	ssyncset.done $0x0  }
0x99: {  	[sflag:s31] =	ssyncadd.s32 $0xFFFFD800  }
0x9a: {  	_ =	swait.ge [sflag:s2], $0x2800  }
0x9b: {  	[sflag:s2] =	ssyncset.done $0x0  }
0x9c: {  	s7 =	simm.s32 $0x2670;
	[sflag:s2] =	ssyncadd.s32 $0xFFFFD800  }
0x9d: {  	[tilespmem:s24], [sflag:$0x1] =	stream.indirect.gather [hbm4b:s1+s23], $0x80, s7, s23, $0xb8;
	[tilespmem:$0x1FF80] =	vst v63  }
0x9e: {  	s9 =	simm.s32 $0x4D50  }
0x9f: {  	[spmem:s3] =	stream.indirect.scatter.add.f32 [tilespmem:s26], [sflag:$0x5], $0x80, s9, s23, $0xb8;
	[tilespmem:$0x1FF80] =	vst v63  }
0xa0: {  	_ =	swait.ge [sflag:s0], $0x2800  }
0xa1: {  	[sflag:s0] =	ssyncset.done $0x0  }
0xa2: {  	[sflag:s0] =	ssyncadd.s32 $0xFFFFD800  }
0xa3: {  	_ =	swait.ge [sflag:s30], $0x2800  }
0xa4: {  	[sflag:s30] =	ssyncset.done $0x0  }
0xa5: {  	s8 =	simm.s32 $0x26C0;
	[sflag:s30] =	ssyncadd.s32 $0xFFFFD800  }
0xa6: {  	[tilespmem:s26], [sflag:$0x2] =	stream.indirect.gather [hbm4b:s1+s23], $0x80, s8, s23, $0xb8;
	[tilespmem:$0x1FF80] =	vst v63  }
0xa7: {  	s9 =	simm.s32 $0x4DA0  }
0xa8: {  	[spmem:s3] =	stream.indirect.scatter.add.f32 [tilespmem:s28], [sflag:$0x6], $0x80, s9, s23, $0xb8;
	[tilespmem:$0x1FF80] =	vst v63  }
0xa9: {  	_ =	swait.ge [sflag:s29], $0x2800  }
0xaa: {  	[sflag:s29] =	ssyncset.done $0x0  }
0xab: {  	[sflag:s29] =	ssyncadd.s32 $0xFFFFD800  }
0xac: {  	_ =	swait.ge [sflag:s4], $0x2800  }
0xad: {  	[sflag:s4] =	ssyncset.done $0x0  }
0xae: {  	s8 =	simm.s32 $0x4DF0;
	[sflag:s4] =	ssyncadd.s32 $0xFFFFD800  }
0xaf: {  	[spmem:s3] =	stream.indirect.scatter.add.f32 [tilespmem:s24], [sflag:$0x4], $0x80, s8, s23, $0xb8;
	[tilespmem:$0x1FF80] =	vst v63  }
0xb0: {  	_ =	swait.ge [sflag:s31], $0x2800  }
0xb1: {  	[sflag:s31] =	ssyncset.done $0x0  }
0xb2: {  	[sflag:s31] =	ssyncadd.s32 $0xFFFFD800  }
0xb3: {  	_ =	swait.ge [sflag:s2], $0x2800  }
0xb4: {  	[sflag:s2] =	ssyncset.done $0x0  }
0xb5: {  	s9 =	simm.s32 $0x4E40;
	[sflag:s2] =	ssyncadd.s32 $0xFFFFD800  }
0xb6: {  	[spmem:s3] =	stream.indirect.scatter.add.f32 [tilespmem:s26], [sflag:$0x5], $0x80, s9, s23, $0xb8;
	[tilespmem:$0x1FF80] =	vst v63  }
0xb7: {  	_ =	swait.ge [sflag:s30], $0x2800  }
0xb8: {  	s8 =	stileid.u32;
	[sflag:s30] =	ssyncset.done $0x0  }
0xb9: {  	s7 =	sshll.u32 s8, $0x6;
	[sflag:s30] =	ssyncadd.s32 $0xFFFFD800  }
0xba: {  	s7 =	sor.u32 $0x1C07, s7;
	s9 =	sshrl.u32 s6, $0x3;
	[bflag:$0x0] =	sbarrier.arrive $0xFFFF  }
0xbb: {  	[hbm:s16], [sflag:s7] =	dma.local [spmem:s9], $0x2700  }
0xbc: {  	_ =	swait.ge [sflag:s21], $0x2700  }
0xbd: {  	s5 =	sadd.s32 $0x1, s5;
	[sflag:s21] =	ssyncset.done $0x0  }
0xbe: {  	p1 =	sne.s32 s5, s18;
	[sflag:s21] =	ssyncadd.s32 $0xFFFFD900  }
0xbf: {  	[hbm:s17], [sflag:s7] =	dma.local @!p0 [spmem:s25], $0x100  }
.Ltmp2:
0xc0: {  	_ = 	snop;
	(pc) =	sbr.rel @p1 .LBB2_1-.Ltmp2, $4  }
0xc1: {  	s7 =	simm.s32 @!p0 $0x7  }
0xc2: {  	_ =	swait.ge @!p0 [sflag:s7], $0x100  }
0xc3: {  	[sflag:s7] =	ssyncset.done @!p0 $0x0  }
0xc4: {  	[sflag:s7] =	ssyncadd.s32 @!p0 $0xFFFFFF00  }
0xc5: {  	_ =	sfence.sel $0x180000  }
0xc6: {  	[bflag:$0x0] =	sbarrier.arrive $0xFFFF  }
0xc7: {  	_ =	strace $0x90000047  }
0xc8: {  	s0 =	stileid.u32;
	[bflag:$0x2] =	sbarrier.arrive $0xFFFF  }
0xc9: {  	p0 =	sne.s32 s0, $0x0;
	s0 =	rddreg [dreg:$0x3]  }
0xca: {  	s0 =	sadd.s32 @!p0 $0x100000, s0  }
0xcb: {  	[sflag:s0] =	ssyncadd.tile.s32 @!p0 $0x1;
	_ =	shalt  }
.Lfunc_end2:
_tile_overlayer_lowered:
.L_overlay_start_2:
0xcc: {  	(tag) =	ssettag $0x2  }
0xcd: {  	s0 =	rddreg [dreg:$0x0];
	s2 =	stileid.u32  }
0xce: {  	s1 =	rddreg [dreg:$0x1];
	p0 =	sne.s32 s2, $0x0  }
0xcf: {  	s3 =	rddreg [dreg:$0x2];
	[bflag:$0x3] =	sbarrier.arrive $0xFFFF;
	s2 =	simm.s32 @!p0 $0x1C07  }
0xd0: {  	[timem:s3], [sflag:s2] =	dma.local @!p0 [hbm:s0], s1  }
0xd1: {  	s0 =	simm.s32 @!p0 $0x7  }
0xd2: {  	_ =	swait.ge @!p0 [sflag:s0], s1  }
0xd3: {  	s1 =	ssub.s32 @!p0 $0x0, s1;
	[sflag:s0] =	ssyncset.done @!p0 $0x0  }
0xd4: {  	[sflag:s0] =	ssyncadd.s32 @!p0 s1  }
0xd5: {  	[bflag:$0x3] =	sbarrier.arrive $0xFFFF  }
0xd6: {  	_ =	shalt  }

</sc_bundles>
